<compile_context>
chip_gen: v7x
topology: tpu7x:2x2x1
jax: 0.10.2.dev20260603
libtpu: 0.0.44.dev20260713+nightly
codegen_flags: <defaults>
</compile_context>

<pallas_src>
import functools

import jax
import jax.numpy as jnp
from jax import lax
from jax.experimental import pallas as pl
from jax.experimental.pallas import tpu as pltpu
from jax.experimental.pallas import tpu_sc as plsc

_L = 128
_SB = 8


@functools.lru_cache(maxsize=None)
def _make_gather(bsz, seq, d, nv):
    info = plsc.get_sparse_core_info()
    nc, ns = info.num_cores, info.num_subcores
    nw = nc * ns
    nbc = bsz // _L
    bc_per_w = nbc // nw
    nsc = seq // _SB
    ndd = d // _SB
    assert nbc * _L == bsz and bc_per_w * nw == nbc and nsc * _SB == seq
    assert ndd * _SB == d and d % 16 == 0
    mesh = plsc.VectorSubcoreMesh(core_axis_name="c", subcore_axis_name="s")

    @functools.partial(
        pl.kernel,
        mesh=mesh,
        out_type=jax.ShapeDtypeStruct((seq, ndd, nbc, _SB, _L), jnp.float32),
        scratch_types=[
            pltpu.VMEM((nsc, _SB, _L), jnp.int32),
            pltpu.VMEM((_SB, _L, d), jnp.float32),
            pltpu.VMEM((d, _L + 1), jnp.float32),
            pltpu.VMEM((d, _L + 1), jnp.float32),
            pltpu.SemaphoreType.DMA((_SB,)),
            pltpu.SemaphoreType.DMA((2,)),
        ],
        compiler_params=pltpu.CompilerParams(use_tc_tiling_on_sc=False,
                                             needs_layout_passes=False),
    )
    def gather_kernel(tok_hbm, table_hbm, out_hbm, ids_v, rows_v, tr0, tr1,
                      gsem, ssem):
        wid = lax.axis_index("s") * nc + lax.axis_index("c")
        iota = lax.iota(jnp.int32, 16)
        trs = (tr0, tr1)

        def fire_gather(sc, sp):
            pltpu.async_copy(table_hbm.at[ids_v.at[sc, sp]], rows_v.at[sp],
                             gsem.at[sp])

        def wait_gather(sp):
            pltpu.make_async_copy(table_hbm.at[ids_v.at[0, sp]],
                                  rows_v.at[sp], gsem.at[sp]).wait()

        def transpose(sp, par):
            def tbody(g, c):
                for k in range(4):
                    bp = g * 4 + k
                    bp_splat = jnp.full((16,), 0, jnp.int32) + bp
                    for j in range(d // 16):
                        vals = rows_v[sp, bp, pl.ds(16 * j, 16)]
                        plsc.store_scatter(trs[par],
                                           [iota + 16 * j, bp_splat], vals)
                return c
            lax.fori_loop(0, _L // 4, tbody, 0)

        def fire_stores(s, bc, par):
            for dd in range(ndd):
                pltpu.async_copy(
                    trs[par].at[pl.ds(dd * _SB, _SB), pl.ds(0, _L)],
                    out_hbm.at[s, dd, bc], ssem.at[par])

        def wait_stores(par):
            for dd in range(ndd):
                pltpu.make_async_copy(
                    trs[par].at[pl.ds(dd * _SB, _SB), pl.ds(0, _L)],
                    out_hbm.at[0, dd, 0], ssem.at[par]).wait()

        def i_body(i, carry0):
            bc = wid * bc_per_w + i
            pltpu.sync_copy(tok_hbm.at[pl.ds(0, nsc), bc], ids_v)
            for sp in range(_SB):
                fire_gather(0, sp)

            def sc_body(sc, carry):
                for sp in range(_SB):
                    wait_gather(sp)
                    par = sp & 1
                    if sp < 2:
                        @pl.when(sc > 0)
                        def _():
                            wait_stores(par)
                    else:
                        wait_stores(par)
                    transpose(sp, par)
                    fire_stores(sc * _SB + sp, bc, par)

                    @pl.when(sc < nsc - 1)
                    def _():
                        fire_gather(sc + 1, sp)
                return carry

            lax.fori_loop(0, nsc, sc_body, 0)
            wait_stores(0)
            wait_stores(1)
            return carry0

        lax.fori_loop(0, bc_per_w, i_body, 0)

    return gather_kernel


def kernel(token_ids, weight):
    b, s = token_ids.shape
    nv, d = weight.shape
    ids = token_ids.astype(jnp.int32)
    t4 = ids.reshape(b // _L, _L, s // _SB, _SB).transpose(2, 0, 3, 1)
    out5 = _make_gather(b, s, d, nv)(t4, weight)
    return out5.transpose(2, 4, 0, 1, 3).reshape(b, s, d)

# --- scband reference (transcript-rebuilt; emitter-appended) ---
"""Pipeline reference for scband-embedding-46394236731675 (READ-ONLY COPY).

The authoritative reference and input builder live on the scoring server;
editing this copy changes nothing except your own understanding.
"""

import jax, jax.numpy as jnp
import numpy as np

NUM_EMBEDDINGS = 1000000
EMBEDDING_DIM = 32

def setup_inputs(seed: int = 0) -> dict:
    key = jax.random.key(seed)
    k1, k2 = jax.random.split(key)
    token_ids = jax.random.randint(k1, (16384, 200), 0, NUM_EMBEDDINGS, dtype=jnp.int64 if jax.config.jax_enable_x64 else jnp.int32)
    weight = jax.random.normal(k2, (NUM_EMBEDDINGS, EMBEDDING_DIM), dtype=jnp.float32)
    return {"token_ids": token_ids, "weight": weight}

def reference(token_ids, weight):
    # Faithful translation of Embedding.forward: self.weight[token_ids]
    return jnp.take(weight, token_ids, axis=0)

if __name__ == "__main__":
    import jax
    _d = setup_inputs()
    print(jax.jit(kernel)(*tuple(_d.values())))

</pallas_src>

<mosaic_0001>
#map = affine_map<(d0, d1) -> (0, 0, 0, 0)>
#map1 = affine_map<(d0, d1) -> (0, 0)>
#map2 = affine_map<(d0, d1) -> (0, 0, 0, 0, 0)>
module attributes {stable_mosaic.version = 14 : i64} {
  func.func @gather_kernel(%arg0: i32, %arg1: i32, %arg2: memref<25x128x8x128xi32, #tpu.memory_space<hbm>>, %arg3: memref<1000000x32xf32, #tpu.memory_space<hbm>>, %arg4: memref<200x4x128x8x128xf32, #tpu.memory_space<hbm>>, %arg5: memref<25x8x128xi32, #tpu.memory_space<vmem>>, %arg6: memref<8x128x32xf32, #tpu.memory_space<vmem>>, %arg7: memref<32x129xf32, #tpu.memory_space<vmem>>, %arg8: memref<32x129xf32, #tpu.memory_space<vmem>>, %arg9: memref<8x!tpu.dma_semaphore, #tpu.memory_space<semaphore_mem>>, %arg10: memref<2x!tpu.dma_semaphore, #tpu.memory_space<semaphore_mem>>) attributes {dimension_semantics = [#tpu.dimension_semantics<core_parallel>, #tpu.dimension_semantics<subcore_parallel>], iteration_bounds = array<i64: 2, 16>, scalar_prefetch = 0 : i64, scratch_operands = 6 : i64, tpu.core_type = #tpu.core_type<sc_vector_subcore>, window_params = [{transform_indices = #map}, {transform_indices = #map1}, {transform_indices = #map2}]} {
    %mul3A = arith.constant 2 : i32
    %mul3A_0 = arith.muli %arg1, %mul3A : i32
    %add3A = arith.addi %mul3A_0, %arg0 : i32
    %iota3A = tpu.iota {dimensions = array<i32: 0>} : vector<16xi32>
    %scan3A = arith.constant 0 : i32
    %scan3A_1 = arith.constant 0 : i32
    %scan3A_2 = arith.constant 4 : i32
    %scan3A_3 = arith.addi %scan3A_1, %scan3A_2 : i32
    %scan3A_4 = arith.constant 1 : i32
    scf.for %scan3A_6 = %scan3A_1 to %scan3A_3 step %scan3A_4  : i32 {
      %mul3A_7 = arith.constant 4 : i32
      %mul3A_8 = arith.muli %add3A, %mul3A_7 : i32
      %add3A_9 = arith.addi %mul3A_8, %scan3A_6 : i32
      "tpu.region"() ({
        %run_scoped3A = tpu.sem_alloc : memref<!tpu.dma_semaphore, #tpu.memory_space<semaphore_mem>>
        %dma_start3A_302 = arith.constant 0 : i32
        %dma_start3A_303 = arith.constant 0 : i32
        %dma_start3A_304 = arith.constant 0 : i32
        %dma_start3A_305 = tpu.memref_slice %arg2[%dma_start3A_302, %add3A_9, %dma_start3A_303, %dma_start3A_304] : memref<25x128x8x128xi32, #tpu.memory_space<hbm>> -> memref<25x1x8x128xi32, #tpu.memory_space<hbm>>
        %dma_start3A_306 = tpu.memref_squeeze %dma_start3A_305 : memref<25x1x8x128xi32, #tpu.memory_space<hbm>> -> memref<25x8x128xi32, #tpu.memory_space<hbm>>
        %dma_start3A_307 = arith.constant 0 : i32
        %dma_start3A_308 = arith.constant 0 : i32
        %dma_start3A_309 = arith.constant 0 : i32
        %dma_start3A_310 = tpu.memref_slice %arg2[%dma_start3A_307, %add3A_9, %dma_start3A_308, %dma_start3A_309] : memref<25x128x8x128xi32, #tpu.memory_space<hbm>> -> memref<25x1x8x128xi32, #tpu.memory_space<hbm>>
        %dma_start3A_311 = tpu.memref_squeeze %dma_start3A_310 : memref<25x1x8x128xi32, #tpu.memory_space<hbm>> -> memref<25x8x128xi32, #tpu.memory_space<hbm>>
        tpu.enqueue_dma source(%dma_start3A_311 : memref<25x8x128xi32, #tpu.memory_space<hbm>>) target(%arg5 : memref<25x8x128xi32, #tpu.memory_space<vmem>>) target_semaphore(%run_scoped3A : memref<!tpu.dma_semaphore, #tpu.memory_space<semaphore_mem>>)
        %dma_wait3A_312 = arith.constant 0 : i32
        %dma_wait3A_313 = arith.constant 0 : i32
        %dma_wait3A_314 = arith.constant 0 : i32
        %dma_wait3A_315 = tpu.memref_slice %arg2[%dma_wait3A_312, %add3A_9, %dma_wait3A_313, %dma_wait3A_314] : memref<25x128x8x128xi32, #tpu.memory_space<hbm>> -> memref<25x1x8x128xi32, #tpu.memory_space<hbm>>
        %dma_wait3A_316 = tpu.memref_squeeze %dma_wait3A_315 : memref<25x1x8x128xi32, #tpu.memory_space<hbm>> -> memref<25x8x128xi32, #tpu.memory_space<hbm>>
        %dma_wait3A_317 = arith.constant 0 : i32
        %dma_wait3A_318 = arith.constant 0 : i32
        %dma_wait3A_319 = arith.constant 0 : i32
        %dma_wait3A_320 = tpu.memref_slice %arg2[%dma_wait3A_317, %add3A_9, %dma_wait3A_318, %dma_wait3A_319] : memref<25x128x8x128xi32, #tpu.memory_space<hbm>> -> memref<25x1x8x128xi32, #tpu.memory_space<hbm>>
        %dma_wait3A_321 = tpu.memref_squeeze %dma_wait3A_320 : memref<25x1x8x128xi32, #tpu.memory_space<hbm>> -> memref<25x8x128xi32, #tpu.memory_space<hbm>>
        tpu.wait_dma2 semaphore(%run_scoped3A : memref<!tpu.dma_semaphore, #tpu.memory_space<semaphore_mem>>) src(%dma_wait3A_321 : memref<25x8x128xi32, #tpu.memory_space<hbm>>) dst(%arg5 : memref<25x8x128xi32, #tpu.memory_space<vmem>>)
        tpu.yield
      }) : () -> ()
      %dma_start3A = arith.constant 0 : i32
      %dma_start3A_10 = arith.constant 0 : i32
      %dma_start3A_11 = arith.constant 0 : i32
      %dma_start3A_12 = arith.constant 0 : i32
      %dma_start3A_13 = arith.constant 0 : i32
      %dma_start3A_14 = arith.constant 0 : i32
      %dma_start3A_15 = tpu.memref_slice %arg6[%dma_start3A_11, %dma_start3A_13, %dma_start3A_14] : memref<8x128x32xf32, #tpu.memory_space<vmem>> -> memref<1x128x32xf32, #tpu.memory_space<vmem>>
      %dma_start3A_16 = tpu.memref_squeeze %dma_start3A_15 : memref<1x128x32xf32, #tpu.memory_space<vmem>> -> memref<128x32xf32, #tpu.memory_space<vmem>>
      %dma_start3A_17 = arith.constant 0 : i32
      %dma_start3A_18 = tpu.memref_slice %arg5[%dma_start3A, %dma_start3A_10, %dma_start3A_17] : memref<25x8x128xi32, #tpu.memory_space<vmem>> -> memref<1x1x128xi32, #tpu.memory_space<vmem>>
      %dma_start3A_19 = tpu.memref_squeeze %dma_start3A_18 : memref<1x1x128xi32, #tpu.memory_space<vmem>> -> memref<128xi32, #tpu.memory_space<vmem>>
      %dma_start3A_20 = arith.constant 0 : i32
      %dma_start3A_21 = arith.constant 0 : i32
      %dma_start3A_22 = tpu.memref_slice %arg3[%dma_start3A_20, %dma_start3A_21] : memref<1000000x32xf32, #tpu.memory_space<hbm>> -> memref<1000000x32xf32, #tpu.memory_space<hbm>>
      %dma_start3A_23 = tpu.memref_slice %arg9[%dma_start3A_12] : memref<8x!tpu.dma_semaphore, #tpu.memory_space<semaphore_mem>> -> memref<1x!tpu.dma_semaphore, #tpu.memory_space<semaphore_mem>>
      %dma_start3A_24 = tpu.memref_squeeze %dma_start3A_23 : memref<1x!tpu.dma_semaphore, #tpu.memory_space<semaphore_mem>> -> memref<!tpu.dma_semaphore, #tpu.memory_space<semaphore_mem>>
      tpu.enqueue_indirect_dma source(%dma_start3A_22 : memref<1000000x32xf32, #tpu.memory_space<hbm>>) target(%dma_start3A_16 : memref<128x32xf32, #tpu.memory_space<vmem>>) offsets(%dma_start3A_19 : memref<128xi32, #tpu.memory_space<vmem>>) semaphore(%dma_start3A_24 : memref<!tpu.dma_semaphore, #tpu.memory_space<semaphore_mem>>)
      %dma_start3A_25 = arith.constant 0 : i32
      %dma_start3A_26 = arith.constant 1 : i32
      %dma_start3A_27 = arith.constant 1 : i32
      %dma_start3A_28 = arith.constant 1 : i32
      %dma_start3A_29 = arith.constant 0 : i32
      %dma_start3A_30 = arith.constant 0 : i32
      %dma_start3A_31 = tpu.memref_slice %arg6[%dma_start3A_27, %dma_start3A_29, %dma_start3A_30] : memref<8x128x32xf32, #tpu.memory_space<vmem>> -> memref<1x128x32xf32, #tpu.memory_space<vmem>>
      %dma_start3A_32 = tpu.memref_squeeze %dma_start3A_31 : memref<1x128x32xf32, #tpu.memory_space<vmem>> -> memref<128x32xf32, #tpu.memory_space<vmem>>
      %dma_start3A_33 = arith.constant 0 : i32
      %dma_start3A_34 = tpu.memref_slice %arg5[%dma_start3A_25, %dma_start3A_26, %dma_start3A_33] : memref<25x8x128xi32, #tpu.memory_space<vmem>> -> memref<1x1x128xi32, #tpu.memory_space<vmem>>
      %dma_start3A_35 = tpu.memref_squeeze %dma_start3A_34 : memref<1x1x128xi32, #tpu.memory_space<vmem>> -> memref<128xi32, #tpu.memory_space<vmem>>
      %dma_start3A_36 = arith.constant 0 : i32
      %dma_start3A_37 = arith.constant 0 : i32
      %dma_start3A_38 = tpu.memref_slice %arg3[%dma_start3A_36, %dma_start3A_37] : memref<1000000x32xf32, #tpu.memory_space<hbm>> -> memref<1000000x32xf32, #tpu.memory_space<hbm>>
      %dma_start3A_39 = tpu.memref_slice %arg9[%dma_start3A_28] : memref<8x!tpu.dma_semaphore, #tpu.memory_space<semaphore_mem>> -> memref<1x!tpu.dma_semaphore, #tpu.memory_space<semaphore_mem>>
      %dma_start3A_40 = tpu.memref_squeeze %dma_start3A_39 : memref<1x!tpu.dma_semaphore, #tpu.memory_space<semaphore_mem>> -> memref<!tpu.dma_semaphore, #tpu.memory_space<semaphore_mem>>
      tpu.enqueue_indirect_dma source(%dma_start3A_38 : memref<1000000x32xf32, #tpu.memory_space<hbm>>) target(%dma_start3A_32 : memref<128x32xf32, #tpu.memory_space<vmem>>) offsets(%dma_start3A_35 : memref<128xi32, #tpu.memory_space<vmem>>) semaphore(%dma_start3A_40 : memref<!tpu.dma_semaphore, #tpu.memory_space<semaphore_mem>>)
      %dma_start3A_41 = arith.constant 0 : i32
      %dma_start3A_42 = arith.constant 2 : i32
      %dma_start3A_43 = arith.constant 2 : i32
      %dma_start3A_44 = arith.constant 2 : i32
      %dma_start3A_45 = arith.constant 0 : i32
      %dma_start3A_46 = arith.constant 0 : i32
      %dma_start3A_47 = tpu.memref_slice %arg6[%dma_start3A_43, %dma_start3A_45, %dma_start3A_46] : memref<8x128x32xf32, #tpu.memory_space<vmem>> -> memref<1x128x32xf32, #tpu.memory_space<vmem>>
      %dma_start3A_48 = tpu.memref_squeeze %dma_start3A_47 : memref<1x128x32xf32, #tpu.memory_space<vmem>> -> memref<128x32xf32, #tpu.memory_space<vmem>>
      %dma_start3A_49 = arith.constant 0 : i32
      %dma_start3A_50 = tpu.memref_slice %arg5[%dma_start3A_41, %dma_start3A_42, %dma_start3A_49] : memref<25x8x128xi32, #tpu.memory_space<vmem>> -> memref<1x1x128xi32, #tpu.memory_space<vmem>>
      %dma_start3A_51 = tpu.memref_squeeze %dma_start3A_50 : memref<1x1x128xi32, #tpu.memory_space<vmem>> -> memref<128xi32, #tpu.memory_space<vmem>>
      %dma_start3A_52 = arith.constant 0 : i32
      %dma_start3A_53 = arith.constant 0 : i32
      %dma_start3A_54 = tpu.memref_slice %arg3[%dma_start3A_52, %dma_start3A_53] : memref<1000000x32xf32, #tpu.memory_space<hbm>> -> memref<1000000x32xf32, #tpu.memory_space<hbm>>
      %dma_start3A_55 = tpu.memref_slice %arg9[%dma_start3A_44] : memref<8x!tpu.dma_semaphore, #tpu.memory_space<semaphore_mem>> -> memref<1x!tpu.dma_semaphore, #tpu.memory_space<semaphore_mem>>
      %dma_start3A_56 = tpu.memref_squeeze %dma_start3A_55 : memref<1x!tpu.dma_semaphore, #tpu.memory_space<semaphore_mem>> -> memref<!tpu.dma_semaphore, #tpu.memory_space<semaphore_mem>>
      tpu.enqueue_indirect_dma source(%dma_start3A_54 : memref<1000000x32xf32, #tpu.memory_space<hbm>>) target(%dma_start3A_48 : memref<128x32xf32, #tpu.memory_space<vmem>>) offsets(%dma_start3A_51 : memref<128xi32, #tpu.memory_space<vmem>>) semaphore(%dma_start3A_56 : memref<!tpu.dma_semaphore, #tpu.memory_space<semaphore_mem>>)
      %dma_start3A_57 = arith.constant 0 : i32
      %dma_start3A_58 = arith.constant 3 : i32
      %dma_start3A_59 = arith.constant 3 : i32
      %dma_start3A_60 = arith.constant 3 : i32
      %dma_start3A_61 = arith.constant 0 : i32
      %dma_start3A_62 = arith.constant 0 : i32
      %dma_start3A_63 = tpu.memref_slice %arg6[%dma_start3A_59, %dma_start3A_61, %dma_start3A_62] : memref<8x128x32xf32, #tpu.memory_space<vmem>> -> memref<1x128x32xf32, #tpu.memory_space<vmem>>
      %dma_start3A_64 = tpu.memref_squeeze %dma_start3A_63 : memref<1x128x32xf32, #tpu.memory_space<vmem>> -> memref<128x32xf32, #tpu.memory_space<vmem>>
      %dma_start3A_65 = arith.constant 0 : i32
      %dma_start3A_66 = tpu.memref_slice %arg5[%dma_start3A_57, %dma_start3A_58, %dma_start3A_65] : memref<25x8x128xi32, #tpu.memory_space<vmem>> -> memref<1x1x128xi32, #tpu.memory_space<vmem>>
      %dma_start3A_67 = tpu.memref_squeeze %dma_start3A_66 : memref<1x1x128xi32, #tpu.memory_space<vmem>> -> memref<128xi32, #tpu.memory_space<vmem>>
      %dma_start3A_68 = arith.constant 0 : i32
      %dma_start3A_69 = arith.constant 0 : i32
      %dma_start3A_70 = tpu.memref_slice %arg3[%dma_start3A_68, %dma_start3A_69] : memref<1000000x32xf32, #tpu.memory_space<hbm>> -> memref<1000000x32xf32, #tpu.memory_space<hbm>>
      %dma_start3A_71 = tpu.memref_slice %arg9[%dma_start3A_60] : memref<8x!tpu.dma_semaphore, #tpu.memory_space<semaphore_mem>> -> memref<1x!tpu.dma_semaphore, #tpu.memory_space<semaphore_mem>>
      %dma_start3A_72 = tpu.memref_squeeze %dma_start3A_71 : memref<1x!tpu.dma_semaphore, #tpu.memory_space<semaphore_mem>> -> memref<!tpu.dma_semaphore, #tpu.memory_space<semaphore_mem>>
      tpu.enqueue_indirect_dma source(%dma_start3A_70 : memref<1000000x32xf32, #tpu.memory_space<hbm>>) target(%dma_start3A_64 : memref<128x32xf32, #tpu.memory_space<vmem>>) offsets(%dma_start3A_67 : memref<128xi32, #tpu.memory_space<vmem>>) semaphore(%dma_start3A_72 : memref<!tpu.dma_semaphore, #tpu.memory_space<semaphore_mem>>)
      %dma_start3A_73 = arith.constant 0 : i32
      %dma_start3A_74 = arith.constant 4 : i32
      %dma_start3A_75 = arith.constant 4 : i32
      %dma_start3A_76 = arith.constant 4 : i32
      %dma_start3A_77 = arith.constant 0 : i32
      %dma_start3A_78 = arith.constant 0 : i32
      %dma_start3A_79 = tpu.memref_slice %arg6[%dma_start3A_75, %dma_start3A_77, %dma_start3A_78] : memref<8x128x32xf32, #tpu.memory_space<vmem>> -> memref<1x128x32xf32, #tpu.memory_space<vmem>>
      %dma_start3A_80 = tpu.memref_squeeze %dma_start3A_79 : memref<1x128x32xf32, #tpu.memory_space<vmem>> -> memref<128x32xf32, #tpu.memory_space<vmem>>
      %dma_start3A_81 = arith.constant 0 : i32
      %dma_start3A_82 = tpu.memref_slice %arg5[%dma_start3A_73, %dma_start3A_74, %dma_start3A_81] : memref<25x8x128xi32, #tpu.memory_space<vmem>> -> memref<1x1x128xi32, #tpu.memory_space<vmem>>
      %dma_start3A_83 = tpu.memref_squeeze %dma_start3A_82 : memref<1x1x128xi32, #tpu.memory_space<vmem>> -> memref<128xi32, #tpu.memory_space<vmem>>
      %dma_start3A_84 = arith.constant 0 : i32
      %dma_start3A_85 = arith.constant 0 : i32
      %dma_start3A_86 = tpu.memref_slice %arg3[%dma_start3A_84, %dma_start3A_85] : memref<1000000x32xf32, #tpu.memory_space<hbm>> -> memref<1000000x32xf32, #tpu.memory_space<hbm>>
      %dma_start3A_87 = tpu.memref_slice %arg9[%dma_start3A_76] : memref<8x!tpu.dma_semaphore, #tpu.memory_space<semaphore_mem>> -> memref<1x!tpu.dma_semaphore, #tpu.memory_space<semaphore_mem>>
      %dma_start3A_88 = tpu.memref_squeeze %dma_start3A_87 : memref<1x!tpu.dma_semaphore, #tpu.memory_space<semaphore_mem>> -> memref<!tpu.dma_semaphore, #tpu.memory_space<semaphore_mem>>
      tpu.enqueue_indirect_dma source(%dma_start3A_86 : memref<1000000x32xf32, #tpu.memory_space<hbm>>) target(%dma_start3A_80 : memref<128x32xf32, #tpu.memory_space<vmem>>) offsets(%dma_start3A_83 : memref<128xi32, #tpu.memory_space<vmem>>) semaphore(%dma_start3A_88 : memref<!tpu.dma_semaphore, #tpu.memory_space<semaphore_mem>>)
      %dma_start3A_89 = arith.constant 0 : i32
      %dma_start3A_90 = arith.constant 5 : i32
      %dma_start3A_91 = arith.constant 5 : i32
      %dma_start3A_92 = arith.constant 5 : i32
      %dma_start3A_93 = arith.constant 0 : i32
      %dma_start3A_94 = arith.constant 0 : i32
      %dma_start3A_95 = tpu.memref_slice %arg6[%dma_start3A_91, %dma_start3A_93, %dma_start3A_94] : memref<8x128x32xf32, #tpu.memory_space<vmem>> -> memref<1x128x32xf32, #tpu.memory_space<vmem>>
      %dma_start3A_96 = tpu.memref_squeeze %dma_start3A_95 : memref<1x128x32xf32, #tpu.memory_space<vmem>> -> memref<128x32xf32, #tpu.memory_space<vmem>>
      %dma_start3A_97 = arith.constant 0 : i32
      %dma_start3A_98 = tpu.memref_slice %arg5[%dma_start3A_89, %dma_start3A_90, %dma_start3A_97] : memref<25x8x128xi32, #tpu.memory_space<vmem>> -> memref<1x1x128xi32, #tpu.memory_space<vmem>>
      %dma_start3A_99 = tpu.memref_squeeze %dma_start3A_98 : memref<1x1x128xi32, #tpu.memory_space<vmem>> -> memref<128xi32, #tpu.memory_space<vmem>>
      %dma_start3A_100 = arith.constant 0 : i32
      %dma_start3A_101 = arith.constant 0 : i32
      %dma_start3A_102 = tpu.memref_slice %arg3[%dma_start3A_100, %dma_start3A_101] : memref<1000000x32xf32, #tpu.memory_space<hbm>> -> memref<1000000x32xf32, #tpu.memory_space<hbm>>
      %dma_start3A_103 = tpu.memref_slice %arg9[%dma_start3A_92] : memref<8x!tpu.dma_semaphore, #tpu.memory_space<semaphore_mem>> -> memref<1x!tpu.dma_semaphore, #tpu.memory_space<semaphore_mem>>
      %dma_start3A_104 = tpu.memref_squeeze %dma_start3A_103 : memref<1x!tpu.dma_semaphore, #tpu.memory_space<semaphore_mem>> -> memref<!tpu.dma_semaphore, #tpu.memory_space<semaphore_mem>>
      tpu.enqueue_indirect_dma source(%dma_start3A_102 : memref<1000000x32xf32, #tpu.memory_space<hbm>>) target(%dma_start3A_96 : memref<128x32xf32, #tpu.memory_space<vmem>>) offsets(%dma_start3A_99 : memref<128xi32, #tpu.memory_space<vmem>>) semaphore(%dma_start3A_104 : memref<!tpu.dma_semaphore, #tpu.memory_space<semaphore_mem>>)
      %dma_start3A_105 = arith.constant 0 : i32
      %dma_start3A_106 = arith.constant 6 : i32
      %dma_start3A_107 = arith.constant 6 : i32
      %dma_start3A_108 = arith.constant 6 : i32
      %dma_start3A_109 = arith.constant 0 : i32
      %dma_start3A_110 = arith.constant 0 : i32
      %dma_start3A_111 = tpu.memref_slice %arg6[%dma_start3A_107, %dma_start3A_109, %dma_start3A_110] : memref<8x128x32xf32, #tpu.memory_space<vmem>> -> memref<1x128x32xf32, #tpu.memory_space<vmem>>
      %dma_start3A_112 = tpu.memref_squeeze %dma_start3A_111 : memref<1x128x32xf32, #tpu.memory_space<vmem>> -> memref<128x32xf32, #tpu.memory_space<vmem>>
      %dma_start3A_113 = arith.constant 0 : i32
      %dma_start3A_114 = tpu.memref_slice %arg5[%dma_start3A_105, %dma_start3A_106, %dma_start3A_113] : memref<25x8x128xi32, #tpu.memory_space<vmem>> -> memref<1x1x128xi32, #tpu.memory_space<vmem>>
      %dma_start3A_115 = tpu.memref_squeeze %dma_start3A_114 : memref<1x1x128xi32, #tpu.memory_space<vmem>> -> memref<128xi32, #tpu.memory_space<vmem>>
      %dma_start3A_116 = arith.constant 0 : i32
      %dma_start3A_117 = arith.constant 0 : i32
      %dma_start3A_118 = tpu.memref_slice %arg3[%dma_start3A_116, %dma_start3A_117] : memref<1000000x32xf32, #tpu.memory_space<hbm>> -> memref<1000000x32xf32, #tpu.memory_space<hbm>>
      %dma_start3A_119 = tpu.memref_slice %arg9[%dma_start3A_108] : memref<8x!tpu.dma_semaphore, #tpu.memory_space<semaphore_mem>> -> memref<1x!tpu.dma_semaphore, #tpu.memory_space<semaphore_mem>>
      %dma_start3A_120 = tpu.memref_squeeze %dma_start3A_119 : memref<1x!tpu.dma_semaphore, #tpu.memory_space<semaphore_mem>> -> memref<!tpu.dma_semaphore, #tpu.memory_space<semaphore_mem>>
      tpu.enqueue_indirect_dma source(%dma_start3A_118 : memref<1000000x32xf32, #tpu.memory_space<hbm>>) target(%dma_start3A_112 : memref<128x32xf32, #tpu.memory_space<vmem>>) offsets(%dma_start3A_115 : memref<128xi32, #tpu.memory_space<vmem>>) semaphore(%dma_start3A_120 : memref<!tpu.dma_semaphore, #tpu.memory_space<semaphore_mem>>)
      %dma_start3A_121 = arith.constant 0 : i32
      %dma_start3A_122 = arith.constant 7 : i32
      %dma_start3A_123 = arith.constant 7 : i32
      %dma_start3A_124 = arith.constant 7 : i32
      %dma_start3A_125 = arith.constant 0 : i32
      %dma_start3A_126 = arith.constant 0 : i32
      %dma_start3A_127 = tpu.memref_slice %arg6[%dma_start3A_123, %dma_start3A_125, %dma_start3A_126] : memref<8x128x32xf32, #tpu.memory_space<vmem>> -> memref<1x128x32xf32, #tpu.memory_space<vmem>>
      %dma_start3A_128 = tpu.memref_squeeze %dma_start3A_127 : memref<1x128x32xf32, #tpu.memory_space<vmem>> -> memref<128x32xf32, #tpu.memory_space<vmem>>
      %dma_start3A_129 = arith.constant 0 : i32
      %dma_start3A_130 = tpu.memref_slice %arg5[%dma_start3A_121, %dma_start3A_122, %dma_start3A_129] : memref<25x8x128xi32, #tpu.memory_space<vmem>> -> memref<1x1x128xi32, #tpu.memory_space<vmem>>
      %dma_start3A_131 = tpu.memref_squeeze %dma_start3A_130 : memref<1x1x128xi32, #tpu.memory_space<vmem>> -> memref<128xi32, #tpu.memory_space<vmem>>
      %dma_start3A_132 = arith.constant 0 : i32
      %dma_start3A_133 = arith.constant 0 : i32
      %dma_start3A_134 = tpu.memref_slice %arg3[%dma_start3A_132, %dma_start3A_133] : memref<1000000x32xf32, #tpu.memory_space<hbm>> -> memref<1000000x32xf32, #tpu.memory_space<hbm>>
      %dma_start3A_135 = tpu.memref_slice %arg9[%dma_start3A_124] : memref<8x!tpu.dma_semaphore, #tpu.memory_space<semaphore_mem>> -> memref<1x!tpu.dma_semaphore, #tpu.memory_space<semaphore_mem>>
      %dma_start3A_136 = tpu.memref_squeeze %dma_start3A_135 : memref<1x!tpu.dma_semaphore, #tpu.memory_space<semaphore_mem>> -> memref<!tpu.dma_semaphore, #tpu.memory_space<semaphore_mem>>
      tpu.enqueue_indirect_dma source(%dma_start3A_134 : memref<1000000x32xf32, #tpu.memory_space<hbm>>) target(%dma_start3A_128 : memref<128x32xf32, #tpu.memory_space<vmem>>) offsets(%dma_start3A_131 : memref<128xi32, #tpu.memory_space<vmem>>) semaphore(%dma_start3A_136 : memref<!tpu.dma_semaphore, #tpu.memory_space<semaphore_mem>>)
      %scan3A_137 = arith.constant 0 : i32
      %scan3A_138 = arith.constant 0 : i32
      %scan3A_139 = arith.constant 25 : i32
      %scan3A_140 = arith.addi %scan3A_138, %scan3A_139 : i32
      %scan3A_141 = arith.constant 1 : i32
      scf.for %scan3A_302 = %scan3A_138 to %scan3A_140 step %scan3A_141  : i32 {
        %dma_wait3A_303 = arith.constant 0 : i32
        %dma_wait3A_304 = arith.constant 0 : i32
        %dma_wait3A_305 = arith.constant 0 : i32
        %dma_wait3A_306 = arith.constant 0 : i32
        %dma_wait3A_307 = arith.constant 0 : i32
        %dma_wait3A_308 = arith.constant 0 : i32
        %dma_wait3A_309 = tpu.memref_slice %arg6[%dma_wait3A_305, %dma_wait3A_307, %dma_wait3A_308] : memref<8x128x32xf32, #tpu.memory_space<vmem>> -> memref<1x128x32xf32, #tpu.memory_space<vmem>>
        %dma_wait3A_310 = tpu.memref_squeeze %dma_wait3A_309 : memref<1x128x32xf32, #tpu.memory_space<vmem>> -> memref<128x32xf32, #tpu.memory_space<vmem>>
        %dma_wait3A_311 = arith.constant 0 : i32
        %dma_wait3A_312 = tpu.memref_slice %arg5[%dma_wait3A_303, %dma_wait3A_304, %dma_wait3A_311] : memref<25x8x128xi32, #tpu.memory_space<vmem>> -> memref<1x1x128xi32, #tpu.memory_space<vmem>>
        %dma_wait3A_313 = tpu.memref_squeeze %dma_wait3A_312 : memref<1x1x128xi32, #tpu.memory_space<vmem>> -> memref<128xi32, #tpu.memory_space<vmem>>
        %dma_wait3A_314 = arith.constant 0 : i32
        %dma_wait3A_315 = arith.constant 0 : i32
        %dma_wait3A_316 = tpu.memref_slice %arg3[%dma_wait3A_314, %dma_wait3A_315] : memref<1000000x32xf32, #tpu.memory_space<hbm>> -> memref<1000000x32xf32, #tpu.memory_space<hbm>>
        %dma_wait3A_317 = tpu.memref_slice %arg9[%dma_wait3A_306] : memref<8x!tpu.dma_semaphore, #tpu.memory_space<semaphore_mem>> -> memref<1x!tpu.dma_semaphore, #tpu.memory_space<semaphore_mem>>
        %dma_wait3A_318 = tpu.memref_squeeze %dma_wait3A_317 : memref<1x!tpu.dma_semaphore, #tpu.memory_space<semaphore_mem>> -> memref<!tpu.dma_semaphore, #tpu.memory_space<semaphore_mem>>
        tpu.wait_indirect_dma semaphore(%dma_wait3A_318 : memref<!tpu.dma_semaphore, #tpu.memory_space<semaphore_mem>>) src(%dma_wait3A_316 : memref<1000000x32xf32, #tpu.memory_space<hbm>>) dst(%dma_wait3A_310 : memref<128x32xf32, #tpu.memory_space<vmem>>)
        %gt3A = arith.constant 0 : i32
        %gt3A_319 = arith.cmpi sgt, %scan3A_302, %gt3A : i32
        %convert_element_type3A = arith.extui %gt3A_319 : i1 to i32
        %cond3A = arith.constant 0 : i32
        %cond3A_320 = arith.cmpi ne, %convert_element_type3A, %cond3A : i32
        scf.if %cond3A_320 {
          %dma_wait3A_1613 = arith.constant 0 : i32
          %dma_wait3A_1614 = arith.constant 0 : i32
          %dma_wait3A_1615 = arith.constant 0 : i32
          %dma_wait3A_1616 = arith.constant 0 : i32
          %dma_wait3A_1617 = arith.constant 0 : i32
          %dma_wait3A_1618 = arith.constant 0 : i32
          %dma_wait3A_1619 = tpu.memref_slice %arg7[%dma_wait3A_1617, %dma_wait3A_1618] : memref<32x129xf32, #tpu.memory_space<vmem>> -> memref<8x128xf32, #tpu.memory_space<vmem>>
          %dma_wait3A_1620 = arith.constant 0 : i32
          %dma_wait3A_1621 = arith.constant 0 : i32
          %dma_wait3A_1622 = tpu.memref_slice %arg4[%dma_wait3A_1613, %dma_wait3A_1614, %dma_wait3A_1615, %dma_wait3A_1620, %dma_wait3A_1621] : memref<200x4x128x8x128xf32, #tpu.memory_space<hbm>> -> memref<1x1x1x8x128xf32, #tpu.memory_space<hbm>>
          %dma_wait3A_1623 = tpu.memref_squeeze %dma_wait3A_1622 : memref<1x1x1x8x128xf32, #tpu.memory_space<hbm>> -> memref<8x128xf32, #tpu.memory_space<hbm>>
          %dma_wait3A_1624 = tpu.memref_slice %arg10[%dma_wait3A_1616] : memref<2x!tpu.dma_semaphore, #tpu.memory_space<semaphore_mem>> -> memref<1x!tpu.dma_semaphore, #tpu.memory_space<semaphore_mem>>
          %dma_wait3A_1625 = tpu.memref_squeeze %dma_wait3A_1624 : memref<1x!tpu.dma_semaphore, #tpu.memory_space<semaphore_mem>> -> memref<!tpu.dma_semaphore, #tpu.memory_space<semaphore_mem>>
          %dma_wait3A_1626 = arith.constant 0 : i32
          %dma_wait3A_1627 = arith.constant 0 : i32
          %dma_wait3A_1628 = tpu.memref_slice %arg4[%dma_wait3A_1613, %dma_wait3A_1614, %dma_wait3A_1615, %dma_wait3A_1626, %dma_wait3A_1627] : memref<200x4x128x8x128xf32, #tpu.memory_space<hbm>> -> memref<1x1x1x8x128xf32, #tpu.memory_space<hbm>>
          %dma_wait3A_1629 = tpu.memref_squeeze %dma_wait3A_1628 : memref<1x1x1x8x128xf32, #tpu.memory_space<hbm>> -> memref<8x128xf32, #tpu.memory_space<hbm>>
          %dma_wait3A_1630 = arith.constant 0 : i32
          %dma_wait3A_1631 = arith.constant 0 : i32
          %dma_wait3A_1632 = tpu.memref_slice %arg7[%dma_wait3A_1630, %dma_wait3A_1631] : memref<32x129xf32, #tpu.memory_space<vmem>> -> memref<8x128xf32, #tpu.memory_space<vmem>>
          tpu.wait_dma2 semaphore(%dma_wait3A_1625 : memref<!tpu.dma_semaphore, #tpu.memory_space<semaphore_mem>>) src(%dma_wait3A_1632 : memref<8x128xf32, #tpu.memory_space<vmem>>) dst(%dma_wait3A_1629 : memref<8x128xf32, #tpu.memory_space<hbm>>)
          %dma_wait3A_1633 = arith.constant 0 : i32
          %dma_wait3A_1634 = arith.constant 1 : i32
          %dma_wait3A_1635 = arith.constant 0 : i32
          %dma_wait3A_1636 = arith.constant 0 : i32
          %dma_wait3A_1637 = arith.constant 8 : i32
          %dma_wait3A_1638 = arith.constant 0 : i32
          %dma_wait3A_1639 = tpu.memref_slice %arg7[%dma_wait3A_1637, %dma_wait3A_1638] : memref<32x129xf32, #tpu.memory_space<vmem>> -> memref<8x128xf32, #tpu.memory_space<vmem>>
          %dma_wait3A_1640 = arith.constant 0 : i32
          %dma_wait3A_1641 = arith.constant 0 : i32
          %dma_wait3A_1642 = tpu.memref_slice %arg4[%dma_wait3A_1633, %dma_wait3A_1634, %dma_wait3A_1635, %dma_wait3A_1640, %dma_wait3A_1641] : memref<200x4x128x8x128xf32, #tpu.memory_space<hbm>> -> memref<1x1x1x8x128xf32, #tpu.memory_space<hbm>>
          %dma_wait3A_1643 = tpu.memref_squeeze %dma_wait3A_1642 : memref<1x1x1x8x128xf32, #tpu.memory_space<hbm>> -> memref<8x128xf32, #tpu.memory_space<hbm>>
          %dma_wait3A_1644 = tpu.memref_slice %arg10[%dma_wait3A_1636] : memref<2x!tpu.dma_semaphore, #tpu.memory_space<semaphore_mem>> -> memref<1x!tpu.dma_semaphore, #tpu.memory_space<semaphore_mem>>
          %dma_wait3A_1645 = tpu.memref_squeeze %dma_wait3A_1644 : memref<1x!tpu.dma_semaphore, #tpu.memory_space<semaphore_mem>> -> memref<!tpu.dma_semaphore, #tpu.memory_space<semaphore_mem>>
          %dma_wait3A_1646 = arith.constant 0 : i32
          %dma_wait3A_1647 = arith.constant 0 : i32
          %dma_wait3A_1648 = tpu.memref_slice %arg4[%dma_wait3A_1633, %dma_wait3A_1634, %dma_wait3A_1635, %dma_wait3A_1646, %dma_wait3A_1647] : memref<200x4x128x8x128xf32, #tpu.memory_space<hbm>> -> memref<1x1x1x8x128xf32, #tpu.memory_space<hbm>>
          %dma_wait3A_1649 = tpu.memref_squeeze %dma_wait3A_1648 : memref<1x1x1x8x128xf32, #tpu.memory_space<hbm>> -> memref<8x128xf32, #tpu.memory_space<hbm>>
          %dma_wait3A_1650 = arith.constant 8 : i32
          %dma_wait3A_1651 = arith.constant 0 : i32
          %dma_wait3A_1652 = tpu.memref_slice %arg7[%dma_wait3A_1650, %dma_wait3A_1651] : memref<32x129xf32, #tpu.memory_space<vmem>> -> memref<8x128xf32, #tpu.memory_space<vmem>>
          tpu.wait_dma2 semaphore(%dma_wait3A_1645 : memref<!tpu.dma_semaphore, #tpu.memory_space<semaphore_mem>>) src(%dma_wait3A_1652 : memref<8x128xf32, #tpu.memory_space<vmem>>) dst(%dma_wait3A_1649 : memref<8x128xf32, #tpu.memory_space<hbm>>)
          %dma_wait3A_1653 = arith.constant 0 : i32
          %dma_wait3A_1654 = arith.constant 2 : i32
          %dma_wait3A_1655 = arith.constant 0 : i32
          %dma_wait3A_1656 = arith.constant 0 : i32
          %dma_wait3A_1657 = arith.constant 16 : i32
          %dma_wait3A_1658 = arith.constant 0 : i32
          %dma_wait3A_1659 = tpu.memref_slice %arg7[%dma_wait3A_1657, %dma_wait3A_1658] : memref<32x129xf32, #tpu.memory_space<vmem>> -> memref<8x128xf32, #tpu.memory_space<vmem>>
          %dma_wait3A_1660 = arith.constant 0 : i32
          %dma_wait3A_1661 = arith.constant 0 : i32
          %dma_wait3A_1662 = tpu.memref_slice %arg4[%dma_wait3A_1653, %dma_wait3A_1654, %dma_wait3A_1655, %dma_wait3A_1660, %dma_wait3A_1661] : memref<200x4x128x8x128xf32, #tpu.memory_space<hbm>> -> memref<1x1x1x8x128xf32, #tpu.memory_space<hbm>>
          %dma_wait3A_1663 = tpu.memref_squeeze %dma_wait3A_1662 : memref<1x1x1x8x128xf32, #tpu.memory_space<hbm>> -> memref<8x128xf32, #tpu.memory_space<hbm>>
          %dma_wait3A_1664 = tpu.memref_slice %arg10[%dma_wait3A_1656] : memref<2x!tpu.dma_semaphore, #tpu.memory_space<semaphore_mem>> -> memref<1x!tpu.dma_semaphore, #tpu.memory_space<semaphore_mem>>
          %dma_wait3A_1665 = tpu.memref_squeeze %dma_wait3A_1664 : memref<1x!tpu.dma_semaphore, #tpu.memory_space<semaphore_mem>> -> memref<!tpu.dma_semaphore, #tpu.memory_space<semaphore_mem>>
          %dma_wait3A_1666 = arith.constant 0 : i32
          %dma_wait3A_1667 = arith.constant 0 : i32
          %dma_wait3A_1668 = tpu.memref_slice %arg4[%dma_wait3A_1653, %dma_wait3A_1654, %dma_wait3A_1655, %dma_wait3A_1666, %dma_wait3A_1667] : memref<200x4x128x8x128xf32, #tpu.memory_space<hbm>> -> memref<1x1x1x8x128xf32, #tpu.memory_space<hbm>>
          %dma_wait3A_1669 = tpu.memref_squeeze %dma_wait3A_1668 : memref<1x1x1x8x128xf32, #tpu.memory_space<hbm>> -> memref<8x128xf32, #tpu.memory_space<hbm>>
          %dma_wait3A_1670 = arith.constant 16 : i32
          %dma_wait3A_1671 = arith.constant 0 : i32
          %dma_wait3A_1672 = tpu.memref_slice %arg7[%dma_wait3A_1670, %dma_wait3A_1671] : memref<32x129xf32, #tpu.memory_space<vmem>> -> memref<8x128xf32, #tpu.memory_space<vmem>>
          tpu.wait_dma2 semaphore(%dma_wait3A_1665 : memref<!tpu.dma_semaphore, #tpu.memory_space<semaphore_mem>>) src(%dma_wait3A_1672 : memref<8x128xf32, #tpu.memory_space<vmem>>) dst(%dma_wait3A_1669 : memref<8x128xf32, #tpu.memory_space<hbm>>)
          %dma_wait3A_1673 = arith.constant 0 : i32
          %dma_wait3A_1674 = arith.constant 3 : i32
          %dma_wait3A_1675 = arith.constant 0 : i32
          %dma_wait3A_1676 = arith.constant 0 : i32
          %dma_wait3A_1677 = arith.constant 24 : i32
          %dma_wait3A_1678 = arith.constant 0 : i32
          %dma_wait3A_1679 = tpu.memref_slice %arg7[%dma_wait3A_1677, %dma_wait3A_1678] : memref<32x129xf32, #tpu.memory_space<vmem>> -> memref<8x128xf32, #tpu.memory_space<vmem>>
          %dma_wait3A_1680 = arith.constant 0 : i32
          %dma_wait3A_1681 = arith.constant 0 : i32
          %dma_wait3A_1682 = tpu.memref_slice %arg4[%dma_wait3A_1673, %dma_wait3A_1674, %dma_wait3A_1675, %dma_wait3A_1680, %dma_wait3A_1681] : memref<200x4x128x8x128xf32, #tpu.memory_space<hbm>> -> memref<1x1x1x8x128xf32, #tpu.memory_space<hbm>>
          %dma_wait3A_1683 = tpu.memref_squeeze %dma_wait3A_1682 : memref<1x1x1x8x128xf32, #tpu.memory_space<hbm>> -> memref<8x128xf32, #tpu.memory_space<hbm>>
          %dma_wait3A_1684 = tpu.memref_slice %arg10[%dma_wait3A_1676] : memref<2x!tpu.dma_semaphore, #tpu.memory_space<semaphore_mem>> -> memref<1x!tpu.dma_semaphore, #tpu.memory_space<semaphore_mem>>
          %dma_wait3A_1685 = tpu.memref_squeeze %dma_wait3A_1684 : memref<1x!tpu.dma_semaphore, #tpu.memory_space<semaphore_mem>> -> memref<!tpu.dma_semaphore, #tpu.memory_space<semaphore_mem>>
          %dma_wait3A_1686 = arith.constant 0 : i32
          %dma_wait3A_1687 = arith.constant 0 : i32
          %dma_wait3A_1688 = tpu.memref_slice %arg4[%dma_wait3A_1673, %dma_wait3A_1674, %dma_wait3A_1675, %dma_wait3A_1686, %dma_wait3A_1687] : memref<200x4x128x8x128xf32, #tpu.memory_space<hbm>> -> memref<1x1x1x8x128xf32, #tpu.memory_space<hbm>>
          %dma_wait3A_1689 = tpu.memref_squeeze %dma_wait3A_1688 : memref<1x1x1x8x128xf32, #tpu.memory_space<hbm>> -> memref<8x128xf32, #tpu.memory_space<hbm>>
          %dma_wait3A_1690 = arith.constant 24 : i32
          %dma_wait3A_1691 = arith.constant 0 : i32
          %dma_wait3A_1692 = tpu.memref_slice %arg7[%dma_wait3A_1690, %dma_wait3A_1691] : memref<32x129xf32, #tpu.memory_space<vmem>> -> memref<8x128xf32, #tpu.memory_space<vmem>>
          tpu.wait_dma2 semaphore(%dma_wait3A_1685 : memref<!tpu.dma_semaphore, #tpu.memory_space<semaphore_mem>>) src(%dma_wait3A_1692 : memref<8x128xf32, #tpu.memory_space<vmem>>) dst(%dma_wait3A_1689 : memref<8x128xf32, #tpu.memory_space<hbm>>)
        } else {
        }
        %scan3A_321 = arith.constant 0 : i32
        %scan3A_322 = arith.constant 0 : i32
        %scan3A_323 = arith.constant 32 : i32
        %scan3A_324 = arith.addi %scan3A_322, %scan3A_323 : i32
        %scan3A_325 = arith.constant 1 : i32
        scf.for %scan3A_1613 = %scan3A_322 to %scan3A_324 step %scan3A_325  : i32 {
          %mul3A_1614 = arith.constant 4 : i32
          %mul3A_1615 = arith.muli %scan3A_1613, %mul3A_1614 : i32
          %add3A_1616 = arith.constant 0 : i32
          %add3A_1617 = arith.addi %mul3A_1615, %add3A_1616 : i32
          %broadcast_in_dim3A = arith.constant 0 : i32
          %broadcast_in_dim3A_1618 = vector.broadcast %broadcast_in_dim3A : i32 to vector<16xi32>
          %add3A_1619 = vector.broadcast %add3A_1617 : i32 to vector<16xi32>
          %add3A_1620 = arith.addi %broadcast_in_dim3A_1618, %add3A_1619 : vector<16xi32>
          %get3A = arith.constant 0 : i32
          %get3A_1621 = arith.index_cast %get3A : i32 to index
          %get3A_1622 = arith.index_cast %add3A_1617 : i32 to index
          %get3A_1623 = arith.constant 0 : index
          %get3A_1624 = tpu.vector_load %arg6[%get3A_1621, %get3A_1622, %get3A_1623] {strides = array<i32>} : memref<8x128x32xf32, #tpu.memory_space<vmem>>, vector<16xf32>,
          %add3A_1625 = arith.constant 0 : i32
          %add3A_1626 = vector.broadcast %add3A_1625 : i32 to vector<16xi32>
          %add3A_1627 = arith.addi %iota3A, %add3A_1626 : vector<16xi32>
          tpu.vector_store_idx %arg7[%add3A_1627, %add3A_1620], %get3A_1624 : memref<32x129xf32, #tpu.memory_space<vmem>>[vector<16xi32>, vector<16xi32>], vector<16xf32>,
          %get3A_1628 = arith.constant 0 : i32
          %get3A_1629 = arith.index_cast %get3A_1628 : i32 to index
          %get3A_1630 = arith.index_cast %add3A_1617 : i32 to index
          %get3A_1631 = arith.constant 16 : index
          %get3A_1632 = tpu.vector_load %arg6[%get3A_1629, %get3A_1630, %get3A_1631] {strides = array<i32>} : memref<8x128x32xf32, #tpu.memory_space<vmem>>, vector<16xf32>,
          %add3A_1633 = arith.constant 16 : i32
          %add3A_1634 = vector.broadcast %add3A_1633 : i32 to vector<16xi32>
          %add3A_1635 = arith.addi %iota3A, %add3A_1634 : vector<16xi32>
          tpu.vector_store_idx %arg7[%add3A_1635, %add3A_1620], %get3A_1632 : memref<32x129xf32, #tpu.memory_space<vmem>>[vector<16xi32>, vector<16xi32>], vector<16xf32>,
          %mul3A_1636 = arith.constant 4 : i32
          %mul3A_1637 = arith.muli %scan3A_1613, %mul3A_1636 : i32
          %add3A_1638 = arith.constant 1 : i32
          %add3A_1639 = arith.addi %mul3A_1637, %add3A_1638 : i32
          %broadcast_in_dim3A_1640 = arith.constant 0 : i32
          %broadcast_in_dim3A_1641 = vector.broadcast %broadcast_in_dim3A_1640 : i32 to vector<16xi32>
          %add3A_1642 = vector.broadcast %add3A_1639 : i32 to vector<16xi32>
          %add3A_1643 = arith.addi %broadcast_in_dim3A_1641, %add3A_1642 : vector<16xi32>
          %get3A_1644 = arith.constant 0 : i32
          %get3A_1645 = arith.index_cast %get3A_1644 : i32 to index
          %get3A_1646 = arith.index_cast %add3A_1639 : i32 to index
          %get3A_1647 = arith.constant 0 : index
          %get3A_1648 = tpu.vector_load %arg6[%get3A_1645, %get3A_1646, %get3A_1647] {strides = array<i32>} : memref<8x128x32xf32, #tpu.memory_space<vmem>>, vector<16xf32>,
          %add3A_1649 = arith.constant 0 : i32
          %add3A_1650 = vector.broadcast %add3A_1649 : i32 to vector<16xi32>
          %add3A_1651 = arith.addi %iota3A, %add3A_1650 : vector<16xi32>
          tpu.vector_store_idx %arg7[%add3A_1651, %add3A_1643], %get3A_1648 : memref<32x129xf32, #tpu.memory_space<vmem>>[vector<16xi32>, vector<16xi32>], vector<16xf32>,
          %get3A_1652 = arith.constant 0 : i32
          %get3A_1653 = arith.index_cast %get3A_1652 : i32 to index
          %get3A_1654 = arith.index_cast %add3A_1639 : i32 to index
          %get3A_1655 = arith.constant 16 : index
          %get3A_1656 = tpu.vector_load %arg6[%get3A_1653, %get3A_1654, %get3A_1655] {strides = array<i32>} : memref<8x128x32xf32, #tpu.memory_space<vmem>>, vector<16xf32>,
          %add3A_1657 = arith.constant 16 : i32
          %add3A_1658 = vector.broadcast %add3A_1657 : i32 to vector<16xi32>
          %add3A_1659 = arith.addi %iota3A, %add3A_1658 : vector<16xi32>
          tpu.vector_store_idx %arg7[%add3A_1659, %add3A_1643], %get3A_1656 : memref<32x129xf32, #tpu.memory_space<vmem>>[vector<16xi32>, vector<16xi32>], vector<16xf32>,
          %mul3A_1660 = arith.constant 4 : i32
          %mul3A_1661 = arith.muli %scan3A_1613, %mul3A_1660 : i32
          %add3A_1662 = arith.constant 2 : i32
          %add3A_1663 = arith.addi %mul3A_1661, %add3A_1662 : i32
          %broadcast_in_dim3A_1664 = arith.constant 0 : i32
          %broadcast_in_dim3A_1665 = vector.broadcast %broadcast_in_dim3A_1664 : i32 to vector<16xi32>
          %add3A_1666 = vector.broadcast %add3A_1663 : i32 to vector<16xi32>
          %add3A_1667 = arith.addi %broadcast_in_dim3A_1665, %add3A_1666 : vector<16xi32>
          %get3A_1668 = arith.constant 0 : i32
          %get3A_1669 = arith.index_cast %get3A_1668 : i32 to index
          %get3A_1670 = arith.index_cast %add3A_1663 : i32 to index
          %get3A_1671 = arith.constant 0 : index
          %get3A_1672 = tpu.vector_load %arg6[%get3A_1669, %get3A_1670, %get3A_1671] {strides = array<i32>} : memref<8x128x32xf32, #tpu.memory_space<vmem>>, vector<16xf32>,
          %add3A_1673 = arith.constant 0 : i32
          %add3A_1674 = vector.broadcast %add3A_1673 : i32 to vector<16xi32>
          %add3A_1675 = arith.addi %iota3A, %add3A_1674 : vector<16xi32>
          tpu.vector_store_idx %arg7[%add3A_1675, %add3A_1667], %get3A_1672 : memref<32x129xf32, #tpu.memory_space<vmem>>[vector<16xi32>, vector<16xi32>], vector<16xf32>,
          %get3A_1676 = arith.constant 0 : i32
          %get3A_1677 = arith.index_cast %get3A_1676 : i32 to index
          %get3A_1678 = arith.index_cast %add3A_1663 : i32 to index
          %get3A_1679 = arith.constant 16 : index
          %get3A_1680 = tpu.vector_load %arg6[%get3A_1677, %get3A_1678, %get3A_1679] {strides = array<i32>} : memref<8x128x32xf32, #tpu.memory_space<vmem>>, vector<16xf32>,
          %add3A_1681 = arith.constant 16 : i32
          %add3A_1682 = vector.broadcast %add3A_1681 : i32 to vector<16xi32>
          %add3A_1683 = arith.addi %iota3A, %add3A_1682 : vector<16xi32>
          tpu.vector_store_idx %arg7[%add3A_1683, %add3A_1667], %get3A_1680 : memref<32x129xf32, #tpu.memory_space<vmem>>[vector<16xi32>, vector<16xi32>], vector<16xf32>,
          %mul3A_1684 = arith.constant 4 : i32
          %mul3A_1685 = arith.muli %scan3A_1613, %mul3A_1684 : i32
          %add3A_1686 = arith.constant 3 : i32
          %add3A_1687 = arith.addi %mul3A_1685, %add3A_1686 : i32
          %broadcast_in_dim3A_1688 = arith.constant 0 : i32
          %broadcast_in_dim3A_1689 = vector.broadcast %broadcast_in_dim3A_1688 : i32 to vector<16xi32>
          %add3A_1690 = vector.broadcast %add3A_1687 : i32 to vector<16xi32>
          %add3A_1691 = arith.addi %broadcast_in_dim3A_1689, %add3A_1690 : vector<16xi32>
          %get3A_1692 = arith.constant 0 : i32
          %get3A_1693 = arith.index_cast %get3A_1692 : i32 to index
          %get3A_1694 = arith.index_cast %add3A_1687 : i32 to index
          %get3A_1695 = arith.constant 0 : index
          %get3A_1696 = tpu.vector_load %arg6[%get3A_1693, %get3A_1694, %get3A_1695] {strides = array<i32>} : memref<8x128x32xf32, #tpu.memory_space<vmem>>, vector<16xf32>,
          %add3A_1697 = arith.constant 0 : i32
          %add3A_1698 = vector.broadcast %add3A_1697 : i32 to vector<16xi32>
          %add3A_1699 = arith.addi %iota3A, %add3A_1698 : vector<16xi32>
          tpu.vector_store_idx %arg7[%add3A_1699, %add3A_1691], %get3A_1696 : memref<32x129xf32, #tpu.memory_space<vmem>>[vector<16xi32>, vector<16xi32>], vector<16xf32>,
          %get3A_1700 = arith.constant 0 : i32
          %get3A_1701 = arith.index_cast %get3A_1700 : i32 to index
          %get3A_1702 = arith.index_cast %add3A_1687 : i32 to index
          %get3A_1703 = arith.constant 16 : index
          %get3A_1704 = tpu.vector_load %arg6[%get3A_1701, %get3A_1702, %get3A_1703] {strides = array<i32>} : memref<8x128x32xf32, #tpu.memory_space<vmem>>, vector<16xf32>,
          %add3A_1705 = arith.constant 16 : i32
          %add3A_1706 = vector.broadcast %add3A_1705 : i32 to vector<16xi32>
          %add3A_1707 = arith.addi %iota3A, %add3A_1706 : vector<16xi32>
          tpu.vector_store_idx %arg7[%add3A_1707, %add3A_1691], %get3A_1704 : memref<32x129xf32, #tpu.memory_space<vmem>>[vector<16xi32>, vector<16xi32>], vector<16xf32>,
        }
        %scan3A_326 = arith.constant 32 : i32
        %mul3A_327 = arith.constant 8 : i32
        %mul3A_328 = arith.muli %scan3A_302, %mul3A_327 : i32
        %add3A_329 = arith.constant 0 : i32
        %add3A_330 = arith.addi %mul3A_328, %add3A_329 : i32
        %dma_start3A_331 = arith.constant 0 : i32
        %dma_start3A_332 = arith.constant 0 : i32
        %dma_start3A_333 = arith.constant 0 : i32
        %dma_start3A_334 = arith.constant 0 : i32
        %dma_start3A_335 = tpu.memref_slice %arg7[%dma_start3A_333, %dma_start3A_334] : memref<32x129xf32, #tpu.memory_space<vmem>> -> memref<8x128xf32, #tpu.memory_space<vmem>>
        %dma_start3A_336 = arith.constant 0 : i32
        %dma_start3A_337 = arith.constant 0 : i32
        %dma_start3A_338 = tpu.memref_slice %arg4[%add3A_330, %dma_start3A_331, %add3A_9, %dma_start3A_336, %dma_start3A_337] : memref<200x4x128x8x128xf32, #tpu.memory_space<hbm>> -> memref<1x1x1x8x128xf32, #tpu.memory_space<hbm>>
        %dma_start3A_339 = tpu.memref_squeeze %dma_start3A_338 : memref<1x1x1x8x128xf32, #tpu.memory_space<hbm>> -> memref<8x128xf32, #tpu.memory_space<hbm>>
        %dma_start3A_340 = tpu.memref_slice %arg10[%dma_start3A_332] : memref<2x!tpu.dma_semaphore, #tpu.memory_space<semaphore_mem>> -> memref<1x!tpu.dma_semaphore, #tpu.memory_space<semaphore_mem>>
        %dma_start3A_341 = tpu.memref_squeeze %dma_start3A_340 : memref<1x!tpu.dma_semaphore, #tpu.memory_space<semaphore_mem>> -> memref<!tpu.dma_semaphore, #tpu.memory_space<semaphore_mem>>
        %dma_start3A_342 = arith.constant 0 : i32
        %dma_start3A_343 = arith.constant 0 : i32
        %dma_start3A_344 = tpu.memref_slice %arg4[%add3A_330, %dma_start3A_331, %add3A_9, %dma_start3A_342, %dma_start3A_343] : memref<200x4x128x8x128xf32, #tpu.memory_space<hbm>> -> memref<1x1x1x8x128xf32, #tpu.memory_space<hbm>>
        %dma_start3A_345 = tpu.memref_squeeze %dma_start3A_344 : memref<1x1x1x8x128xf32, #tpu.memory_space<hbm>> -> memref<8x128xf32, #tpu.memory_space<hbm>>
        %dma_start3A_346 = arith.constant 0 : i32
        %dma_start3A_347 = arith.constant 0 : i32
        %dma_start3A_348 = tpu.memref_slice %arg7[%dma_start3A_346, %dma_start3A_347] : memref<32x129xf32, #tpu.memory_space<vmem>> -> memref<8x128xf32, #tpu.memory_space<vmem>>
        tpu.enqueue_dma source(%dma_start3A_348 : memref<8x128xf32, #tpu.memory_space<vmem>>) target(%dma_start3A_345 : memref<8x128xf32, #tpu.memory_space<hbm>>) target_semaphore(%dma_start3A_341 : memref<!tpu.dma_semaphore, #tpu.memory_space<semaphore_mem>>)
        %dma_start3A_349 = arith.constant 1 : i32
        %dma_start3A_350 = arith.constant 0 : i32
        %dma_start3A_351 = arith.constant 8 : i32
        %dma_start3A_352 = arith.constant 0 : i32
        %dma_start3A_353 = tpu.memref_slice %arg7[%dma_start3A_351, %dma_start3A_352] : memref<32x129xf32, #tpu.memory_space<vmem>> -> memref<8x128xf32, #tpu.memory_space<vmem>>
        %dma_start3A_354 = arith.constant 0 : i32
        %dma_start3A_355 = arith.constant 0 : i32
        %dma_start3A_356 = tpu.memref_slice %arg4[%add3A_330, %dma_start3A_349, %add3A_9, %dma_start3A_354, %dma_start3A_355] : memref<200x4x128x8x128xf32, #tpu.memory_space<hbm>> -> memref<1x1x1x8x128xf32, #tpu.memory_space<hbm>>
        %dma_start3A_357 = tpu.memref_squeeze %dma_start3A_356 : memref<1x1x1x8x128xf32, #tpu.memory_space<hbm>> -> memref<8x128xf32, #tpu.memory_space<hbm>>
        %dma_start3A_358 = tpu.memref_slice %arg10[%dma_start3A_350] : memref<2x!tpu.dma_semaphore, #tpu.memory_space<semaphore_mem>> -> memref<1x!tpu.dma_semaphore, #tpu.memory_space<semaphore_mem>>
        %dma_start3A_359 = tpu.memref_squeeze %dma_start3A_358 : memref<1x!tpu.dma_semaphore, #tpu.memory_space<semaphore_mem>> -> memref<!tpu.dma_semaphore, #tpu.memory_space<semaphore_mem>>
        %dma_start3A_360 = arith.constant 0 : i32
        %dma_start3A_361 = arith.constant 0 : i32
        %dma_start3A_362 = tpu.memref_slice %arg4[%add3A_330, %dma_start3A_349, %add3A_9, %dma_start3A_360, %dma_start3A_361] : memref<200x4x128x8x128xf32, #tpu.memory_space<hbm>> -> memref<1x1x1x8x128xf32, #tpu.memory_space<hbm>>
        %dma_start3A_363 = tpu.memref_squeeze %dma_start3A_362 : memref<1x1x1x8x128xf32, #tpu.memory_space<hbm>> -> memref<8x128xf32, #tpu.memory_space<hbm>>
        %dma_start3A_364 = arith.constant 8 : i32
        %dma_start3A_365 = arith.constant 0 : i32
        %dma_start3A_366 = tpu.memref_slice %arg7[%dma_start3A_364, %dma_start3A_365] : memref<32x129xf32, #tpu.memory_space<vmem>> -> memref<8x128xf32, #tpu.memory_space<vmem>>
        tpu.enqueue_dma source(%dma_start3A_366 : memref<8x128xf32, #tpu.memory_space<vmem>>) target(%dma_start3A_363 : memref<8x128xf32, #tpu.memory_space<hbm>>) target_semaphore(%dma_start3A_359 : memref<!tpu.dma_semaphore, #tpu.memory_space<semaphore_mem>>)
        %dma_start3A_367 = arith.constant 2 : i32
        %dma_start3A_368 = arith.constant 0 : i32
        %dma_start3A_369 = arith.constant 16 : i32
        %dma_start3A_370 = arith.constant 0 : i32
        %dma_start3A_371 = tpu.memref_slice %arg7[%dma_start3A_369, %dma_start3A_370] : memref<32x129xf32, #tpu.memory_space<vmem>> -> memref<8x128xf32, #tpu.memory_space<vmem>>
        %dma_start3A_372 = arith.constant 0 : i32
        %dma_start3A_373 = arith.constant 0 : i32
        %dma_start3A_374 = tpu.memref_slice %arg4[%add3A_330, %dma_start3A_367, %add3A_9, %dma_start3A_372, %dma_start3A_373] : memref<200x4x128x8x128xf32, #tpu.memory_space<hbm>> -> memref<1x1x1x8x128xf32, #tpu.memory_space<hbm>>
        %dma_start3A_375 = tpu.memref_squeeze %dma_start3A_374 : memref<1x1x1x8x128xf32, #tpu.memory_space<hbm>> -> memref<8x128xf32, #tpu.memory_space<hbm>>
        %dma_start3A_376 = tpu.memref_slice %arg10[%dma_start3A_368] : memref<2x!tpu.dma_semaphore, #tpu.memory_space<semaphore_mem>> -> memref<1x!tpu.dma_semaphore, #tpu.memory_space<semaphore_mem>>
        %dma_start3A_377 = tpu.memref_squeeze %dma_start3A_376 : memref<1x!tpu.dma_semaphore, #tpu.memory_space<semaphore_mem>> -> memref<!tpu.dma_semaphore, #tpu.memory_space<semaphore_mem>>
        %dma_start3A_378 = arith.constant 0 : i32
        %dma_start3A_379 = arith.constant 0 : i32
        %dma_start3A_380 = tpu.memref_slice %arg4[%add3A_330, %dma_start3A_367, %add3A_9, %dma_start3A_378, %dma_start3A_379] : memref<200x4x128x8x128xf32, #tpu.memory_space<hbm>> -> memref<1x1x1x8x128xf32, #tpu.memory_space<hbm>>
        %dma_start3A_381 = tpu.memref_squeeze %dma_start3A_380 : memref<1x1x1x8x128xf32, #tpu.memory_space<hbm>> -> memref<8x128xf32, #tpu.memory_space<hbm>>
        %dma_start3A_382 = arith.constant 16 : i32
        %dma_start3A_383 = arith.constant 0 : i32
        %dma_start3A_384 = tpu.memref_slice %arg7[%dma_start3A_382, %dma_start3A_383] : memref<32x129xf32, #tpu.memory_space<vmem>> -> memref<8x128xf32, #tpu.memory_space<vmem>>
        tpu.enqueue_dma source(%dma_start3A_384 : memref<8x128xf32, #tpu.memory_space<vmem>>) target(%dma_start3A_381 : memref<8x128xf32, #tpu.memory_space<hbm>>) target_semaphore(%dma_start3A_377 : memref<!tpu.dma_semaphore, #tpu.memory_space<semaphore_mem>>)
        %dma_start3A_385 = arith.constant 3 : i32
        %dma_start3A_386 = arith.constant 0 : i32
        %dma_start3A_387 = arith.constant 24 : i32
        %dma_start3A_388 = arith.constant 0 : i32
        %dma_start3A_389 = tpu.memref_slice %arg7[%dma_start3A_387, %dma_start3A_388] : memref<32x129xf32, #tpu.memory_space<vmem>> -> memref<8x128xf32, #tpu.memory_space<vmem>>
        %dma_start3A_390 = arith.constant 0 : i32
        %dma_start3A_391 = arith.constant 0 : i32
        %dma_start3A_392 = tpu.memref_slice %arg4[%add3A_330, %dma_start3A_385, %add3A_9, %dma_start3A_390, %dma_start3A_391] : memref<200x4x128x8x128xf32, #tpu.memory_space<hbm>> -> memref<1x1x1x8x128xf32, #tpu.memory_space<hbm>>
        %dma_start3A_393 = tpu.memref_squeeze %dma_start3A_392 : memref<1x1x1x8x128xf32, #tpu.memory_space<hbm>> -> memref<8x128xf32, #tpu.memory_space<hbm>>
        %dma_start3A_394 = tpu.memref_slice %arg10[%dma_start3A_386] : memref<2x!tpu.dma_semaphore, #tpu.memory_space<semaphore_mem>> -> memref<1x!tpu.dma_semaphore, #tpu.memory_space<semaphore_mem>>
        %dma_start3A_395 = tpu.memref_squeeze %dma_start3A_394 : memref<1x!tpu.dma_semaphore, #tpu.memory_space<semaphore_mem>> -> memref<!tpu.dma_semaphore, #tpu.memory_space<semaphore_mem>>
        %dma_start3A_396 = arith.constant 0 : i32
        %dma_start3A_397 = arith.constant 0 : i32
        %dma_start3A_398 = tpu.memref_slice %arg4[%add3A_330, %dma_start3A_385, %add3A_9, %dma_start3A_396, %dma_start3A_397] : memref<200x4x128x8x128xf32, #tpu.memory_space<hbm>> -> memref<1x1x1x8x128xf32, #tpu.memory_space<hbm>>
        %dma_start3A_399 = tpu.memref_squeeze %dma_start3A_398 : memref<1x1x1x8x128xf32, #tpu.memory_space<hbm>> -> memref<8x128xf32, #tpu.memory_space<hbm>>
        %dma_start3A_400 = arith.constant 24 : i32
        %dma_start3A_401 = arith.constant 0 : i32
        %dma_start3A_402 = tpu.memref_slice %arg7[%dma_start3A_400, %dma_start3A_401] : memref<32x129xf32, #tpu.memory_space<vmem>> -> memref<8x128xf32, #tpu.memory_space<vmem>>
        tpu.enqueue_dma source(%dma_start3A_402 : memref<8x128xf32, #tpu.memory_space<vmem>>) target(%dma_start3A_399 : memref<8x128xf32, #tpu.memory_space<hbm>>) target_semaphore(%dma_start3A_395 : memref<!tpu.dma_semaphore, #tpu.memory_space<semaphore_mem>>)
        %lt3A = arith.constant 24 : i32
        %lt3A_403 = arith.cmpi slt, %scan3A_302, %lt3A : i32
        %convert_element_type3A_404 = arith.extui %lt3A_403 : i1 to i32
        %cond3A_405 = arith.constant 0 : i32
        %cond3A_406 = arith.cmpi ne, %convert_element_type3A_404, %cond3A_405 : i32
        scf.if %cond3A_406 {
          %add3A_1613 = arith.constant 1 : i32
          %add3A_1614 = arith.addi %scan3A_302, %add3A_1613 : i32
          %dma_start3A_1615 = arith.constant 0 : i32
          %dma_start3A_1616 = arith.constant 0 : i32
          %dma_start3A_1617 = arith.constant 0 : i32
          %dma_start3A_1618 = arith.constant 0 : i32
          %dma_start3A_1619 = arith.constant 0 : i32
          %dma_start3A_1620 = tpu.memref_slice %arg6[%dma_start3A_1616, %dma_start3A_1618, %dma_start3A_1619] : memref<8x128x32xf32, #tpu.memory_space<vmem>> -> memref<1x128x32xf32, #tpu.memory_space<vmem>>
          %dma_start3A_1621 = tpu.memref_squeeze %dma_start3A_1620 : memref<1x128x32xf32, #tpu.memory_space<vmem>> -> memref<128x32xf32, #tpu.memory_space<vmem>>
          %dma_start3A_1622 = arith.constant 0 : i32
          %dma_start3A_1623 = tpu.memref_slice %arg5[%add3A_1614, %dma_start3A_1615, %dma_start3A_1622] : memref<25x8x128xi32, #tpu.memory_space<vmem>> -> memref<1x1x128xi32, #tpu.memory_space<vmem>>
          %dma_start3A_1624 = tpu.memref_squeeze %dma_start3A_1623 : memref<1x1x128xi32, #tpu.memory_space<vmem>> -> memref<128xi32, #tpu.memory_space<vmem>>
          %dma_start3A_1625 = arith.constant 0 : i32
          %dma_start3A_1626 = arith.constant 0 : i32
          %dma_start3A_1627 = tpu.memref_slice %arg3[%dma_start3A_1625, %dma_start3A_1626] : memref<1000000x32xf32, #tpu.memory_space<hbm>> -> memref<1000000x32xf32, #tpu.memory_space<hbm>>
          %dma_start3A_1628 = tpu.memref_slice %arg9[%dma_start3A_1617] : memref<8x!tpu.dma_semaphore, #tpu.memory_space<semaphore_mem>> -> memref<1x!tpu.dma_semaphore, #tpu.memory_space<semaphore_mem>>
          %dma_start3A_1629 = tpu.memref_squeeze %dma_start3A_1628 : memref<1x!tpu.dma_semaphore, #tpu.memory_space<semaphore_mem>> -> memref<!tpu.dma_semaphore, #tpu.memory_space<semaphore_mem>>
          tpu.enqueue_indirect_dma source(%dma_start3A_1627 : memref<1000000x32xf32, #tpu.memory_space<hbm>>) target(%dma_start3A_1621 : memref<128x32xf32, #tpu.memory_space<vmem>>) offsets(%dma_start3A_1624 : memref<128xi32, #tpu.memory_space<vmem>>) semaphore(%dma_start3A_1629 : memref<!tpu.dma_semaphore, #tpu.memory_space<semaphore_mem>>)
        } else {
        }
        %dma_wait3A_407 = arith.constant 0 : i32
        %dma_wait3A_408 = arith.constant 1 : i32
        %dma_wait3A_409 = arith.constant 1 : i32
        %dma_wait3A_410 = arith.constant 1 : i32
        %dma_wait3A_411 = arith.constant 0 : i32
        %dma_wait3A_412 = arith.constant 0 : i32
        %dma_wait3A_413 = tpu.memref_slice %arg6[%dma_wait3A_409, %dma_wait3A_411, %dma_wait3A_412] : memref<8x128x32xf32, #tpu.memory_space<vmem>> -> memref<1x128x32xf32, #tpu.memory_space<vmem>>
        %dma_wait3A_414 = tpu.memref_squeeze %dma_wait3A_413 : memref<1x128x32xf32, #tpu.memory_space<vmem>> -> memref<128x32xf32, #tpu.memory_space<vmem>>
        %dma_wait3A_415 = arith.constant 0 : i32
        %dma_wait3A_416 = tpu.memref_slice %arg5[%dma_wait3A_407, %dma_wait3A_408, %dma_wait3A_415] : memref<25x8x128xi32, #tpu.memory_space<vmem>> -> memref<1x1x128xi32, #tpu.memory_space<vmem>>
        %dma_wait3A_417 = tpu.memref_squeeze %dma_wait3A_416 : memref<1x1x128xi32, #tpu.memory_space<vmem>> -> memref<128xi32, #tpu.memory_space<vmem>>
        %dma_wait3A_418 = arith.constant 0 : i32
        %dma_wait3A_419 = arith.constant 0 : i32
        %dma_wait3A_420 = tpu.memref_slice %arg3[%dma_wait3A_418, %dma_wait3A_419] : memref<1000000x32xf32, #tpu.memory_space<hbm>> -> memref<1000000x32xf32, #tpu.memory_space<hbm>>
        %dma_wait3A_421 = tpu.memref_slice %arg9[%dma_wait3A_410] : memref<8x!tpu.dma_semaphore, #tpu.memory_space<semaphore_mem>> -> memref<1x!tpu.dma_semaphore, #tpu.memory_space<semaphore_mem>>
        %dma_wait3A_422 = tpu.memref_squeeze %dma_wait3A_421 : memref<1x!tpu.dma_semaphore, #tpu.memory_space<semaphore_mem>> -> memref<!tpu.dma_semaphore, #tpu.memory_space<semaphore_mem>>
        tpu.wait_indirect_dma semaphore(%dma_wait3A_422 : memref<!tpu.dma_semaphore, #tpu.memory_space<semaphore_mem>>) src(%dma_wait3A_420 : memref<1000000x32xf32, #tpu.memory_space<hbm>>) dst(%dma_wait3A_414 : memref<128x32xf32, #tpu.memory_space<vmem>>)
        %gt3A_423 = arith.constant 0 : i32
        %gt3A_424 = arith.cmpi sgt, %scan3A_302, %gt3A_423 : i32
        %convert_element_type3A_425 = arith.extui %gt3A_424 : i1 to i32
        %cond3A_426 = arith.constant 0 : i32
        %cond3A_427 = arith.cmpi ne, %convert_element_type3A_425, %cond3A_426 : i32
        scf.if %cond3A_427 {
          %dma_wait3A_1613 = arith.constant 0 : i32
          %dma_wait3A_1614 = arith.constant 0 : i32
          %dma_wait3A_1615 = arith.constant 0 : i32
          %dma_wait3A_1616 = arith.constant 1 : i32
          %dma_wait3A_1617 = arith.constant 0 : i32
          %dma_wait3A_1618 = arith.constant 0 : i32
          %dma_wait3A_1619 = tpu.memref_slice %arg8[%dma_wait3A_1617, %dma_wait3A_1618] : memref<32x129xf32, #tpu.memory_space<vmem>> -> memref<8x128xf32, #tpu.memory_space<vmem>>
          %dma_wait3A_1620 = arith.constant 0 : i32
          %dma_wait3A_1621 = arith.constant 0 : i32
          %dma_wait3A_1622 = tpu.memref_slice %arg4[%dma_wait3A_1613, %dma_wait3A_1614, %dma_wait3A_1615, %dma_wait3A_1620, %dma_wait3A_1621] : memref<200x4x128x8x128xf32, #tpu.memory_space<hbm>> -> memref<1x1x1x8x128xf32, #tpu.memory_space<hbm>>
          %dma_wait3A_1623 = tpu.memref_squeeze %dma_wait3A_1622 : memref<1x1x1x8x128xf32, #tpu.memory_space<hbm>> -> memref<8x128xf32, #tpu.memory_space<hbm>>
          %dma_wait3A_1624 = tpu.memref_slice %arg10[%dma_wait3A_1616] : memref<2x!tpu.dma_semaphore, #tpu.memory_space<semaphore_mem>> -> memref<1x!tpu.dma_semaphore, #tpu.memory_space<semaphore_mem>>
          %dma_wait3A_1625 = tpu.memref_squeeze %dma_wait3A_1624 : memref<1x!tpu.dma_semaphore, #tpu.memory_space<semaphore_mem>> -> memref<!tpu.dma_semaphore, #tpu.memory_space<semaphore_mem>>
          %dma_wait3A_1626 = arith.constant 0 : i32
          %dma_wait3A_1627 = arith.constant 0 : i32
          %dma_wait3A_1628 = tpu.memref_slice %arg4[%dma_wait3A_1613, %dma_wait3A_1614, %dma_wait3A_1615, %dma_wait3A_1626, %dma_wait3A_1627] : memref<200x4x128x8x128xf32, #tpu.memory_space<hbm>> -> memref<1x1x1x8x128xf32, #tpu.memory_space<hbm>>
          %dma_wait3A_1629 = tpu.memref_squeeze %dma_wait3A_1628 : memref<1x1x1x8x128xf32, #tpu.memory_space<hbm>> -> memref<8x128xf32, #tpu.memory_space<hbm>>
          %dma_wait3A_1630 = arith.constant 0 : i32
          %dma_wait3A_1631 = arith.constant 0 : i32
          %dma_wait3A_1632 = tpu.memref_slice %arg8[%dma_wait3A_1630, %dma_wait3A_1631] : memref<32x129xf32, #tpu.memory_space<vmem>> -> memref<8x128xf32, #tpu.memory_space<vmem>>
          tpu.wait_dma2 semaphore(%dma_wait3A_1625 : memref<!tpu.dma_semaphore, #tpu.memory_space<semaphore_mem>>) src(%dma_wait3A_1632 : memref<8x128xf32, #tpu.memory_space<vmem>>) dst(%dma_wait3A_1629 : memref<8x128xf32, #tpu.memory_space<hbm>>)
          %dma_wait3A_1633 = arith.constant 0 : i32
          %dma_wait3A_1634 = arith.constant 1 : i32
          %dma_wait3A_1635 = arith.constant 0 : i32
          %dma_wait3A_1636 = arith.constant 1 : i32
          %dma_wait3A_1637 = arith.constant 8 : i32
          %dma_wait3A_1638 = arith.constant 0 : i32
          %dma_wait3A_1639 = tpu.memref_slice %arg8[%dma_wait3A_1637, %dma_wait3A_1638] : memref<32x129xf32, #tpu.memory_space<vmem>> -> memref<8x128xf32, #tpu.memory_space<vmem>>
          %dma_wait3A_1640 = arith.constant 0 : i32
          %dma_wait3A_1641 = arith.constant 0 : i32
          %dma_wait3A_1642 = tpu.memref_slice %arg4[%dma_wait3A_1633, %dma_wait3A_1634, %dma_wait3A_1635, %dma_wait3A_1640, %dma_wait3A_1641] : memref<200x4x128x8x128xf32, #tpu.memory_space<hbm>> -> memref<1x1x1x8x128xf32, #tpu.memory_space<hbm>>
          %dma_wait3A_1643 = tpu.memref_squeeze %dma_wait3A_1642 : memref<1x1x1x8x128xf32, #tpu.memory_space<hbm>> -> memref<8x128xf32, #tpu.memory_space<hbm>>
          %dma_wait3A_1644 = tpu.memref_slice %arg10[%dma_wait3A_1636] : memref<2x!tpu.dma_semaphore, #tpu.memory_space<semaphore_mem>> -> memref<1x!tpu.dma_semaphore, #tpu.memory_space<semaphore_mem>>
          %dma_wait3A_1645 = tpu.memref_squeeze %dma_wait3A_1644 : memref<1x!tpu.dma_semaphore, #tpu.memory_space<semaphore_mem>> -> memref<!tpu.dma_semaphore, #tpu.memory_space<semaphore_mem>>
          %dma_wait3A_1646 = arith.constant 0 : i32
          %dma_wait3A_1647 = arith.constant 0 : i32
          %dma_wait3A_1648 = tpu.memref_slice %arg4[%dma_wait3A_1633, %dma_wait3A_1634, %dma_wait3A_1635, %dma_wait3A_1646, %dma_wait3A_1647] : memref<200x4x128x8x128xf32, #tpu.memory_space<hbm>> -> memref<1x1x1x8x128xf32, #tpu.memory_space<hbm>>
          %dma_wait3A_1649 = tpu.memref_squeeze %dma_wait3A_1648 : memref<1x1x1x8x128xf32, #tpu.memory_space<hbm>> -> memref<8x128xf32, #tpu.memory_space<hbm>>
          %dma_wait3A_1650 = arith.constant 8 : i32
          %dma_wait3A_1651 = arith.constant 0 : i32
          %dma_wait3A_1652 = tpu.memref_slice %arg8[%dma_wait3A_1650, %dma_wait3A_1651] : memref<32x129xf32, #tpu.memory_space<vmem>> -> memref<8x128xf32, #tpu.memory_space<vmem>>
          tpu.wait_dma2 semaphore(%dma_wait3A_1645 : memref<!tpu.dma_semaphore, #tpu.memory_space<semaphore_mem>>) src(%dma_wait3A_1652 : memref<8x128xf32, #tpu.memory_space<vmem>>) dst(%dma_wait3A_1649 : memref<8x128xf32, #tpu.memory_space<hbm>>)
          %dma_wait3A_1653 = arith.constant 0 : i32
          %dma_wait3A_1654 = arith.constant 2 : i32
          %dma_wait3A_1655 = arith.constant 0 : i32
          %dma_wait3A_1656 = arith.constant 1 : i32
          %dma_wait3A_1657 = arith.constant 16 : i32
          %dma_wait3A_1658 = arith.constant 0 : i32
          %dma_wait3A_1659 = tpu.memref_slice %arg8[%dma_wait3A_1657, %dma_wait3A_1658] : memref<32x129xf32, #tpu.memory_space<vmem>> -> memref<8x128xf32, #tpu.memory_space<vmem>>
          %dma_wait3A_1660 = arith.constant 0 : i32
          %dma_wait3A_1661 = arith.constant 0 : i32
          %dma_wait3A_1662 = tpu.memref_slice %arg4[%dma_wait3A_1653, %dma_wait3A_1654, %dma_wait3A_1655, %dma_wait3A_1660, %dma_wait3A_1661] : memref<200x4x128x8x128xf32, #tpu.memory_space<hbm>> -> memref<1x1x1x8x128xf32, #tpu.memory_space<hbm>>
          %dma_wait3A_1663 = tpu.memref_squeeze %dma_wait3A_1662 : memref<1x1x1x8x128xf32, #tpu.memory_space<hbm>> -> memref<8x128xf32, #tpu.memory_space<hbm>>
          %dma_wait3A_1664 = tpu.memref_slice %arg10[%dma_wait3A_1656] : memref<2x!tpu.dma_semaphore, #tpu.memory_space<semaphore_mem>> -> memref<1x!tpu.dma_semaphore, #tpu.memory_space<semaphore_mem>>
          %dma_wait3A_1665 = tpu.memref_squeeze %dma_wait3A_1664 : memref<1x!tpu.dma_semaphore, #tpu.memory_space<semaphore_mem>> -> memref<!tpu.dma_semaphore, #tpu.memory_space<semaphore_mem>>
          %dma_wait3A_1666 = arith.constant 0 : i32
          %dma_wait3A_1667 = arith.constant 0 : i32
          %dma_wait3A_1668 = tpu.memref_slice %arg4[%dma_wait3A_1653, %dma_wait3A_1654, %dma_wait3A_1655, %dma_wait3A_1666, %dma_wait3A_1667] : memref<200x4x128x8x128xf32, #tpu.memory_space<hbm>> -> memref<1x1x1x8x128xf32, #tpu.memory_space<hbm>>
          %dma_wait3A_1669 = tpu.memref_squeeze %dma_wait3A_1668 : memref<1x1x1x8x128xf32, #tpu.memory_space<hbm>> -> memref<8x128xf32, #tpu.memory_space<hbm>>
          %dma_wait3A_1670 = arith.constant 16 : i32
          %dma_wait3A_1671 = arith.constant 0 : i32
          %dma_wait3A_1672 = tpu.memref_slice %arg8[%dma_wait3A_1670, %dma_wait3A_1671] : memref<32x129xf32, #tpu.memory_space<vmem>> -> memref<8x128xf32, #tpu.memory_space<vmem>>
          tpu.wait_dma2 semaphore(%dma_wait3A_1665 : memref<!tpu.dma_semaphore, #tpu.memory_space<semaphore_mem>>) src(%dma_wait3A_1672 : memref<8x128xf32, #tpu.memory_space<vmem>>) dst(%dma_wait3A_1669 : memref<8x128xf32, #tpu.memory_space<hbm>>)
          %dma_wait3A_1673 = arith.constant 0 : i32
          %dma_wait3A_1674 = arith.constant 3 : i32
          %dma_wait3A_1675 = arith.constant 0 : i32
          %dma_wait3A_1676 = arith.constant 1 : i32
          %dma_wait3A_1677 = arith.constant 24 : i32
          %dma_wait3A_1678 = arith.constant 0 : i32
          %dma_wait3A_1679 = tpu.memref_slice %arg8[%dma_wait3A_1677, %dma_wait3A_1678] : memref<32x129xf32, #tpu.memory_space<vmem>> -> memref<8x128xf32, #tpu.memory_space<vmem>>
          %dma_wait3A_1680 = arith.constant 0 : i32
          %dma_wait3A_1681 = arith.constant 0 : i32
          %dma_wait3A_1682 = tpu.memref_slice %arg4[%dma_wait3A_1673, %dma_wait3A_1674, %dma_wait3A_1675, %dma_wait3A_1680, %dma_wait3A_1681] : memref<200x4x128x8x128xf32, #tpu.memory_space<hbm>> -> memref<1x1x1x8x128xf32, #tpu.memory_space<hbm>>
          %dma_wait3A_1683 = tpu.memref_squeeze %dma_wait3A_1682 : memref<1x1x1x8x128xf32, #tpu.memory_space<hbm>> -> memref<8x128xf32, #tpu.memory_space<hbm>>
          %dma_wait3A_1684 = tpu.memref_slice %arg10[%dma_wait3A_1676] : memref<2x!tpu.dma_semaphore, #tpu.memory_space<semaphore_mem>> -> memref<1x!tpu.dma_semaphore, #tpu.memory_space<semaphore_mem>>
          %dma_wait3A_1685 = tpu.memref_squeeze %dma_wait3A_1684 : memref<1x!tpu.dma_semaphore, #tpu.memory_space<semaphore_mem>> -> memref<!tpu.dma_semaphore, #tpu.memory_space<semaphore_mem>>
          %dma_wait3A_1686 = arith.constant 0 : i32
          %dma_wait3A_1687 = arith.constant 0 : i32
          %dma_wait3A_1688 = tpu.memref_slice %arg4[%dma_wait3A_1673, %dma_wait3A_1674, %dma_wait3A_1675, %dma_wait3A_1686, %dma_wait3A_1687] : memref<200x4x128x8x128xf32, #tpu.memory_space<hbm>> -> memref<1x1x1x8x128xf32, #tpu.memory_space<hbm>>
          %dma_wait3A_1689 = tpu.memref_squeeze %dma_wait3A_1688 : memref<1x1x1x8x128xf32, #tpu.memory_space<hbm>> -> memref<8x128xf32, #tpu.memory_space<hbm>>
          %dma_wait3A_1690 = arith.constant 24 : i32
          %dma_wait3A_1691 = arith.constant 0 : i32
          %dma_wait3A_1692 = tpu.memref_slice %arg8[%dma_wait3A_1690, %dma_wait3A_1691] : memref<32x129xf32, #tpu.memory_space<vmem>> -> memref<8x128xf32, #tpu.memory_space<vmem>>
          tpu.wait_dma2 semaphore(%dma_wait3A_1685 : memref<!tpu.dma_semaphore, #tpu.memory_space<semaphore_mem>>) src(%dma_wait3A_1692 : memref<8x128xf32, #tpu.memory_space<vmem>>) dst(%dma_wait3A_1689 : memref<8x128xf32, #tpu.memory_space<hbm>>)
        } else {
        }
        %scan3A_428 = arith.constant 0 : i32
        %scan3A_429 = arith.constant 0 : i32
        %scan3A_430 = arith.constant 32 : i32
        %scan3A_431 = arith.addi %scan3A_429, %scan3A_430 : i32
        %scan3A_432 = arith.constant 1 : i32
        scf.for %scan3A_1613 = %scan3A_429 to %scan3A_431 step %scan3A_432  : i32 {
          %mul3A_1614 = arith.constant 4 : i32
          %mul3A_1615 = arith.muli %scan3A_1613, %mul3A_1614 : i32
          %add3A_1616 = arith.constant 0 : i32
          %add3A_1617 = arith.addi %mul3A_1615, %add3A_1616 : i32
          %broadcast_in_dim3A = arith.constant 0 : i32
          %broadcast_in_dim3A_1618 = vector.broadcast %broadcast_in_dim3A : i32 to vector<16xi32>
          %add3A_1619 = vector.broadcast %add3A_1617 : i32 to vector<16xi32>
          %add3A_1620 = arith.addi %broadcast_in_dim3A_1618, %add3A_1619 : vector<16xi32>
          %get3A = arith.constant 1 : i32
          %get3A_1621 = arith.index_cast %get3A : i32 to index
          %get3A_1622 = arith.index_cast %add3A_1617 : i32 to index
          %get3A_1623 = arith.constant 0 : index
          %get3A_1624 = tpu.vector_load %arg6[%get3A_1621, %get3A_1622, %get3A_1623] {strides = array<i32>} : memref<8x128x32xf32, #tpu.memory_space<vmem>>, vector<16xf32>,
          %add3A_1625 = arith.constant 0 : i32
          %add3A_1626 = vector.broadcast %add3A_1625 : i32 to vector<16xi32>
          %add3A_1627 = arith.addi %iota3A, %add3A_1626 : vector<16xi32>
          tpu.vector_store_idx %arg8[%add3A_1627, %add3A_1620], %get3A_1624 : memref<32x129xf32, #tpu.memory_space<vmem>>[vector<16xi32>, vector<16xi32>], vector<16xf32>,
          %get3A_1628 = arith.constant 1 : i32
          %get3A_1629 = arith.index_cast %get3A_1628 : i32 to index
          %get3A_1630 = arith.index_cast %add3A_1617 : i32 to index
          %get3A_1631 = arith.constant 16 : index
          %get3A_1632 = tpu.vector_load %arg6[%get3A_1629, %get3A_1630, %get3A_1631] {strides = array<i32>} : memref<8x128x32xf32, #tpu.memory_space<vmem>>, vector<16xf32>,
          %add3A_1633 = arith.constant 16 : i32
          %add3A_1634 = vector.broadcast %add3A_1633 : i32 to vector<16xi32>
          %add3A_1635 = arith.addi %iota3A, %add3A_1634 : vector<16xi32>
          tpu.vector_store_idx %arg8[%add3A_1635, %add3A_1620], %get3A_1632 : memref<32x129xf32, #tpu.memory_space<vmem>>[vector<16xi32>, vector<16xi32>], vector<16xf32>,
          %mul3A_1636 = arith.constant 4 : i32
          %mul3A_1637 = arith.muli %scan3A_1613, %mul3A_1636 : i32
          %add3A_1638 = arith.constant 1 : i32
          %add3A_1639 = arith.addi %mul3A_1637, %add3A_1638 : i32
          %broadcast_in_dim3A_1640 = arith.constant 0 : i32
          %broadcast_in_dim3A_1641 = vector.broadcast %broadcast_in_dim3A_1640 : i32 to vector<16xi32>
          %add3A_1642 = vector.broadcast %add3A_1639 : i32 to vector<16xi32>
          %add3A_1643 = arith.addi %broadcast_in_dim3A_1641, %add3A_1642 : vector<16xi32>
          %get3A_1644 = arith.constant 1 : i32
          %get3A_1645 = arith.index_cast %get3A_1644 : i32 to index
          %get3A_1646 = arith.index_cast %add3A_1639 : i32 to index
          %get3A_1647 = arith.constant 0 : index
          %get3A_1648 = tpu.vector_load %arg6[%get3A_1645, %get3A_1646, %get3A_1647] {strides = array<i32>} : memref<8x128x32xf32, #tpu.memory_space<vmem>>, vector<16xf32>,
          %add3A_1649 = arith.constant 0 : i32
          %add3A_1650 = vector.broadcast %add3A_1649 : i32 to vector<16xi32>
          %add3A_1651 = arith.addi %iota3A, %add3A_1650 : vector<16xi32>
          tpu.vector_store_idx %arg8[%add3A_1651, %add3A_1643], %get3A_1648 : memref<32x129xf32, #tpu.memory_space<vmem>>[vector<16xi32>, vector<16xi32>], vector<16xf32>,
          %get3A_1652 = arith.constant 1 : i32
          %get3A_1653 = arith.index_cast %get3A_1652 : i32 to index
          %get3A_1654 = arith.index_cast %add3A_1639 : i32 to index
          %get3A_1655 = arith.constant 16 : index
          %get3A_1656 = tpu.vector_load %arg6[%get3A_1653, %get3A_1654, %get3A_1655] {strides = array<i32>} : memref<8x128x32xf32, #tpu.memory_space<vmem>>, vector<16xf32>,
          %add3A_1657 = arith.constant 16 : i32
          %add3A_1658 = vector.broadcast %add3A_1657 : i32 to vector<16xi32>
          %add3A_1659 = arith.addi %iota3A, %add3A_1658 : vector<16xi32>
          tpu.vector_store_idx %arg8[%add3A_1659, %add3A_1643], %get3A_1656 : memref<32x129xf32, #tpu.memory_space<vmem>>[vector<16xi32>, vector<16xi32>], vector<16xf32>,
          %mul3A_1660 = arith.constant 4 : i32
          %mul3A_1661 = arith.muli %scan3A_1613, %mul3A_1660 : i32
          %add3A_1662 = arith.constant 2 : i32
          %add3A_1663 = arith.addi %mul3A_1661, %add3A_1662 : i32
          %broadcast_in_dim3A_1664 = arith.constant 0 : i32
          %broadcast_in_dim3A_1665 = vector.broadcast %broadcast_in_dim3A_1664 : i32 to vector<16xi32>
          %add3A_1666 = vector.broadcast %add3A_1663 : i32 to vector<16xi32>
          %add3A_1667 = arith.addi %broadcast_in_dim3A_1665, %add3A_1666 : vector<16xi32>
          %get3A_1668 = arith.constant 1 : i32
          %get3A_1669 = arith.index_cast %get3A_1668 : i32 to index
          %get3A_1670 = arith.index_cast %add3A_1663 : i32 to index
          %get3A_1671 = arith.constant 0 : index
          %get3A_1672 = tpu.vector_load %arg6[%get3A_1669, %get3A_1670, %get3A_1671] {strides = array<i32>} : memref<8x128x32xf32, #tpu.memory_space<vmem>>, vector<16xf32>,
          %add3A_1673 = arith.constant 0 : i32
          %add3A_1674 = vector.broadcast %add3A_1673 : i32 to vector<16xi32>
          %add3A_1675 = arith.addi %iota3A, %add3A_1674 : vector<16xi32>
          tpu.vector_store_idx %arg8[%add3A_1675, %add3A_1667], %get3A_1672 : memref<32x129xf32, #tpu.memory_space<vmem>>[vector<16xi32>, vector<16xi32>], vector<16xf32>,
          %get3A_1676 = arith.constant 1 : i32
          %get3A_1677 = arith.index_cast %get3A_1676 : i32 to index
          %get3A_1678 = arith.index_cast %add3A_1663 : i32 to index
          %get3A_1679 = arith.constant 16 : index
          %get3A_1680 = tpu.vector_load %arg6[%get3A_1677, %get3A_1678, %get3A_1679] {strides = array<i32>} : memref<8x128x32xf32, #tpu.memory_space<vmem>>, vector<16xf32>,
          %add3A_1681 = arith.constant 16 : i32
          %add3A_1682 = vector.broadcast %add3A_1681 : i32 to vector<16xi32>
          %add3A_1683 = arith.addi %iota3A, %add3A_1682 : vector<16xi32>
          tpu.vector_store_idx %arg8[%add3A_1683, %add3A_1667], %get3A_1680 : memref<32x129xf32, #tpu.memory_space<vmem>>[vector<16xi32>, vector<16xi32>], vector<16xf32>,
          %mul3A_1684 = arith.constant 4 : i32
          %mul3A_1685 = arith.muli %scan3A_1613, %mul3A_1684 : i32
          %add3A_1686 = arith.constant 3 : i32
          %add3A_1687 = arith.addi %mul3A_1685, %add3A_1686 : i32
          %broadcast_in_dim3A_1688 = arith.constant 0 : i32
          %broadcast_in_dim3A_1689 = vector.broadcast %broadcast_in_dim3A_1688 : i32 to vector<16xi32>
          %add3A_1690 = vector.broadcast %add3A_1687 : i32 to vector<16xi32>
          %add3A_1691 = arith.addi %broadcast_in_dim3A_1689, %add3A_1690 : vector<16xi32>
          %get3A_1692 = arith.constant 1 : i32
          %get3A_1693 = arith.index_cast %get3A_1692 : i32 to index
          %get3A_1694 = arith.index_cast %add3A_1687 : i32 to index
          %get3A_1695 = arith.constant 0 : index
          %get3A_1696 = tpu.vector_load %arg6[%get3A_1693, %get3A_1694, %get3A_1695] {strides = array<i32>} : memref<8x128x32xf32, #tpu.memory_space<vmem>>, vector<16xf32>,
          %add3A_1697 = arith.constant 0 : i32
          %add3A_1698 = vector.broadcast %add3A_1697 : i32 to vector<16xi32>
          %add3A_1699 = arith.addi %iota3A, %add3A_1698 : vector<16xi32>
          tpu.vector_store_idx %arg8[%add3A_1699, %add3A_1691], %get3A_1696 : memref<32x129xf32, #tpu.memory_space<vmem>>[vector<16xi32>, vector<16xi32>], vector<16xf32>,
          %get3A_1700 = arith.constant 1 : i32
          %get3A_1701 = arith.index_cast %get3A_1700 : i32 to index
          %get3A_1702 = arith.index_cast %add3A_1687 : i32 to index
          %get3A_1703 = arith.constant 16 : index
          %get3A_1704 = tpu.vector_load %arg6[%get3A_1701, %get3A_1702, %get3A_1703] {strides = array<i32>} : memref<8x128x32xf32, #tpu.memory_space<vmem>>, vector<16xf32>,
          %add3A_1705 = arith.constant 16 : i32
          %add3A_1706 = vector.broadcast %add3A_1705 : i32 to vector<16xi32>
          %add3A_1707 = arith.addi %iota3A, %add3A_1706 : vector<16xi32>
          tpu.vector_store_idx %arg8[%add3A_1707, %add3A_1691], %get3A_1704 : memref<32x129xf32, #tpu.memory_space<vmem>>[vector<16xi32>, vector<16xi32>], vector<16xf32>,
        }
        %scan3A_433 = arith.constant 32 : i32
        %mul3A_434 = arith.constant 8 : i32
        %mul3A_435 = arith.muli %scan3A_302, %mul3A_434 : i32
        %add3A_436 = arith.constant 1 : i32
        %add3A_437 = arith.addi %mul3A_435, %add3A_436 : i32
        %dma_start3A_438 = arith.constant 0 : i32
        %dma_start3A_439 = arith.constant 1 : i32
        %dma_start3A_440 = arith.constant 0 : i32
        %dma_start3A_441 = arith.constant 0 : i32
        %dma_start3A_442 = tpu.memref_slice %arg8[%dma_start3A_440, %dma_start3A_441] : memref<32x129xf32, #tpu.memory_space<vmem>> -> memref<8x128xf32, #tpu.memory_space<vmem>>
        %dma_start3A_443 = arith.constant 0 : i32
        %dma_start3A_444 = arith.constant 0 : i32
        %dma_start3A_445 = tpu.memref_slice %arg4[%add3A_437, %dma_start3A_438, %add3A_9, %dma_start3A_443, %dma_start3A_444] : memref<200x4x128x8x128xf32, #tpu.memory_space<hbm>> -> memref<1x1x1x8x128xf32, #tpu.memory_space<hbm>>
        %dma_start3A_446 = tpu.memref_squeeze %dma_start3A_445 : memref<1x1x1x8x128xf32, #tpu.memory_space<hbm>> -> memref<8x128xf32, #tpu.memory_space<hbm>>
        %dma_start3A_447 = tpu.memref_slice %arg10[%dma_start3A_439] : memref<2x!tpu.dma_semaphore, #tpu.memory_space<semaphore_mem>> -> memref<1x!tpu.dma_semaphore, #tpu.memory_space<semaphore_mem>>
        %dma_start3A_448 = tpu.memref_squeeze %dma_start3A_447 : memref<1x!tpu.dma_semaphore, #tpu.memory_space<semaphore_mem>> -> memref<!tpu.dma_semaphore, #tpu.memory_space<semaphore_mem>>
        %dma_start3A_449 = arith.constant 0 : i32
        %dma_start3A_450 = arith.constant 0 : i32
        %dma_start3A_451 = tpu.memref_slice %arg4[%add3A_437, %dma_start3A_438, %add3A_9, %dma_start3A_449, %dma_start3A_450] : memref<200x4x128x8x128xf32, #tpu.memory_space<hbm>> -> memref<1x1x1x8x128xf32, #tpu.memory_space<hbm>>
        %dma_start3A_452 = tpu.memref_squeeze %dma_start3A_451 : memref<1x1x1x8x128xf32, #tpu.memory_space<hbm>> -> memref<8x128xf32, #tpu.memory_space<hbm>>
        %dma_start3A_453 = arith.constant 0 : i32
        %dma_start3A_454 = arith.constant 0 : i32
        %dma_start3A_455 = tpu.memref_slice %arg8[%dma_start3A_453, %dma_start3A_454] : memref<32x129xf32, #tpu.memory_space<vmem>> -> memref<8x128xf32, #tpu.memory_space<vmem>>
        tpu.enqueue_dma source(%dma_start3A_455 : memref<8x128xf32, #tpu.memory_space<vmem>>) target(%dma_start3A_452 : memref<8x128xf32, #tpu.memory_space<hbm>>) target_semaphore(%dma_start3A_448 : memref<!tpu.dma_semaphore, #tpu.memory_space<semaphore_mem>>)
        %dma_start3A_456 = arith.constant 1 : i32
        %dma_start3A_457 = arith.constant 1 : i32
        %dma_start3A_458 = arith.constant 8 : i32
        %dma_start3A_459 = arith.constant 0 : i32
        %dma_start3A_460 = tpu.memref_slice %arg8[%dma_start3A_458, %dma_start3A_459] : memref<32x129xf32, #tpu.memory_space<vmem>> -> memref<8x128xf32, #tpu.memory_space<vmem>>
        %dma_start3A_461 = arith.constant 0 : i32
        %dma_start3A_462 = arith.constant 0 : i32
        %dma_start3A_463 = tpu.memref_slice %arg4[%add3A_437, %dma_start3A_456, %add3A_9, %dma_start3A_461, %dma_start3A_462] : memref<200x4x128x8x128xf32, #tpu.memory_space<hbm>> -> memref<1x1x1x8x128xf32, #tpu.memory_space<hbm>>
        %dma_start3A_464 = tpu.memref_squeeze %dma_start3A_463 : memref<1x1x1x8x128xf32, #tpu.memory_space<hbm>> -> memref<8x128xf32, #tpu.memory_space<hbm>>
        %dma_start3A_465 = tpu.memref_slice %arg10[%dma_start3A_457] : memref<2x!tpu.dma_semaphore, #tpu.memory_space<semaphore_mem>> -> memref<1x!tpu.dma_semaphore, #tpu.memory_space<semaphore_mem>>
        %dma_start3A_466 = tpu.memref_squeeze %dma_start3A_465 : memref<1x!tpu.dma_semaphore, #tpu.memory_space<semaphore_mem>> -> memref<!tpu.dma_semaphore, #tpu.memory_space<semaphore_mem>>
        %dma_start3A_467 = arith.constant 0 : i32
        %dma_start3A_468 = arith.constant 0 : i32
        %dma_start3A_469 = tpu.memref_slice %arg4[%add3A_437, %dma_start3A_456, %add3A_9, %dma_start3A_467, %dma_start3A_468] : memref<200x4x128x8x128xf32, #tpu.memory_space<hbm>> -> memref<1x1x1x8x128xf32, #tpu.memory_space<hbm>>
        %dma_start3A_470 = tpu.memref_squeeze %dma_start3A_469 : memref<1x1x1x8x128xf32, #tpu.memory_space<hbm>> -> memref<8x128xf32, #tpu.memory_space<hbm>>
        %dma_start3A_471 = arith.constant 8 : i32
        %dma_start3A_472 = arith.constant 0 : i32
        %dma_start3A_473 = tpu.memref_slice %arg8[%dma_start3A_471, %dma_start3A_472] : memref<32x129xf32, #tpu.memory_space<vmem>> -> memref<8x128xf32, #tpu.memory_space<vmem>>
        tpu.enqueue_dma source(%dma_start3A_473 : memref<8x128xf32, #tpu.memory_space<vmem>>) target(%dma_start3A_470 : memref<8x128xf32, #tpu.memory_space<hbm>>) target_semaphore(%dma_start3A_466 : memref<!tpu.dma_semaphore, #tpu.memory_space<semaphore_mem>>)
        %dma_start3A_474 = arith.constant 2 : i32
        %dma_start3A_475 = arith.constant 1 : i32
        %dma_start3A_476 = arith.constant 16 : i32
        %dma_start3A_477 = arith.constant 0 : i32
        %dma_start3A_478 = tpu.memref_slice %arg8[%dma_start3A_476, %dma_start3A_477] : memref<32x129xf32, #tpu.memory_space<vmem>> -> memref<8x128xf32, #tpu.memory_space<vmem>>
        %dma_start3A_479 = arith.constant 0 : i32
        %dma_start3A_480 = arith.constant 0 : i32
        %dma_start3A_481 = tpu.memref_slice %arg4[%add3A_437, %dma_start3A_474, %add3A_9, %dma_start3A_479, %dma_start3A_480] : memref<200x4x128x8x128xf32, #tpu.memory_space<hbm>> -> memref<1x1x1x8x128xf32, #tpu.memory_space<hbm>>
        %dma_start3A_482 = tpu.memref_squeeze %dma_start3A_481 : memref<1x1x1x8x128xf32, #tpu.memory_space<hbm>> -> memref<8x128xf32, #tpu.memory_space<hbm>>
        %dma_start3A_483 = tpu.memref_slice %arg10[%dma_start3A_475] : memref<2x!tpu.dma_semaphore, #tpu.memory_space<semaphore_mem>> -> memref<1x!tpu.dma_semaphore, #tpu.memory_space<semaphore_mem>>
        %dma_start3A_484 = tpu.memref_squeeze %dma_start3A_483 : memref<1x!tpu.dma_semaphore, #tpu.memory_space<semaphore_mem>> -> memref<!tpu.dma_semaphore, #tpu.memory_space<semaphore_mem>>
        %dma_start3A_485 = arith.constant 0 : i32
        %dma_start3A_486 = arith.constant 0 : i32
        %dma_start3A_487 = tpu.memref_slice %arg4[%add3A_437, %dma_start3A_474, %add3A_9, %dma_start3A_485, %dma_start3A_486] : memref<200x4x128x8x128xf32, #tpu.memory_space<hbm>> -> memref<1x1x1x8x128xf32, #tpu.memory_space<hbm>>
        %dma_start3A_488 = tpu.memref_squeeze %dma_start3A_487 : memref<1x1x1x8x128xf32, #tpu.memory_space<hbm>> -> memref<8x128xf32, #tpu.memory_space<hbm>>
        %dma_start3A_489 = arith.constant 16 : i32
        %dma_start3A_490 = arith.constant 0 : i32
        %dma_start3A_491 = tpu.memref_slice %arg8[%dma_start3A_489, %dma_start3A_490] : memref<32x129xf32, #tpu.memory_space<vmem>> -> memref<8x128xf32, #tpu.memory_space<vmem>>
        tpu.enqueue_dma source(%dma_start3A_491 : memref<8x128xf32, #tpu.memory_space<vmem>>) target(%dma_start3A_488 : memref<8x128xf32, #tpu.memory_space<hbm>>) target_semaphore(%dma_start3A_484 : memref<!tpu.dma_semaphore, #tpu.memory_space<semaphore_mem>>)
        %dma_start3A_492 = arith.constant 3 : i32
        %dma_start3A_493 = arith.constant 1 : i32
        %dma_start3A_494 = arith.constant 24 : i32
        %dma_start3A_495 = arith.constant 0 : i32
        %dma_start3A_496 = tpu.memref_slice %arg8[%dma_start3A_494, %dma_start3A_495] : memref<32x129xf32, #tpu.memory_space<vmem>> -> memref<8x128xf32, #tpu.memory_space<vmem>>
        %dma_start3A_497 = arith.constant 0 : i32
        %dma_start3A_498 = arith.constant 0 : i32
        %dma_start3A_499 = tpu.memref_slice %arg4[%add3A_437, %dma_start3A_492, %add3A_9, %dma_start3A_497, %dma_start3A_498] : memref<200x4x128x8x128xf32, #tpu.memory_space<hbm>> -> memref<1x1x1x8x128xf32, #tpu.memory_space<hbm>>
        %dma_start3A_500 = tpu.memref_squeeze %dma_start3A_499 : memref<1x1x1x8x128xf32, #tpu.memory_space<hbm>> -> memref<8x128xf32, #tpu.memory_space<hbm>>
        %dma_start3A_501 = tpu.memref_slice %arg10[%dma_start3A_493] : memref<2x!tpu.dma_semaphore, #tpu.memory_space<semaphore_mem>> -> memref<1x!tpu.dma_semaphore, #tpu.memory_space<semaphore_mem>>
        %dma_start3A_502 = tpu.memref_squeeze %dma_start3A_501 : memref<1x!tpu.dma_semaphore, #tpu.memory_space<semaphore_mem>> -> memref<!tpu.dma_semaphore, #tpu.memory_space<semaphore_mem>>
        %dma_start3A_503 = arith.constant 0 : i32
        %dma_start3A_504 = arith.constant 0 : i32
        %dma_start3A_505 = tpu.memref_slice %arg4[%add3A_437, %dma_start3A_492, %add3A_9, %dma_start3A_503, %dma_start3A_504] : memref<200x4x128x8x128xf32, #tpu.memory_space<hbm>> -> memref<1x1x1x8x128xf32, #tpu.memory_space<hbm>>
        %dma_start3A_506 = tpu.memref_squeeze %dma_start3A_505 : memref<1x1x1x8x128xf32, #tpu.memory_space<hbm>> -> memref<8x128xf32, #tpu.memory_space<hbm>>
        %dma_start3A_507 = arith.constant 24 : i32
        %dma_start3A_508 = arith.constant 0 : i32
        %dma_start3A_509 = tpu.memref_slice %arg8[%dma_start3A_507, %dma_start3A_508] : memref<32x129xf32, #tpu.memory_space<vmem>> -> memref<8x128xf32, #tpu.memory_space<vmem>>
        tpu.enqueue_dma source(%dma_start3A_509 : memref<8x128xf32, #tpu.memory_space<vmem>>) target(%dma_start3A_506 : memref<8x128xf32, #tpu.memory_space<hbm>>) target_semaphore(%dma_start3A_502 : memref<!tpu.dma_semaphore, #tpu.memory_space<semaphore_mem>>)
        %lt3A_510 = arith.constant 24 : i32
        %lt3A_511 = arith.cmpi slt, %scan3A_302, %lt3A_510 : i32
        %convert_element_type3A_512 = arith.extui %lt3A_511 : i1 to i32
        %cond3A_513 = arith.constant 0 : i32
        %cond3A_514 = arith.cmpi ne, %convert_element_type3A_512, %cond3A_513 : i32
        scf.if %cond3A_514 {
          %add3A_1613 = arith.constant 1 : i32
          %add3A_1614 = arith.addi %scan3A_302, %add3A_1613 : i32
          %dma_start3A_1615 = arith.constant 1 : i32
          %dma_start3A_1616 = arith.constant 1 : i32
          %dma_start3A_1617 = arith.constant 1 : i32
          %dma_start3A_1618 = arith.constant 0 : i32
          %dma_start3A_1619 = arith.constant 0 : i32
          %dma_start3A_1620 = tpu.memref_slice %arg6[%dma_start3A_1616, %dma_start3A_1618, %dma_start3A_1619] : memref<8x128x32xf32, #tpu.memory_space<vmem>> -> memref<1x128x32xf32, #tpu.memory_space<vmem>>
          %dma_start3A_1621 = tpu.memref_squeeze %dma_start3A_1620 : memref<1x128x32xf32, #tpu.memory_space<vmem>> -> memref<128x32xf32, #tpu.memory_space<vmem>>
          %dma_start3A_1622 = arith.constant 0 : i32
          %dma_start3A_1623 = tpu.memref_slice %arg5[%add3A_1614, %dma_start3A_1615, %dma_start3A_1622] : memref<25x8x128xi32, #tpu.memory_space<vmem>> -> memref<1x1x128xi32, #tpu.memory_space<vmem>>
          %dma_start3A_1624 = tpu.memref_squeeze %dma_start3A_1623 : memref<1x1x128xi32, #tpu.memory_space<vmem>> -> memref<128xi32, #tpu.memory_space<vmem>>
          %dma_start3A_1625 = arith.constant 0 : i32
          %dma_start3A_1626 = arith.constant 0 : i32
          %dma_start3A_1627 = tpu.memref_slice %arg3[%dma_start3A_1625, %dma_start3A_1626] : memref<1000000x32xf32, #tpu.memory_space<hbm>> -> memref<1000000x32xf32, #tpu.memory_space<hbm>>
          %dma_start3A_1628 = tpu.memref_slice %arg9[%dma_start3A_1617] : memref<8x!tpu.dma_semaphore, #tpu.memory_space<semaphore_mem>> -> memref<1x!tpu.dma_semaphore, #tpu.memory_space<semaphore_mem>>
          %dma_start3A_1629 = tpu.memref_squeeze %dma_start3A_1628 : memref<1x!tpu.dma_semaphore, #tpu.memory_space<semaphore_mem>> -> memref<!tpu.dma_semaphore, #tpu.memory_space<semaphore_mem>>
          tpu.enqueue_indirect_dma source(%dma_start3A_1627 : memref<1000000x32xf32, #tpu.memory_space<hbm>>) target(%dma_start3A_1621 : memref<128x32xf32, #tpu.memory_space<vmem>>) offsets(%dma_start3A_1624 : memref<128xi32, #tpu.memory_space<vmem>>) semaphore(%dma_start3A_1629 : memref<!tpu.dma_semaphore, #tpu.memory_space<semaphore_mem>>)
        } else {
        }
        %dma_wait3A_515 = arith.constant 0 : i32
        %dma_wait3A_516 = arith.constant 2 : i32
        %dma_wait3A_517 = arith.constant 2 : i32
        %dma_wait3A_518 = arith.constant 2 : i32
        %dma_wait3A_519 = arith.constant 0 : i32
        %dma_wait3A_520 = arith.constant 0 : i32
        %dma_wait3A_521 = tpu.memref_slice %arg6[%dma_wait3A_517, %dma_wait3A_519, %dma_wait3A_520] : memref<8x128x32xf32, #tpu.memory_space<vmem>> -> memref<1x128x32xf32, #tpu.memory_space<vmem>>
        %dma_wait3A_522 = tpu.memref_squeeze %dma_wait3A_521 : memref<1x128x32xf32, #tpu.memory_space<vmem>> -> memref<128x32xf32, #tpu.memory_space<vmem>>
        %dma_wait3A_523 = arith.constant 0 : i32
        %dma_wait3A_524 = tpu.memref_slice %arg5[%dma_wait3A_515, %dma_wait3A_516, %dma_wait3A_523] : memref<25x8x128xi32, #tpu.memory_space<vmem>> -> memref<1x1x128xi32, #tpu.memory_space<vmem>>
        %dma_wait3A_525 = tpu.memref_squeeze %dma_wait3A_524 : memref<1x1x128xi32, #tpu.memory_space<vmem>> -> memref<128xi32, #tpu.memory_space<vmem>>
        %dma_wait3A_526 = arith.constant 0 : i32
        %dma_wait3A_527 = arith.constant 0 : i32
        %dma_wait3A_528 = tpu.memref_slice %arg3[%dma_wait3A_526, %dma_wait3A_527] : memref<1000000x32xf32, #tpu.memory_space<hbm>> -> memref<1000000x32xf32, #tpu.memory_space<hbm>>
        %dma_wait3A_529 = tpu.memref_slice %arg9[%dma_wait3A_518] : memref<8x!tpu.dma_semaphore, #tpu.memory_space<semaphore_mem>> -> memref<1x!tpu.dma_semaphore, #tpu.memory_space<semaphore_mem>>
        %dma_wait3A_530 = tpu.memref_squeeze %dma_wait3A_529 : memref<1x!tpu.dma_semaphore, #tpu.memory_space<semaphore_mem>> -> memref<!tpu.dma_semaphore, #tpu.memory_space<semaphore_mem>>
        tpu.wait_indirect_dma semaphore(%dma_wait3A_530 : memref<!tpu.dma_semaphore, #tpu.memory_space<semaphore_mem>>) src(%dma_wait3A_528 : memref<1000000x32xf32, #tpu.memory_space<hbm>>) dst(%dma_wait3A_522 : memref<128x32xf32, #tpu.memory_space<vmem>>)
        %dma_wait3A_531 = arith.constant 0 : i32
        %dma_wait3A_532 = arith.constant 0 : i32
        %dma_wait3A_533 = arith.constant 0 : i32
        %dma_wait3A_534 = arith.constant 0 : i32
        %dma_wait3A_535 = arith.constant 0 : i32
        %dma_wait3A_536 = arith.constant 0 : i32
        %dma_wait3A_537 = tpu.memref_slice %arg7[%dma_wait3A_535, %dma_wait3A_536] : memref<32x129xf32, #tpu.memory_space<vmem>> -> memref<8x128xf32, #tpu.memory_space<vmem>>
        %dma_wait3A_538 = arith.constant 0 : i32
        %dma_wait3A_539 = arith.constant 0 : i32
        %dma_wait3A_540 = tpu.memref_slice %arg4[%dma_wait3A_531, %dma_wait3A_532, %dma_wait3A_533, %dma_wait3A_538, %dma_wait3A_539] : memref<200x4x128x8x128xf32, #tpu.memory_space<hbm>> -> memref<1x1x1x8x128xf32, #tpu.memory_space<hbm>>
        %dma_wait3A_541 = tpu.memref_squeeze %dma_wait3A_540 : memref<1x1x1x8x128xf32, #tpu.memory_space<hbm>> -> memref<8x128xf32, #tpu.memory_space<hbm>>
        %dma_wait3A_542 = tpu.memref_slice %arg10[%dma_wait3A_534] : memref<2x!tpu.dma_semaphore, #tpu.memory_space<semaphore_mem>> -> memref<1x!tpu.dma_semaphore, #tpu.memory_space<semaphore_mem>>
        %dma_wait3A_543 = tpu.memref_squeeze %dma_wait3A_542 : memref<1x!tpu.dma_semaphore, #tpu.memory_space<semaphore_mem>> -> memref<!tpu.dma_semaphore, #tpu.memory_space<semaphore_mem>>
        %dma_wait3A_544 = arith.constant 0 : i32
        %dma_wait3A_545 = arith.constant 0 : i32
        %dma_wait3A_546 = tpu.memref_slice %arg4[%dma_wait3A_531, %dma_wait3A_532, %dma_wait3A_533, %dma_wait3A_544, %dma_wait3A_545] : memref<200x4x128x8x128xf32, #tpu.memory_space<hbm>> -> memref<1x1x1x8x128xf32, #tpu.memory_space<hbm>>
        %dma_wait3A_547 = tpu.memref_squeeze %dma_wait3A_546 : memref<1x1x1x8x128xf32, #tpu.memory_space<hbm>> -> memref<8x128xf32, #tpu.memory_space<hbm>>
        %dma_wait3A_548 = arith.constant 0 : i32
        %dma_wait3A_549 = arith.constant 0 : i32
        %dma_wait3A_550 = tpu.memref_slice %arg7[%dma_wait3A_548, %dma_wait3A_549] : memref<32x129xf32, #tpu.memory_space<vmem>> -> memref<8x128xf32, #tpu.memory_space<vmem>>
        tpu.wait_dma2 semaphore(%dma_wait3A_543 : memref<!tpu.dma_semaphore, #tpu.memory_space<semaphore_mem>>) src(%dma_wait3A_550 : memref<8x128xf32, #tpu.memory_space<vmem>>) dst(%dma_wait3A_547 : memref<8x128xf32, #tpu.memory_space<hbm>>)
        %dma_wait3A_551 = arith.constant 0 : i32
        %dma_wait3A_552 = arith.constant 1 : i32
        %dma_wait3A_553 = arith.constant 0 : i32
        %dma_wait3A_554 = arith.constant 0 : i32
        %dma_wait3A_555 = arith.constant 8 : i32
        %dma_wait3A_556 = arith.constant 0 : i32
        %dma_wait3A_557 = tpu.memref_slice %arg7[%dma_wait3A_555, %dma_wait3A_556] : memref<32x129xf32, #tpu.memory_space<vmem>> -> memref<8x128xf32, #tpu.memory_space<vmem>>
        %dma_wait3A_558 = arith.constant 0 : i32
        %dma_wait3A_559 = arith.constant 0 : i32
        %dma_wait3A_560 = tpu.memref_slice %arg4[%dma_wait3A_551, %dma_wait3A_552, %dma_wait3A_553, %dma_wait3A_558, %dma_wait3A_559] : memref<200x4x128x8x128xf32, #tpu.memory_space<hbm>> -> memref<1x1x1x8x128xf32, #tpu.memory_space<hbm>>
        %dma_wait3A_561 = tpu.memref_squeeze %dma_wait3A_560 : memref<1x1x1x8x128xf32, #tpu.memory_space<hbm>> -> memref<8x128xf32, #tpu.memory_space<hbm>>
        %dma_wait3A_562 = tpu.memref_slice %arg10[%dma_wait3A_554] : memref<2x!tpu.dma_semaphore, #tpu.memory_space<semaphore_mem>> -> memref<1x!tpu.dma_semaphore, #tpu.memory_space<semaphore_mem>>
        %dma_wait3A_563 = tpu.memref_squeeze %dma_wait3A_562 : memref<1x!tpu.dma_semaphore, #tpu.memory_space<semaphore_mem>> -> memref<!tpu.dma_semaphore, #tpu.memory_space<semaphore_mem>>
        %dma_wait3A_564 = arith.constant 0 : i32
        %dma_wait3A_565 = arith.constant 0 : i32
        %dma_wait3A_566 = tpu.memref_slice %arg4[%dma_wait3A_551, %dma_wait3A_552, %dma_wait3A_553, %dma_wait3A_564, %dma_wait3A_565] : memref<200x4x128x8x128xf32, #tpu.memory_space<hbm>> -> memref<1x1x1x8x128xf32, #tpu.memory_space<hbm>>
        %dma_wait3A_567 = tpu.memref_squeeze %dma_wait3A_566 : memref<1x1x1x8x128xf32, #tpu.memory_space<hbm>> -> memref<8x128xf32, #tpu.memory_space<hbm>>
        %dma_wait3A_568 = arith.constant 8 : i32
        %dma_wait3A_569 = arith.constant 0 : i32
        %dma_wait3A_570 = tpu.memref_slice %arg7[%dma_wait3A_568, %dma_wait3A_569] : memref<32x129xf32, #tpu.memory_space<vmem>> -> memref<8x128xf32, #tpu.memory_space<vmem>>
        tpu.wait_dma2 semaphore(%dma_wait3A_563 : memref<!tpu.dma_semaphore, #tpu.memory_space<semaphore_mem>>) src(%dma_wait3A_570 : memref<8x128xf32, #tpu.memory_space<vmem>>) dst(%dma_wait3A_567 : memref<8x128xf32, #tpu.memory_space<hbm>>)
        %dma_wait3A_571 = arith.constant 0 : i32
        %dma_wait3A_572 = arith.constant 2 : i32
        %dma_wait3A_573 = arith.constant 0 : i32
        %dma_wait3A_574 = arith.constant 0 : i32
        %dma_wait3A_575 = arith.constant 16 : i32
        %dma_wait3A_576 = arith.constant 0 : i32
        %dma_wait3A_577 = tpu.memref_slice %arg7[%dma_wait3A_575, %dma_wait3A_576] : memref<32x129xf32, #tpu.memory_space<vmem>> -> memref<8x128xf32, #tpu.memory_space<vmem>>
        %dma_wait3A_578 = arith.constant 0 : i32
        %dma_wait3A_579 = arith.constant 0 : i32
        %dma_wait3A_580 = tpu.memref_slice %arg4[%dma_wait3A_571, %dma_wait3A_572, %dma_wait3A_573, %dma_wait3A_578, %dma_wait3A_579] : memref<200x4x128x8x128xf32, #tpu.memory_space<hbm>> -> memref<1x1x1x8x128xf32, #tpu.memory_space<hbm>>
        %dma_wait3A_581 = tpu.memref_squeeze %dma_wait3A_580 : memref<1x1x1x8x128xf32, #tpu.memory_space<hbm>> -> memref<8x128xf32, #tpu.memory_space<hbm>>
        %dma_wait3A_582 = tpu.memref_slice %arg10[%dma_wait3A_574] : memref<2x!tpu.dma_semaphore, #tpu.memory_space<semaphore_mem>> -> memref<1x!tpu.dma_semaphore, #tpu.memory_space<semaphore_mem>>
        %dma_wait3A_583 = tpu.memref_squeeze %dma_wait3A_582 : memref<1x!tpu.dma_semaphore, #tpu.memory_space<semaphore_mem>> -> memref<!tpu.dma_semaphore, #tpu.memory_space<semaphore_mem>>
        %dma_wait3A_584 = arith.constant 0 : i32
        %dma_wait3A_585 = arith.constant 0 : i32
        %dma_wait3A_586 = tpu.memref_slice %arg4[%dma_wait3A_571, %dma_wait3A_572, %dma_wait3A_573, %dma_wait3A_584, %dma_wait3A_585] : memref<200x4x128x8x128xf32, #tpu.memory_space<hbm>> -> memref<1x1x1x8x128xf32, #tpu.memory_space<hbm>>
        %dma_wait3A_587 = tpu.memref_squeeze %dma_wait3A_586 : memref<1x1x1x8x128xf32, #tpu.memory_space<hbm>> -> memref<8x128xf32, #tpu.memory_space<hbm>>
        %dma_wait3A_588 = arith.constant 16 : i32
        %dma_wait3A_589 = arith.constant 0 : i32
        %dma_wait3A_590 = tpu.memref_slice %arg7[%dma_wait3A_588, %dma_wait3A_589] : memref<32x129xf32, #tpu.memory_space<vmem>> -> memref<8x128xf32, #tpu.memory_space<vmem>>
        tpu.wait_dma2 semaphore(%dma_wait3A_583 : memref<!tpu.dma_semaphore, #tpu.memory_space<semaphore_mem>>) src(%dma_wait3A_590 : memref<8x128xf32, #tpu.memory_space<vmem>>) dst(%dma_wait3A_587 : memref<8x128xf32, #tpu.memory_space<hbm>>)
        %dma_wait3A_591 = arith.constant 0 : i32
        %dma_wait3A_592 = arith.constant 3 : i32
        %dma_wait3A_593 = arith.constant 0 : i32
        %dma_wait3A_594 = arith.constant 0 : i32
        %dma_wait3A_595 = arith.constant 24 : i32
        %dma_wait3A_596 = arith.constant 0 : i32
        %dma_wait3A_597 = tpu.memref_slice %arg7[%dma_wait3A_595, %dma_wait3A_596] : memref<32x129xf32, #tpu.memory_space<vmem>> -> memref<8x128xf32, #tpu.memory_space<vmem>>
        %dma_wait3A_598 = arith.constant 0 : i32
        %dma_wait3A_599 = arith.constant 0 : i32
        %dma_wait3A_600 = tpu.memref_slice %arg4[%dma_wait3A_591, %dma_wait3A_592, %dma_wait3A_593, %dma_wait3A_598, %dma_wait3A_599] : memref<200x4x128x8x128xf32, #tpu.memory_space<hbm>> -> memref<1x1x1x8x128xf32, #tpu.memory_space<hbm>>
        %dma_wait3A_601 = tpu.memref_squeeze %dma_wait3A_600 : memref<1x1x1x8x128xf32, #tpu.memory_space<hbm>> -> memref<8x128xf32, #tpu.memory_space<hbm>>
        %dma_wait3A_602 = tpu.memref_slice %arg10[%dma_wait3A_594] : memref<2x!tpu.dma_semaphore, #tpu.memory_space<semaphore_mem>> -> memref<1x!tpu.dma_semaphore, #tpu.memory_space<semaphore_mem>>
        %dma_wait3A_603 = tpu.memref_squeeze %dma_wait3A_602 : memref<1x!tpu.dma_semaphore, #tpu.memory_space<semaphore_mem>> -> memref<!tpu.dma_semaphore, #tpu.memory_space<semaphore_mem>>
        %dma_wait3A_604 = arith.constant 0 : i32
        %dma_wait3A_605 = arith.constant 0 : i32
        %dma_wait3A_606 = tpu.memref_slice %arg4[%dma_wait3A_591, %dma_wait3A_592, %dma_wait3A_593, %dma_wait3A_604, %dma_wait3A_605] : memref<200x4x128x8x128xf32, #tpu.memory_space<hbm>> -> memref<1x1x1x8x128xf32, #tpu.memory_space<hbm>>
        %dma_wait3A_607 = tpu.memref_squeeze %dma_wait3A_606 : memref<1x1x1x8x128xf32, #tpu.memory_space<hbm>> -> memref<8x128xf32, #tpu.memory_space<hbm>>
        %dma_wait3A_608 = arith.constant 24 : i32
        %dma_wait3A_609 = arith.constant 0 : i32
        %dma_wait3A_610 = tpu.memref_slice %arg7[%dma_wait3A_608, %dma_wait3A_609] : memref<32x129xf32, #tpu.memory_space<vmem>> -> memref<8x128xf32, #tpu.memory_space<vmem>>
        tpu.wait_dma2 semaphore(%dma_wait3A_603 : memref<!tpu.dma_semaphore, #tpu.memory_space<semaphore_mem>>) src(%dma_wait3A_610 : memref<8x128xf32, #tpu.memory_space<vmem>>) dst(%dma_wait3A_607 : memref<8x128xf32, #tpu.memory_space<hbm>>)
        %scan3A_611 = arith.constant 0 : i32
        %scan3A_612 = arith.constant 0 : i32
        %scan3A_613 = arith.constant 32 : i32
        %scan3A_614 = arith.addi %scan3A_612, %scan3A_613 : i32
        %scan3A_615 = arith.constant 1 : i32
        scf.for %scan3A_1613 = %scan3A_612 to %scan3A_614 step %scan3A_615  : i32 {
          %mul3A_1614 = arith.constant 4 : i32
          %mul3A_1615 = arith.muli %scan3A_1613, %mul3A_1614 : i32
          %add3A_1616 = arith.constant 0 : i32
          %add3A_1617 = arith.addi %mul3A_1615, %add3A_1616 : i32
          %broadcast_in_dim3A = arith.constant 0 : i32
          %broadcast_in_dim3A_1618 = vector.broadcast %broadcast_in_dim3A : i32 to vector<16xi32>
          %add3A_1619 = vector.broadcast %add3A_1617 : i32 to vector<16xi32>
          %add3A_1620 = arith.addi %broadcast_in_dim3A_1618, %add3A_1619 : vector<16xi32>
          %get3A = arith.constant 2 : i32
          %get3A_1621 = arith.index_cast %get3A : i32 to index
          %get3A_1622 = arith.index_cast %add3A_1617 : i32 to index
          %get3A_1623 = arith.constant 0 : index
          %get3A_1624 = tpu.vector_load %arg6[%get3A_1621, %get3A_1622, %get3A_1623] {strides = array<i32>} : memref<8x128x32xf32, #tpu.memory_space<vmem>>, vector<16xf32>,
          %add3A_1625 = arith.constant 0 : i32
          %add3A_1626 = vector.broadcast %add3A_1625 : i32 to vector<16xi32>
          %add3A_1627 = arith.addi %iota3A, %add3A_1626 : vector<16xi32>
          tpu.vector_store_idx %arg7[%add3A_1627, %add3A_1620], %get3A_1624 : memref<32x129xf32, #tpu.memory_space<vmem>>[vector<16xi32>, vector<16xi32>], vector<16xf32>,
          %get3A_1628 = arith.constant 2 : i32
          %get3A_1629 = arith.index_cast %get3A_1628 : i32 to index
          %get3A_1630 = arith.index_cast %add3A_1617 : i32 to index
          %get3A_1631 = arith.constant 16 : index
          %get3A_1632 = tpu.vector_load %arg6[%get3A_1629, %get3A_1630, %get3A_1631] {strides = array<i32>} : memref<8x128x32xf32, #tpu.memory_space<vmem>>, vector<16xf32>,
          %add3A_1633 = arith.constant 16 : i32
          %add3A_1634 = vector.broadcast %add3A_1633 : i32 to vector<16xi32>
          %add3A_1635 = arith.addi %iota3A, %add3A_1634 : vector<16xi32>
          tpu.vector_store_idx %arg7[%add3A_1635, %add3A_1620], %get3A_1632 : memref<32x129xf32, #tpu.memory_space<vmem>>[vector<16xi32>, vector<16xi32>], vector<16xf32>,
          %mul3A_1636 = arith.constant 4 : i32
          %mul3A_1637 = arith.muli %scan3A_1613, %mul3A_1636 : i32
          %add3A_1638 = arith.constant 1 : i32
          %add3A_1639 = arith.addi %mul3A_1637, %add3A_1638 : i32
          %broadcast_in_dim3A_1640 = arith.constant 0 : i32
          %broadcast_in_dim3A_1641 = vector.broadcast %broadcast_in_dim3A_1640 : i32 to vector<16xi32>
          %add3A_1642 = vector.broadcast %add3A_1639 : i32 to vector<16xi32>
          %add3A_1643 = arith.addi %broadcast_in_dim3A_1641, %add3A_1642 : vector<16xi32>
          %get3A_1644 = arith.constant 2 : i32
          %get3A_1645 = arith.index_cast %get3A_1644 : i32 to index
          %get3A_1646 = arith.index_cast %add3A_1639 : i32 to index
          %get3A_1647 = arith.constant 0 : index
          %get3A_1648 = tpu.vector_load %arg6[%get3A_1645, %get3A_1646, %get3A_1647] {strides = array<i32>} : memref<8x128x32xf32, #tpu.memory_space<vmem>>, vector<16xf32>,
          %add3A_1649 = arith.constant 0 : i32
          %add3A_1650 = vector.broadcast %add3A_1649 : i32 to vector<16xi32>
          %add3A_1651 = arith.addi %iota3A, %add3A_1650 : vector<16xi32>
          tpu.vector_store_idx %arg7[%add3A_1651, %add3A_1643], %get3A_1648 : memref<32x129xf32, #tpu.memory_space<vmem>>[vector<16xi32>, vector<16xi32>], vector<16xf32>,
          %get3A_1652 = arith.constant 2 : i32
          %get3A_1653 = arith.index_cast %get3A_1652 : i32 to index
          %get3A_1654 = arith.index_cast %add3A_1639 : i32 to index
          %get3A_1655 = arith.constant 16 : index
          %get3A_1656 = tpu.vector_load %arg6[%get3A_1653, %get3A_1654, %get3A_1655] {strides = array<i32>} : memref<8x128x32xf32, #tpu.memory_space<vmem>>, vector<16xf32>,
          %add3A_1657 = arith.constant 16 : i32
          %add3A_1658 = vector.broadcast %add3A_1657 : i32 to vector<16xi32>
          %add3A_1659 = arith.addi %iota3A, %add3A_1658 : vector<16xi32>
          tpu.vector_store_idx %arg7[%add3A_1659, %add3A_1643], %get3A_1656 : memref<32x129xf32, #tpu.memory_space<vmem>>[vector<16xi32>, vector<16xi32>], vector<16xf32>,
          %mul3A_1660 = arith.constant 4 : i32
          %mul3A_1661 = arith.muli %scan3A_1613, %mul3A_1660 : i32
          %add3A_1662 = arith.constant 2 : i32
          %add3A_1663 = arith.addi %mul3A_1661, %add3A_1662 : i32
          %broadcast_in_dim3A_1664 = arith.constant 0 : i32
          %broadcast_in_dim3A_1665 = vector.broadcast %broadcast_in_dim3A_1664 : i32 to vector<16xi32>
          %add3A_1666 = vector.broadcast %add3A_1663 : i32 to vector<16xi32>
          %add3A_1667 = arith.addi %broadcast_in_dim3A_1665, %add3A_1666 : vector<16xi32>
          %get3A_1668 = arith.constant 2 : i32
          %get3A_1669 = arith.index_cast %get3A_1668 : i32 to index
          %get3A_1670 = arith.index_cast %add3A_1663 : i32 to index
          %get3A_1671 = arith.constant 0 : index
          %get3A_1672 = tpu.vector_load %arg6[%get3A_1669, %get3A_1670, %get3A_1671] {strides = array<i32>} : memref<8x128x32xf32, #tpu.memory_space<vmem>>, vector<16xf32>,
          %add3A_1673 = arith.constant 0 : i32
          %add3A_1674 = vector.broadcast %add3A_1673 : i32 to vector<16xi32>
          %add3A_1675 = arith.addi %iota3A, %add3A_1674 : vector<16xi32>
          tpu.vector_store_idx %arg7[%add3A_1675, %add3A_1667], %get3A_1672 : memref<32x129xf32, #tpu.memory_space<vmem>>[vector<16xi32>, vector<16xi32>], vector<16xf32>,
          %get3A_1676 = arith.constant 2 : i32
          %get3A_1677 = arith.index_cast %get3A_1676 : i32 to index
          %get3A_1678 = arith.index_cast %add3A_1663 : i32 to index
          %get3A_1679 = arith.constant 16 : index
          %get3A_1680 = tpu.vector_load %arg6[%get3A_1677, %get3A_1678, %get3A_1679] {strides = array<i32>} : memref<8x128x32xf32, #tpu.memory_space<vmem>>, vector<16xf32>,
          %add3A_1681 = arith.constant 16 : i32
          %add3A_1682 = vector.broadcast %add3A_1681 : i32 to vector<16xi32>
          %add3A_1683 = arith.addi %iota3A, %add3A_1682 : vector<16xi32>
          tpu.vector_store_idx %arg7[%add3A_1683, %add3A_1667], %get3A_1680 : memref<32x129xf32, #tpu.memory_space<vmem>>[vector<16xi32>, vector<16xi32>], vector<16xf32>,
          %mul3A_1684 = arith.constant 4 : i32
          %mul3A_1685 = arith.muli %scan3A_1613, %mul3A_1684 : i32
          %add3A_1686 = arith.constant 3 : i32
          %add3A_1687 = arith.addi %mul3A_1685, %add3A_1686 : i32
          %broadcast_in_dim3A_1688 = arith.constant 0 : i32
          %broadcast_in_dim3A_1689 = vector.broadcast %broadcast_in_dim3A_1688 : i32 to vector<16xi32>
          %add3A_1690 = vector.broadcast %add3A_1687 : i32 to vector<16xi32>
          %add3A_1691 = arith.addi %broadcast_in_dim3A_1689, %add3A_1690 : vector<16xi32>
          %get3A_1692 = arith.constant 2 : i32
          %get3A_1693 = arith.index_cast %get3A_1692 : i32 to index
          %get3A_1694 = arith.index_cast %add3A_1687 : i32 to index
          %get3A_1695 = arith.constant 0 : index
          %get3A_1696 = tpu.vector_load %arg6[%get3A_1693, %get3A_1694, %get3A_1695] {strides = array<i32>} : memref<8x128x32xf32, #tpu.memory_space<vmem>>, vector<16xf32>,
          %add3A_1697 = arith.constant 0 : i32
          %add3A_1698 = vector.broadcast %add3A_1697 : i32 to vector<16xi32>
          %add3A_1699 = arith.addi %iota3A, %add3A_1698 : vector<16xi32>
          tpu.vector_store_idx %arg7[%add3A_1699, %add3A_1691], %get3A_1696 : memref<32x129xf32, #tpu.memory_space<vmem>>[vector<16xi32>, vector<16xi32>], vector<16xf32>,
          %get3A_1700 = arith.constant 2 : i32
          %get3A_1701 = arith.index_cast %get3A_1700 : i32 to index
          %get3A_1702 = arith.index_cast %add3A_1687 : i32 to index
          %get3A_1703 = arith.constant 16 : index
          %get3A_1704 = tpu.vector_load %arg6[%get3A_1701, %get3A_1702, %get3A_1703] {strides = array<i32>} : memref<8x128x32xf32, #tpu.memory_space<vmem>>, vector<16xf32>,
          %add3A_1705 = arith.constant 16 : i32
          %add3A_1706 = vector.broadcast %add3A_1705 : i32 to vector<16xi32>
          %add3A_1707 = arith.addi %iota3A, %add3A_1706 : vector<16xi32>
          tpu.vector_store_idx %arg7[%add3A_1707, %add3A_1691], %get3A_1704 : memref<32x129xf32, #tpu.memory_space<vmem>>[vector<16xi32>, vector<16xi32>], vector<16xf32>,
        }
        %scan3A_616 = arith.constant 32 : i32
        %mul3A_617 = arith.constant 8 : i32
        %mul3A_618 = arith.muli %scan3A_302, %mul3A_617 : i32
        %add3A_619 = arith.constant 2 : i32
        %add3A_620 = arith.addi %mul3A_618, %add3A_619 : i32
        %dma_start3A_621 = arith.constant 0 : i32
        %dma_start3A_622 = arith.constant 0 : i32
        %dma_start3A_623 = arith.constant 0 : i32
        %dma_start3A_624 = arith.constant 0 : i32
        %dma_start3A_625 = tpu.memref_slice %arg7[%dma_start3A_623, %dma_start3A_624] : memref<32x129xf32, #tpu.memory_space<vmem>> -> memref<8x128xf32, #tpu.memory_space<vmem>>
        %dma_start3A_626 = arith.constant 0 : i32
        %dma_start3A_627 = arith.constant 0 : i32
        %dma_start3A_628 = tpu.memref_slice %arg4[%add3A_620, %dma_start3A_621, %add3A_9, %dma_start3A_626, %dma_start3A_627] : memref<200x4x128x8x128xf32, #tpu.memory_space<hbm>> -> memref<1x1x1x8x128xf32, #tpu.memory_space<hbm>>
        %dma_start3A_629 = tpu.memref_squeeze %dma_start3A_628 : memref<1x1x1x8x128xf32, #tpu.memory_space<hbm>> -> memref<8x128xf32, #tpu.memory_space<hbm>>
        %dma_start3A_630 = tpu.memref_slice %arg10[%dma_start3A_622] : memref<2x!tpu.dma_semaphore, #tpu.memory_space<semaphore_mem>> -> memref<1x!tpu.dma_semaphore, #tpu.memory_space<semaphore_mem>>
        %dma_start3A_631 = tpu.memref_squeeze %dma_start3A_630 : memref<1x!tpu.dma_semaphore, #tpu.memory_space<semaphore_mem>> -> memref<!tpu.dma_semaphore, #tpu.memory_space<semaphore_mem>>
        %dma_start3A_632 = arith.constant 0 : i32
        %dma_start3A_633 = arith.constant 0 : i32
        %dma_start3A_634 = tpu.memref_slice %arg4[%add3A_620, %dma_start3A_621, %add3A_9, %dma_start3A_632, %dma_start3A_633] : memref<200x4x128x8x128xf32, #tpu.memory_space<hbm>> -> memref<1x1x1x8x128xf32, #tpu.memory_space<hbm>>
        %dma_start3A_635 = tpu.memref_squeeze %dma_start3A_634 : memref<1x1x1x8x128xf32, #tpu.memory_space<hbm>> -> memref<8x128xf32, #tpu.memory_space<hbm>>
        %dma_start3A_636 = arith.constant 0 : i32
        %dma_start3A_637 = arith.constant 0 : i32
        %dma_start3A_638 = tpu.memref_slice %arg7[%dma_start3A_636, %dma_start3A_637] : memref<32x129xf32, #tpu.memory_space<vmem>> -> memref<8x128xf32, #tpu.memory_space<vmem>>
        tpu.enqueue_dma source(%dma_start3A_638 : memref<8x128xf32, #tpu.memory_space<vmem>>) target(%dma_start3A_635 : memref<8x128xf32, #tpu.memory_space<hbm>>) target_semaphore(%dma_start3A_631 : memref<!tpu.dma_semaphore, #tpu.memory_space<semaphore_mem>>)
        %dma_start3A_639 = arith.constant 1 : i32
        %dma_start3A_640 = arith.constant 0 : i32
        %dma_start3A_641 = arith.constant 8 : i32
        %dma_start3A_642 = arith.constant 0 : i32
        %dma_start3A_643 = tpu.memref_slice %arg7[%dma_start3A_641, %dma_start3A_642] : memref<32x129xf32, #tpu.memory_space<vmem>> -> memref<8x128xf32, #tpu.memory_space<vmem>>
        %dma_start3A_644 = arith.constant 0 : i32
        %dma_start3A_645 = arith.constant 0 : i32
        %dma_start3A_646 = tpu.memref_slice %arg4[%add3A_620, %dma_start3A_639, %add3A_9, %dma_start3A_644, %dma_start3A_645] : memref<200x4x128x8x128xf32, #tpu.memory_space<hbm>> -> memref<1x1x1x8x128xf32, #tpu.memory_space<hbm>>
        %dma_start3A_647 = tpu.memref_squeeze %dma_start3A_646 : memref<1x1x1x8x128xf32, #tpu.memory_space<hbm>> -> memref<8x128xf32, #tpu.memory_space<hbm>>
        %dma_start3A_648 = tpu.memref_slice %arg10[%dma_start3A_640] : memref<2x!tpu.dma_semaphore, #tpu.memory_space<semaphore_mem>> -> memref<1x!tpu.dma_semaphore, #tpu.memory_space<semaphore_mem>>
        %dma_start3A_649 = tpu.memref_squeeze %dma_start3A_648 : memref<1x!tpu.dma_semaphore, #tpu.memory_space<semaphore_mem>> -> memref<!tpu.dma_semaphore, #tpu.memory_space<semaphore_mem>>
        %dma_start3A_650 = arith.constant 0 : i32
        %dma_start3A_651 = arith.constant 0 : i32
        %dma_start3A_652 = tpu.memref_slice %arg4[%add3A_620, %dma_start3A_639, %add3A_9, %dma_start3A_650, %dma_start3A_651] : memref<200x4x128x8x128xf32, #tpu.memory_space<hbm>> -> memref<1x1x1x8x128xf32, #tpu.memory_space<hbm>>
        %dma_start3A_653 = tpu.memref_squeeze %dma_start3A_652 : memref<1x1x1x8x128xf32, #tpu.memory_space<hbm>> -> memref<8x128xf32, #tpu.memory_space<hbm>>
        %dma_start3A_654 = arith.constant 8 : i32
        %dma_start3A_655 = arith.constant 0 : i32
        %dma_start3A_656 = tpu.memref_slice %arg7[%dma_start3A_654, %dma_start3A_655] : memref<32x129xf32, #tpu.memory_space<vmem>> -> memref<8x128xf32, #tpu.memory_space<vmem>>
        tpu.enqueue_dma source(%dma_start3A_656 : memref<8x128xf32, #tpu.memory_space<vmem>>) target(%dma_start3A_653 : memref<8x128xf32, #tpu.memory_space<hbm>>) target_semaphore(%dma_start3A_649 : memref<!tpu.dma_semaphore, #tpu.memory_space<semaphore_mem>>)
        %dma_start3A_657 = arith.constant 2 : i32
        %dma_start3A_658 = arith.constant 0 : i32
        %dma_start3A_659 = arith.constant 16 : i32
        %dma_start3A_660 = arith.constant 0 : i32
        %dma_start3A_661 = tpu.memref_slice %arg7[%dma_start3A_659, %dma_start3A_660] : memref<32x129xf32, #tpu.memory_space<vmem>> -> memref<8x128xf32, #tpu.memory_space<vmem>>
        %dma_start3A_662 = arith.constant 0 : i32
        %dma_start3A_663 = arith.constant 0 : i32
        %dma_start3A_664 = tpu.memref_slice %arg4[%add3A_620, %dma_start3A_657, %add3A_9, %dma_start3A_662, %dma_start3A_663] : memref<200x4x128x8x128xf32, #tpu.memory_space<hbm>> -> memref<1x1x1x8x128xf32, #tpu.memory_space<hbm>>
        %dma_start3A_665 = tpu.memref_squeeze %dma_start3A_664 : memref<1x1x1x8x128xf32, #tpu.memory_space<hbm>> -> memref<8x128xf32, #tpu.memory_space<hbm>>
        %dma_start3A_666 = tpu.memref_slice %arg10[%dma_start3A_658] : memref<2x!tpu.dma_semaphore, #tpu.memory_space<semaphore_mem>> -> memref<1x!tpu.dma_semaphore, #tpu.memory_space<semaphore_mem>>
        %dma_start3A_667 = tpu.memref_squeeze %dma_start3A_666 : memref<1x!tpu.dma_semaphore, #tpu.memory_space<semaphore_mem>> -> memref<!tpu.dma_semaphore, #tpu.memory_space<semaphore_mem>>
        %dma_start3A_668 = arith.constant 0 : i32
        %dma_start3A_669 = arith.constant 0 : i32
        %dma_start3A_670 = tpu.memref_slice %arg4[%add3A_620, %dma_start3A_657, %add3A_9, %dma_start3A_668, %dma_start3A_669] : memref<200x4x128x8x128xf32, #tpu.memory_space<hbm>> -> memref<1x1x1x8x128xf32, #tpu.memory_space<hbm>>
        %dma_start3A_671 = tpu.memref_squeeze %dma_start3A_670 : memref<1x1x1x8x128xf32, #tpu.memory_space<hbm>> -> memref<8x128xf32, #tpu.memory_space<hbm>>
        %dma_start3A_672 = arith.constant 16 : i32
        %dma_start3A_673 = arith.constant 0 : i32
        %dma_start3A_674 = tpu.memref_slice %arg7[%dma_start3A_672, %dma_start3A_673] : memref<32x129xf32, #tpu.memory_space<vmem>> -> memref<8x128xf32, #tpu.memory_space<vmem>>
        tpu.enqueue_dma source(%dma_start3A_674 : memref<8x128xf32, #tpu.memory_space<vmem>>) target(%dma_start3A_671 : memref<8x128xf32, #tpu.memory_space<hbm>>) target_semaphore(%dma_start3A_667 : memref<!tpu.dma_semaphore, #tpu.memory_space<semaphore_mem>>)
        %dma_start3A_675 = arith.constant 3 : i32
        %dma_start3A_676 = arith.constant 0 : i32
        %dma_start3A_677 = arith.constant 24 : i32
        %dma_start3A_678 = arith.constant 0 : i32
        %dma_start3A_679 = tpu.memref_slice %arg7[%dma_start3A_677, %dma_start3A_678] : memref<32x129xf32, #tpu.memory_space<vmem>> -> memref<8x128xf32, #tpu.memory_space<vmem>>
        %dma_start3A_680 = arith.constant 0 : i32
        %dma_start3A_681 = arith.constant 0 : i32
        %dma_start3A_682 = tpu.memref_slice %arg4[%add3A_620, %dma_start3A_675, %add3A_9, %dma_start3A_680, %dma_start3A_681] : memref<200x4x128x8x128xf32, #tpu.memory_space<hbm>> -> memref<1x1x1x8x128xf32, #tpu.memory_space<hbm>>
        %dma_start3A_683 = tpu.memref_squeeze %dma_start3A_682 : memref<1x1x1x8x128xf32, #tpu.memory_space<hbm>> -> memref<8x128xf32, #tpu.memory_space<hbm>>
        %dma_start3A_684 = tpu.memref_slice %arg10[%dma_start3A_676] : memref<2x!tpu.dma_semaphore, #tpu.memory_space<semaphore_mem>> -> memref<1x!tpu.dma_semaphore, #tpu.memory_space<semaphore_mem>>
        %dma_start3A_685 = tpu.memref_squeeze %dma_start3A_684 : memref<1x!tpu.dma_semaphore, #tpu.memory_space<semaphore_mem>> -> memref<!tpu.dma_semaphore, #tpu.memory_space<semaphore_mem>>
        %dma_start3A_686 = arith.constant 0 : i32
        %dma_start3A_687 = arith.constant 0 : i32
        %dma_start3A_688 = tpu.memref_slice %arg4[%add3A_620, %dma_start3A_675, %add3A_9, %dma_start3A_686, %dma_start3A_687] : memref<200x4x128x8x128xf32, #tpu.memory_space<hbm>> -> memref<1x1x1x8x128xf32, #tpu.memory_space<hbm>>
        %dma_start3A_689 = tpu.memref_squeeze %dma_start3A_688 : memref<1x1x1x8x128xf32, #tpu.memory_space<hbm>> -> memref<8x128xf32, #tpu.memory_space<hbm>>
        %dma_start3A_690 = arith.constant 24 : i32
        %dma_start3A_691 = arith.constant 0 : i32
        %dma_start3A_692 = tpu.memref_slice %arg7[%dma_start3A_690, %dma_start3A_691] : memref<32x129xf32, #tpu.memory_space<vmem>> -> memref<8x128xf32, #tpu.memory_space<vmem>>
        tpu.enqueue_dma source(%dma_start3A_692 : memref<8x128xf32, #tpu.memory_space<vmem>>) target(%dma_start3A_689 : memref<8x128xf32, #tpu.memory_space<hbm>>) target_semaphore(%dma_start3A_685 : memref<!tpu.dma_semaphore, #tpu.memory_space<semaphore_mem>>)
        %lt3A_693 = arith.constant 24 : i32
        %lt3A_694 = arith.cmpi slt, %scan3A_302, %lt3A_693 : i32
        %convert_element_type3A_695 = arith.extui %lt3A_694 : i1 to i32
        %cond3A_696 = arith.constant 0 : i32
        %cond3A_697 = arith.cmpi ne, %convert_element_type3A_695, %cond3A_696 : i32
        scf.if %cond3A_697 {
          %add3A_1613 = arith.constant 1 : i32
          %add3A_1614 = arith.addi %scan3A_302, %add3A_1613 : i32
          %dma_start3A_1615 = arith.constant 2 : i32
          %dma_start3A_1616 = arith.constant 2 : i32
          %dma_start3A_1617 = arith.constant 2 : i32
          %dma_start3A_1618 = arith.constant 0 : i32
          %dma_start3A_1619 = arith.constant 0 : i32
          %dma_start3A_1620 = tpu.memref_slice %arg6[%dma_start3A_1616, %dma_start3A_1618, %dma_start3A_1619] : memref<8x128x32xf32, #tpu.memory_space<vmem>> -> memref<1x128x32xf32, #tpu.memory_space<vmem>>
          %dma_start3A_1621 = tpu.memref_squeeze %dma_start3A_1620 : memref<1x128x32xf32, #tpu.memory_space<vmem>> -> memref<128x32xf32, #tpu.memory_space<vmem>>
          %dma_start3A_1622 = arith.constant 0 : i32
          %dma_start3A_1623 = tpu.memref_slice %arg5[%add3A_1614, %dma_start3A_1615, %dma_start3A_1622] : memref<25x8x128xi32, #tpu.memory_space<vmem>> -> memref<1x1x128xi32, #tpu.memory_space<vmem>>
          %dma_start3A_1624 = tpu.memref_squeeze %dma_start3A_1623 : memref<1x1x128xi32, #tpu.memory_space<vmem>> -> memref<128xi32, #tpu.memory_space<vmem>>
          %dma_start3A_1625 = arith.constant 0 : i32
          %dma_start3A_1626 = arith.constant 0 : i32
          %dma_start3A_1627 = tpu.memref_slice %arg3[%dma_start3A_1625, %dma_start3A_1626] : memref<1000000x32xf32, #tpu.memory_space<hbm>> -> memref<1000000x32xf32, #tpu.memory_space<hbm>>
          %dma_start3A_1628 = tpu.memref_slice %arg9[%dma_start3A_1617] : memref<8x!tpu.dma_semaphore, #tpu.memory_space<semaphore_mem>> -> memref<1x!tpu.dma_semaphore, #tpu.memory_space<semaphore_mem>>
          %dma_start3A_1629 = tpu.memref_squeeze %dma_start3A_1628 : memref<1x!tpu.dma_semaphore, #tpu.memory_space<semaphore_mem>> -> memref<!tpu.dma_semaphore, #tpu.memory_space<semaphore_mem>>
          tpu.enqueue_indirect_dma source(%dma_start3A_1627 : memref<1000000x32xf32, #tpu.memory_space<hbm>>) target(%dma_start3A_1621 : memref<128x32xf32, #tpu.memory_space<vmem>>) offsets(%dma_start3A_1624 : memref<128xi32, #tpu.memory_space<vmem>>) semaphore(%dma_start3A_1629 : memref<!tpu.dma_semaphore, #tpu.memory_space<semaphore_mem>>)
        } else {
        }
        %dma_wait3A_698 = arith.constant 0 : i32
        %dma_wait3A_699 = arith.constant 3 : i32
        %dma_wait3A_700 = arith.constant 3 : i32
        %dma_wait3A_701 = arith.constant 3 : i32
        %dma_wait3A_702 = arith.constant 0 : i32
        %dma_wait3A_703 = arith.constant 0 : i32
        %dma_wait3A_704 = tpu.memref_slice %arg6[%dma_wait3A_700, %dma_wait3A_702, %dma_wait3A_703] : memref<8x128x32xf32, #tpu.memory_space<vmem>> -> memref<1x128x32xf32, #tpu.memory_space<vmem>>
        %dma_wait3A_705 = tpu.memref_squeeze %dma_wait3A_704 : memref<1x128x32xf32, #tpu.memory_space<vmem>> -> memref<128x32xf32, #tpu.memory_space<vmem>>
        %dma_wait3A_706 = arith.constant 0 : i32
        %dma_wait3A_707 = tpu.memref_slice %arg5[%dma_wait3A_698, %dma_wait3A_699, %dma_wait3A_706] : memref<25x8x128xi32, #tpu.memory_space<vmem>> -> memref<1x1x128xi32, #tpu.memory_space<vmem>>
        %dma_wait3A_708 = tpu.memref_squeeze %dma_wait3A_707 : memref<1x1x128xi32, #tpu.memory_space<vmem>> -> memref<128xi32, #tpu.memory_space<vmem>>
        %dma_wait3A_709 = arith.constant 0 : i32
        %dma_wait3A_710 = arith.constant 0 : i32
        %dma_wait3A_711 = tpu.memref_slice %arg3[%dma_wait3A_709, %dma_wait3A_710] : memref<1000000x32xf32, #tpu.memory_space<hbm>> -> memref<1000000x32xf32, #tpu.memory_space<hbm>>
        %dma_wait3A_712 = tpu.memref_slice %arg9[%dma_wait3A_701] : memref<8x!tpu.dma_semaphore, #tpu.memory_space<semaphore_mem>> -> memref<1x!tpu.dma_semaphore, #tpu.memory_space<semaphore_mem>>
        %dma_wait3A_713 = tpu.memref_squeeze %dma_wait3A_712 : memref<1x!tpu.dma_semaphore, #tpu.memory_space<semaphore_mem>> -> memref<!tpu.dma_semaphore, #tpu.memory_space<semaphore_mem>>
        tpu.wait_indirect_dma semaphore(%dma_wait3A_713 : memref<!tpu.dma_semaphore, #tpu.memory_space<semaphore_mem>>) src(%dma_wait3A_711 : memref<1000000x32xf32, #tpu.memory_space<hbm>>) dst(%dma_wait3A_705 : memref<128x32xf32, #tpu.memory_space<vmem>>)
        %dma_wait3A_714 = arith.constant 0 : i32
        %dma_wait3A_715 = arith.constant 0 : i32
        %dma_wait3A_716 = arith.constant 0 : i32
        %dma_wait3A_717 = arith.constant 1 : i32
        %dma_wait3A_718 = arith.constant 0 : i32
        %dma_wait3A_719 = arith.constant 0 : i32
        %dma_wait3A_720 = tpu.memref_slice %arg8[%dma_wait3A_718, %dma_wait3A_719] : memref<32x129xf32, #tpu.memory_space<vmem>> -> memref<8x128xf32, #tpu.memory_space<vmem>>
        %dma_wait3A_721 = arith.constant 0 : i32
        %dma_wait3A_722 = arith.constant 0 : i32
        %dma_wait3A_723 = tpu.memref_slice %arg4[%dma_wait3A_714, %dma_wait3A_715, %dma_wait3A_716, %dma_wait3A_721, %dma_wait3A_722] : memref<200x4x128x8x128xf32, #tpu.memory_space<hbm>> -> memref<1x1x1x8x128xf32, #tpu.memory_space<hbm>>
        %dma_wait3A_724 = tpu.memref_squeeze %dma_wait3A_723 : memref<1x1x1x8x128xf32, #tpu.memory_space<hbm>> -> memref<8x128xf32, #tpu.memory_space<hbm>>
        %dma_wait3A_725 = tpu.memref_slice %arg10[%dma_wait3A_717] : memref<2x!tpu.dma_semaphore, #tpu.memory_space<semaphore_mem>> -> memref<1x!tpu.dma_semaphore, #tpu.memory_space<semaphore_mem>>
        %dma_wait3A_726 = tpu.memref_squeeze %dma_wait3A_725 : memref<1x!tpu.dma_semaphore, #tpu.memory_space<semaphore_mem>> -> memref<!tpu.dma_semaphore, #tpu.memory_space<semaphore_mem>>
        %dma_wait3A_727 = arith.constant 0 : i32
        %dma_wait3A_728 = arith.constant 0 : i32
        %dma_wait3A_729 = tpu.memref_slice %arg4[%dma_wait3A_714, %dma_wait3A_715, %dma_wait3A_716, %dma_wait3A_727, %dma_wait3A_728] : memref<200x4x128x8x128xf32, #tpu.memory_space<hbm>> -> memref<1x1x1x8x128xf32, #tpu.memory_space<hbm>>
        %dma_wait3A_730 = tpu.memref_squeeze %dma_wait3A_729 : memref<1x1x1x8x128xf32, #tpu.memory_space<hbm>> -> memref<8x128xf32, #tpu.memory_space<hbm>>
        %dma_wait3A_731 = arith.constant 0 : i32
        %dma_wait3A_732 = arith.constant 0 : i32
        %dma_wait3A_733 = tpu.memref_slice %arg8[%dma_wait3A_731, %dma_wait3A_732] : memref<32x129xf32, #tpu.memory_space<vmem>> -> memref<8x128xf32, #tpu.memory_space<vmem>>
        tpu.wait_dma2 semaphore(%dma_wait3A_726 : memref<!tpu.dma_semaphore, #tpu.memory_space<semaphore_mem>>) src(%dma_wait3A_733 : memref<8x128xf32, #tpu.memory_space<vmem>>) dst(%dma_wait3A_730 : memref<8x128xf32, #tpu.memory_space<hbm>>)
        %dma_wait3A_734 = arith.constant 0 : i32
        %dma_wait3A_735 = arith.constant 1 : i32
        %dma_wait3A_736 = arith.constant 0 : i32
        %dma_wait3A_737 = arith.constant 1 : i32
        %dma_wait3A_738 = arith.constant 8 : i32
        %dma_wait3A_739 = arith.constant 0 : i32
        %dma_wait3A_740 = tpu.memref_slice %arg8[%dma_wait3A_738, %dma_wait3A_739] : memref<32x129xf32, #tpu.memory_space<vmem>> -> memref<8x128xf32, #tpu.memory_space<vmem>>
        %dma_wait3A_741 = arith.constant 0 : i32
        %dma_wait3A_742 = arith.constant 0 : i32
        %dma_wait3A_743 = tpu.memref_slice %arg4[%dma_wait3A_734, %dma_wait3A_735, %dma_wait3A_736, %dma_wait3A_741, %dma_wait3A_742] : memref<200x4x128x8x128xf32, #tpu.memory_space<hbm>> -> memref<1x1x1x8x128xf32, #tpu.memory_space<hbm>>
        %dma_wait3A_744 = tpu.memref_squeeze %dma_wait3A_743 : memref<1x1x1x8x128xf32, #tpu.memory_space<hbm>> -> memref<8x128xf32, #tpu.memory_space<hbm>>
        %dma_wait3A_745 = tpu.memref_slice %arg10[%dma_wait3A_737] : memref<2x!tpu.dma_semaphore, #tpu.memory_space<semaphore_mem>> -> memref<1x!tpu.dma_semaphore, #tpu.memory_space<semaphore_mem>>
        %dma_wait3A_746 = tpu.memref_squeeze %dma_wait3A_745 : memref<1x!tpu.dma_semaphore, #tpu.memory_space<semaphore_mem>> -> memref<!tpu.dma_semaphore, #tpu.memory_space<semaphore_mem>>
        %dma_wait3A_747 = arith.constant 0 : i32
        %dma_wait3A_748 = arith.constant 0 : i32
        %dma_wait3A_749 = tpu.memref_slice %arg4[%dma_wait3A_734, %dma_wait3A_735, %dma_wait3A_736, %dma_wait3A_747, %dma_wait3A_748] : memref<200x4x128x8x128xf32, #tpu.memory_space<hbm>> -> memref<1x1x1x8x128xf32, #tpu.memory_space<hbm>>
        %dma_wait3A_750 = tpu.memref_squeeze %dma_wait3A_749 : memref<1x1x1x8x128xf32, #tpu.memory_space<hbm>> -> memref<8x128xf32, #tpu.memory_space<hbm>>
        %dma_wait3A_751 = arith.constant 8 : i32
        %dma_wait3A_752 = arith.constant 0 : i32
        %dma_wait3A_753 = tpu.memref_slice %arg8[%dma_wait3A_751, %dma_wait3A_752] : memref<32x129xf32, #tpu.memory_space<vmem>> -> memref<8x128xf32, #tpu.memory_space<vmem>>
        tpu.wait_dma2 semaphore(%dma_wait3A_746 : memref<!tpu.dma_semaphore, #tpu.memory_space<semaphore_mem>>) src(%dma_wait3A_753 : memref<8x128xf32, #tpu.memory_space<vmem>>) dst(%dma_wait3A_750 : memref<8x128xf32, #tpu.memory_space<hbm>>)
        %dma_wait3A_754 = arith.constant 0 : i32
        %dma_wait3A_755 = arith.constant 2 : i32
        %dma_wait3A_756 = arith.constant 0 : i32
        %dma_wait3A_757 = arith.constant 1 : i32
        %dma_wait3A_758 = arith.constant 16 : i32
        %dma_wait3A_759 = arith.constant 0 : i32
        %dma_wait3A_760 = tpu.memref_slice %arg8[%dma_wait3A_758, %dma_wait3A_759] : memref<32x129xf32, #tpu.memory_space<vmem>> -> memref<8x128xf32, #tpu.memory_space<vmem>>
        %dma_wait3A_761 = arith.constant 0 : i32
        %dma_wait3A_762 = arith.constant 0 : i32
        %dma_wait3A_763 = tpu.memref_slice %arg4[%dma_wait3A_754, %dma_wait3A_755, %dma_wait3A_756, %dma_wait3A_761, %dma_wait3A_762] : memref<200x4x128x8x128xf32, #tpu.memory_space<hbm>> -> memref<1x1x1x8x128xf32, #tpu.memory_space<hbm>>
        %dma_wait3A_764 = tpu.memref_squeeze %dma_wait3A_763 : memref<1x1x1x8x128xf32, #tpu.memory_space<hbm>> -> memref<8x128xf32, #tpu.memory_space<hbm>>
        %dma_wait3A_765 = tpu.memref_slice %arg10[%dma_wait3A_757] : memref<2x!tpu.dma_semaphore, #tpu.memory_space<semaphore_mem>> -> memref<1x!tpu.dma_semaphore, #tpu.memory_space<semaphore_mem>>
        %dma_wait3A_766 = tpu.memref_squeeze %dma_wait3A_765 : memref<1x!tpu.dma_semaphore, #tpu.memory_space<semaphore_mem>> -> memref<!tpu.dma_semaphore, #tpu.memory_space<semaphore_mem>>
        %dma_wait3A_767 = arith.constant 0 : i32
        %dma_wait3A_768 = arith.constant 0 : i32
        %dma_wait3A_769 = tpu.memref_slice %arg4[%dma_wait3A_754, %dma_wait3A_755, %dma_wait3A_756, %dma_wait3A_767, %dma_wait3A_768] : memref<200x4x128x8x128xf32, #tpu.memory_space<hbm>> -> memref<1x1x1x8x128xf32, #tpu.memory_space<hbm>>
        %dma_wait3A_770 = tpu.memref_squeeze %dma_wait3A_769 : memref<1x1x1x8x128xf32, #tpu.memory_space<hbm>> -> memref<8x128xf32, #tpu.memory_space<hbm>>
        %dma_wait3A_771 = arith.constant 16 : i32
        %dma_wait3A_772 = arith.constant 0 : i32
        %dma_wait3A_773 = tpu.memref_slice %arg8[%dma_wait3A_771, %dma_wait3A_772] : memref<32x129xf32, #tpu.memory_space<vmem>> -> memref<8x128xf32, #tpu.memory_space<vmem>>
        tpu.wait_dma2 semaphore(%dma_wait3A_766 : memref<!tpu.dma_semaphore, #tpu.memory_space<semaphore_mem>>) src(%dma_wait3A_773 : memref<8x128xf32, #tpu.memory_space<vmem>>) dst(%dma_wait3A_770 : memref<8x128xf32, #tpu.memory_space<hbm>>)
        %dma_wait3A_774 = arith.constant 0 : i32
        %dma_wait3A_775 = arith.constant 3 : i32
        %dma_wait3A_776 = arith.constant 0 : i32
        %dma_wait3A_777 = arith.constant 1 : i32
        %dma_wait3A_778 = arith.constant 24 : i32
        %dma_wait3A_779 = arith.constant 0 : i32
        %dma_wait3A_780 = tpu.memref_slice %arg8[%dma_wait3A_778, %dma_wait3A_779] : memref<32x129xf32, #tpu.memory_space<vmem>> -> memref<8x128xf32, #tpu.memory_space<vmem>>
        %dma_wait3A_781 = arith.constant 0 : i32
        %dma_wait3A_782 = arith.constant 0 : i32
        %dma_wait3A_783 = tpu.memref_slice %arg4[%dma_wait3A_774, %dma_wait3A_775, %dma_wait3A_776, %dma_wait3A_781, %dma_wait3A_782] : memref<200x4x128x8x128xf32, #tpu.memory_space<hbm>> -> memref<1x1x1x8x128xf32, #tpu.memory_space<hbm>>
        %dma_wait3A_784 = tpu.memref_squeeze %dma_wait3A_783 : memref<1x1x1x8x128xf32, #tpu.memory_space<hbm>> -> memref<8x128xf32, #tpu.memory_space<hbm>>
        %dma_wait3A_785 = tpu.memref_slice %arg10[%dma_wait3A_777] : memref<2x!tpu.dma_semaphore, #tpu.memory_space<semaphore_mem>> -> memref<1x!tpu.dma_semaphore, #tpu.memory_space<semaphore_mem>>
        %dma_wait3A_786 = tpu.memref_squeeze %dma_wait3A_785 : memref<1x!tpu.dma_semaphore, #tpu.memory_space<semaphore_mem>> -> memref<!tpu.dma_semaphore, #tpu.memory_space<semaphore_mem>>
        %dma_wait3A_787 = arith.constant 0 : i32
        %dma_wait3A_788 = arith.constant 0 : i32
        %dma_wait3A_789 = tpu.memref_slice %arg4[%dma_wait3A_774, %dma_wait3A_775, %dma_wait3A_776, %dma_wait3A_787, %dma_wait3A_788] : memref<200x4x128x8x128xf32, #tpu.memory_space<hbm>> -> memref<1x1x1x8x128xf32, #tpu.memory_space<hbm>>
        %dma_wait3A_790 = tpu.memref_squeeze %dma_wait3A_789 : memref<1x1x1x8x128xf32, #tpu.memory_space<hbm>> -> memref<8x128xf32, #tpu.memory_space<hbm>>
        %dma_wait3A_791 = arith.constant 24 : i32
        %dma_wait3A_792 = arith.constant 0 : i32
        %dma_wait3A_793 = tpu.memref_slice %arg8[%dma_wait3A_791, %dma_wait3A_792] : memref<32x129xf32, #tpu.memory_space<vmem>> -> memref<8x128xf32, #tpu.memory_space<vmem>>
        tpu.wait_dma2 semaphore(%dma_wait3A_786 : memref<!tpu.dma_semaphore, #tpu.memory_space<semaphore_mem>>) src(%dma_wait3A_793 : memref<8x128xf32, #tpu.memory_space<vmem>>) dst(%dma_wait3A_790 : memref<8x128xf32, #tpu.memory_space<hbm>>)
        %scan3A_794 = arith.constant 0 : i32
        %scan3A_795 = arith.constant 0 : i32
        %scan3A_796 = arith.constant 32 : i32
        %scan3A_797 = arith.addi %scan3A_795, %scan3A_796 : i32
        %scan3A_798 = arith.constant 1 : i32
        scf.for %scan3A_1613 = %scan3A_795 to %scan3A_797 step %scan3A_798  : i32 {
          %mul3A_1614 = arith.constant 4 : i32
          %mul3A_1615 = arith.muli %scan3A_1613, %mul3A_1614 : i32
          %add3A_1616 = arith.constant 0 : i32
          %add3A_1617 = arith.addi %mul3A_1615, %add3A_1616 : i32
          %broadcast_in_dim3A = arith.constant 0 : i32
          %broadcast_in_dim3A_1618 = vector.broadcast %broadcast_in_dim3A : i32 to vector<16xi32>
          %add3A_1619 = vector.broadcast %add3A_1617 : i32 to vector<16xi32>
          %add3A_1620 = arith.addi %broadcast_in_dim3A_1618, %add3A_1619 : vector<16xi32>
          %get3A = arith.constant 3 : i32
          %get3A_1621 = arith.index_cast %get3A : i32 to index
          %get3A_1622 = arith.index_cast %add3A_1617 : i32 to index
          %get3A_1623 = arith.constant 0 : index
          %get3A_1624 = tpu.vector_load %arg6[%get3A_1621, %get3A_1622, %get3A_1623] {strides = array<i32>} : memref<8x128x32xf32, #tpu.memory_space<vmem>>, vector<16xf32>,
          %add3A_1625 = arith.constant 0 : i32
          %add3A_1626 = vector.broadcast %add3A_1625 : i32 to vector<16xi32>
          %add3A_1627 = arith.addi %iota3A, %add3A_1626 : vector<16xi32>
          tpu.vector_store_idx %arg8[%add3A_1627, %add3A_1620], %get3A_1624 : memref<32x129xf32, #tpu.memory_space<vmem>>[vector<16xi32>, vector<16xi32>], vector<16xf32>,
          %get3A_1628 = arith.constant 3 : i32
          %get3A_1629 = arith.index_cast %get3A_1628 : i32 to index
          %get3A_1630 = arith.index_cast %add3A_1617 : i32 to index
          %get3A_1631 = arith.constant 16 : index
          %get3A_1632 = tpu.vector_load %arg6[%get3A_1629, %get3A_1630, %get3A_1631] {strides = array<i32>} : memref<8x128x32xf32, #tpu.memory_space<vmem>>, vector<16xf32>,
          %add3A_1633 = arith.constant 16 : i32
          %add3A_1634 = vector.broadcast %add3A_1633 : i32 to vector<16xi32>
          %add3A_1635 = arith.addi %iota3A, %add3A_1634 : vector<16xi32>
          tpu.vector_store_idx %arg8[%add3A_1635, %add3A_1620], %get3A_1632 : memref<32x129xf32, #tpu.memory_space<vmem>>[vector<16xi32>, vector<16xi32>], vector<16xf32>,
          %mul3A_1636 = arith.constant 4 : i32
          %mul3A_1637 = arith.muli %scan3A_1613, %mul3A_1636 : i32
          %add3A_1638 = arith.constant 1 : i32
          %add3A_1639 = arith.addi %mul3A_1637, %add3A_1638 : i32
          %broadcast_in_dim3A_1640 = arith.constant 0 : i32
          %broadcast_in_dim3A_1641 = vector.broadcast %broadcast_in_dim3A_1640 : i32 to vector<16xi32>
          %add3A_1642 = vector.broadcast %add3A_1639 : i32 to vector<16xi32>
          %add3A_1643 = arith.addi %broadcast_in_dim3A_1641, %add3A_1642 : vector<16xi32>
          %get3A_1644 = arith.constant 3 : i32
          %get3A_1645 = arith.index_cast %get3A_1644 : i32 to index
          %get3A_1646 = arith.index_cast %add3A_1639 : i32 to index
          %get3A_1647 = arith.constant 0 : index
          %get3A_1648 = tpu.vector_load %arg6[%get3A_1645, %get3A_1646, %get3A_1647] {strides = array<i32>} : memref<8x128x32xf32, #tpu.memory_space<vmem>>, vector<16xf32>,
          %add3A_1649 = arith.constant 0 : i32
          %add3A_1650 = vector.broadcast %add3A_1649 : i32 to vector<16xi32>
          %add3A_1651 = arith.addi %iota3A, %add3A_1650 : vector<16xi32>
          tpu.vector_store_idx %arg8[%add3A_1651, %add3A_1643], %get3A_1648 : memref<32x129xf32, #tpu.memory_space<vmem>>[vector<16xi32>, vector<16xi32>], vector<16xf32>,
          %get3A_1652 = arith.constant 3 : i32
          %get3A_1653 = arith.index_cast %get3A_1652 : i32 to index
          %get3A_1654 = arith.index_cast %add3A_1639 : i32 to index
          %get3A_1655 = arith.constant 16 : index
          %get3A_1656 = tpu.vector_load %arg6[%get3A_1653, %get3A_1654, %get3A_1655] {strides = array<i32>} : memref<8x128x32xf32, #tpu.memory_space<vmem>>, vector<16xf32>,
          %add3A_1657 = arith.constant 16 : i32
          %add3A_1658 = vector.broadcast %add3A_1657 : i32 to vector<16xi32>
          %add3A_1659 = arith.addi %iota3A, %add3A_1658 : vector<16xi32>
          tpu.vector_store_idx %arg8[%add3A_1659, %add3A_1643], %get3A_1656 : memref<32x129xf32, #tpu.memory_space<vmem>>[vector<16xi32>, vector<16xi32>], vector<16xf32>,
          %mul3A_1660 = arith.constant 4 : i32
          %mul3A_1661 = arith.muli %scan3A_1613, %mul3A_1660 : i32
          %add3A_1662 = arith.constant 2 : i32
          %add3A_1663 = arith.addi %mul3A_1661, %add3A_1662 : i32
          %broadcast_in_dim3A_1664 = arith.constant 0 : i32
          %broadcast_in_dim3A_1665 = vector.broadcast %broadcast_in_dim3A_1664 : i32 to vector<16xi32>
          %add3A_1666 = vector.broadcast %add3A_1663 : i32 to vector<16xi32>
          %add3A_1667 = arith.addi %broadcast_in_dim3A_1665, %add3A_1666 : vector<16xi32>
          %get3A_1668 = arith.constant 3 : i32
          %get3A_1669 = arith.index_cast %get3A_1668 : i32 to index
          %get3A_1670 = arith.index_cast %add3A_1663 : i32 to index
          %get3A_1671 = arith.constant 0 : index
          %get3A_1672 = tpu.vector_load %arg6[%get3A_1669, %get3A_1670, %get3A_1671] {strides = array<i32>} : memref<8x128x32xf32, #tpu.memory_space<vmem>>, vector<16xf32>,
          %add3A_1673 = arith.constant 0 : i32
          %add3A_1674 = vector.broadcast %add3A_1673 : i32 to vector<16xi32>
          %add3A_1675 = arith.addi %iota3A, %add3A_1674 : vector<16xi32>
          tpu.vector_store_idx %arg8[%add3A_1675, %add3A_1667], %get3A_1672 : memref<32x129xf32, #tpu.memory_space<vmem>>[vector<16xi32>, vector<16xi32>], vector<16xf32>,
          %get3A_1676 = arith.constant 3 : i32
          %get3A_1677 = arith.index_cast %get3A_1676 : i32 to index
          %get3A_1678 = arith.index_cast %add3A_1663 : i32 to index
          %get3A_1679 = arith.constant 16 : index
          %get3A_1680 = tpu.vector_load %arg6[%get3A_1677, %get3A_1678, %get3A_1679] {strides = array<i32>} : memref<8x128x32xf32, #tpu.memory_space<vmem>>, vector<16xf32>,
          %add3A_1681 = arith.constant 16 : i32
          %add3A_1682 = vector.broadcast %add3A_1681 : i32 to vector<16xi32>
          %add3A_1683 = arith.addi %iota3A, %add3A_1682 : vector<16xi32>
          tpu.vector_store_idx %arg8[%add3A_1683, %add3A_1667], %get3A_1680 : memref<32x129xf32, #tpu.memory_space<vmem>>[vector<16xi32>, vector<16xi32>], vector<16xf32>,
          %mul3A_1684 = arith.constant 4 : i32
          %mul3A_1685 = arith.muli %scan3A_1613, %mul3A_1684 : i32
          %add3A_1686 = arith.constant 3 : i32
          %add3A_1687 = arith.addi %mul3A_1685, %add3A_1686 : i32
          %broadcast_in_dim3A_1688 = arith.constant 0 : i32
          %broadcast_in_dim3A_1689 = vector.broadcast %broadcast_in_dim3A_1688 : i32 to vector<16xi32>
          %add3A_1690 = vector.broadcast %add3A_1687 : i32 to vector<16xi32>
          %add3A_1691 = arith.addi %broadcast_in_dim3A_1689, %add3A_1690 : vector<16xi32>
          %get3A_1692 = arith.constant 3 : i32
          %get3A_1693 = arith.index_cast %get3A_1692 : i32 to index
          %get3A_1694 = arith.index_cast %add3A_1687 : i32 to index
          %get3A_1695 = arith.constant 0 : index
          %get3A_1696 = tpu.vector_load %arg6[%get3A_1693, %get3A_1694, %get3A_1695] {strides = array<i32>} : memref<8x128x32xf32, #tpu.memory_space<vmem>>, vector<16xf32>,
          %add3A_1697 = arith.constant 0 : i32
          %add3A_1698 = vector.broadcast %add3A_1697 : i32 to vector<16xi32>
          %add3A_1699 = arith.addi %iota3A, %add3A_1698 : vector<16xi32>
          tpu.vector_store_idx %arg8[%add3A_1699, %add3A_1691], %get3A_1696 : memref<32x129xf32, #tpu.memory_space<vmem>>[vector<16xi32>, vector<16xi32>], vector<16xf32>,
          %get3A_1700 = arith.constant 3 : i32
          %get3A_1701 = arith.index_cast %get3A_1700 : i32 to index
          %get3A_1702 = arith.index_cast %add3A_1687 : i32 to index
          %get3A_1703 = arith.constant 16 : index
          %get3A_1704 = tpu.vector_load %arg6[%get3A_1701, %get3A_1702, %get3A_1703] {strides = array<i32>} : memref<8x128x32xf32, #tpu.memory_space<vmem>>, vector<16xf32>,
          %add3A_1705 = arith.constant 16 : i32
          %add3A_1706 = vector.broadcast %add3A_1705 : i32 to vector<16xi32>
          %add3A_1707 = arith.addi %iota3A, %add3A_1706 : vector<16xi32>
          tpu.vector_store_idx %arg8[%add3A_1707, %add3A_1691], %get3A_1704 : memref<32x129xf32, #tpu.memory_space<vmem>>[vector<16xi32>, vector<16xi32>], vector<16xf32>,
        }
        %scan3A_799 = arith.constant 32 : i32
        %mul3A_800 = arith.constant 8 : i32
        %mul3A_801 = arith.muli %scan3A_302, %mul3A_800 : i32
        %add3A_802 = arith.constant 3 : i32
        %add3A_803 = arith.addi %mul3A_801, %add3A_802 : i32
        %dma_start3A_804 = arith.constant 0 : i32
        %dma_start3A_805 = arith.constant 1 : i32
        %dma_start3A_806 = arith.constant 0 : i32
        %dma_start3A_807 = arith.constant 0 : i32
        %dma_start3A_808 = tpu.memref_slice %arg8[%dma_start3A_806, %dma_start3A_807] : memref<32x129xf32, #tpu.memory_space<vmem>> -> memref<8x128xf32, #tpu.memory_space<vmem>>
        %dma_start3A_809 = arith.constant 0 : i32
        %dma_start3A_810 = arith.constant 0 : i32
        %dma_start3A_811 = tpu.memref_slice %arg4[%add3A_803, %dma_start3A_804, %add3A_9, %dma_start3A_809, %dma_start3A_810] : memref<200x4x128x8x128xf32, #tpu.memory_space<hbm>> -> memref<1x1x1x8x128xf32, #tpu.memory_space<hbm>>
        %dma_start3A_812 = tpu.memref_squeeze %dma_start3A_811 : memref<1x1x1x8x128xf32, #tpu.memory_space<hbm>> -> memref<8x128xf32, #tpu.memory_space<hbm>>
        %dma_start3A_813 = tpu.memref_slice %arg10[%dma_start3A_805] : memref<2x!tpu.dma_semaphore, #tpu.memory_space<semaphore_mem>> -> memref<1x!tpu.dma_semaphore, #tpu.memory_space<semaphore_mem>>
        %dma_start3A_814 = tpu.memref_squeeze %dma_start3A_813 : memref<1x!tpu.dma_semaphore, #tpu.memory_space<semaphore_mem>> -> memref<!tpu.dma_semaphore, #tpu.memory_space<semaphore_mem>>
        %dma_start3A_815 = arith.constant 0 : i32
        %dma_start3A_816 = arith.constant 0 : i32
        %dma_start3A_817 = tpu.memref_slice %arg4[%add3A_803, %dma_start3A_804, %add3A_9, %dma_start3A_815, %dma_start3A_816] : memref<200x4x128x8x128xf32, #tpu.memory_space<hbm>> -> memref<1x1x1x8x128xf32, #tpu.memory_space<hbm>>
        %dma_start3A_818 = tpu.memref_squeeze %dma_start3A_817 : memref<1x1x1x8x128xf32, #tpu.memory_space<hbm>> -> memref<8x128xf32, #tpu.memory_space<hbm>>
        %dma_start3A_819 = arith.constant 0 : i32
        %dma_start3A_820 = arith.constant 0 : i32
        %dma_start3A_821 = tpu.memref_slice %arg8[%dma_start3A_819, %dma_start3A_820] : memref<32x129xf32, #tpu.memory_space<vmem>> -> memref<8x128xf32, #tpu.memory_space<vmem>>
        tpu.enqueue_dma source(%dma_start3A_821 : memref<8x128xf32, #tpu.memory_space<vmem>>) target(%dma_start3A_818 : memref<8x128xf32, #tpu.memory_space<hbm>>) target_semaphore(%dma_start3A_814 : memref<!tpu.dma_semaphore, #tpu.memory_space<semaphore_mem>>)
        %dma_start3A_822 = arith.constant 1 : i32
        %dma_start3A_823 = arith.constant 1 : i32
        %dma_start3A_824 = arith.constant 8 : i32
        %dma_start3A_825 = arith.constant 0 : i32
        %dma_start3A_826 = tpu.memref_slice %arg8[%dma_start3A_824, %dma_start3A_825] : memref<32x129xf32, #tpu.memory_space<vmem>> -> memref<8x128xf32, #tpu.memory_space<vmem>>
        %dma_start3A_827 = arith.constant 0 : i32
        %dma_start3A_828 = arith.constant 0 : i32
        %dma_start3A_829 = tpu.memref_slice %arg4[%add3A_803, %dma_start3A_822, %add3A_9, %dma_start3A_827, %dma_start3A_828] : memref<200x4x128x8x128xf32, #tpu.memory_space<hbm>> -> memref<1x1x1x8x128xf32, #tpu.memory_space<hbm>>
        %dma_start3A_830 = tpu.memref_squeeze %dma_start3A_829 : memref<1x1x1x8x128xf32, #tpu.memory_space<hbm>> -> memref<8x128xf32, #tpu.memory_space<hbm>>
        %dma_start3A_831 = tpu.memref_slice %arg10[%dma_start3A_823] : memref<2x!tpu.dma_semaphore, #tpu.memory_space<semaphore_mem>> -> memref<1x!tpu.dma_semaphore, #tpu.memory_space<semaphore_mem>>
        %dma_start3A_832 = tpu.memref_squeeze %dma_start3A_831 : memref<1x!tpu.dma_semaphore, #tpu.memory_space<semaphore_mem>> -> memref<!tpu.dma_semaphore, #tpu.memory_space<semaphore_mem>>
        %dma_start3A_833 = arith.constant 0 : i32
        %dma_start3A_834 = arith.constant 0 : i32
        %dma_start3A_835 = tpu.memref_slice %arg4[%add3A_803, %dma_start3A_822, %add3A_9, %dma_start3A_833, %dma_start3A_834] : memref<200x4x128x8x128xf32, #tpu.memory_space<hbm>> -> memref<1x1x1x8x128xf32, #tpu.memory_space<hbm>>
        %dma_start3A_836 = tpu.memref_squeeze %dma_start3A_835 : memref<1x1x1x8x128xf32, #tpu.memory_space<hbm>> -> memref<8x128xf32, #tpu.memory_space<hbm>>
        %dma_start3A_837 = arith.constant 8 : i32
        %dma_start3A_838 = arith.constant 0 : i32
        %dma_start3A_839 = tpu.memref_slice %arg8[%dma_start3A_837, %dma_start3A_838] : memref<32x129xf32, #tpu.memory_space<vmem>> -> memref<8x128xf32, #tpu.memory_space<vmem>>
        tpu.enqueue_dma source(%dma_start3A_839 : memref<8x128xf32, #tpu.memory_space<vmem>>) target(%dma_start3A_836 : memref<8x128xf32, #tpu.memory_space<hbm>>) target_semaphore(%dma_start3A_832 : memref<!tpu.dma_semaphore, #tpu.memory_space<semaphore_mem>>)
        %dma_start3A_840 = arith.constant 2 : i32
        %dma_start3A_841 = arith.constant 1 : i32
        %dma_start3A_842 = arith.constant 16 : i32
        %dma_start3A_843 = arith.constant 0 : i32
        %dma_start3A_844 = tpu.memref_slice %arg8[%dma_start3A_842, %dma_start3A_843] : memref<32x129xf32, #tpu.memory_space<vmem>> -> memref<8x128xf32, #tpu.memory_space<vmem>>
        %dma_start3A_845 = arith.constant 0 : i32
        %dma_start3A_846 = arith.constant 0 : i32
        %dma_start3A_847 = tpu.memref_slice %arg4[%add3A_803, %dma_start3A_840, %add3A_9, %dma_start3A_845, %dma_start3A_846] : memref<200x4x128x8x128xf32, #tpu.memory_space<hbm>> -> memref<1x1x1x8x128xf32, #tpu.memory_space<hbm>>
        %dma_start3A_848 = tpu.memref_squeeze %dma_start3A_847 : memref<1x1x1x8x128xf32, #tpu.memory_space<hbm>> -> memref<8x128xf32, #tpu.memory_space<hbm>>
        %dma_start3A_849 = tpu.memref_slice %arg10[%dma_start3A_841] : memref<2x!tpu.dma_semaphore, #tpu.memory_space<semaphore_mem>> -> memref<1x!tpu.dma_semaphore, #tpu.memory_space<semaphore_mem>>
        %dma_start3A_850 = tpu.memref_squeeze %dma_start3A_849 : memref<1x!tpu.dma_semaphore, #tpu.memory_space<semaphore_mem>> -> memref<!tpu.dma_semaphore, #tpu.memory_space<semaphore_mem>>
        %dma_start3A_851 = arith.constant 0 : i32
        %dma_start3A_852 = arith.constant 0 : i32
        %dma_start3A_853 = tpu.memref_slice %arg4[%add3A_803, %dma_start3A_840, %add3A_9, %dma_start3A_851, %dma_start3A_852] : memref<200x4x128x8x128xf32, #tpu.memory_space<hbm>> -> memref<1x1x1x8x128xf32, #tpu.memory_space<hbm>>
        %dma_start3A_854 = tpu.memref_squeeze %dma_start3A_853 : memref<1x1x1x8x128xf32, #tpu.memory_space<hbm>> -> memref<8x128xf32, #tpu.memory_space<hbm>>
        %dma_start3A_855 = arith.constant 16 : i32
        %dma_start3A_856 = arith.constant 0 : i32
        %dma_start3A_857 = tpu.memref_slice %arg8[%dma_start3A_855, %dma_start3A_856] : memref<32x129xf32, #tpu.memory_space<vmem>> -> memref<8x128xf32, #tpu.memory_space<vmem>>
        tpu.enqueue_dma source(%dma_start3A_857 : memref<8x128xf32, #tpu.memory_space<vmem>>) target(%dma_start3A_854 : memref<8x128xf32, #tpu.memory_space<hbm>>) target_semaphore(%dma_start3A_850 : memref<!tpu.dma_semaphore, #tpu.memory_space<semaphore_mem>>)
        %dma_start3A_858 = arith.constant 3 : i32
        %dma_start3A_859 = arith.constant 1 : i32
        %dma_start3A_860 = arith.constant 24 : i32
        %dma_start3A_861 = arith.constant 0 : i32
        %dma_start3A_862 = tpu.memref_slice %arg8[%dma_start3A_860, %dma_start3A_861] : memref<32x129xf32, #tpu.memory_space<vmem>> -> memref<8x128xf32, #tpu.memory_space<vmem>>
        %dma_start3A_863 = arith.constant 0 : i32
        %dma_start3A_864 = arith.constant 0 : i32
        %dma_start3A_865 = tpu.memref_slice %arg4[%add3A_803, %dma_start3A_858, %add3A_9, %dma_start3A_863, %dma_start3A_864] : memref<200x4x128x8x128xf32, #tpu.memory_space<hbm>> -> memref<1x1x1x8x128xf32, #tpu.memory_space<hbm>>
        %dma_start3A_866 = tpu.memref_squeeze %dma_start3A_865 : memref<1x1x1x8x128xf32, #tpu.memory_space<hbm>> -> memref<8x128xf32, #tpu.memory_space<hbm>>
        %dma_start3A_867 = tpu.memref_slice %arg10[%dma_start3A_859] : memref<2x!tpu.dma_semaphore, #tpu.memory_space<semaphore_mem>> -> memref<1x!tpu.dma_semaphore, #tpu.memory_space<semaphore_mem>>
        %dma_start3A_868 = tpu.memref_squeeze %dma_start3A_867 : memref<1x!tpu.dma_semaphore, #tpu.memory_space<semaphore_mem>> -> memref<!tpu.dma_semaphore, #tpu.memory_space<semaphore_mem>>
        %dma_start3A_869 = arith.constant 0 : i32
        %dma_start3A_870 = arith.constant 0 : i32
        %dma_start3A_871 = tpu.memref_slice %arg4[%add3A_803, %dma_start3A_858, %add3A_9, %dma_start3A_869, %dma_start3A_870] : memref<200x4x128x8x128xf32, #tpu.memory_space<hbm>> -> memref<1x1x1x8x128xf32, #tpu.memory_space<hbm>>
        %dma_start3A_872 = tpu.memref_squeeze %dma_start3A_871 : memref<1x1x1x8x128xf32, #tpu.memory_space<hbm>> -> memref<8x128xf32, #tpu.memory_space<hbm>>
        %dma_start3A_873 = arith.constant 24 : i32
        %dma_start3A_874 = arith.constant 0 : i32
        %dma_start3A_875 = tpu.memref_slice %arg8[%dma_start3A_873, %dma_start3A_874] : memref<32x129xf32, #tpu.memory_space<vmem>> -> memref<8x128xf32, #tpu.memory_space<vmem>>
        tpu.enqueue_dma source(%dma_start3A_875 : memref<8x128xf32, #tpu.memory_space<vmem>>) target(%dma_start3A_872 : memref<8x128xf32, #tpu.memory_space<hbm>>) target_semaphore(%dma_start3A_868 : memref<!tpu.dma_semaphore, #tpu.memory_space<semaphore_mem>>)
        %lt3A_876 = arith.constant 24 : i32
        %lt3A_877 = arith.cmpi slt, %scan3A_302, %lt3A_876 : i32
        %convert_element_type3A_878 = arith.extui %lt3A_877 : i1 to i32
        %cond3A_879 = arith.constant 0 : i32
        %cond3A_880 = arith.cmpi ne, %convert_element_type3A_878, %cond3A_879 : i32
        scf.if %cond3A_880 {
          %add3A_1613 = arith.constant 1 : i32
          %add3A_1614 = arith.addi %scan3A_302, %add3A_1613 : i32
          %dma_start3A_1615 = arith.constant 3 : i32
          %dma_start3A_1616 = arith.constant 3 : i32
          %dma_start3A_1617 = arith.constant 3 : i32
          %dma_start3A_1618 = arith.constant 0 : i32
          %dma_start3A_1619 = arith.constant 0 : i32
          %dma_start3A_1620 = tpu.memref_slice %arg6[%dma_start3A_1616, %dma_start3A_1618, %dma_start3A_1619] : memref<8x128x32xf32, #tpu.memory_space<vmem>> -> memref<1x128x32xf32, #tpu.memory_space<vmem>>
          %dma_start3A_1621 = tpu.memref_squeeze %dma_start3A_1620 : memref<1x128x32xf32, #tpu.memory_space<vmem>> -> memref<128x32xf32, #tpu.memory_space<vmem>>
          %dma_start3A_1622 = arith.constant 0 : i32
          %dma_start3A_1623 = tpu.memref_slice %arg5[%add3A_1614, %dma_start3A_1615, %dma_start3A_1622] : memref<25x8x128xi32, #tpu.memory_space<vmem>> -> memref<1x1x128xi32, #tpu.memory_space<vmem>>
          %dma_start3A_1624 = tpu.memref_squeeze %dma_start3A_1623 : memref<1x1x128xi32, #tpu.memory_space<vmem>> -> memref<128xi32, #tpu.memory_space<vmem>>
          %dma_start3A_1625 = arith.constant 0 : i32
          %dma_start3A_1626 = arith.constant 0 : i32
          %dma_start3A_1627 = tpu.memref_slice %arg3[%dma_start3A_1625, %dma_start3A_1626] : memref<1000000x32xf32, #tpu.memory_space<hbm>> -> memref<1000000x32xf32, #tpu.memory_space<hbm>>
          %dma_start3A_1628 = tpu.memref_slice %arg9[%dma_start3A_1617] : memref<8x!tpu.dma_semaphore, #tpu.memory_space<semaphore_mem>> -> memref<1x!tpu.dma_semaphore, #tpu.memory_space<semaphore_mem>>
          %dma_start3A_1629 = tpu.memref_squeeze %dma_start3A_1628 : memref<1x!tpu.dma_semaphore, #tpu.memory_space<semaphore_mem>> -> memref<!tpu.dma_semaphore, #tpu.memory_space<semaphore_mem>>
          tpu.enqueue_indirect_dma source(%dma_start3A_1627 : memref<1000000x32xf32, #tpu.memory_space<hbm>>) target(%dma_start3A_1621 : memref<128x32xf32, #tpu.memory_space<vmem>>) offsets(%dma_start3A_1624 : memref<128xi32, #tpu.memory_space<vmem>>) semaphore(%dma_start3A_1629 : memref<!tpu.dma_semaphore, #tpu.memory_space<semaphore_mem>>)
        } else {
        }
        %dma_wait3A_881 = arith.constant 0 : i32
        %dma_wait3A_882 = arith.constant 4 : i32
        %dma_wait3A_883 = arith.constant 4 : i32
        %dma_wait3A_884 = arith.constant 4 : i32
        %dma_wait3A_885 = arith.constant 0 : i32
        %dma_wait3A_886 = arith.constant 0 : i32
        %dma_wait3A_887 = tpu.memref_slice %arg6[%dma_wait3A_883, %dma_wait3A_885, %dma_wait3A_886] : memref<8x128x32xf32, #tpu.memory_space<vmem>> -> memref<1x128x32xf32, #tpu.memory_space<vmem>>
        %dma_wait3A_888 = tpu.memref_squeeze %dma_wait3A_887 : memref<1x128x32xf32, #tpu.memory_space<vmem>> -> memref<128x32xf32, #tpu.memory_space<vmem>>
        %dma_wait3A_889 = arith.constant 0 : i32
        %dma_wait3A_890 = tpu.memref_slice %arg5[%dma_wait3A_881, %dma_wait3A_882, %dma_wait3A_889] : memref<25x8x128xi32, #tpu.memory_space<vmem>> -> memref<1x1x128xi32, #tpu.memory_space<vmem>>
        %dma_wait3A_891 = tpu.memref_squeeze %dma_wait3A_890 : memref<1x1x128xi32, #tpu.memory_space<vmem>> -> memref<128xi32, #tpu.memory_space<vmem>>
        %dma_wait3A_892 = arith.constant 0 : i32
        %dma_wait3A_893 = arith.constant 0 : i32
        %dma_wait3A_894 = tpu.memref_slice %arg3[%dma_wait3A_892, %dma_wait3A_893] : memref<1000000x32xf32, #tpu.memory_space<hbm>> -> memref<1000000x32xf32, #tpu.memory_space<hbm>>
        %dma_wait3A_895 = tpu.memref_slice %arg9[%dma_wait3A_884] : memref<8x!tpu.dma_semaphore, #tpu.memory_space<semaphore_mem>> -> memref<1x!tpu.dma_semaphore, #tpu.memory_space<semaphore_mem>>
        %dma_wait3A_896 = tpu.memref_squeeze %dma_wait3A_895 : memref<1x!tpu.dma_semaphore, #tpu.memory_space<semaphore_mem>> -> memref<!tpu.dma_semaphore, #tpu.memory_space<semaphore_mem>>
        tpu.wait_indirect_dma semaphore(%dma_wait3A_896 : memref<!tpu.dma_semaphore, #tpu.memory_space<semaphore_mem>>) src(%dma_wait3A_894 : memref<1000000x32xf32, #tpu.memory_space<hbm>>) dst(%dma_wait3A_888 : memref<128x32xf32, #tpu.memory_space<vmem>>)
        %dma_wait3A_897 = arith.constant 0 : i32
        %dma_wait3A_898 = arith.constant 0 : i32
        %dma_wait3A_899 = arith.constant 0 : i32
        %dma_wait3A_900 = arith.constant 0 : i32
        %dma_wait3A_901 = arith.constant 0 : i32
        %dma_wait3A_902 = arith.constant 0 : i32
        %dma_wait3A_903 = tpu.memref_slice %arg7[%dma_wait3A_901, %dma_wait3A_902] : memref<32x129xf32, #tpu.memory_space<vmem>> -> memref<8x128xf32, #tpu.memory_space<vmem>>
        %dma_wait3A_904 = arith.constant 0 : i32
        %dma_wait3A_905 = arith.constant 0 : i32
        %dma_wait3A_906 = tpu.memref_slice %arg4[%dma_wait3A_897, %dma_wait3A_898, %dma_wait3A_899, %dma_wait3A_904, %dma_wait3A_905] : memref<200x4x128x8x128xf32, #tpu.memory_space<hbm>> -> memref<1x1x1x8x128xf32, #tpu.memory_space<hbm>>
        %dma_wait3A_907 = tpu.memref_squeeze %dma_wait3A_906 : memref<1x1x1x8x128xf32, #tpu.memory_space<hbm>> -> memref<8x128xf32, #tpu.memory_space<hbm>>
        %dma_wait3A_908 = tpu.memref_slice %arg10[%dma_wait3A_900] : memref<2x!tpu.dma_semaphore, #tpu.memory_space<semaphore_mem>> -> memref<1x!tpu.dma_semaphore, #tpu.memory_space<semaphore_mem>>
        %dma_wait3A_909 = tpu.memref_squeeze %dma_wait3A_908 : memref<1x!tpu.dma_semaphore, #tpu.memory_space<semaphore_mem>> -> memref<!tpu.dma_semaphore, #tpu.memory_space<semaphore_mem>>
        %dma_wait3A_910 = arith.constant 0 : i32
        %dma_wait3A_911 = arith.constant 0 : i32
        %dma_wait3A_912 = tpu.memref_slice %arg4[%dma_wait3A_897, %dma_wait3A_898, %dma_wait3A_899, %dma_wait3A_910, %dma_wait3A_911] : memref<200x4x128x8x128xf32, #tpu.memory_space<hbm>> -> memref<1x1x1x8x128xf32, #tpu.memory_space<hbm>>
        %dma_wait3A_913 = tpu.memref_squeeze %dma_wait3A_912 : memref<1x1x1x8x128xf32, #tpu.memory_space<hbm>> -> memref<8x128xf32, #tpu.memory_space<hbm>>
        %dma_wait3A_914 = arith.constant 0 : i32
        %dma_wait3A_915 = arith.constant 0 : i32
        %dma_wait3A_916 = tpu.memref_slice %arg7[%dma_wait3A_914, %dma_wait3A_915] : memref<32x129xf32, #tpu.memory_space<vmem>> -> memref<8x128xf32, #tpu.memory_space<vmem>>
        tpu.wait_dma2 semaphore(%dma_wait3A_909 : memref<!tpu.dma_semaphore, #tpu.memory_space<semaphore_mem>>) src(%dma_wait3A_916 : memref<8x128xf32, #tpu.memory_space<vmem>>) dst(%dma_wait3A_913 : memref<8x128xf32, #tpu.memory_space<hbm>>)
        %dma_wait3A_917 = arith.constant 0 : i32
        %dma_wait3A_918 = arith.constant 1 : i32
        %dma_wait3A_919 = arith.constant 0 : i32
        %dma_wait3A_920 = arith.constant 0 : i32
        %dma_wait3A_921 = arith.constant 8 : i32
        %dma_wait3A_922 = arith.constant 0 : i32
        %dma_wait3A_923 = tpu.memref_slice %arg7[%dma_wait3A_921, %dma_wait3A_922] : memref<32x129xf32, #tpu.memory_space<vmem>> -> memref<8x128xf32, #tpu.memory_space<vmem>>
        %dma_wait3A_924 = arith.constant 0 : i32
        %dma_wait3A_925 = arith.constant 0 : i32
        %dma_wait3A_926 = tpu.memref_slice %arg4[%dma_wait3A_917, %dma_wait3A_918, %dma_wait3A_919, %dma_wait3A_924, %dma_wait3A_925] : memref<200x4x128x8x128xf32, #tpu.memory_space<hbm>> -> memref<1x1x1x8x128xf32, #tpu.memory_space<hbm>>
        %dma_wait3A_927 = tpu.memref_squeeze %dma_wait3A_926 : memref<1x1x1x8x128xf32, #tpu.memory_space<hbm>> -> memref<8x128xf32, #tpu.memory_space<hbm>>
        %dma_wait3A_928 = tpu.memref_slice %arg10[%dma_wait3A_920] : memref<2x!tpu.dma_semaphore, #tpu.memory_space<semaphore_mem>> -> memref<1x!tpu.dma_semaphore, #tpu.memory_space<semaphore_mem>>
        %dma_wait3A_929 = tpu.memref_squeeze %dma_wait3A_928 : memref<1x!tpu.dma_semaphore, #tpu.memory_space<semaphore_mem>> -> memref<!tpu.dma_semaphore, #tpu.memory_space<semaphore_mem>>
        %dma_wait3A_930 = arith.constant 0 : i32
        %dma_wait3A_931 = arith.constant 0 : i32
        %dma_wait3A_932 = tpu.memref_slice %arg4[%dma_wait3A_917, %dma_wait3A_918, %dma_wait3A_919, %dma_wait3A_930, %dma_wait3A_931] : memref<200x4x128x8x128xf32, #tpu.memory_space<hbm>> -> memref<1x1x1x8x128xf32, #tpu.memory_space<hbm>>
        %dma_wait3A_933 = tpu.memref_squeeze %dma_wait3A_932 : memref<1x1x1x8x128xf32, #tpu.memory_space<hbm>> -> memref<8x128xf32, #tpu.memory_space<hbm>>
        %dma_wait3A_934 = arith.constant 8 : i32
        %dma_wait3A_935 = arith.constant 0 : i32
        %dma_wait3A_936 = tpu.memref_slice %arg7[%dma_wait3A_934, %dma_wait3A_935] : memref<32x129xf32, #tpu.memory_space<vmem>> -> memref<8x128xf32, #tpu.memory_space<vmem>>
        tpu.wait_dma2 semaphore(%dma_wait3A_929 : memref<!tpu.dma_semaphore, #tpu.memory_space<semaphore_mem>>) src(%dma_wait3A_936 : memref<8x128xf32, #tpu.memory_space<vmem>>) dst(%dma_wait3A_933 : memref<8x128xf32, #tpu.memory_space<hbm>>)
        %dma_wait3A_937 = arith.constant 0 : i32
        %dma_wait3A_938 = arith.constant 2 : i32
        %dma_wait3A_939 = arith.constant 0 : i32
        %dma_wait3A_940 = arith.constant 0 : i32
        %dma_wait3A_941 = arith.constant 16 : i32
        %dma_wait3A_942 = arith.constant 0 : i32
        %dma_wait3A_943 = tpu.memref_slice %arg7[%dma_wait3A_941, %dma_wait3A_942] : memref<32x129xf32, #tpu.memory_space<vmem>> -> memref<8x128xf32, #tpu.memory_space<vmem>>
        %dma_wait3A_944 = arith.constant 0 : i32
        %dma_wait3A_945 = arith.constant 0 : i32
        %dma_wait3A_946 = tpu.memref_slice %arg4[%dma_wait3A_937, %dma_wait3A_938, %dma_wait3A_939, %dma_wait3A_944, %dma_wait3A_945] : memref<200x4x128x8x128xf32, #tpu.memory_space<hbm>> -> memref<1x1x1x8x128xf32, #tpu.memory_space<hbm>>
        %dma_wait3A_947 = tpu.memref_squeeze %dma_wait3A_946 : memref<1x1x1x8x128xf32, #tpu.memory_space<hbm>> -> memref<8x128xf32, #tpu.memory_space<hbm>>
        %dma_wait3A_948 = tpu.memref_slice %arg10[%dma_wait3A_940] : memref<2x!tpu.dma_semaphore, #tpu.memory_space<semaphore_mem>> -> memref<1x!tpu.dma_semaphore, #tpu.memory_space<semaphore_mem>>
        %dma_wait3A_949 = tpu.memref_squeeze %dma_wait3A_948 : memref<1x!tpu.dma_semaphore, #tpu.memory_space<semaphore_mem>> -> memref<!tpu.dma_semaphore, #tpu.memory_space<semaphore_mem>>
        %dma_wait3A_950 = arith.constant 0 : i32
        %dma_wait3A_951 = arith.constant 0 : i32
        %dma_wait3A_952 = tpu.memref_slice %arg4[%dma_wait3A_937, %dma_wait3A_938, %dma_wait3A_939, %dma_wait3A_950, %dma_wait3A_951] : memref<200x4x128x8x128xf32, #tpu.memory_space<hbm>> -> memref<1x1x1x8x128xf32, #tpu.memory_space<hbm>>
        %dma_wait3A_953 = tpu.memref_squeeze %dma_wait3A_952 : memref<1x1x1x8x128xf32, #tpu.memory_space<hbm>> -> memref<8x128xf32, #tpu.memory_space<hbm>>
        %dma_wait3A_954 = arith.constant 16 : i32
        %dma_wait3A_955 = arith.constant 0 : i32
        %dma_wait3A_956 = tpu.memref_slice %arg7[%dma_wait3A_954, %dma_wait3A_955] : memref<32x129xf32, #tpu.memory_space<vmem>> -> memref<8x128xf32, #tpu.memory_space<vmem>>
        tpu.wait_dma2 semaphore(%dma_wait3A_949 : memref<!tpu.dma_semaphore, #tpu.memory_space<semaphore_mem>>) src(%dma_wait3A_956 : memref<8x128xf32, #tpu.memory_space<vmem>>) dst(%dma_wait3A_953 : memref<8x128xf32, #tpu.memory_space<hbm>>)
        %dma_wait3A_957 = arith.constant 0 : i32
        %dma_wait3A_958 = arith.constant 3 : i32
        %dma_wait3A_959 = arith.constant 0 : i32
        %dma_wait3A_960 = arith.constant 0 : i32
        %dma_wait3A_961 = arith.constant 24 : i32
        %dma_wait3A_962 = arith.constant 0 : i32
        %dma_wait3A_963 = tpu.memref_slice %arg7[%dma_wait3A_961, %dma_wait3A_962] : memref<32x129xf32, #tpu.memory_space<vmem>> -> memref<8x128xf32, #tpu.memory_space<vmem>>
        %dma_wait3A_964 = arith.constant 0 : i32
        %dma_wait3A_965 = arith.constant 0 : i32
        %dma_wait3A_966 = tpu.memref_slice %arg4[%dma_wait3A_957, %dma_wait3A_958, %dma_wait3A_959, %dma_wait3A_964, %dma_wait3A_965] : memref<200x4x128x8x128xf32, #tpu.memory_space<hbm>> -> memref<1x1x1x8x128xf32, #tpu.memory_space<hbm>>
        %dma_wait3A_967 = tpu.memref_squeeze %dma_wait3A_966 : memref<1x1x1x8x128xf32, #tpu.memory_space<hbm>> -> memref<8x128xf32, #tpu.memory_space<hbm>>
        %dma_wait3A_968 = tpu.memref_slice %arg10[%dma_wait3A_960] : memref<2x!tpu.dma_semaphore, #tpu.memory_space<semaphore_mem>> -> memref<1x!tpu.dma_semaphore, #tpu.memory_space<semaphore_mem>>
        %dma_wait3A_969 = tpu.memref_squeeze %dma_wait3A_968 : memref<1x!tpu.dma_semaphore, #tpu.memory_space<semaphore_mem>> -> memref<!tpu.dma_semaphore, #tpu.memory_space<semaphore_mem>>
        %dma_wait3A_970 = arith.constant 0 : i32
        %dma_wait3A_971 = arith.constant 0 : i32
        %dma_wait3A_972 = tpu.memref_slice %arg4[%dma_wait3A_957, %dma_wait3A_958, %dma_wait3A_959, %dma_wait3A_970, %dma_wait3A_971] : memref<200x4x128x8x128xf32, #tpu.memory_space<hbm>> -> memref<1x1x1x8x128xf32, #tpu.memory_space<hbm>>
        %dma_wait3A_973 = tpu.memref_squeeze %dma_wait3A_972 : memref<1x1x1x8x128xf32, #tpu.memory_space<hbm>> -> memref<8x128xf32, #tpu.memory_space<hbm>>
        %dma_wait3A_974 = arith.constant 24 : i32
        %dma_wait3A_975 = arith.constant 0 : i32
        %dma_wait3A_976 = tpu.memref_slice %arg7[%dma_wait3A_974, %dma_wait3A_975] : memref<32x129xf32, #tpu.memory_space<vmem>> -> memref<8x128xf32, #tpu.memory_space<vmem>>
        tpu.wait_dma2 semaphore(%dma_wait3A_969 : memref<!tpu.dma_semaphore, #tpu.memory_space<semaphore_mem>>) src(%dma_wait3A_976 : memref<8x128xf32, #tpu.memory_space<vmem>>) dst(%dma_wait3A_973 : memref<8x128xf32, #tpu.memory_space<hbm>>)
        %scan3A_977 = arith.constant 0 : i32
        %scan3A_978 = arith.constant 0 : i32
        %scan3A_979 = arith.constant 32 : i32
        %scan3A_980 = arith.addi %scan3A_978, %scan3A_979 : i32
        %scan3A_981 = arith.constant 1 : i32
        scf.for %scan3A_1613 = %scan3A_978 to %scan3A_980 step %scan3A_981  : i32 {
          %mul3A_1614 = arith.constant 4 : i32
          %mul3A_1615 = arith.muli %scan3A_1613, %mul3A_1614 : i32
          %add3A_1616 = arith.constant 0 : i32
          %add3A_1617 = arith.addi %mul3A_1615, %add3A_1616 : i32
          %broadcast_in_dim3A = arith.constant 0 : i32
          %broadcast_in_dim3A_1618 = vector.broadcast %broadcast_in_dim3A : i32 to vector<16xi32>
          %add3A_1619 = vector.broadcast %add3A_1617 : i32 to vector<16xi32>
          %add3A_1620 = arith.addi %broadcast_in_dim3A_1618, %add3A_1619 : vector<16xi32>
          %get3A = arith.constant 4 : i32
          %get3A_1621 = arith.index_cast %get3A : i32 to index
          %get3A_1622 = arith.index_cast %add3A_1617 : i32 to index
          %get3A_1623 = arith.constant 0 : index
          %get3A_1624 = tpu.vector_load %arg6[%get3A_1621, %get3A_1622, %get3A_1623] {strides = array<i32>} : memref<8x128x32xf32, #tpu.memory_space<vmem>>, vector<16xf32>,
          %add3A_1625 = arith.constant 0 : i32
          %add3A_1626 = vector.broadcast %add3A_1625 : i32 to vector<16xi32>
          %add3A_1627 = arith.addi %iota3A, %add3A_1626 : vector<16xi32>
          tpu.vector_store_idx %arg7[%add3A_1627, %add3A_1620], %get3A_1624 : memref<32x129xf32, #tpu.memory_space<vmem>>[vector<16xi32>, vector<16xi32>], vector<16xf32>,
          %get3A_1628 = arith.constant 4 : i32
          %get3A_1629 = arith.index_cast %get3A_1628 : i32 to index
          %get3A_1630 = arith.index_cast %add3A_1617 : i32 to index
          %get3A_1631 = arith.constant 16 : index
          %get3A_1632 = tpu.vector_load %arg6[%get3A_1629, %get3A_1630, %get3A_1631] {strides = array<i32>} : memref<8x128x32xf32, #tpu.memory_space<vmem>>, vector<16xf32>,
          %add3A_1633 = arith.constant 16 : i32
          %add3A_1634 = vector.broadcast %add3A_1633 : i32 to vector<16xi32>
          %add3A_1635 = arith.addi %iota3A, %add3A_1634 : vector<16xi32>
          tpu.vector_store_idx %arg7[%add3A_1635, %add3A_1620], %get3A_1632 : memref<32x129xf32, #tpu.memory_space<vmem>>[vector<16xi32>, vector<16xi32>], vector<16xf32>,
          %mul3A_1636 = arith.constant 4 : i32
          %mul3A_1637 = arith.muli %scan3A_1613, %mul3A_1636 : i32
          %add3A_1638 = arith.constant 1 : i32
          %add3A_1639 = arith.addi %mul3A_1637, %add3A_1638 : i32
          %broadcast_in_dim3A_1640 = arith.constant 0 : i32
          %broadcast_in_dim3A_1641 = vector.broadcast %broadcast_in_dim3A_1640 : i32 to vector<16xi32>
          %add3A_1642 = vector.broadcast %add3A_1639 : i32 to vector<16xi32>
          %add3A_1643 = arith.addi %broadcast_in_dim3A_1641, %add3A_1642 : vector<16xi32>
          %get3A_1644 = arith.constant 4 : i32
          %get3A_1645 = arith.index_cast %get3A_1644 : i32 to index
          %get3A_1646 = arith.index_cast %add3A_1639 : i32 to index
          %get3A_1647 = arith.constant 0 : index
          %get3A_1648 = tpu.vector_load %arg6[%get3A_1645, %get3A_1646, %get3A_1647] {strides = array<i32>} : memref<8x128x32xf32, #tpu.memory_space<vmem>>, vector<16xf32>,
          %add3A_1649 = arith.constant 0 : i32
          %add3A_1650 = vector.broadcast %add3A_1649 : i32 to vector<16xi32>
          %add3A_1651 = arith.addi %iota3A, %add3A_1650 : vector<16xi32>
          tpu.vector_store_idx %arg7[%add3A_1651, %add3A_1643], %get3A_1648 : memref<32x129xf32, #tpu.memory_space<vmem>>[vector<16xi32>, vector<16xi32>], vector<16xf32>,
          %get3A_1652 = arith.constant 4 : i32
          %get3A_1653 = arith.index_cast %get3A_1652 : i32 to index
          %get3A_1654 = arith.index_cast %add3A_1639 : i32 to index
          %get3A_1655 = arith.constant 16 : index
          %get3A_1656 = tpu.vector_load %arg6[%get3A_1653, %get3A_1654, %get3A_1655] {strides = array<i32>} : memref<8x128x32xf32, #tpu.memory_space<vmem>>, vector<16xf32>,
          %add3A_1657 = arith.constant 16 : i32
          %add3A_1658 = vector.broadcast %add3A_1657 : i32 to vector<16xi32>
          %add3A_1659 = arith.addi %iota3A, %add3A_1658 : vector<16xi32>
          tpu.vector_store_idx %arg7[%add3A_1659, %add3A_1643], %get3A_1656 : memref<32x129xf32, #tpu.memory_space<vmem>>[vector<16xi32>, vector<16xi32>], vector<16xf32>,
          %mul3A_1660 = arith.constant 4 : i32
          %mul3A_1661 = arith.muli %scan3A_1613, %mul3A_1660 : i32
          %add3A_1662 = arith.constant 2 : i32
          %add3A_1663 = arith.addi %mul3A_1661, %add3A_1662 : i32
          %broadcast_in_dim3A_1664 = arith.constant 0 : i32
          %broadcast_in_dim3A_1665 = vector.broadcast %broadcast_in_dim3A_1664 : i32 to vector<16xi32>
          %add3A_1666 = vector.broadcast %add3A_1663 : i32 to vector<16xi32>
          %add3A_1667 = arith.addi %broadcast_in_dim3A_1665, %add3A_1666 : vector<16xi32>
          %get3A_1668 = arith.constant 4 : i32
          %get3A_1669 = arith.index_cast %get3A_1668 : i32 to index
          %get3A_1670 = arith.index_cast %add3A_1663 : i32 to index
          %get3A_1671 = arith.constant 0 : index
          %get3A_1672 = tpu.vector_load %arg6[%get3A_1669, %get3A_1670, %get3A_1671] {strides = array<i32>} : memref<8x128x32xf32, #tpu.memory_space<vmem>>, vector<16xf32>,
          %add3A_1673 = arith.constant 0 : i32
          %add3A_1674 = vector.broadcast %add3A_1673 : i32 to vector<16xi32>
          %add3A_1675 = arith.addi %iota3A, %add3A_1674 : vector<16xi32>
          tpu.vector_store_idx %arg7[%add3A_1675, %add3A_1667], %get3A_1672 : memref<32x129xf32, #tpu.memory_space<vmem>>[vector<16xi32>, vector<16xi32>], vector<16xf32>,
          %get3A_1676 = arith.constant 4 : i32
          %get3A_1677 = arith.index_cast %get3A_1676 : i32 to index
          %get3A_1678 = arith.index_cast %add3A_1663 : i32 to index
          %get3A_1679 = arith.constant 16 : index
          %get3A_1680 = tpu.vector_load %arg6[%get3A_1677, %get3A_1678, %get3A_1679] {strides = array<i32>} : memref<8x128x32xf32, #tpu.memory_space<vmem>>, vector<16xf32>,
          %add3A_1681 = arith.constant 16 : i32
          %add3A_1682 = vector.broadcast %add3A_1681 : i32 to vector<16xi32>
          %add3A_1683 = arith.addi %iota3A, %add3A_1682 : vector<16xi32>
          tpu.vector_store_idx %arg7[%add3A_1683, %add3A_1667], %get3A_1680 : memref<32x129xf32, #tpu.memory_space<vmem>>[vector<16xi32>, vector<16xi32>], vector<16xf32>,
          %mul3A_1684 = arith.constant 4 : i32
          %mul3A_1685 = arith.muli %scan3A_1613, %mul3A_1684 : i32
          %add3A_1686 = arith.constant 3 : i32
          %add3A_1687 = arith.addi %mul3A_1685, %add3A_1686 : i32
          %broadcast_in_dim3A_1688 = arith.constant 0 : i32
          %broadcast_in_dim3A_1689 = vector.broadcast %broadcast_in_dim3A_1688 : i32 to vector<16xi32>
          %add3A_1690 = vector.broadcast %add3A_1687 : i32 to vector<16xi32>
          %add3A_1691 = arith.addi %broadcast_in_dim3A_1689, %add3A_1690 : vector<16xi32>
          %get3A_1692 = arith.constant 4 : i32
          %get3A_1693 = arith.index_cast %get3A_1692 : i32 to index
          %get3A_1694 = arith.index_cast %add3A_1687 : i32 to index
          %get3A_1695 = arith.constant 0 : index
          %get3A_1696 = tpu.vector_load %arg6[%get3A_1693, %get3A_1694, %get3A_1695] {strides = array<i32>} : memref<8x128x32xf32, #tpu.memory_space<vmem>>, vector<16xf32>,
          %add3A_1697 = arith.constant 0 : i32
          %add3A_1698 = vector.broadcast %add3A_1697 : i32 to vector<16xi32>
          %add3A_1699 = arith.addi %iota3A, %add3A_1698 : vector<16xi32>
          tpu.vector_store_idx %arg7[%add3A_1699, %add3A_1691], %get3A_1696 : memref<32x129xf32, #tpu.memory_space<vmem>>[vector<16xi32>, vector<16xi32>], vector<16xf32>,
          %get3A_1700 = arith.constant 4 : i32
          %get3A_1701 = arith.index_cast %get3A_1700 : i32 to index
          %get3A_1702 = arith.index_cast %add3A_1687 : i32 to index
          %get3A_1703 = arith.constant 16 : index
          %get3A_1704 = tpu.vector_load %arg6[%get3A_1701, %get3A_1702, %get3A_1703] {strides = array<i32>} : memref<8x128x32xf32, #tpu.memory_space<vmem>>, vector<16xf32>,
          %add3A_1705 = arith.constant 16 : i32
          %add3A_1706 = vector.broadcast %add3A_1705 : i32 to vector<16xi32>
          %add3A_1707 = arith.addi %iota3A, %add3A_1706 : vector<16xi32>
          tpu.vector_store_idx %arg7[%add3A_1707, %add3A_1691], %get3A_1704 : memref<32x129xf32, #tpu.memory_space<vmem>>[vector<16xi32>, vector<16xi32>], vector<16xf32>,
        }
        %scan3A_982 = arith.constant 32 : i32
        %mul3A_983 = arith.constant 8 : i32
        %mul3A_984 = arith.muli %scan3A_302, %mul3A_983 : i32
        %add3A_985 = arith.constant 4 : i32
        %add3A_986 = arith.addi %mul3A_984, %add3A_985 : i32
        %dma_start3A_987 = arith.constant 0 : i32
        %dma_start3A_988 = arith.constant 0 : i32
        %dma_start3A_989 = arith.constant 0 : i32
        %dma_start3A_990 = arith.constant 0 : i32
        %dma_start3A_991 = tpu.memref_slice %arg7[%dma_start3A_989, %dma_start3A_990] : memref<32x129xf32, #tpu.memory_space<vmem>> -> memref<8x128xf32, #tpu.memory_space<vmem>>
        %dma_start3A_992 = arith.constant 0 : i32
        %dma_start3A_993 = arith.constant 0 : i32
        %dma_start3A_994 = tpu.memref_slice %arg4[%add3A_986, %dma_start3A_987, %add3A_9, %dma_start3A_992, %dma_start3A_993] : memref<200x4x128x8x128xf32, #tpu.memory_space<hbm>> -> memref<1x1x1x8x128xf32, #tpu.memory_space<hbm>>
        %dma_start3A_995 = tpu.memref_squeeze %dma_start3A_994 : memref<1x1x1x8x128xf32, #tpu.memory_space<hbm>> -> memref<8x128xf32, #tpu.memory_space<hbm>>
        %dma_start3A_996 = tpu.memref_slice %arg10[%dma_start3A_988] : memref<2x!tpu.dma_semaphore, #tpu.memory_space<semaphore_mem>> -> memref<1x!tpu.dma_semaphore, #tpu.memory_space<semaphore_mem>>
        %dma_start3A_997 = tpu.memref_squeeze %dma_start3A_996 : memref<1x!tpu.dma_semaphore, #tpu.memory_space<semaphore_mem>> -> memref<!tpu.dma_semaphore, #tpu.memory_space<semaphore_mem>>
        %dma_start3A_998 = arith.constant 0 : i32
        %dma_start3A_999 = arith.constant 0 : i32
        %dma_start3A_1000 = tpu.memref_slice %arg4[%add3A_986, %dma_start3A_987, %add3A_9, %dma_start3A_998, %dma_start3A_999] : memref<200x4x128x8x128xf32, #tpu.memory_space<hbm>> -> memref<1x1x1x8x128xf32, #tpu.memory_space<hbm>>
        %dma_start3A_1001 = tpu.memref_squeeze %dma_start3A_1000 : memref<1x1x1x8x128xf32, #tpu.memory_space<hbm>> -> memref<8x128xf32, #tpu.memory_space<hbm>>
        %dma_start3A_1002 = arith.constant 0 : i32
        %dma_start3A_1003 = arith.constant 0 : i32
        %dma_start3A_1004 = tpu.memref_slice %arg7[%dma_start3A_1002, %dma_start3A_1003] : memref<32x129xf32, #tpu.memory_space<vmem>> -> memref<8x128xf32, #tpu.memory_space<vmem>>
        tpu.enqueue_dma source(%dma_start3A_1004 : memref<8x128xf32, #tpu.memory_space<vmem>>) target(%dma_start3A_1001 : memref<8x128xf32, #tpu.memory_space<hbm>>) target_semaphore(%dma_start3A_997 : memref<!tpu.dma_semaphore, #tpu.memory_space<semaphore_mem>>)
        %dma_start3A_1005 = arith.constant 1 : i32
        %dma_start3A_1006 = arith.constant 0 : i32
        %dma_start3A_1007 = arith.constant 8 : i32
        %dma_start3A_1008 = arith.constant 0 : i32
        %dma_start3A_1009 = tpu.memref_slice %arg7[%dma_start3A_1007, %dma_start3A_1008] : memref<32x129xf32, #tpu.memory_space<vmem>> -> memref<8x128xf32, #tpu.memory_space<vmem>>
        %dma_start3A_1010 = arith.constant 0 : i32
        %dma_start3A_1011 = arith.constant 0 : i32
        %dma_start3A_1012 = tpu.memref_slice %arg4[%add3A_986, %dma_start3A_1005, %add3A_9, %dma_start3A_1010, %dma_start3A_1011] : memref<200x4x128x8x128xf32, #tpu.memory_space<hbm>> -> memref<1x1x1x8x128xf32, #tpu.memory_space<hbm>>
        %dma_start3A_1013 = tpu.memref_squeeze %dma_start3A_1012 : memref<1x1x1x8x128xf32, #tpu.memory_space<hbm>> -> memref<8x128xf32, #tpu.memory_space<hbm>>
        %dma_start3A_1014 = tpu.memref_slice %arg10[%dma_start3A_1006] : memref<2x!tpu.dma_semaphore, #tpu.memory_space<semaphore_mem>> -> memref<1x!tpu.dma_semaphore, #tpu.memory_space<semaphore_mem>>
        %dma_start3A_1015 = tpu.memref_squeeze %dma_start3A_1014 : memref<1x!tpu.dma_semaphore, #tpu.memory_space<semaphore_mem>> -> memref<!tpu.dma_semaphore, #tpu.memory_space<semaphore_mem>>
        %dma_start3A_1016 = arith.constant 0 : i32
        %dma_start3A_1017 = arith.constant 0 : i32
        %dma_start3A_1018 = tpu.memref_slice %arg4[%add3A_986, %dma_start3A_1005, %add3A_9, %dma_start3A_1016, %dma_start3A_1017] : memref<200x4x128x8x128xf32, #tpu.memory_space<hbm>> -> memref<1x1x1x8x128xf32, #tpu.memory_space<hbm>>
        %dma_start3A_1019 = tpu.memref_squeeze %dma_start3A_1018 : memref<1x1x1x8x128xf32, #tpu.memory_space<hbm>> -> memref<8x128xf32, #tpu.memory_space<hbm>>
        %dma_start3A_1020 = arith.constant 8 : i32
        %dma_start3A_1021 = arith.constant 0 : i32
        %dma_start3A_1022 = tpu.memref_slice %arg7[%dma_start3A_1020, %dma_start3A_1021] : memref<32x129xf32, #tpu.memory_space<vmem>> -> memref<8x128xf32, #tpu.memory_space<vmem>>
        tpu.enqueue_dma source(%dma_start3A_1022 : memref<8x128xf32, #tpu.memory_space<vmem>>) target(%dma_start3A_1019 : memref<8x128xf32, #tpu.memory_space<hbm>>) target_semaphore(%dma_start3A_1015 : memref<!tpu.dma_semaphore, #tpu.memory_space<semaphore_mem>>)
        %dma_start3A_1023 = arith.constant 2 : i32
        %dma_start3A_1024 = arith.constant 0 : i32
        %dma_start3A_1025 = arith.constant 16 : i32
        %dma_start3A_1026 = arith.constant 0 : i32
        %dma_start3A_1027 = tpu.memref_slice %arg7[%dma_start3A_1025, %dma_start3A_1026] : memref<32x129xf32, #tpu.memory_space<vmem>> -> memref<8x128xf32, #tpu.memory_space<vmem>>
        %dma_start3A_1028 = arith.constant 0 : i32
        %dma_start3A_1029 = arith.constant 0 : i32
        %dma_start3A_1030 = tpu.memref_slice %arg4[%add3A_986, %dma_start3A_1023, %add3A_9, %dma_start3A_1028, %dma_start3A_1029] : memref<200x4x128x8x128xf32, #tpu.memory_space<hbm>> -> memref<1x1x1x8x128xf32, #tpu.memory_space<hbm>>
        %dma_start3A_1031 = tpu.memref_squeeze %dma_start3A_1030 : memref<1x1x1x8x128xf32, #tpu.memory_space<hbm>> -> memref<8x128xf32, #tpu.memory_space<hbm>>
        %dma_start3A_1032 = tpu.memref_slice %arg10[%dma_start3A_1024] : memref<2x!tpu.dma_semaphore, #tpu.memory_space<semaphore_mem>> -> memref<1x!tpu.dma_semaphore, #tpu.memory_space<semaphore_mem>>
        %dma_start3A_1033 = tpu.memref_squeeze %dma_start3A_1032 : memref<1x!tpu.dma_semaphore, #tpu.memory_space<semaphore_mem>> -> memref<!tpu.dma_semaphore, #tpu.memory_space<semaphore_mem>>
        %dma_start3A_1034 = arith.constant 0 : i32
        %dma_start3A_1035 = arith.constant 0 : i32
        %dma_start3A_1036 = tpu.memref_slice %arg4[%add3A_986, %dma_start3A_1023, %add3A_9, %dma_start3A_1034, %dma_start3A_1035] : memref<200x4x128x8x128xf32, #tpu.memory_space<hbm>> -> memref<1x1x1x8x128xf32, #tpu.memory_space<hbm>>
        %dma_start3A_1037 = tpu.memref_squeeze %dma_start3A_1036 : memref<1x1x1x8x128xf32, #tpu.memory_space<hbm>> -> memref<8x128xf32, #tpu.memory_space<hbm>>
        %dma_start3A_1038 = arith.constant 16 : i32
        %dma_start3A_1039 = arith.constant 0 : i32
        %dma_start3A_1040 = tpu.memref_slice %arg7[%dma_start3A_1038, %dma_start3A_1039] : memref<32x129xf32, #tpu.memory_space<vmem>> -> memref<8x128xf32, #tpu.memory_space<vmem>>
        tpu.enqueue_dma source(%dma_start3A_1040 : memref<8x128xf32, #tpu.memory_space<vmem>>) target(%dma_start3A_1037 : memref<8x128xf32, #tpu.memory_space<hbm>>) target_semaphore(%dma_start3A_1033 : memref<!tpu.dma_semaphore, #tpu.memory_space<semaphore_mem>>)
        %dma_start3A_1041 = arith.constant 3 : i32
        %dma_start3A_1042 = arith.constant 0 : i32
        %dma_start3A_1043 = arith.constant 24 : i32
        %dma_start3A_1044 = arith.constant 0 : i32
        %dma_start3A_1045 = tpu.memref_slice %arg7[%dma_start3A_1043, %dma_start3A_1044] : memref<32x129xf32, #tpu.memory_space<vmem>> -> memref<8x128xf32, #tpu.memory_space<vmem>>
        %dma_start3A_1046 = arith.constant 0 : i32
        %dma_start3A_1047 = arith.constant 0 : i32
        %dma_start3A_1048 = tpu.memref_slice %arg4[%add3A_986, %dma_start3A_1041, %add3A_9, %dma_start3A_1046, %dma_start3A_1047] : memref<200x4x128x8x128xf32, #tpu.memory_space<hbm>> -> memref<1x1x1x8x128xf32, #tpu.memory_space<hbm>>
        %dma_start3A_1049 = tpu.memref_squeeze %dma_start3A_1048 : memref<1x1x1x8x128xf32, #tpu.memory_space<hbm>> -> memref<8x128xf32, #tpu.memory_space<hbm>>
        %dma_start3A_1050 = tpu.memref_slice %arg10[%dma_start3A_1042] : memref<2x!tpu.dma_semaphore, #tpu.memory_space<semaphore_mem>> -> memref<1x!tpu.dma_semaphore, #tpu.memory_space<semaphore_mem>>
        %dma_start3A_1051 = tpu.memref_squeeze %dma_start3A_1050 : memref<1x!tpu.dma_semaphore, #tpu.memory_space<semaphore_mem>> -> memref<!tpu.dma_semaphore, #tpu.memory_space<semaphore_mem>>
        %dma_start3A_1052 = arith.constant 0 : i32
        %dma_start3A_1053 = arith.constant 0 : i32
        %dma_start3A_1054 = tpu.memref_slice %arg4[%add3A_986, %dma_start3A_1041, %add3A_9, %dma_start3A_1052, %dma_start3A_1053] : memref<200x4x128x8x128xf32, #tpu.memory_space<hbm>> -> memref<1x1x1x8x128xf32, #tpu.memory_space<hbm>>
        %dma_start3A_1055 = tpu.memref_squeeze %dma_start3A_1054 : memref<1x1x1x8x128xf32, #tpu.memory_space<hbm>> -> memref<8x128xf32, #tpu.memory_space<hbm>>
        %dma_start3A_1056 = arith.constant 24 : i32
        %dma_start3A_1057 = arith.constant 0 : i32
        %dma_start3A_1058 = tpu.memref_slice %arg7[%dma_start3A_1056, %dma_start3A_1057] : memref<32x129xf32, #tpu.memory_space<vmem>> -> memref<8x128xf32, #tpu.memory_space<vmem>>
        tpu.enqueue_dma source(%dma_start3A_1058 : memref<8x128xf32, #tpu.memory_space<vmem>>) target(%dma_start3A_1055 : memref<8x128xf32, #tpu.memory_space<hbm>>) target_semaphore(%dma_start3A_1051 : memref<!tpu.dma_semaphore, #tpu.memory_space<semaphore_mem>>)
        %lt3A_1059 = arith.constant 24 : i32
        %lt3A_1060 = arith.cmpi slt, %scan3A_302, %lt3A_1059 : i32
        %convert_element_type3A_1061 = arith.extui %lt3A_1060 : i1 to i32
        %cond3A_1062 = arith.constant 0 : i32
        %cond3A_1063 = arith.cmpi ne, %convert_element_type3A_1061, %cond3A_1062 : i32
        scf.if %cond3A_1063 {
          %add3A_1613 = arith.constant 1 : i32
          %add3A_1614 = arith.addi %scan3A_302, %add3A_1613 : i32
          %dma_start3A_1615 = arith.constant 4 : i32
          %dma_start3A_1616 = arith.constant 4 : i32
          %dma_start3A_1617 = arith.constant 4 : i32
          %dma_start3A_1618 = arith.constant 0 : i32
          %dma_start3A_1619 = arith.constant 0 : i32
          %dma_start3A_1620 = tpu.memref_slice %arg6[%dma_start3A_1616, %dma_start3A_1618, %dma_start3A_1619] : memref<8x128x32xf32, #tpu.memory_space<vmem>> -> memref<1x128x32xf32, #tpu.memory_space<vmem>>
          %dma_start3A_1621 = tpu.memref_squeeze %dma_start3A_1620 : memref<1x128x32xf32, #tpu.memory_space<vmem>> -> memref<128x32xf32, #tpu.memory_space<vmem>>
          %dma_start3A_1622 = arith.constant 0 : i32
          %dma_start3A_1623 = tpu.memref_slice %arg5[%add3A_1614, %dma_start3A_1615, %dma_start3A_1622] : memref<25x8x128xi32, #tpu.memory_space<vmem>> -> memref<1x1x128xi32, #tpu.memory_space<vmem>>
          %dma_start3A_1624 = tpu.memref_squeeze %dma_start3A_1623 : memref<1x1x128xi32, #tpu.memory_space<vmem>> -> memref<128xi32, #tpu.memory_space<vmem>>
          %dma_start3A_1625 = arith.constant 0 : i32
          %dma_start3A_1626 = arith.constant 0 : i32
          %dma_start3A_1627 = tpu.memref_slice %arg3[%dma_start3A_1625, %dma_start3A_1626] : memref<1000000x32xf32, #tpu.memory_space<hbm>> -> memref<1000000x32xf32, #tpu.memory_space<hbm>>
          %dma_start3A_1628 = tpu.memref_slice %arg9[%dma_start3A_1617] : memref<8x!tpu.dma_semaphore, #tpu.memory_space<semaphore_mem>> -> memref<1x!tpu.dma_semaphore, #tpu.memory_space<semaphore_mem>>
          %dma_start3A_1629 = tpu.memref_squeeze %dma_start3A_1628 : memref<1x!tpu.dma_semaphore, #tpu.memory_space<semaphore_mem>> -> memref<!tpu.dma_semaphore, #tpu.memory_space<semaphore_mem>>
          tpu.enqueue_indirect_dma source(%dma_start3A_1627 : memref<1000000x32xf32, #tpu.memory_space<hbm>>) target(%dma_start3A_1621 : memref<128x32xf32, #tpu.memory_space<vmem>>) offsets(%dma_start3A_1624 : memref<128xi32, #tpu.memory_space<vmem>>) semaphore(%dma_start3A_1629 : memref<!tpu.dma_semaphore, #tpu.memory_space<semaphore_mem>>)
        } else {
        }
        %dma_wait3A_1064 = arith.constant 0 : i32
        %dma_wait3A_1065 = arith.constant 5 : i32
        %dma_wait3A_1066 = arith.constant 5 : i32
        %dma_wait3A_1067 = arith.constant 5 : i32
        %dma_wait3A_1068 = arith.constant 0 : i32
        %dma_wait3A_1069 = arith.constant 0 : i32
        %dma_wait3A_1070 = tpu.memref_slice %arg6[%dma_wait3A_1066, %dma_wait3A_1068, %dma_wait3A_1069] : memref<8x128x32xf32, #tpu.memory_space<vmem>> -> memref<1x128x32xf32, #tpu.memory_space<vmem>>
        %dma_wait3A_1071 = tpu.memref_squeeze %dma_wait3A_1070 : memref<1x128x32xf32, #tpu.memory_space<vmem>> -> memref<128x32xf32, #tpu.memory_space<vmem>>
        %dma_wait3A_1072 = arith.constant 0 : i32
        %dma_wait3A_1073 = tpu.memref_slice %arg5[%dma_wait3A_1064, %dma_wait3A_1065, %dma_wait3A_1072] : memref<25x8x128xi32, #tpu.memory_space<vmem>> -> memref<1x1x128xi32, #tpu.memory_space<vmem>>
        %dma_wait3A_1074 = tpu.memref_squeeze %dma_wait3A_1073 : memref<1x1x128xi32, #tpu.memory_space<vmem>> -> memref<128xi32, #tpu.memory_space<vmem>>
        %dma_wait3A_1075 = arith.constant 0 : i32
        %dma_wait3A_1076 = arith.constant 0 : i32
        %dma_wait3A_1077 = tpu.memref_slice %arg3[%dma_wait3A_1075, %dma_wait3A_1076] : memref<1000000x32xf32, #tpu.memory_space<hbm>> -> memref<1000000x32xf32, #tpu.memory_space<hbm>>
        %dma_wait3A_1078 = tpu.memref_slice %arg9[%dma_wait3A_1067] : memref<8x!tpu.dma_semaphore, #tpu.memory_space<semaphore_mem>> -> memref<1x!tpu.dma_semaphore, #tpu.memory_space<semaphore_mem>>
        %dma_wait3A_1079 = tpu.memref_squeeze %dma_wait3A_1078 : memref<1x!tpu.dma_semaphore, #tpu.memory_space<semaphore_mem>> -> memref<!tpu.dma_semaphore, #tpu.memory_space<semaphore_mem>>
        tpu.wait_indirect_dma semaphore(%dma_wait3A_1079 : memref<!tpu.dma_semaphore, #tpu.memory_space<semaphore_mem>>) src(%dma_wait3A_1077 : memref<1000000x32xf32, #tpu.memory_space<hbm>>) dst(%dma_wait3A_1071 : memref<128x32xf32, #tpu.memory_space<vmem>>)
        %dma_wait3A_1080 = arith.constant 0 : i32
        %dma_wait3A_1081 = arith.constant 0 : i32
        %dma_wait3A_1082 = arith.constant 0 : i32
        %dma_wait3A_1083 = arith.constant 1 : i32
        %dma_wait3A_1084 = arith.constant 0 : i32
        %dma_wait3A_1085 = arith.constant 0 : i32
        %dma_wait3A_1086 = tpu.memref_slice %arg8[%dma_wait3A_1084, %dma_wait3A_1085] : memref<32x129xf32, #tpu.memory_space<vmem>> -> memref<8x128xf32, #tpu.memory_space<vmem>>
        %dma_wait3A_1087 = arith.constant 0 : i32
        %dma_wait3A_1088 = arith.constant 0 : i32
        %dma_wait3A_1089 = tpu.memref_slice %arg4[%dma_wait3A_1080, %dma_wait3A_1081, %dma_wait3A_1082, %dma_wait3A_1087, %dma_wait3A_1088] : memref<200x4x128x8x128xf32, #tpu.memory_space<hbm>> -> memref<1x1x1x8x128xf32, #tpu.memory_space<hbm>>
        %dma_wait3A_1090 = tpu.memref_squeeze %dma_wait3A_1089 : memref<1x1x1x8x128xf32, #tpu.memory_space<hbm>> -> memref<8x128xf32, #tpu.memory_space<hbm>>
        %dma_wait3A_1091 = tpu.memref_slice %arg10[%dma_wait3A_1083] : memref<2x!tpu.dma_semaphore, #tpu.memory_space<semaphore_mem>> -> memref<1x!tpu.dma_semaphore, #tpu.memory_space<semaphore_mem>>
        %dma_wait3A_1092 = tpu.memref_squeeze %dma_wait3A_1091 : memref<1x!tpu.dma_semaphore, #tpu.memory_space<semaphore_mem>> -> memref<!tpu.dma_semaphore, #tpu.memory_space<semaphore_mem>>
        %dma_wait3A_1093 = arith.constant 0 : i32
        %dma_wait3A_1094 = arith.constant 0 : i32
        %dma_wait3A_1095 = tpu.memref_slice %arg4[%dma_wait3A_1080, %dma_wait3A_1081, %dma_wait3A_1082, %dma_wait3A_1093, %dma_wait3A_1094] : memref<200x4x128x8x128xf32, #tpu.memory_space<hbm>> -> memref<1x1x1x8x128xf32, #tpu.memory_space<hbm>>
        %dma_wait3A_1096 = tpu.memref_squeeze %dma_wait3A_1095 : memref<1x1x1x8x128xf32, #tpu.memory_space<hbm>> -> memref<8x128xf32, #tpu.memory_space<hbm>>
        %dma_wait3A_1097 = arith.constant 0 : i32
        %dma_wait3A_1098 = arith.constant 0 : i32
        %dma_wait3A_1099 = tpu.memref_slice %arg8[%dma_wait3A_1097, %dma_wait3A_1098] : memref<32x129xf32, #tpu.memory_space<vmem>> -> memref<8x128xf32, #tpu.memory_space<vmem>>
        tpu.wait_dma2 semaphore(%dma_wait3A_1092 : memref<!tpu.dma_semaphore, #tpu.memory_space<semaphore_mem>>) src(%dma_wait3A_1099 : memref<8x128xf32, #tpu.memory_space<vmem>>) dst(%dma_wait3A_1096 : memref<8x128xf32, #tpu.memory_space<hbm>>)
        %dma_wait3A_1100 = arith.constant 0 : i32
        %dma_wait3A_1101 = arith.constant 1 : i32
        %dma_wait3A_1102 = arith.constant 0 : i32
        %dma_wait3A_1103 = arith.constant 1 : i32
        %dma_wait3A_1104 = arith.constant 8 : i32
        %dma_wait3A_1105 = arith.constant 0 : i32
        %dma_wait3A_1106 = tpu.memref_slice %arg8[%dma_wait3A_1104, %dma_wait3A_1105] : memref<32x129xf32, #tpu.memory_space<vmem>> -> memref<8x128xf32, #tpu.memory_space<vmem>>
        %dma_wait3A_1107 = arith.constant 0 : i32
        %dma_wait3A_1108 = arith.constant 0 : i32
        %dma_wait3A_1109 = tpu.memref_slice %arg4[%dma_wait3A_1100, %dma_wait3A_1101, %dma_wait3A_1102, %dma_wait3A_1107, %dma_wait3A_1108] : memref<200x4x128x8x128xf32, #tpu.memory_space<hbm>> -> memref<1x1x1x8x128xf32, #tpu.memory_space<hbm>>
        %dma_wait3A_1110 = tpu.memref_squeeze %dma_wait3A_1109 : memref<1x1x1x8x128xf32, #tpu.memory_space<hbm>> -> memref<8x128xf32, #tpu.memory_space<hbm>>
        %dma_wait3A_1111 = tpu.memref_slice %arg10[%dma_wait3A_1103] : memref<2x!tpu.dma_semaphore, #tpu.memory_space<semaphore_mem>> -> memref<1x!tpu.dma_semaphore, #tpu.memory_space<semaphore_mem>>
        %dma_wait3A_1112 = tpu.memref_squeeze %dma_wait3A_1111 : memref<1x!tpu.dma_semaphore, #tpu.memory_space<semaphore_mem>> -> memref<!tpu.dma_semaphore, #tpu.memory_space<semaphore_mem>>
        %dma_wait3A_1113 = arith.constant 0 : i32
        %dma_wait3A_1114 = arith.constant 0 : i32
        %dma_wait3A_1115 = tpu.memref_slice %arg4[%dma_wait3A_1100, %dma_wait3A_1101, %dma_wait3A_1102, %dma_wait3A_1113, %dma_wait3A_1114] : memref<200x4x128x8x128xf32, #tpu.memory_space<hbm>> -> memref<1x1x1x8x128xf32, #tpu.memory_space<hbm>>
        %dma_wait3A_1116 = tpu.memref_squeeze %dma_wait3A_1115 : memref<1x1x1x8x128xf32, #tpu.memory_space<hbm>> -> memref<8x128xf32, #tpu.memory_space<hbm>>
        %dma_wait3A_1117 = arith.constant 8 : i32
        %dma_wait3A_1118 = arith.constant 0 : i32
        %dma_wait3A_1119 = tpu.memref_slice %arg8[%dma_wait3A_1117, %dma_wait3A_1118] : memref<32x129xf32, #tpu.memory_space<vmem>> -> memref<8x128xf32, #tpu.memory_space<vmem>>
        tpu.wait_dma2 semaphore(%dma_wait3A_1112 : memref<!tpu.dma_semaphore, #tpu.memory_space<semaphore_mem>>) src(%dma_wait3A_1119 : memref<8x128xf32, #tpu.memory_space<vmem>>) dst(%dma_wait3A_1116 : memref<8x128xf32, #tpu.memory_space<hbm>>)
        %dma_wait3A_1120 = arith.constant 0 : i32
        %dma_wait3A_1121 = arith.constant 2 : i32
        %dma_wait3A_1122 = arith.constant 0 : i32
        %dma_wait3A_1123 = arith.constant 1 : i32
        %dma_wait3A_1124 = arith.constant 16 : i32
        %dma_wait3A_1125 = arith.constant 0 : i32
        %dma_wait3A_1126 = tpu.memref_slice %arg8[%dma_wait3A_1124, %dma_wait3A_1125] : memref<32x129xf32, #tpu.memory_space<vmem>> -> memref<8x128xf32, #tpu.memory_space<vmem>>
        %dma_wait3A_1127 = arith.constant 0 : i32
        %dma_wait3A_1128 = arith.constant 0 : i32
        %dma_wait3A_1129 = tpu.memref_slice %arg4[%dma_wait3A_1120, %dma_wait3A_1121, %dma_wait3A_1122, %dma_wait3A_1127, %dma_wait3A_1128] : memref<200x4x128x8x128xf32, #tpu.memory_space<hbm>> -> memref<1x1x1x8x128xf32, #tpu.memory_space<hbm>>
        %dma_wait3A_1130 = tpu.memref_squeeze %dma_wait3A_1129 : memref<1x1x1x8x128xf32, #tpu.memory_space<hbm>> -> memref<8x128xf32, #tpu.memory_space<hbm>>
        %dma_wait3A_1131 = tpu.memref_slice %arg10[%dma_wait3A_1123] : memref<2x!tpu.dma_semaphore, #tpu.memory_space<semaphore_mem>> -> memref<1x!tpu.dma_semaphore, #tpu.memory_space<semaphore_mem>>
        %dma_wait3A_1132 = tpu.memref_squeeze %dma_wait3A_1131 : memref<1x!tpu.dma_semaphore, #tpu.memory_space<semaphore_mem>> -> memref<!tpu.dma_semaphore, #tpu.memory_space<semaphore_mem>>
        %dma_wait3A_1133 = arith.constant 0 : i32
        %dma_wait3A_1134 = arith.constant 0 : i32
        %dma_wait3A_1135 = tpu.memref_slice %arg4[%dma_wait3A_1120, %dma_wait3A_1121, %dma_wait3A_1122, %dma_wait3A_1133, %dma_wait3A_1134] : memref<200x4x128x8x128xf32, #tpu.memory_space<hbm>> -> memref<1x1x1x8x128xf32, #tpu.memory_space<hbm>>
        %dma_wait3A_1136 = tpu.memref_squeeze %dma_wait3A_1135 : memref<1x1x1x8x128xf32, #tpu.memory_space<hbm>> -> memref<8x128xf32, #tpu.memory_space<hbm>>
        %dma_wait3A_1137 = arith.constant 16 : i32
        %dma_wait3A_1138 = arith.constant 0 : i32
        %dma_wait3A_1139 = tpu.memref_slice %arg8[%dma_wait3A_1137, %dma_wait3A_1138] : memref<32x129xf32, #tpu.memory_space<vmem>> -> memref<8x128xf32, #tpu.memory_space<vmem>>
        tpu.wait_dma2 semaphore(%dma_wait3A_1132 : memref<!tpu.dma_semaphore, #tpu.memory_space<semaphore_mem>>) src(%dma_wait3A_1139 : memref<8x128xf32, #tpu.memory_space<vmem>>) dst(%dma_wait3A_1136 : memref<8x128xf32, #tpu.memory_space<hbm>>)
        %dma_wait3A_1140 = arith.constant 0 : i32
        %dma_wait3A_1141 = arith.constant 3 : i32
        %dma_wait3A_1142 = arith.constant 0 : i32
        %dma_wait3A_1143 = arith.constant 1 : i32
        %dma_wait3A_1144 = arith.constant 24 : i32
        %dma_wait3A_1145 = arith.constant 0 : i32
        %dma_wait3A_1146 = tpu.memref_slice %arg8[%dma_wait3A_1144, %dma_wait3A_1145] : memref<32x129xf32, #tpu.memory_space<vmem>> -> memref<8x128xf32, #tpu.memory_space<vmem>>
        %dma_wait3A_1147 = arith.constant 0 : i32
        %dma_wait3A_1148 = arith.constant 0 : i32
        %dma_wait3A_1149 = tpu.memref_slice %arg4[%dma_wait3A_1140, %dma_wait3A_1141, %dma_wait3A_1142, %dma_wait3A_1147, %dma_wait3A_1148] : memref<200x4x128x8x128xf32, #tpu.memory_space<hbm>> -> memref<1x1x1x8x128xf32, #tpu.memory_space<hbm>>
        %dma_wait3A_1150 = tpu.memref_squeeze %dma_wait3A_1149 : memref<1x1x1x8x128xf32, #tpu.memory_space<hbm>> -> memref<8x128xf32, #tpu.memory_space<hbm>>
        %dma_wait3A_1151 = tpu.memref_slice %arg10[%dma_wait3A_1143] : memref<2x!tpu.dma_semaphore, #tpu.memory_space<semaphore_mem>> -> memref<1x!tpu.dma_semaphore, #tpu.memory_space<semaphore_mem>>
        %dma_wait3A_1152 = tpu.memref_squeeze %dma_wait3A_1151 : memref<1x!tpu.dma_semaphore, #tpu.memory_space<semaphore_mem>> -> memref<!tpu.dma_semaphore, #tpu.memory_space<semaphore_mem>>
        %dma_wait3A_1153 = arith.constant 0 : i32
        %dma_wait3A_1154 = arith.constant 0 : i32
        %dma_wait3A_1155 = tpu.memref_slice %arg4[%dma_wait3A_1140, %dma_wait3A_1141, %dma_wait3A_1142, %dma_wait3A_1153, %dma_wait3A_1154] : memref<200x4x128x8x128xf32, #tpu.memory_space<hbm>> -> memref<1x1x1x8x128xf32, #tpu.memory_space<hbm>>
        %dma_wait3A_1156 = tpu.memref_squeeze %dma_wait3A_1155 : memref<1x1x1x8x128xf32, #tpu.memory_space<hbm>> -> memref<8x128xf32, #tpu.memory_space<hbm>>
        %dma_wait3A_1157 = arith.constant 24 : i32
        %dma_wait3A_1158 = arith.constant 0 : i32
        %dma_wait3A_1159 = tpu.memref_slice %arg8[%dma_wait3A_1157, %dma_wait3A_1158] : memref<32x129xf32, #tpu.memory_space<vmem>> -> memref<8x128xf32, #tpu.memory_space<vmem>>
        tpu.wait_dma2 semaphore(%dma_wait3A_1152 : memref<!tpu.dma_semaphore, #tpu.memory_space<semaphore_mem>>) src(%dma_wait3A_1159 : memref<8x128xf32, #tpu.memory_space<vmem>>) dst(%dma_wait3A_1156 : memref<8x128xf32, #tpu.memory_space<hbm>>)
        %scan3A_1160 = arith.constant 0 : i32
        %scan3A_1161 = arith.constant 0 : i32
        %scan3A_1162 = arith.constant 32 : i32
        %scan3A_1163 = arith.addi %scan3A_1161, %scan3A_1162 : i32
        %scan3A_1164 = arith.constant 1 : i32
        scf.for %scan3A_1613 = %scan3A_1161 to %scan3A_1163 step %scan3A_1164  : i32 {
          %mul3A_1614 = arith.constant 4 : i32
          %mul3A_1615 = arith.muli %scan3A_1613, %mul3A_1614 : i32
          %add3A_1616 = arith.constant 0 : i32
          %add3A_1617 = arith.addi %mul3A_1615, %add3A_1616 : i32
          %broadcast_in_dim3A = arith.constant 0 : i32
          %broadcast_in_dim3A_1618 = vector.broadcast %broadcast_in_dim3A : i32 to vector<16xi32>
          %add3A_1619 = vector.broadcast %add3A_1617 : i32 to vector<16xi32>
          %add3A_1620 = arith.addi %broadcast_in_dim3A_1618, %add3A_1619 : vector<16xi32>
          %get3A = arith.constant 5 : i32
          %get3A_1621 = arith.index_cast %get3A : i32 to index
          %get3A_1622 = arith.index_cast %add3A_1617 : i32 to index
          %get3A_1623 = arith.constant 0 : index
          %get3A_1624 = tpu.vector_load %arg6[%get3A_1621, %get3A_1622, %get3A_1623] {strides = array<i32>} : memref<8x128x32xf32, #tpu.memory_space<vmem>>, vector<16xf32>,
          %add3A_1625 = arith.constant 0 : i32
          %add3A_1626 = vector.broadcast %add3A_1625 : i32 to vector<16xi32>
          %add3A_1627 = arith.addi %iota3A, %add3A_1626 : vector<16xi32>
          tpu.vector_store_idx %arg8[%add3A_1627, %add3A_1620], %get3A_1624 : memref<32x129xf32, #tpu.memory_space<vmem>>[vector<16xi32>, vector<16xi32>], vector<16xf32>,
          %get3A_1628 = arith.constant 5 : i32
          %get3A_1629 = arith.index_cast %get3A_1628 : i32 to index
          %get3A_1630 = arith.index_cast %add3A_1617 : i32 to index
          %get3A_1631 = arith.constant 16 : index
          %get3A_1632 = tpu.vector_load %arg6[%get3A_1629, %get3A_1630, %get3A_1631] {strides = array<i32>} : memref<8x128x32xf32, #tpu.memory_space<vmem>>, vector<16xf32>,
          %add3A_1633 = arith.constant 16 : i32
          %add3A_1634 = vector.broadcast %add3A_1633 : i32 to vector<16xi32>
          %add3A_1635 = arith.addi %iota3A, %add3A_1634 : vector<16xi32>
          tpu.vector_store_idx %arg8[%add3A_1635, %add3A_1620], %get3A_1632 : memref<32x129xf32, #tpu.memory_space<vmem>>[vector<16xi32>, vector<16xi32>], vector<16xf32>,
          %mul3A_1636 = arith.constant 4 : i32
          %mul3A_1637 = arith.muli %scan3A_1613, %mul3A_1636 : i32
          %add3A_1638 = arith.constant 1 : i32
          %add3A_1639 = arith.addi %mul3A_1637, %add3A_1638 : i32
          %broadcast_in_dim3A_1640 = arith.constant 0 : i32
          %broadcast_in_dim3A_1641 = vector.broadcast %broadcast_in_dim3A_1640 : i32 to vector<16xi32>
          %add3A_1642 = vector.broadcast %add3A_1639 : i32 to vector<16xi32>
          %add3A_1643 = arith.addi %broadcast_in_dim3A_1641, %add3A_1642 : vector<16xi32>
          %get3A_1644 = arith.constant 5 : i32
          %get3A_1645 = arith.index_cast %get3A_1644 : i32 to index
          %get3A_1646 = arith.index_cast %add3A_1639 : i32 to index
          %get3A_1647 = arith.constant 0 : index
          %get3A_1648 = tpu.vector_load %arg6[%get3A_1645, %get3A_1646, %get3A_1647] {strides = array<i32>} : memref<8x128x32xf32, #tpu.memory_space<vmem>>, vector<16xf32>,
          %add3A_1649 = arith.constant 0 : i32
          %add3A_1650 = vector.broadcast %add3A_1649 : i32 to vector<16xi32>
          %add3A_1651 = arith.addi %iota3A, %add3A_1650 : vector<16xi32>
          tpu.vector_store_idx %arg8[%add3A_1651, %add3A_1643], %get3A_1648 : memref<32x129xf32, #tpu.memory_space<vmem>>[vector<16xi32>, vector<16xi32>], vector<16xf32>,
          %get3A_1652 = arith.constant 5 : i32
          %get3A_1653 = arith.index_cast %get3A_1652 : i32 to index
          %get3A_1654 = arith.index_cast %add3A_1639 : i32 to index
          %get3A_1655 = arith.constant 16 : index
          %get3A_1656 = tpu.vector_load %arg6[%get3A_1653, %get3A_1654, %get3A_1655] {strides = array<i32>} : memref<8x128x32xf32, #tpu.memory_space<vmem>>, vector<16xf32>,
          %add3A_1657 = arith.constant 16 : i32
          %add3A_1658 = vector.broadcast %add3A_1657 : i32 to vector<16xi32>
          %add3A_1659 = arith.addi %iota3A, %add3A_1658 : vector<16xi32>
          tpu.vector_store_idx %arg8[%add3A_1659, %add3A_1643], %get3A_1656 : memref<32x129xf32, #tpu.memory_space<vmem>>[vector<16xi32>, vector<16xi32>], vector<16xf32>,
          %mul3A_1660 = arith.constant 4 : i32
          %mul3A_1661 = arith.muli %scan3A_1613, %mul3A_1660 : i32
          %add3A_1662 = arith.constant 2 : i32
          %add3A_1663 = arith.addi %mul3A_1661, %add3A_1662 : i32
          %broadcast_in_dim3A_1664 = arith.constant 0 : i32
          %broadcast_in_dim3A_1665 = vector.broadcast %broadcast_in_dim3A_1664 : i32 to vector<16xi32>
          %add3A_1666 = vector.broadcast %add3A_1663 : i32 to vector<16xi32>
          %add3A_1667 = arith.addi %broadcast_in_dim3A_1665, %add3A_1666 : vector<16xi32>
          %get3A_1668 = arith.constant 5 : i32
          %get3A_1669 = arith.index_cast %get3A_1668 : i32 to index
          %get3A_1670 = arith.index_cast %add3A_1663 : i32 to index
          %get3A_1671 = arith.constant 0 : index
          %get3A_1672 = tpu.vector_load %arg6[%get3A_1669, %get3A_1670, %get3A_1671] {strides = array<i32>} : memref<8x128x32xf32, #tpu.memory_space<vmem>>, vector<16xf32>,
          %add3A_1673 = arith.constant 0 : i32
          %add3A_1674 = vector.broadcast %add3A_1673 : i32 to vector<16xi32>
          %add3A_1675 = arith.addi %iota3A, %add3A_1674 : vector<16xi32>
          tpu.vector_store_idx %arg8[%add3A_1675, %add3A_1667], %get3A_1672 : memref<32x129xf32, #tpu.memory_space<vmem>>[vector<16xi32>, vector<16xi32>], vector<16xf32>,
          %get3A_1676 = arith.constant 5 : i32
          %get3A_1677 = arith.index_cast %get3A_1676 : i32 to index
          %get3A_1678 = arith.index_cast %add3A_1663 : i32 to index
          %get3A_1679 = arith.constant 16 : index
          %get3A_1680 = tpu.vector_load %arg6[%get3A_1677, %get3A_1678, %get3A_1679] {strides = array<i32>} : memref<8x128x32xf32, #tpu.memory_space<vmem>>, vector<16xf32>,
          %add3A_1681 = arith.constant 16 : i32
          %add3A_1682 = vector.broadcast %add3A_1681 : i32 to vector<16xi32>
          %add3A_1683 = arith.addi %iota3A, %add3A_1682 : vector<16xi32>
          tpu.vector_store_idx %arg8[%add3A_1683, %add3A_1667], %get3A_1680 : memref<32x129xf32, #tpu.memory_space<vmem>>[vector<16xi32>, vector<16xi32>], vector<16xf32>,
          %mul3A_1684 = arith.constant 4 : i32
          %mul3A_1685 = arith.muli %scan3A_1613, %mul3A_1684 : i32
          %add3A_1686 = arith.constant 3 : i32
          %add3A_1687 = arith.addi %mul3A_1685, %add3A_1686 : i32
          %broadcast_in_dim3A_1688 = arith.constant 0 : i32
          %broadcast_in_dim3A_1689 = vector.broadcast %broadcast_in_dim3A_1688 : i32 to vector<16xi32>
          %add3A_1690 = vector.broadcast %add3A_1687 : i32 to vector<16xi32>
          %add3A_1691 = arith.addi %broadcast_in_dim3A_1689, %add3A_1690 : vector<16xi32>
          %get3A_1692 = arith.constant 5 : i32
          %get3A_1693 = arith.index_cast %get3A_1692 : i32 to index
          %get3A_1694 = arith.index_cast %add3A_1687 : i32 to index
          %get3A_1695 = arith.constant 0 : index
          %get3A_1696 = tpu.vector_load %arg6[%get3A_1693, %get3A_1694, %get3A_1695] {strides = array<i32>} : memref<8x128x32xf32, #tpu.memory_space<vmem>>, vector<16xf32>,
          %add3A_1697 = arith.constant 0 : i32
          %add3A_1698 = vector.broadcast %add3A_1697 : i32 to vector<16xi32>
          %add3A_1699 = arith.addi %iota3A, %add3A_1698 : vector<16xi32>
          tpu.vector_store_idx %arg8[%add3A_1699, %add3A_1691], %get3A_1696 : memref<32x129xf32, #tpu.memory_space<vmem>>[vector<16xi32>, vector<16xi32>], vector<16xf32>,
          %get3A_1700 = arith.constant 5 : i32
          %get3A_1701 = arith.index_cast %get3A_1700 : i32 to index
          %get3A_1702 = arith.index_cast %add3A_1687 : i32 to index
          %get3A_1703 = arith.constant 16 : index
          %get3A_1704 = tpu.vector_load %arg6[%get3A_1701, %get3A_1702, %get3A_1703] {strides = array<i32>} : memref<8x128x32xf32, #tpu.memory_space<vmem>>, vector<16xf32>,
          %add3A_1705 = arith.constant 16 : i32
          %add3A_1706 = vector.broadcast %add3A_1705 : i32 to vector<16xi32>
          %add3A_1707 = arith.addi %iota3A, %add3A_1706 : vector<16xi32>
          tpu.vector_store_idx %arg8[%add3A_1707, %add3A_1691], %get3A_1704 : memref<32x129xf32, #tpu.memory_space<vmem>>[vector<16xi32>, vector<16xi32>], vector<16xf32>,
        }
        %scan3A_1165 = arith.constant 32 : i32
        %mul3A_1166 = arith.constant 8 : i32
        %mul3A_1167 = arith.muli %scan3A_302, %mul3A_1166 : i32
        %add3A_1168 = arith.constant 5 : i32
        %add3A_1169 = arith.addi %mul3A_1167, %add3A_1168 : i32
        %dma_start3A_1170 = arith.constant 0 : i32
        %dma_start3A_1171 = arith.constant 1 : i32
        %dma_start3A_1172 = arith.constant 0 : i32
        %dma_start3A_1173 = arith.constant 0 : i32
        %dma_start3A_1174 = tpu.memref_slice %arg8[%dma_start3A_1172, %dma_start3A_1173] : memref<32x129xf32, #tpu.memory_space<vmem>> -> memref<8x128xf32, #tpu.memory_space<vmem>>
        %dma_start3A_1175 = arith.constant 0 : i32
        %dma_start3A_1176 = arith.constant 0 : i32
        %dma_start3A_1177 = tpu.memref_slice %arg4[%add3A_1169, %dma_start3A_1170, %add3A_9, %dma_start3A_1175, %dma_start3A_1176] : memref<200x4x128x8x128xf32, #tpu.memory_space<hbm>> -> memref<1x1x1x8x128xf32, #tpu.memory_space<hbm>>
        %dma_start3A_1178 = tpu.memref_squeeze %dma_start3A_1177 : memref<1x1x1x8x128xf32, #tpu.memory_space<hbm>> -> memref<8x128xf32, #tpu.memory_space<hbm>>
        %dma_start3A_1179 = tpu.memref_slice %arg10[%dma_start3A_1171] : memref<2x!tpu.dma_semaphore, #tpu.memory_space<semaphore_mem>> -> memref<1x!tpu.dma_semaphore, #tpu.memory_space<semaphore_mem>>
        %dma_start3A_1180 = tpu.memref_squeeze %dma_start3A_1179 : memref<1x!tpu.dma_semaphore, #tpu.memory_space<semaphore_mem>> -> memref<!tpu.dma_semaphore, #tpu.memory_space<semaphore_mem>>
        %dma_start3A_1181 = arith.constant 0 : i32
        %dma_start3A_1182 = arith.constant 0 : i32
        %dma_start3A_1183 = tpu.memref_slice %arg4[%add3A_1169, %dma_start3A_1170, %add3A_9, %dma_start3A_1181, %dma_start3A_1182] : memref<200x4x128x8x128xf32, #tpu.memory_space<hbm>> -> memref<1x1x1x8x128xf32, #tpu.memory_space<hbm>>
        %dma_start3A_1184 = tpu.memref_squeeze %dma_start3A_1183 : memref<1x1x1x8x128xf32, #tpu.memory_space<hbm>> -> memref<8x128xf32, #tpu.memory_space<hbm>>
        %dma_start3A_1185 = arith.constant 0 : i32
        %dma_start3A_1186 = arith.constant 0 : i32
        %dma_start3A_1187 = tpu.memref_slice %arg8[%dma_start3A_1185, %dma_start3A_1186] : memref<32x129xf32, #tpu.memory_space<vmem>> -> memref<8x128xf32, #tpu.memory_space<vmem>>
        tpu.enqueue_dma source(%dma_start3A_1187 : memref<8x128xf32, #tpu.memory_space<vmem>>) target(%dma_start3A_1184 : memref<8x128xf32, #tpu.memory_space<hbm>>) target_semaphore(%dma_start3A_1180 : memref<!tpu.dma_semaphore, #tpu.memory_space<semaphore_mem>>)
        %dma_start3A_1188 = arith.constant 1 : i32
        %dma_start3A_1189 = arith.constant 1 : i32
        %dma_start3A_1190 = arith.constant 8 : i32
        %dma_start3A_1191 = arith.constant 0 : i32
        %dma_start3A_1192 = tpu.memref_slice %arg8[%dma_start3A_1190, %dma_start3A_1191] : memref<32x129xf32, #tpu.memory_space<vmem>> -> memref<8x128xf32, #tpu.memory_space<vmem>>
        %dma_start3A_1193 = arith.constant 0 : i32
        %dma_start3A_1194 = arith.constant 0 : i32
        %dma_start3A_1195 = tpu.memref_slice %arg4[%add3A_1169, %dma_start3A_1188, %add3A_9, %dma_start3A_1193, %dma_start3A_1194] : memref<200x4x128x8x128xf32, #tpu.memory_space<hbm>> -> memref<1x1x1x8x128xf32, #tpu.memory_space<hbm>>
        %dma_start3A_1196 = tpu.memref_squeeze %dma_start3A_1195 : memref<1x1x1x8x128xf32, #tpu.memory_space<hbm>> -> memref<8x128xf32, #tpu.memory_space<hbm>>
        %dma_start3A_1197 = tpu.memref_slice %arg10[%dma_start3A_1189] : memref<2x!tpu.dma_semaphore, #tpu.memory_space<semaphore_mem>> -> memref<1x!tpu.dma_semaphore, #tpu.memory_space<semaphore_mem>>
        %dma_start3A_1198 = tpu.memref_squeeze %dma_start3A_1197 : memref<1x!tpu.dma_semaphore, #tpu.memory_space<semaphore_mem>> -> memref<!tpu.dma_semaphore, #tpu.memory_space<semaphore_mem>>
        %dma_start3A_1199 = arith.constant 0 : i32
        %dma_start3A_1200 = arith.constant 0 : i32
        %dma_start3A_1201 = tpu.memref_slice %arg4[%add3A_1169, %dma_start3A_1188, %add3A_9, %dma_start3A_1199, %dma_start3A_1200] : memref<200x4x128x8x128xf32, #tpu.memory_space<hbm>> -> memref<1x1x1x8x128xf32, #tpu.memory_space<hbm>>
        %dma_start3A_1202 = tpu.memref_squeeze %dma_start3A_1201 : memref<1x1x1x8x128xf32, #tpu.memory_space<hbm>> -> memref<8x128xf32, #tpu.memory_space<hbm>>
        %dma_start3A_1203 = arith.constant 8 : i32
        %dma_start3A_1204 = arith.constant 0 : i32
        %dma_start3A_1205 = tpu.memref_slice %arg8[%dma_start3A_1203, %dma_start3A_1204] : memref<32x129xf32, #tpu.memory_space<vmem>> -> memref<8x128xf32, #tpu.memory_space<vmem>>
        tpu.enqueue_dma source(%dma_start3A_1205 : memref<8x128xf32, #tpu.memory_space<vmem>>) target(%dma_start3A_1202 : memref<8x128xf32, #tpu.memory_space<hbm>>) target_semaphore(%dma_start3A_1198 : memref<!tpu.dma_semaphore, #tpu.memory_space<semaphore_mem>>)
        %dma_start3A_1206 = arith.constant 2 : i32
        %dma_start3A_1207 = arith.constant 1 : i32
        %dma_start3A_1208 = arith.constant 16 : i32
        %dma_start3A_1209 = arith.constant 0 : i32
        %dma_start3A_1210 = tpu.memref_slice %arg8[%dma_start3A_1208, %dma_start3A_1209] : memref<32x129xf32, #tpu.memory_space<vmem>> -> memref<8x128xf32, #tpu.memory_space<vmem>>
        %dma_start3A_1211 = arith.constant 0 : i32
        %dma_start3A_1212 = arith.constant 0 : i32
        %dma_start3A_1213 = tpu.memref_slice %arg4[%add3A_1169, %dma_start3A_1206, %add3A_9, %dma_start3A_1211, %dma_start3A_1212] : memref<200x4x128x8x128xf32, #tpu.memory_space<hbm>> -> memref<1x1x1x8x128xf32, #tpu.memory_space<hbm>>
        %dma_start3A_1214 = tpu.memref_squeeze %dma_start3A_1213 : memref<1x1x1x8x128xf32, #tpu.memory_space<hbm>> -> memref<8x128xf32, #tpu.memory_space<hbm>>
        %dma_start3A_1215 = tpu.memref_slice %arg10[%dma_start3A_1207] : memref<2x!tpu.dma_semaphore, #tpu.memory_space<semaphore_mem>> -> memref<1x!tpu.dma_semaphore, #tpu.memory_space<semaphore_mem>>
        %dma_start3A_1216 = tpu.memref_squeeze %dma_start3A_1215 : memref<1x!tpu.dma_semaphore, #tpu.memory_space<semaphore_mem>> -> memref<!tpu.dma_semaphore, #tpu.memory_space<semaphore_mem>>
        %dma_start3A_1217 = arith.constant 0 : i32
        %dma_start3A_1218 = arith.constant 0 : i32
        %dma_start3A_1219 = tpu.memref_slice %arg4[%add3A_1169, %dma_start3A_1206, %add3A_9, %dma_start3A_1217, %dma_start3A_1218] : memref<200x4x128x8x128xf32, #tpu.memory_space<hbm>> -> memref<1x1x1x8x128xf32, #tpu.memory_space<hbm>>
        %dma_start3A_1220 = tpu.memref_squeeze %dma_start3A_1219 : memref<1x1x1x8x128xf32, #tpu.memory_space<hbm>> -> memref<8x128xf32, #tpu.memory_space<hbm>>
        %dma_start3A_1221 = arith.constant 16 : i32
        %dma_start3A_1222 = arith.constant 0 : i32
        %dma_start3A_1223 = tpu.memref_slice %arg8[%dma_start3A_1221, %dma_start3A_1222] : memref<32x129xf32, #tpu.memory_space<vmem>> -> memref<8x128xf32, #tpu.memory_space<vmem>>
        tpu.enqueue_dma source(%dma_start3A_1223 : memref<8x128xf32, #tpu.memory_space<vmem>>) target(%dma_start3A_1220 : memref<8x128xf32, #tpu.memory_space<hbm>>) target_semaphore(%dma_start3A_1216 : memref<!tpu.dma_semaphore, #tpu.memory_space<semaphore_mem>>)
        %dma_start3A_1224 = arith.constant 3 : i32
        %dma_start3A_1225 = arith.constant 1 : i32
        %dma_start3A_1226 = arith.constant 24 : i32
        %dma_start3A_1227 = arith.constant 0 : i32
        %dma_start3A_1228 = tpu.memref_slice %arg8[%dma_start3A_1226, %dma_start3A_1227] : memref<32x129xf32, #tpu.memory_space<vmem>> -> memref<8x128xf32, #tpu.memory_space<vmem>>
        %dma_start3A_1229 = arith.constant 0 : i32
        %dma_start3A_1230 = arith.constant 0 : i32
        %dma_start3A_1231 = tpu.memref_slice %arg4[%add3A_1169, %dma_start3A_1224, %add3A_9, %dma_start3A_1229, %dma_start3A_1230] : memref<200x4x128x8x128xf32, #tpu.memory_space<hbm>> -> memref<1x1x1x8x128xf32, #tpu.memory_space<hbm>>
        %dma_start3A_1232 = tpu.memref_squeeze %dma_start3A_1231 : memref<1x1x1x8x128xf32, #tpu.memory_space<hbm>> -> memref<8x128xf32, #tpu.memory_space<hbm>>
        %dma_start3A_1233 = tpu.memref_slice %arg10[%dma_start3A_1225] : memref<2x!tpu.dma_semaphore, #tpu.memory_space<semaphore_mem>> -> memref<1x!tpu.dma_semaphore, #tpu.memory_space<semaphore_mem>>
        %dma_start3A_1234 = tpu.memref_squeeze %dma_start3A_1233 : memref<1x!tpu.dma_semaphore, #tpu.memory_space<semaphore_mem>> -> memref<!tpu.dma_semaphore, #tpu.memory_space<semaphore_mem>>
        %dma_start3A_1235 = arith.constant 0 : i32
        %dma_start3A_1236 = arith.constant 0 : i32
        %dma_start3A_1237 = tpu.memref_slice %arg4[%add3A_1169, %dma_start3A_1224, %add3A_9, %dma_start3A_1235, %dma_start3A_1236] : memref<200x4x128x8x128xf32, #tpu.memory_space<hbm>> -> memref<1x1x1x8x128xf32, #tpu.memory_space<hbm>>
        %dma_start3A_1238 = tpu.memref_squeeze %dma_start3A_1237 : memref<1x1x1x8x128xf32, #tpu.memory_space<hbm>> -> memref<8x128xf32, #tpu.memory_space<hbm>>
        %dma_start3A_1239 = arith.constant 24 : i32
        %dma_start3A_1240 = arith.constant 0 : i32
        %dma_start3A_1241 = tpu.memref_slice %arg8[%dma_start3A_1239, %dma_start3A_1240] : memref<32x129xf32, #tpu.memory_space<vmem>> -> memref<8x128xf32, #tpu.memory_space<vmem>>
        tpu.enqueue_dma source(%dma_start3A_1241 : memref<8x128xf32, #tpu.memory_space<vmem>>) target(%dma_start3A_1238 : memref<8x128xf32, #tpu.memory_space<hbm>>) target_semaphore(%dma_start3A_1234 : memref<!tpu.dma_semaphore, #tpu.memory_space<semaphore_mem>>)
        %lt3A_1242 = arith.constant 24 : i32
        %lt3A_1243 = arith.cmpi slt, %scan3A_302, %lt3A_1242 : i32
        %convert_element_type3A_1244 = arith.extui %lt3A_1243 : i1 to i32
        %cond3A_1245 = arith.constant 0 : i32
        %cond3A_1246 = arith.cmpi ne, %convert_element_type3A_1244, %cond3A_1245 : i32
        scf.if %cond3A_1246 {
          %add3A_1613 = arith.constant 1 : i32
          %add3A_1614 = arith.addi %scan3A_302, %add3A_1613 : i32
          %dma_start3A_1615 = arith.constant 5 : i32
          %dma_start3A_1616 = arith.constant 5 : i32
          %dma_start3A_1617 = arith.constant 5 : i32
          %dma_start3A_1618 = arith.constant 0 : i32
          %dma_start3A_1619 = arith.constant 0 : i32
          %dma_start3A_1620 = tpu.memref_slice %arg6[%dma_start3A_1616, %dma_start3A_1618, %dma_start3A_1619] : memref<8x128x32xf32, #tpu.memory_space<vmem>> -> memref<1x128x32xf32, #tpu.memory_space<vmem>>
          %dma_start3A_1621 = tpu.memref_squeeze %dma_start3A_1620 : memref<1x128x32xf32, #tpu.memory_space<vmem>> -> memref<128x32xf32, #tpu.memory_space<vmem>>
          %dma_start3A_1622 = arith.constant 0 : i32
          %dma_start3A_1623 = tpu.memref_slice %arg5[%add3A_1614, %dma_start3A_1615, %dma_start3A_1622] : memref<25x8x128xi32, #tpu.memory_space<vmem>> -> memref<1x1x128xi32, #tpu.memory_space<vmem>>
          %dma_start3A_1624 = tpu.memref_squeeze %dma_start3A_1623 : memref<1x1x128xi32, #tpu.memory_space<vmem>> -> memref<128xi32, #tpu.memory_space<vmem>>
          %dma_start3A_1625 = arith.constant 0 : i32
          %dma_start3A_1626 = arith.constant 0 : i32
          %dma_start3A_1627 = tpu.memref_slice %arg3[%dma_start3A_1625, %dma_start3A_1626] : memref<1000000x32xf32, #tpu.memory_space<hbm>> -> memref<1000000x32xf32, #tpu.memory_space<hbm>>
          %dma_start3A_1628 = tpu.memref_slice %arg9[%dma_start3A_1617] : memref<8x!tpu.dma_semaphore, #tpu.memory_space<semaphore_mem>> -> memref<1x!tpu.dma_semaphore, #tpu.memory_space<semaphore_mem>>
          %dma_start3A_1629 = tpu.memref_squeeze %dma_start3A_1628 : memref<1x!tpu.dma_semaphore, #tpu.memory_space<semaphore_mem>> -> memref<!tpu.dma_semaphore, #tpu.memory_space<semaphore_mem>>
          tpu.enqueue_indirect_dma source(%dma_start3A_1627 : memref<1000000x32xf32, #tpu.memory_space<hbm>>) target(%dma_start3A_1621 : memref<128x32xf32, #tpu.memory_space<vmem>>) offsets(%dma_start3A_1624 : memref<128xi32, #tpu.memory_space<vmem>>) semaphore(%dma_start3A_1629 : memref<!tpu.dma_semaphore, #tpu.memory_space<semaphore_mem>>)
        } else {
        }
        %dma_wait3A_1247 = arith.constant 0 : i32
        %dma_wait3A_1248 = arith.constant 6 : i32
        %dma_wait3A_1249 = arith.constant 6 : i32
        %dma_wait3A_1250 = arith.constant 6 : i32
        %dma_wait3A_1251 = arith.constant 0 : i32
        %dma_wait3A_1252 = arith.constant 0 : i32
        %dma_wait3A_1253 = tpu.memref_slice %arg6[%dma_wait3A_1249, %dma_wait3A_1251, %dma_wait3A_1252] : memref<8x128x32xf32, #tpu.memory_space<vmem>> -> memref<1x128x32xf32, #tpu.memory_space<vmem>>
        %dma_wait3A_1254 = tpu.memref_squeeze %dma_wait3A_1253 : memref<1x128x32xf32, #tpu.memory_space<vmem>> -> memref<128x32xf32, #tpu.memory_space<vmem>>
        %dma_wait3A_1255 = arith.constant 0 : i32
        %dma_wait3A_1256 = tpu.memref_slice %arg5[%dma_wait3A_1247, %dma_wait3A_1248, %dma_wait3A_1255] : memref<25x8x128xi32, #tpu.memory_space<vmem>> -> memref<1x1x128xi32, #tpu.memory_space<vmem>>
        %dma_wait3A_1257 = tpu.memref_squeeze %dma_wait3A_1256 : memref<1x1x128xi32, #tpu.memory_space<vmem>> -> memref<128xi32, #tpu.memory_space<vmem>>
        %dma_wait3A_1258 = arith.constant 0 : i32
        %dma_wait3A_1259 = arith.constant 0 : i32
        %dma_wait3A_1260 = tpu.memref_slice %arg3[%dma_wait3A_1258, %dma_wait3A_1259] : memref<1000000x32xf32, #tpu.memory_space<hbm>> -> memref<1000000x32xf32, #tpu.memory_space<hbm>>
        %dma_wait3A_1261 = tpu.memref_slice %arg9[%dma_wait3A_1250] : memref<8x!tpu.dma_semaphore, #tpu.memory_space<semaphore_mem>> -> memref<1x!tpu.dma_semaphore, #tpu.memory_space<semaphore_mem>>
        %dma_wait3A_1262 = tpu.memref_squeeze %dma_wait3A_1261 : memref<1x!tpu.dma_semaphore, #tpu.memory_space<semaphore_mem>> -> memref<!tpu.dma_semaphore, #tpu.memory_space<semaphore_mem>>
        tpu.wait_indirect_dma semaphore(%dma_wait3A_1262 : memref<!tpu.dma_semaphore, #tpu.memory_space<semaphore_mem>>) src(%dma_wait3A_1260 : memref<1000000x32xf32, #tpu.memory_space<hbm>>) dst(%dma_wait3A_1254 : memref<128x32xf32, #tpu.memory_space<vmem>>)
        %dma_wait3A_1263 = arith.constant 0 : i32
        %dma_wait3A_1264 = arith.constant 0 : i32
        %dma_wait3A_1265 = arith.constant 0 : i32
        %dma_wait3A_1266 = arith.constant 0 : i32
        %dma_wait3A_1267 = arith.constant 0 : i32
        %dma_wait3A_1268 = arith.constant 0 : i32
        %dma_wait3A_1269 = tpu.memref_slice %arg7[%dma_wait3A_1267, %dma_wait3A_1268] : memref<32x129xf32, #tpu.memory_space<vmem>> -> memref<8x128xf32, #tpu.memory_space<vmem>>
        %dma_wait3A_1270 = arith.constant 0 : i32
        %dma_wait3A_1271 = arith.constant 0 : i32
        %dma_wait3A_1272 = tpu.memref_slice %arg4[%dma_wait3A_1263, %dma_wait3A_1264, %dma_wait3A_1265, %dma_wait3A_1270, %dma_wait3A_1271] : memref<200x4x128x8x128xf32, #tpu.memory_space<hbm>> -> memref<1x1x1x8x128xf32, #tpu.memory_space<hbm>>
        %dma_wait3A_1273 = tpu.memref_squeeze %dma_wait3A_1272 : memref<1x1x1x8x128xf32, #tpu.memory_space<hbm>> -> memref<8x128xf32, #tpu.memory_space<hbm>>
        %dma_wait3A_1274 = tpu.memref_slice %arg10[%dma_wait3A_1266] : memref<2x!tpu.dma_semaphore, #tpu.memory_space<semaphore_mem>> -> memref<1x!tpu.dma_semaphore, #tpu.memory_space<semaphore_mem>>
        %dma_wait3A_1275 = tpu.memref_squeeze %dma_wait3A_1274 : memref<1x!tpu.dma_semaphore, #tpu.memory_space<semaphore_mem>> -> memref<!tpu.dma_semaphore, #tpu.memory_space<semaphore_mem>>
        %dma_wait3A_1276 = arith.constant 0 : i32
        %dma_wait3A_1277 = arith.constant 0 : i32
        %dma_wait3A_1278 = tpu.memref_slice %arg4[%dma_wait3A_1263, %dma_wait3A_1264, %dma_wait3A_1265, %dma_wait3A_1276, %dma_wait3A_1277] : memref<200x4x128x8x128xf32, #tpu.memory_space<hbm>> -> memref<1x1x1x8x128xf32, #tpu.memory_space<hbm>>
        %dma_wait3A_1279 = tpu.memref_squeeze %dma_wait3A_1278 : memref<1x1x1x8x128xf32, #tpu.memory_space<hbm>> -> memref<8x128xf32, #tpu.memory_space<hbm>>
        %dma_wait3A_1280 = arith.constant 0 : i32
        %dma_wait3A_1281 = arith.constant 0 : i32
        %dma_wait3A_1282 = tpu.memref_slice %arg7[%dma_wait3A_1280, %dma_wait3A_1281] : memref<32x129xf32, #tpu.memory_space<vmem>> -> memref<8x128xf32, #tpu.memory_space<vmem>>
        tpu.wait_dma2 semaphore(%dma_wait3A_1275 : memref<!tpu.dma_semaphore, #tpu.memory_space<semaphore_mem>>) src(%dma_wait3A_1282 : memref<8x128xf32, #tpu.memory_space<vmem>>) dst(%dma_wait3A_1279 : memref<8x128xf32, #tpu.memory_space<hbm>>)
        %dma_wait3A_1283 = arith.constant 0 : i32
        %dma_wait3A_1284 = arith.constant 1 : i32
        %dma_wait3A_1285 = arith.constant 0 : i32
        %dma_wait3A_1286 = arith.constant 0 : i32
        %dma_wait3A_1287 = arith.constant 8 : i32
        %dma_wait3A_1288 = arith.constant 0 : i32
        %dma_wait3A_1289 = tpu.memref_slice %arg7[%dma_wait3A_1287, %dma_wait3A_1288] : memref<32x129xf32, #tpu.memory_space<vmem>> -> memref<8x128xf32, #tpu.memory_space<vmem>>
        %dma_wait3A_1290 = arith.constant 0 : i32
        %dma_wait3A_1291 = arith.constant 0 : i32
        %dma_wait3A_1292 = tpu.memref_slice %arg4[%dma_wait3A_1283, %dma_wait3A_1284, %dma_wait3A_1285, %dma_wait3A_1290, %dma_wait3A_1291] : memref<200x4x128x8x128xf32, #tpu.memory_space<hbm>> -> memref<1x1x1x8x128xf32, #tpu.memory_space<hbm>>
        %dma_wait3A_1293 = tpu.memref_squeeze %dma_wait3A_1292 : memref<1x1x1x8x128xf32, #tpu.memory_space<hbm>> -> memref<8x128xf32, #tpu.memory_space<hbm>>
        %dma_wait3A_1294 = tpu.memref_slice %arg10[%dma_wait3A_1286] : memref<2x!tpu.dma_semaphore, #tpu.memory_space<semaphore_mem>> -> memref<1x!tpu.dma_semaphore, #tpu.memory_space<semaphore_mem>>
        %dma_wait3A_1295 = tpu.memref_squeeze %dma_wait3A_1294 : memref<1x!tpu.dma_semaphore, #tpu.memory_space<semaphore_mem>> -> memref<!tpu.dma_semaphore, #tpu.memory_space<semaphore_mem>>
        %dma_wait3A_1296 = arith.constant 0 : i32
        %dma_wait3A_1297 = arith.constant 0 : i32
        %dma_wait3A_1298 = tpu.memref_slice %arg4[%dma_wait3A_1283, %dma_wait3A_1284, %dma_wait3A_1285, %dma_wait3A_1296, %dma_wait3A_1297] : memref<200x4x128x8x128xf32, #tpu.memory_space<hbm>> -> memref<1x1x1x8x128xf32, #tpu.memory_space<hbm>>
        %dma_wait3A_1299 = tpu.memref_squeeze %dma_wait3A_1298 : memref<1x1x1x8x128xf32, #tpu.memory_space<hbm>> -> memref<8x128xf32, #tpu.memory_space<hbm>>
        %dma_wait3A_1300 = arith.constant 8 : i32
        %dma_wait3A_1301 = arith.constant 0 : i32
        %dma_wait3A_1302 = tpu.memref_slice %arg7[%dma_wait3A_1300, %dma_wait3A_1301] : memref<32x129xf32, #tpu.memory_space<vmem>> -> memref<8x128xf32, #tpu.memory_space<vmem>>
        tpu.wait_dma2 semaphore(%dma_wait3A_1295 : memref<!tpu.dma_semaphore, #tpu.memory_space<semaphore_mem>>) src(%dma_wait3A_1302 : memref<8x128xf32, #tpu.memory_space<vmem>>) dst(%dma_wait3A_1299 : memref<8x128xf32, #tpu.memory_space<hbm>>)
        %dma_wait3A_1303 = arith.constant 0 : i32
        %dma_wait3A_1304 = arith.constant 2 : i32
        %dma_wait3A_1305 = arith.constant 0 : i32
        %dma_wait3A_1306 = arith.constant 0 : i32
        %dma_wait3A_1307 = arith.constant 16 : i32
        %dma_wait3A_1308 = arith.constant 0 : i32
        %dma_wait3A_1309 = tpu.memref_slice %arg7[%dma_wait3A_1307, %dma_wait3A_1308] : memref<32x129xf32, #tpu.memory_space<vmem>> -> memref<8x128xf32, #tpu.memory_space<vmem>>
        %dma_wait3A_1310 = arith.constant 0 : i32
        %dma_wait3A_1311 = arith.constant 0 : i32
        %dma_wait3A_1312 = tpu.memref_slice %arg4[%dma_wait3A_1303, %dma_wait3A_1304, %dma_wait3A_1305, %dma_wait3A_1310, %dma_wait3A_1311] : memref<200x4x128x8x128xf32, #tpu.memory_space<hbm>> -> memref<1x1x1x8x128xf32, #tpu.memory_space<hbm>>
        %dma_wait3A_1313 = tpu.memref_squeeze %dma_wait3A_1312 : memref<1x1x1x8x128xf32, #tpu.memory_space<hbm>> -> memref<8x128xf32, #tpu.memory_space<hbm>>
        %dma_wait3A_1314 = tpu.memref_slice %arg10[%dma_wait3A_1306] : memref<2x!tpu.dma_semaphore, #tpu.memory_space<semaphore_mem>> -> memref<1x!tpu.dma_semaphore, #tpu.memory_space<semaphore_mem>>
        %dma_wait3A_1315 = tpu.memref_squeeze %dma_wait3A_1314 : memref<1x!tpu.dma_semaphore, #tpu.memory_space<semaphore_mem>> -> memref<!tpu.dma_semaphore, #tpu.memory_space<semaphore_mem>>
        %dma_wait3A_1316 = arith.constant 0 : i32
        %dma_wait3A_1317 = arith.constant 0 : i32
        %dma_wait3A_1318 = tpu.memref_slice %arg4[%dma_wait3A_1303, %dma_wait3A_1304, %dma_wait3A_1305, %dma_wait3A_1316, %dma_wait3A_1317] : memref<200x4x128x8x128xf32, #tpu.memory_space<hbm>> -> memref<1x1x1x8x128xf32, #tpu.memory_space<hbm>>
        %dma_wait3A_1319 = tpu.memref_squeeze %dma_wait3A_1318 : memref<1x1x1x8x128xf32, #tpu.memory_space<hbm>> -> memref<8x128xf32, #tpu.memory_space<hbm>>
        %dma_wait3A_1320 = arith.constant 16 : i32
        %dma_wait3A_1321 = arith.constant 0 : i32
        %dma_wait3A_1322 = tpu.memref_slice %arg7[%dma_wait3A_1320, %dma_wait3A_1321] : memref<32x129xf32, #tpu.memory_space<vmem>> -> memref<8x128xf32, #tpu.memory_space<vmem>>
        tpu.wait_dma2 semaphore(%dma_wait3A_1315 : memref<!tpu.dma_semaphore, #tpu.memory_space<semaphore_mem>>) src(%dma_wait3A_1322 : memref<8x128xf32, #tpu.memory_space<vmem>>) dst(%dma_wait3A_1319 : memref<8x128xf32, #tpu.memory_space<hbm>>)
        %dma_wait3A_1323 = arith.constant 0 : i32
        %dma_wait3A_1324 = arith.constant 3 : i32
        %dma_wait3A_1325 = arith.constant 0 : i32
        %dma_wait3A_1326 = arith.constant 0 : i32
        %dma_wait3A_1327 = arith.constant 24 : i32
        %dma_wait3A_1328 = arith.constant 0 : i32
        %dma_wait3A_1329 = tpu.memref_slice %arg7[%dma_wait3A_1327, %dma_wait3A_1328] : memref<32x129xf32, #tpu.memory_space<vmem>> -> memref<8x128xf32, #tpu.memory_space<vmem>>
        %dma_wait3A_1330 = arith.constant 0 : i32
        %dma_wait3A_1331 = arith.constant 0 : i32
        %dma_wait3A_1332 = tpu.memref_slice %arg4[%dma_wait3A_1323, %dma_wait3A_1324, %dma_wait3A_1325, %dma_wait3A_1330, %dma_wait3A_1331] : memref<200x4x128x8x128xf32, #tpu.memory_space<hbm>> -> memref<1x1x1x8x128xf32, #tpu.memory_space<hbm>>
        %dma_wait3A_1333 = tpu.memref_squeeze %dma_wait3A_1332 : memref<1x1x1x8x128xf32, #tpu.memory_space<hbm>> -> memref<8x128xf32, #tpu.memory_space<hbm>>
        %dma_wait3A_1334 = tpu.memref_slice %arg10[%dma_wait3A_1326] : memref<2x!tpu.dma_semaphore, #tpu.memory_space<semaphore_mem>> -> memref<1x!tpu.dma_semaphore, #tpu.memory_space<semaphore_mem>>
        %dma_wait3A_1335 = tpu.memref_squeeze %dma_wait3A_1334 : memref<1x!tpu.dma_semaphore, #tpu.memory_space<semaphore_mem>> -> memref<!tpu.dma_semaphore, #tpu.memory_space<semaphore_mem>>
        %dma_wait3A_1336 = arith.constant 0 : i32
        %dma_wait3A_1337 = arith.constant 0 : i32
        %dma_wait3A_1338 = tpu.memref_slice %arg4[%dma_wait3A_1323, %dma_wait3A_1324, %dma_wait3A_1325, %dma_wait3A_1336, %dma_wait3A_1337] : memref<200x4x128x8x128xf32, #tpu.memory_space<hbm>> -> memref<1x1x1x8x128xf32, #tpu.memory_space<hbm>>
        %dma_wait3A_1339 = tpu.memref_squeeze %dma_wait3A_1338 : memref<1x1x1x8x128xf32, #tpu.memory_space<hbm>> -> memref<8x128xf32, #tpu.memory_space<hbm>>
        %dma_wait3A_1340 = arith.constant 24 : i32
        %dma_wait3A_1341 = arith.constant 0 : i32
        %dma_wait3A_1342 = tpu.memref_slice %arg7[%dma_wait3A_1340, %dma_wait3A_1341] : memref<32x129xf32, #tpu.memory_space<vmem>> -> memref<8x128xf32, #tpu.memory_space<vmem>>
        tpu.wait_dma2 semaphore(%dma_wait3A_1335 : memref<!tpu.dma_semaphore, #tpu.memory_space<semaphore_mem>>) src(%dma_wait3A_1342 : memref<8x128xf32, #tpu.memory_space<vmem>>) dst(%dma_wait3A_1339 : memref<8x128xf32, #tpu.memory_space<hbm>>)
        %scan3A_1343 = arith.constant 0 : i32
        %scan3A_1344 = arith.constant 0 : i32
        %scan3A_1345 = arith.constant 32 : i32
        %scan3A_1346 = arith.addi %scan3A_1344, %scan3A_1345 : i32
        %scan3A_1347 = arith.constant 1 : i32
        scf.for %scan3A_1613 = %scan3A_1344 to %scan3A_1346 step %scan3A_1347  : i32 {
          %mul3A_1614 = arith.constant 4 : i32
          %mul3A_1615 = arith.muli %scan3A_1613, %mul3A_1614 : i32
          %add3A_1616 = arith.constant 0 : i32
          %add3A_1617 = arith.addi %mul3A_1615, %add3A_1616 : i32
          %broadcast_in_dim3A = arith.constant 0 : i32
          %broadcast_in_dim3A_1618 = vector.broadcast %broadcast_in_dim3A : i32 to vector<16xi32>
          %add3A_1619 = vector.broadcast %add3A_1617 : i32 to vector<16xi32>
          %add3A_1620 = arith.addi %broadcast_in_dim3A_1618, %add3A_1619 : vector<16xi32>
          %get3A = arith.constant 6 : i32
          %get3A_1621 = arith.index_cast %get3A : i32 to index
          %get3A_1622 = arith.index_cast %add3A_1617 : i32 to index
          %get3A_1623 = arith.constant 0 : index
          %get3A_1624 = tpu.vector_load %arg6[%get3A_1621, %get3A_1622, %get3A_1623] {strides = array<i32>} : memref<8x128x32xf32, #tpu.memory_space<vmem>>, vector<16xf32>,
          %add3A_1625 = arith.constant 0 : i32
          %add3A_1626 = vector.broadcast %add3A_1625 : i32 to vector<16xi32>
          %add3A_1627 = arith.addi %iota3A, %add3A_1626 : vector<16xi32>
          tpu.vector_store_idx %arg7[%add3A_1627, %add3A_1620], %get3A_1624 : memref<32x129xf32, #tpu.memory_space<vmem>>[vector<16xi32>, vector<16xi32>], vector<16xf32>,
          %get3A_1628 = arith.constant 6 : i32
          %get3A_1629 = arith.index_cast %get3A_1628 : i32 to index
          %get3A_1630 = arith.index_cast %add3A_1617 : i32 to index
          %get3A_1631 = arith.constant 16 : index
          %get3A_1632 = tpu.vector_load %arg6[%get3A_1629, %get3A_1630, %get3A_1631] {strides = array<i32>} : memref<8x128x32xf32, #tpu.memory_space<vmem>>, vector<16xf32>,
          %add3A_1633 = arith.constant 16 : i32
          %add3A_1634 = vector.broadcast %add3A_1633 : i32 to vector<16xi32>
          %add3A_1635 = arith.addi %iota3A, %add3A_1634 : vector<16xi32>
          tpu.vector_store_idx %arg7[%add3A_1635, %add3A_1620], %get3A_1632 : memref<32x129xf32, #tpu.memory_space<vmem>>[vector<16xi32>, vector<16xi32>], vector<16xf32>,
          %mul3A_1636 = arith.constant 4 : i32
          %mul3A_1637 = arith.muli %scan3A_1613, %mul3A_1636 : i32
          %add3A_1638 = arith.constant 1 : i32
          %add3A_1639 = arith.addi %mul3A_1637, %add3A_1638 : i32
          %broadcast_in_dim3A_1640 = arith.constant 0 : i32
          %broadcast_in_dim3A_1641 = vector.broadcast %broadcast_in_dim3A_1640 : i32 to vector<16xi32>
          %add3A_1642 = vector.broadcast %add3A_1639 : i32 to vector<16xi32>
          %add3A_1643 = arith.addi %broadcast_in_dim3A_1641, %add3A_1642 : vector<16xi32>
          %get3A_1644 = arith.constant 6 : i32
          %get3A_1645 = arith.index_cast %get3A_1644 : i32 to index
          %get3A_1646 = arith.index_cast %add3A_1639 : i32 to index
          %get3A_1647 = arith.constant 0 : index
          %get3A_1648 = tpu.vector_load %arg6[%get3A_1645, %get3A_1646, %get3A_1647] {strides = array<i32>} : memref<8x128x32xf32, #tpu.memory_space<vmem>>, vector<16xf32>,
          %add3A_1649 = arith.constant 0 : i32
          %add3A_1650 = vector.broadcast %add3A_1649 : i32 to vector<16xi32>
          %add3A_1651 = arith.addi %iota3A, %add3A_1650 : vector<16xi32>
          tpu.vector_store_idx %arg7[%add3A_1651, %add3A_1643], %get3A_1648 : memref<32x129xf32, #tpu.memory_space<vmem>>[vector<16xi32>, vector<16xi32>], vector<16xf32>,
          %get3A_1652 = arith.constant 6 : i32
          %get3A_1653 = arith.index_cast %get3A_1652 : i32 to index
          %get3A_1654 = arith.index_cast %add3A_1639 : i32 to index
          %get3A_1655 = arith.constant 16 : index
          %get3A_1656 = tpu.vector_load %arg6[%get3A_1653, %get3A_1654, %get3A_1655] {strides = array<i32>} : memref<8x128x32xf32, #tpu.memory_space<vmem>>, vector<16xf32>,
          %add3A_1657 = arith.constant 16 : i32
          %add3A_1658 = vector.broadcast %add3A_1657 : i32 to vector<16xi32>
          %add3A_1659 = arith.addi %iota3A, %add3A_1658 : vector<16xi32>
          tpu.vector_store_idx %arg7[%add3A_1659, %add3A_1643], %get3A_1656 : memref<32x129xf32, #tpu.memory_space<vmem>>[vector<16xi32>, vector<16xi32>], vector<16xf32>,
          %mul3A_1660 = arith.constant 4 : i32
          %mul3A_1661 = arith.muli %scan3A_1613, %mul3A_1660 : i32
          %add3A_1662 = arith.constant 2 : i32
          %add3A_1663 = arith.addi %mul3A_1661, %add3A_1662 : i32
          %broadcast_in_dim3A_1664 = arith.constant 0 : i32
          %broadcast_in_dim3A_1665 = vector.broadcast %broadcast_in_dim3A_1664 : i32 to vector<16xi32>
          %add3A_1666 = vector.broadcast %add3A_1663 : i32 to vector<16xi32>
          %add3A_1667 = arith.addi %broadcast_in_dim3A_1665, %add3A_1666 : vector<16xi32>
          %get3A_1668 = arith.constant 6 : i32
          %get3A_1669 = arith.index_cast %get3A_1668 : i32 to index
          %get3A_1670 = arith.index_cast %add3A_1663 : i32 to index
          %get3A_1671 = arith.constant 0 : index
          %get3A_1672 = tpu.vector_load %arg6[%get3A_1669, %get3A_1670, %get3A_1671] {strides = array<i32>} : memref<8x128x32xf32, #tpu.memory_space<vmem>>, vector<16xf32>,
          %add3A_1673 = arith.constant 0 : i32
          %add3A_1674 = vector.broadcast %add3A_1673 : i32 to vector<16xi32>
          %add3A_1675 = arith.addi %iota3A, %add3A_1674 : vector<16xi32>
          tpu.vector_store_idx %arg7[%add3A_1675, %add3A_1667], %get3A_1672 : memref<32x129xf32, #tpu.memory_space<vmem>>[vector<16xi32>, vector<16xi32>], vector<16xf32>,
          %get3A_1676 = arith.constant 6 : i32
          %get3A_1677 = arith.index_cast %get3A_1676 : i32 to index
          %get3A_1678 = arith.index_cast %add3A_1663 : i32 to index
          %get3A_1679 = arith.constant 16 : index
          %get3A_1680 = tpu.vector_load %arg6[%get3A_1677, %get3A_1678, %get3A_1679] {strides = array<i32>} : memref<8x128x32xf32, #tpu.memory_space<vmem>>, vector<16xf32>,
          %add3A_1681 = arith.constant 16 : i32
          %add3A_1682 = vector.broadcast %add3A_1681 : i32 to vector<16xi32>
          %add3A_1683 = arith.addi %iota3A, %add3A_1682 : vector<16xi32>
          tpu.vector_store_idx %arg7[%add3A_1683, %add3A_1667], %get3A_1680 : memref<32x129xf32, #tpu.memory_space<vmem>>[vector<16xi32>, vector<16xi32>], vector<16xf32>,
          %mul3A_1684 = arith.constant 4 : i32
          %mul3A_1685 = arith.muli %scan3A_1613, %mul3A_1684 : i32
          %add3A_1686 = arith.constant 3 : i32
          %add3A_1687 = arith.addi %mul3A_1685, %add3A_1686 : i32
          %broadcast_in_dim3A_1688 = arith.constant 0 : i32
          %broadcast_in_dim3A_1689 = vector.broadcast %broadcast_in_dim3A_1688 : i32 to vector<16xi32>
          %add3A_1690 = vector.broadcast %add3A_1687 : i32 to vector<16xi32>
          %add3A_1691 = arith.addi %broadcast_in_dim3A_1689, %add3A_1690 : vector<16xi32>
          %get3A_1692 = arith.constant 6 : i32
          %get3A_1693 = arith.index_cast %get3A_1692 : i32 to index
          %get3A_1694 = arith.index_cast %add3A_1687 : i32 to index
          %get3A_1695 = arith.constant 0 : index
          %get3A_1696 = tpu.vector_load %arg6[%get3A_1693, %get3A_1694, %get3A_1695] {strides = array<i32>} : memref<8x128x32xf32, #tpu.memory_space<vmem>>, vector<16xf32>,
          %add3A_1697 = arith.constant 0 : i32
          %add3A_1698 = vector.broadcast %add3A_1697 : i32 to vector<16xi32>
          %add3A_1699 = arith.addi %iota3A, %add3A_1698 : vector<16xi32>
          tpu.vector_store_idx %arg7[%add3A_1699, %add3A_1691], %get3A_1696 : memref<32x129xf32, #tpu.memory_space<vmem>>[vector<16xi32>, vector<16xi32>], vector<16xf32>,
          %get3A_1700 = arith.constant 6 : i32
          %get3A_1701 = arith.index_cast %get3A_1700 : i32 to index
          %get3A_1702 = arith.index_cast %add3A_1687 : i32 to index
          %get3A_1703 = arith.constant 16 : index
          %get3A_1704 = tpu.vector_load %arg6[%get3A_1701, %get3A_1702, %get3A_1703] {strides = array<i32>} : memref<8x128x32xf32, #tpu.memory_space<vmem>>, vector<16xf32>,
          %add3A_1705 = arith.constant 16 : i32
          %add3A_1706 = vector.broadcast %add3A_1705 : i32 to vector<16xi32>
          %add3A_1707 = arith.addi %iota3A, %add3A_1706 : vector<16xi32>
          tpu.vector_store_idx %arg7[%add3A_1707, %add3A_1691], %get3A_1704 : memref<32x129xf32, #tpu.memory_space<vmem>>[vector<16xi32>, vector<16xi32>], vector<16xf32>,
        }
        %scan3A_1348 = arith.constant 32 : i32
        %mul3A_1349 = arith.constant 8 : i32
        %mul3A_1350 = arith.muli %scan3A_302, %mul3A_1349 : i32
        %add3A_1351 = arith.constant 6 : i32
        %add3A_1352 = arith.addi %mul3A_1350, %add3A_1351 : i32
        %dma_start3A_1353 = arith.constant 0 : i32
        %dma_start3A_1354 = arith.constant 0 : i32
        %dma_start3A_1355 = arith.constant 0 : i32
        %dma_start3A_1356 = arith.constant 0 : i32
        %dma_start3A_1357 = tpu.memref_slice %arg7[%dma_start3A_1355, %dma_start3A_1356] : memref<32x129xf32, #tpu.memory_space<vmem>> -> memref<8x128xf32, #tpu.memory_space<vmem>>
        %dma_start3A_1358 = arith.constant 0 : i32
        %dma_start3A_1359 = arith.constant 0 : i32
        %dma_start3A_1360 = tpu.memref_slice %arg4[%add3A_1352, %dma_start3A_1353, %add3A_9, %dma_start3A_1358, %dma_start3A_1359] : memref<200x4x128x8x128xf32, #tpu.memory_space<hbm>> -> memref<1x1x1x8x128xf32, #tpu.memory_space<hbm>>
        %dma_start3A_1361 = tpu.memref_squeeze %dma_start3A_1360 : memref<1x1x1x8x128xf32, #tpu.memory_space<hbm>> -> memref<8x128xf32, #tpu.memory_space<hbm>>
        %dma_start3A_1362 = tpu.memref_slice %arg10[%dma_start3A_1354] : memref<2x!tpu.dma_semaphore, #tpu.memory_space<semaphore_mem>> -> memref<1x!tpu.dma_semaphore, #tpu.memory_space<semaphore_mem>>
        %dma_start3A_1363 = tpu.memref_squeeze %dma_start3A_1362 : memref<1x!tpu.dma_semaphore, #tpu.memory_space<semaphore_mem>> -> memref<!tpu.dma_semaphore, #tpu.memory_space<semaphore_mem>>
        %dma_start3A_1364 = arith.constant 0 : i32
        %dma_start3A_1365 = arith.constant 0 : i32
        %dma_start3A_1366 = tpu.memref_slice %arg4[%add3A_1352, %dma_start3A_1353, %add3A_9, %dma_start3A_1364, %dma_start3A_1365] : memref<200x4x128x8x128xf32, #tpu.memory_space<hbm>> -> memref<1x1x1x8x128xf32, #tpu.memory_space<hbm>>
        %dma_start3A_1367 = tpu.memref_squeeze %dma_start3A_1366 : memref<1x1x1x8x128xf32, #tpu.memory_space<hbm>> -> memref<8x128xf32, #tpu.memory_space<hbm>>
        %dma_start3A_1368 = arith.constant 0 : i32
        %dma_start3A_1369 = arith.constant 0 : i32
        %dma_start3A_1370 = tpu.memref_slice %arg7[%dma_start3A_1368, %dma_start3A_1369] : memref<32x129xf32, #tpu.memory_space<vmem>> -> memref<8x128xf32, #tpu.memory_space<vmem>>
        tpu.enqueue_dma source(%dma_start3A_1370 : memref<8x128xf32, #tpu.memory_space<vmem>>) target(%dma_start3A_1367 : memref<8x128xf32, #tpu.memory_space<hbm>>) target_semaphore(%dma_start3A_1363 : memref<!tpu.dma_semaphore, #tpu.memory_space<semaphore_mem>>)
        %dma_start3A_1371 = arith.constant 1 : i32
        %dma_start3A_1372 = arith.constant 0 : i32
        %dma_start3A_1373 = arith.constant 8 : i32
        %dma_start3A_1374 = arith.constant 0 : i32
        %dma_start3A_1375 = tpu.memref_slice %arg7[%dma_start3A_1373, %dma_start3A_1374] : memref<32x129xf32, #tpu.memory_space<vmem>> -> memref<8x128xf32, #tpu.memory_space<vmem>>
        %dma_start3A_1376 = arith.constant 0 : i32
        %dma_start3A_1377 = arith.constant 0 : i32
        %dma_start3A_1378 = tpu.memref_slice %arg4[%add3A_1352, %dma_start3A_1371, %add3A_9, %dma_start3A_1376, %dma_start3A_1377] : memref<200x4x128x8x128xf32, #tpu.memory_space<hbm>> -> memref<1x1x1x8x128xf32, #tpu.memory_space<hbm>>
        %dma_start3A_1379 = tpu.memref_squeeze %dma_start3A_1378 : memref<1x1x1x8x128xf32, #tpu.memory_space<hbm>> -> memref<8x128xf32, #tpu.memory_space<hbm>>
        %dma_start3A_1380 = tpu.memref_slice %arg10[%dma_start3A_1372] : memref<2x!tpu.dma_semaphore, #tpu.memory_space<semaphore_mem>> -> memref<1x!tpu.dma_semaphore, #tpu.memory_space<semaphore_mem>>
        %dma_start3A_1381 = tpu.memref_squeeze %dma_start3A_1380 : memref<1x!tpu.dma_semaphore, #tpu.memory_space<semaphore_mem>> -> memref<!tpu.dma_semaphore, #tpu.memory_space<semaphore_mem>>
        %dma_start3A_1382 = arith.constant 0 : i32
        %dma_start3A_1383 = arith.constant 0 : i32
        %dma_start3A_1384 = tpu.memref_slice %arg4[%add3A_1352, %dma_start3A_1371, %add3A_9, %dma_start3A_1382, %dma_start3A_1383] : memref<200x4x128x8x128xf32, #tpu.memory_space<hbm>> -> memref<1x1x1x8x128xf32, #tpu.memory_space<hbm>>
        %dma_start3A_1385 = tpu.memref_squeeze %dma_start3A_1384 : memref<1x1x1x8x128xf32, #tpu.memory_space<hbm>> -> memref<8x128xf32, #tpu.memory_space<hbm>>
        %dma_start3A_1386 = arith.constant 8 : i32
        %dma_start3A_1387 = arith.constant 0 : i32
        %dma_start3A_1388 = tpu.memref_slice %arg7[%dma_start3A_1386, %dma_start3A_1387] : memref<32x129xf32, #tpu.memory_space<vmem>> -> memref<8x128xf32, #tpu.memory_space<vmem>>
        tpu.enqueue_dma source(%dma_start3A_1388 : memref<8x128xf32, #tpu.memory_space<vmem>>) target(%dma_start3A_1385 : memref<8x128xf32, #tpu.memory_space<hbm>>) target_semaphore(%dma_start3A_1381 : memref<!tpu.dma_semaphore, #tpu.memory_space<semaphore_mem>>)
        %dma_start3A_1389 = arith.constant 2 : i32
        %dma_start3A_1390 = arith.constant 0 : i32
        %dma_start3A_1391 = arith.constant 16 : i32
        %dma_start3A_1392 = arith.constant 0 : i32
        %dma_start3A_1393 = tpu.memref_slice %arg7[%dma_start3A_1391, %dma_start3A_1392] : memref<32x129xf32, #tpu.memory_space<vmem>> -> memref<8x128xf32, #tpu.memory_space<vmem>>
        %dma_start3A_1394 = arith.constant 0 : i32
        %dma_start3A_1395 = arith.constant 0 : i32
        %dma_start3A_1396 = tpu.memref_slice %arg4[%add3A_1352, %dma_start3A_1389, %add3A_9, %dma_start3A_1394, %dma_start3A_1395] : memref<200x4x128x8x128xf32, #tpu.memory_space<hbm>> -> memref<1x1x1x8x128xf32, #tpu.memory_space<hbm>>
        %dma_start3A_1397 = tpu.memref_squeeze %dma_start3A_1396 : memref<1x1x1x8x128xf32, #tpu.memory_space<hbm>> -> memref<8x128xf32, #tpu.memory_space<hbm>>
        %dma_start3A_1398 = tpu.memref_slice %arg10[%dma_start3A_1390] : memref<2x!tpu.dma_semaphore, #tpu.memory_space<semaphore_mem>> -> memref<1x!tpu.dma_semaphore, #tpu.memory_space<semaphore_mem>>
        %dma_start3A_1399 = tpu.memref_squeeze %dma_start3A_1398 : memref<1x!tpu.dma_semaphore, #tpu.memory_space<semaphore_mem>> -> memref<!tpu.dma_semaphore, #tpu.memory_space<semaphore_mem>>
        %dma_start3A_1400 = arith.constant 0 : i32
        %dma_start3A_1401 = arith.constant 0 : i32
        %dma_start3A_1402 = tpu.memref_slice %arg4[%add3A_1352, %dma_start3A_1389, %add3A_9, %dma_start3A_1400, %dma_start3A_1401] : memref<200x4x128x8x128xf32, #tpu.memory_space<hbm>> -> memref<1x1x1x8x128xf32, #tpu.memory_space<hbm>>
        %dma_start3A_1403 = tpu.memref_squeeze %dma_start3A_1402 : memref<1x1x1x8x128xf32, #tpu.memory_space<hbm>> -> memref<8x128xf32, #tpu.memory_space<hbm>>
        %dma_start3A_1404 = arith.constant 16 : i32
        %dma_start3A_1405 = arith.constant 0 : i32
        %dma_start3A_1406 = tpu.memref_slice %arg7[%dma_start3A_1404, %dma_start3A_1405] : memref<32x129xf32, #tpu.memory_space<vmem>> -> memref<8x128xf32, #tpu.memory_space<vmem>>
        tpu.enqueue_dma source(%dma_start3A_1406 : memref<8x128xf32, #tpu.memory_space<vmem>>) target(%dma_start3A_1403 : memref<8x128xf32, #tpu.memory_space<hbm>>) target_semaphore(%dma_start3A_1399 : memref<!tpu.dma_semaphore, #tpu.memory_space<semaphore_mem>>)
        %dma_start3A_1407 = arith.constant 3 : i32
        %dma_start3A_1408 = arith.constant 0 : i32
        %dma_start3A_1409 = arith.constant 24 : i32
        %dma_start3A_1410 = arith.constant 0 : i32
        %dma_start3A_1411 = tpu.memref_slice %arg7[%dma_start3A_1409, %dma_start3A_1410] : memref<32x129xf32, #tpu.memory_space<vmem>> -> memref<8x128xf32, #tpu.memory_space<vmem>>
        %dma_start3A_1412 = arith.constant 0 : i32
        %dma_start3A_1413 = arith.constant 0 : i32
        %dma_start3A_1414 = tpu.memref_slice %arg4[%add3A_1352, %dma_start3A_1407, %add3A_9, %dma_start3A_1412, %dma_start3A_1413] : memref<200x4x128x8x128xf32, #tpu.memory_space<hbm>> -> memref<1x1x1x8x128xf32, #tpu.memory_space<hbm>>
        %dma_start3A_1415 = tpu.memref_squeeze %dma_start3A_1414 : memref<1x1x1x8x128xf32, #tpu.memory_space<hbm>> -> memref<8x128xf32, #tpu.memory_space<hbm>>
        %dma_start3A_1416 = tpu.memref_slice %arg10[%dma_start3A_1408] : memref<2x!tpu.dma_semaphore, #tpu.memory_space<semaphore_mem>> -> memref<1x!tpu.dma_semaphore, #tpu.memory_space<semaphore_mem>>
        %dma_start3A_1417 = tpu.memref_squeeze %dma_start3A_1416 : memref<1x!tpu.dma_semaphore, #tpu.memory_space<semaphore_mem>> -> memref<!tpu.dma_semaphore, #tpu.memory_space<semaphore_mem>>
        %dma_start3A_1418 = arith.constant 0 : i32
        %dma_start3A_1419 = arith.constant 0 : i32
        %dma_start3A_1420 = tpu.memref_slice %arg4[%add3A_1352, %dma_start3A_1407, %add3A_9, %dma_start3A_1418, %dma_start3A_1419] : memref<200x4x128x8x128xf32, #tpu.memory_space<hbm>> -> memref<1x1x1x8x128xf32, #tpu.memory_space<hbm>>
        %dma_start3A_1421 = tpu.memref_squeeze %dma_start3A_1420 : memref<1x1x1x8x128xf32, #tpu.memory_space<hbm>> -> memref<8x128xf32, #tpu.memory_space<hbm>>
        %dma_start3A_1422 = arith.constant 24 : i32
        %dma_start3A_1423 = arith.constant 0 : i32
        %dma_start3A_1424 = tpu.memref_slice %arg7[%dma_start3A_1422, %dma_start3A_1423] : memref<32x129xf32, #tpu.memory_space<vmem>> -> memref<8x128xf32, #tpu.memory_space<vmem>>
        tpu.enqueue_dma source(%dma_start3A_1424 : memref<8x128xf32, #tpu.memory_space<vmem>>) target(%dma_start3A_1421 : memref<8x128xf32, #tpu.memory_space<hbm>>) target_semaphore(%dma_start3A_1417 : memref<!tpu.dma_semaphore, #tpu.memory_space<semaphore_mem>>)
        %lt3A_1425 = arith.constant 24 : i32
        %lt3A_1426 = arith.cmpi slt, %scan3A_302, %lt3A_1425 : i32
        %convert_element_type3A_1427 = arith.extui %lt3A_1426 : i1 to i32
        %cond3A_1428 = arith.constant 0 : i32
        %cond3A_1429 = arith.cmpi ne, %convert_element_type3A_1427, %cond3A_1428 : i32
        scf.if %cond3A_1429 {
          %add3A_1613 = arith.constant 1 : i32
          %add3A_1614 = arith.addi %scan3A_302, %add3A_1613 : i32
          %dma_start3A_1615 = arith.constant 6 : i32
          %dma_start3A_1616 = arith.constant 6 : i32
          %dma_start3A_1617 = arith.constant 6 : i32
          %dma_start3A_1618 = arith.constant 0 : i32
          %dma_start3A_1619 = arith.constant 0 : i32
          %dma_start3A_1620 = tpu.memref_slice %arg6[%dma_start3A_1616, %dma_start3A_1618, %dma_start3A_1619] : memref<8x128x32xf32, #tpu.memory_space<vmem>> -> memref<1x128x32xf32, #tpu.memory_space<vmem>>
          %dma_start3A_1621 = tpu.memref_squeeze %dma_start3A_1620 : memref<1x128x32xf32, #tpu.memory_space<vmem>> -> memref<128x32xf32, #tpu.memory_space<vmem>>
          %dma_start3A_1622 = arith.constant 0 : i32
          %dma_start3A_1623 = tpu.memref_slice %arg5[%add3A_1614, %dma_start3A_1615, %dma_start3A_1622] : memref<25x8x128xi32, #tpu.memory_space<vmem>> -> memref<1x1x128xi32, #tpu.memory_space<vmem>>
          %dma_start3A_1624 = tpu.memref_squeeze %dma_start3A_1623 : memref<1x1x128xi32, #tpu.memory_space<vmem>> -> memref<128xi32, #tpu.memory_space<vmem>>
          %dma_start3A_1625 = arith.constant 0 : i32
          %dma_start3A_1626 = arith.constant 0 : i32
          %dma_start3A_1627 = tpu.memref_slice %arg3[%dma_start3A_1625, %dma_start3A_1626] : memref<1000000x32xf32, #tpu.memory_space<hbm>> -> memref<1000000x32xf32, #tpu.memory_space<hbm>>
          %dma_start3A_1628 = tpu.memref_slice %arg9[%dma_start3A_1617] : memref<8x!tpu.dma_semaphore, #tpu.memory_space<semaphore_mem>> -> memref<1x!tpu.dma_semaphore, #tpu.memory_space<semaphore_mem>>
          %dma_start3A_1629 = tpu.memref_squeeze %dma_start3A_1628 : memref<1x!tpu.dma_semaphore, #tpu.memory_space<semaphore_mem>> -> memref<!tpu.dma_semaphore, #tpu.memory_space<semaphore_mem>>
          tpu.enqueue_indirect_dma source(%dma_start3A_1627 : memref<1000000x32xf32, #tpu.memory_space<hbm>>) target(%dma_start3A_1621 : memref<128x32xf32, #tpu.memory_space<vmem>>) offsets(%dma_start3A_1624 : memref<128xi32, #tpu.memory_space<vmem>>) semaphore(%dma_start3A_1629 : memref<!tpu.dma_semaphore, #tpu.memory_space<semaphore_mem>>)
        } else {
        }
        %dma_wait3A_1430 = arith.constant 0 : i32
        %dma_wait3A_1431 = arith.constant 7 : i32
        %dma_wait3A_1432 = arith.constant 7 : i32
        %dma_wait3A_1433 = arith.constant 7 : i32
        %dma_wait3A_1434 = arith.constant 0 : i32
        %dma_wait3A_1435 = arith.constant 0 : i32
        %dma_wait3A_1436 = tpu.memref_slice %arg6[%dma_wait3A_1432, %dma_wait3A_1434, %dma_wait3A_1435] : memref<8x128x32xf32, #tpu.memory_space<vmem>> -> memref<1x128x32xf32, #tpu.memory_space<vmem>>
        %dma_wait3A_1437 = tpu.memref_squeeze %dma_wait3A_1436 : memref<1x128x32xf32, #tpu.memory_space<vmem>> -> memref<128x32xf32, #tpu.memory_space<vmem>>
        %dma_wait3A_1438 = arith.constant 0 : i32
        %dma_wait3A_1439 = tpu.memref_slice %arg5[%dma_wait3A_1430, %dma_wait3A_1431, %dma_wait3A_1438] : memref<25x8x128xi32, #tpu.memory_space<vmem>> -> memref<1x1x128xi32, #tpu.memory_space<vmem>>
        %dma_wait3A_1440 = tpu.memref_squeeze %dma_wait3A_1439 : memref<1x1x128xi32, #tpu.memory_space<vmem>> -> memref<128xi32, #tpu.memory_space<vmem>>
        %dma_wait3A_1441 = arith.constant 0 : i32
        %dma_wait3A_1442 = arith.constant 0 : i32
        %dma_wait3A_1443 = tpu.memref_slice %arg3[%dma_wait3A_1441, %dma_wait3A_1442] : memref<1000000x32xf32, #tpu.memory_space<hbm>> -> memref<1000000x32xf32, #tpu.memory_space<hbm>>
        %dma_wait3A_1444 = tpu.memref_slice %arg9[%dma_wait3A_1433] : memref<8x!tpu.dma_semaphore, #tpu.memory_space<semaphore_mem>> -> memref<1x!tpu.dma_semaphore, #tpu.memory_space<semaphore_mem>>
        %dma_wait3A_1445 = tpu.memref_squeeze %dma_wait3A_1444 : memref<1x!tpu.dma_semaphore, #tpu.memory_space<semaphore_mem>> -> memref<!tpu.dma_semaphore, #tpu.memory_space<semaphore_mem>>
        tpu.wait_indirect_dma semaphore(%dma_wait3A_1445 : memref<!tpu.dma_semaphore, #tpu.memory_space<semaphore_mem>>) src(%dma_wait3A_1443 : memref<1000000x32xf32, #tpu.memory_space<hbm>>) dst(%dma_wait3A_1437 : memref<128x32xf32, #tpu.memory_space<vmem>>)
        %dma_wait3A_1446 = arith.constant 0 : i32
        %dma_wait3A_1447 = arith.constant 0 : i32
        %dma_wait3A_1448 = arith.constant 0 : i32
        %dma_wait3A_1449 = arith.constant 1 : i32
        %dma_wait3A_1450 = arith.constant 0 : i32
        %dma_wait3A_1451 = arith.constant 0 : i32
        %dma_wait3A_1452 = tpu.memref_slice %arg8[%dma_wait3A_1450, %dma_wait3A_1451] : memref<32x129xf32, #tpu.memory_space<vmem>> -> memref<8x128xf32, #tpu.memory_space<vmem>>
        %dma_wait3A_1453 = arith.constant 0 : i32
        %dma_wait3A_1454 = arith.constant 0 : i32
        %dma_wait3A_1455 = tpu.memref_slice %arg4[%dma_wait3A_1446, %dma_wait3A_1447, %dma_wait3A_1448, %dma_wait3A_1453, %dma_wait3A_1454] : memref<200x4x128x8x128xf32, #tpu.memory_space<hbm>> -> memref<1x1x1x8x128xf32, #tpu.memory_space<hbm>>
        %dma_wait3A_1456 = tpu.memref_squeeze %dma_wait3A_1455 : memref<1x1x1x8x128xf32, #tpu.memory_space<hbm>> -> memref<8x128xf32, #tpu.memory_space<hbm>>
        %dma_wait3A_1457 = tpu.memref_slice %arg10[%dma_wait3A_1449] : memref<2x!tpu.dma_semaphore, #tpu.memory_space<semaphore_mem>> -> memref<1x!tpu.dma_semaphore, #tpu.memory_space<semaphore_mem>>
        %dma_wait3A_1458 = tpu.memref_squeeze %dma_wait3A_1457 : memref<1x!tpu.dma_semaphore, #tpu.memory_space<semaphore_mem>> -> memref<!tpu.dma_semaphore, #tpu.memory_space<semaphore_mem>>
        %dma_wait3A_1459 = arith.constant 0 : i32
        %dma_wait3A_1460 = arith.constant 0 : i32
        %dma_wait3A_1461 = tpu.memref_slice %arg4[%dma_wait3A_1446, %dma_wait3A_1447, %dma_wait3A_1448, %dma_wait3A_1459, %dma_wait3A_1460] : memref<200x4x128x8x128xf32, #tpu.memory_space<hbm>> -> memref<1x1x1x8x128xf32, #tpu.memory_space<hbm>>
        %dma_wait3A_1462 = tpu.memref_squeeze %dma_wait3A_1461 : memref<1x1x1x8x128xf32, #tpu.memory_space<hbm>> -> memref<8x128xf32, #tpu.memory_space<hbm>>
        %dma_wait3A_1463 = arith.constant 0 : i32
        %dma_wait3A_1464 = arith.constant 0 : i32
        %dma_wait3A_1465 = tpu.memref_slice %arg8[%dma_wait3A_1463, %dma_wait3A_1464] : memref<32x129xf32, #tpu.memory_space<vmem>> -> memref<8x128xf32, #tpu.memory_space<vmem>>
        tpu.wait_dma2 semaphore(%dma_wait3A_1458 : memref<!tpu.dma_semaphore, #tpu.memory_space<semaphore_mem>>) src(%dma_wait3A_1465 : memref<8x128xf32, #tpu.memory_space<vmem>>) dst(%dma_wait3A_1462 : memref<8x128xf32, #tpu.memory_space<hbm>>)
        %dma_wait3A_1466 = arith.constant 0 : i32
        %dma_wait3A_1467 = arith.constant 1 : i32
        %dma_wait3A_1468 = arith.constant 0 : i32
        %dma_wait3A_1469 = arith.constant 1 : i32
        %dma_wait3A_1470 = arith.constant 8 : i32
        %dma_wait3A_1471 = arith.constant 0 : i32
        %dma_wait3A_1472 = tpu.memref_slice %arg8[%dma_wait3A_1470, %dma_wait3A_1471] : memref<32x129xf32, #tpu.memory_space<vmem>> -> memref<8x128xf32, #tpu.memory_space<vmem>>
        %dma_wait3A_1473 = arith.constant 0 : i32
        %dma_wait3A_1474 = arith.constant 0 : i32
        %dma_wait3A_1475 = tpu.memref_slice %arg4[%dma_wait3A_1466, %dma_wait3A_1467, %dma_wait3A_1468, %dma_wait3A_1473, %dma_wait3A_1474] : memref<200x4x128x8x128xf32, #tpu.memory_space<hbm>> -> memref<1x1x1x8x128xf32, #tpu.memory_space<hbm>>
        %dma_wait3A_1476 = tpu.memref_squeeze %dma_wait3A_1475 : memref<1x1x1x8x128xf32, #tpu.memory_space<hbm>> -> memref<8x128xf32, #tpu.memory_space<hbm>>
        %dma_wait3A_1477 = tpu.memref_slice %arg10[%dma_wait3A_1469] : memref<2x!tpu.dma_semaphore, #tpu.memory_space<semaphore_mem>> -> memref<1x!tpu.dma_semaphore, #tpu.memory_space<semaphore_mem>>
        %dma_wait3A_1478 = tpu.memref_squeeze %dma_wait3A_1477 : memref<1x!tpu.dma_semaphore, #tpu.memory_space<semaphore_mem>> -> memref<!tpu.dma_semaphore, #tpu.memory_space<semaphore_mem>>
        %dma_wait3A_1479 = arith.constant 0 : i32
        %dma_wait3A_1480 = arith.constant 0 : i32
        %dma_wait3A_1481 = tpu.memref_slice %arg4[%dma_wait3A_1466, %dma_wait3A_1467, %dma_wait3A_1468, %dma_wait3A_1479, %dma_wait3A_1480] : memref<200x4x128x8x128xf32, #tpu.memory_space<hbm>> -> memref<1x1x1x8x128xf32, #tpu.memory_space<hbm>>
        %dma_wait3A_1482 = tpu.memref_squeeze %dma_wait3A_1481 : memref<1x1x1x8x128xf32, #tpu.memory_space<hbm>> -> memref<8x128xf32, #tpu.memory_space<hbm>>
        %dma_wait3A_1483 = arith.constant 8 : i32
        %dma_wait3A_1484 = arith.constant 0 : i32
        %dma_wait3A_1485 = tpu.memref_slice %arg8[%dma_wait3A_1483, %dma_wait3A_1484] : memref<32x129xf32, #tpu.memory_space<vmem>> -> memref<8x128xf32, #tpu.memory_space<vmem>>
        tpu.wait_dma2 semaphore(%dma_wait3A_1478 : memref<!tpu.dma_semaphore, #tpu.memory_space<semaphore_mem>>) src(%dma_wait3A_1485 : memref<8x128xf32, #tpu.memory_space<vmem>>) dst(%dma_wait3A_1482 : memref<8x128xf32, #tpu.memory_space<hbm>>)
        %dma_wait3A_1486 = arith.constant 0 : i32
        %dma_wait3A_1487 = arith.constant 2 : i32
        %dma_wait3A_1488 = arith.constant 0 : i32
        %dma_wait3A_1489 = arith.constant 1 : i32
        %dma_wait3A_1490 = arith.constant 16 : i32
        %dma_wait3A_1491 = arith.constant 0 : i32
        %dma_wait3A_1492 = tpu.memref_slice %arg8[%dma_wait3A_1490, %dma_wait3A_1491] : memref<32x129xf32, #tpu.memory_space<vmem>> -> memref<8x128xf32, #tpu.memory_space<vmem>>
        %dma_wait3A_1493 = arith.constant 0 : i32
        %dma_wait3A_1494 = arith.constant 0 : i32
        %dma_wait3A_1495 = tpu.memref_slice %arg4[%dma_wait3A_1486, %dma_wait3A_1487, %dma_wait3A_1488, %dma_wait3A_1493, %dma_wait3A_1494] : memref<200x4x128x8x128xf32, #tpu.memory_space<hbm>> -> memref<1x1x1x8x128xf32, #tpu.memory_space<hbm>>
        %dma_wait3A_1496 = tpu.memref_squeeze %dma_wait3A_1495 : memref<1x1x1x8x128xf32, #tpu.memory_space<hbm>> -> memref<8x128xf32, #tpu.memory_space<hbm>>
        %dma_wait3A_1497 = tpu.memref_slice %arg10[%dma_wait3A_1489] : memref<2x!tpu.dma_semaphore, #tpu.memory_space<semaphore_mem>> -> memref<1x!tpu.dma_semaphore, #tpu.memory_space<semaphore_mem>>
        %dma_wait3A_1498 = tpu.memref_squeeze %dma_wait3A_1497 : memref<1x!tpu.dma_semaphore, #tpu.memory_space<semaphore_mem>> -> memref<!tpu.dma_semaphore, #tpu.memory_space<semaphore_mem>>
        %dma_wait3A_1499 = arith.constant 0 : i32
        %dma_wait3A_1500 = arith.constant 0 : i32
        %dma_wait3A_1501 = tpu.memref_slice %arg4[%dma_wait3A_1486, %dma_wait3A_1487, %dma_wait3A_1488, %dma_wait3A_1499, %dma_wait3A_1500] : memref<200x4x128x8x128xf32, #tpu.memory_space<hbm>> -> memref<1x1x1x8x128xf32, #tpu.memory_space<hbm>>
        %dma_wait3A_1502 = tpu.memref_squeeze %dma_wait3A_1501 : memref<1x1x1x8x128xf32, #tpu.memory_space<hbm>> -> memref<8x128xf32, #tpu.memory_space<hbm>>
        %dma_wait3A_1503 = arith.constant 16 : i32
        %dma_wait3A_1504 = arith.constant 0 : i32
        %dma_wait3A_1505 = tpu.memref_slice %arg8[%dma_wait3A_1503, %dma_wait3A_1504] : memref<32x129xf32, #tpu.memory_space<vmem>> -> memref<8x128xf32, #tpu.memory_space<vmem>>
        tpu.wait_dma2 semaphore(%dma_wait3A_1498 : memref<!tpu.dma_semaphore, #tpu.memory_space<semaphore_mem>>) src(%dma_wait3A_1505 : memref<8x128xf32, #tpu.memory_space<vmem>>) dst(%dma_wait3A_1502 : memref<8x128xf32, #tpu.memory_space<hbm>>)
        %dma_wait3A_1506 = arith.constant 0 : i32
        %dma_wait3A_1507 = arith.constant 3 : i32
        %dma_wait3A_1508 = arith.constant 0 : i32
        %dma_wait3A_1509 = arith.constant 1 : i32
        %dma_wait3A_1510 = arith.constant 24 : i32
        %dma_wait3A_1511 = arith.constant 0 : i32
        %dma_wait3A_1512 = tpu.memref_slice %arg8[%dma_wait3A_1510, %dma_wait3A_1511] : memref<32x129xf32, #tpu.memory_space<vmem>> -> memref<8x128xf32, #tpu.memory_space<vmem>>
        %dma_wait3A_1513 = arith.constant 0 : i32
        %dma_wait3A_1514 = arith.constant 0 : i32
        %dma_wait3A_1515 = tpu.memref_slice %arg4[%dma_wait3A_1506, %dma_wait3A_1507, %dma_wait3A_1508, %dma_wait3A_1513, %dma_wait3A_1514] : memref<200x4x128x8x128xf32, #tpu.memory_space<hbm>> -> memref<1x1x1x8x128xf32, #tpu.memory_space<hbm>>
        %dma_wait3A_1516 = tpu.memref_squeeze %dma_wait3A_1515 : memref<1x1x1x8x128xf32, #tpu.memory_space<hbm>> -> memref<8x128xf32, #tpu.memory_space<hbm>>
        %dma_wait3A_1517 = tpu.memref_slice %arg10[%dma_wait3A_1509] : memref<2x!tpu.dma_semaphore, #tpu.memory_space<semaphore_mem>> -> memref<1x!tpu.dma_semaphore, #tpu.memory_space<semaphore_mem>>
        %dma_wait3A_1518 = tpu.memref_squeeze %dma_wait3A_1517 : memref<1x!tpu.dma_semaphore, #tpu.memory_space<semaphore_mem>> -> memref<!tpu.dma_semaphore, #tpu.memory_space<semaphore_mem>>
        %dma_wait3A_1519 = arith.constant 0 : i32
        %dma_wait3A_1520 = arith.constant 0 : i32
        %dma_wait3A_1521 = tpu.memref_slice %arg4[%dma_wait3A_1506, %dma_wait3A_1507, %dma_wait3A_1508, %dma_wait3A_1519, %dma_wait3A_1520] : memref<200x4x128x8x128xf32, #tpu.memory_space<hbm>> -> memref<1x1x1x8x128xf32, #tpu.memory_space<hbm>>
        %dma_wait3A_1522 = tpu.memref_squeeze %dma_wait3A_1521 : memref<1x1x1x8x128xf32, #tpu.memory_space<hbm>> -> memref<8x128xf32, #tpu.memory_space<hbm>>
        %dma_wait3A_1523 = arith.constant 24 : i32
        %dma_wait3A_1524 = arith.constant 0 : i32
        %dma_wait3A_1525 = tpu.memref_slice %arg8[%dma_wait3A_1523, %dma_wait3A_1524] : memref<32x129xf32, #tpu.memory_space<vmem>> -> memref<8x128xf32, #tpu.memory_space<vmem>>
        tpu.wait_dma2 semaphore(%dma_wait3A_1518 : memref<!tpu.dma_semaphore, #tpu.memory_space<semaphore_mem>>) src(%dma_wait3A_1525 : memref<8x128xf32, #tpu.memory_space<vmem>>) dst(%dma_wait3A_1522 : memref<8x128xf32, #tpu.memory_space<hbm>>)
        %scan3A_1526 = arith.constant 0 : i32
        %scan3A_1527 = arith.constant 0 : i32
        %scan3A_1528 = arith.constant 32 : i32
        %scan3A_1529 = arith.addi %scan3A_1527, %scan3A_1528 : i32
        %scan3A_1530 = arith.constant 1 : i32
        scf.for %scan3A_1613 = %scan3A_1527 to %scan3A_1529 step %scan3A_1530  : i32 {
          %mul3A_1614 = arith.constant 4 : i32
          %mul3A_1615 = arith.muli %scan3A_1613, %mul3A_1614 : i32
          %add3A_1616 = arith.constant 0 : i32
          %add3A_1617 = arith.addi %mul3A_1615, %add3A_1616 : i32
          %broadcast_in_dim3A = arith.constant 0 : i32
          %broadcast_in_dim3A_1618 = vector.broadcast %broadcast_in_dim3A : i32 to vector<16xi32>
          %add3A_1619 = vector.broadcast %add3A_1617 : i32 to vector<16xi32>
          %add3A_1620 = arith.addi %broadcast_in_dim3A_1618, %add3A_1619 : vector<16xi32>
          %get3A = arith.constant 7 : i32
          %get3A_1621 = arith.index_cast %get3A : i32 to index
          %get3A_1622 = arith.index_cast %add3A_1617 : i32 to index
          %get3A_1623 = arith.constant 0 : index
          %get3A_1624 = tpu.vector_load %arg6[%get3A_1621, %get3A_1622, %get3A_1623] {strides = array<i32>} : memref<8x128x32xf32, #tpu.memory_space<vmem>>, vector<16xf32>,
          %add3A_1625 = arith.constant 0 : i32
          %add3A_1626 = vector.broadcast %add3A_1625 : i32 to vector<16xi32>
          %add3A_1627 = arith.addi %iota3A, %add3A_1626 : vector<16xi32>
          tpu.vector_store_idx %arg8[%add3A_1627, %add3A_1620], %get3A_1624 : memref<32x129xf32, #tpu.memory_space<vmem>>[vector<16xi32>, vector<16xi32>], vector<16xf32>,
          %get3A_1628 = arith.constant 7 : i32
          %get3A_1629 = arith.index_cast %get3A_1628 : i32 to index
          %get3A_1630 = arith.index_cast %add3A_1617 : i32 to index
          %get3A_1631 = arith.constant 16 : index
          %get3A_1632 = tpu.vector_load %arg6[%get3A_1629, %get3A_1630, %get3A_1631] {strides = array<i32>} : memref<8x128x32xf32, #tpu.memory_space<vmem>>, vector<16xf32>,
          %add3A_1633 = arith.constant 16 : i32
          %add3A_1634 = vector.broadcast %add3A_1633 : i32 to vector<16xi32>
          %add3A_1635 = arith.addi %iota3A, %add3A_1634 : vector<16xi32>
          tpu.vector_store_idx %arg8[%add3A_1635, %add3A_1620], %get3A_1632 : memref<32x129xf32, #tpu.memory_space<vmem>>[vector<16xi32>, vector<16xi32>], vector<16xf32>,
          %mul3A_1636 = arith.constant 4 : i32
          %mul3A_1637 = arith.muli %scan3A_1613, %mul3A_1636 : i32
          %add3A_1638 = arith.constant 1 : i32
          %add3A_1639 = arith.addi %mul3A_1637, %add3A_1638 : i32
          %broadcast_in_dim3A_1640 = arith.constant 0 : i32
          %broadcast_in_dim3A_1641 = vector.broadcast %broadcast_in_dim3A_1640 : i32 to vector<16xi32>
          %add3A_1642 = vector.broadcast %add3A_1639 : i32 to vector<16xi32>
          %add3A_1643 = arith.addi %broadcast_in_dim3A_1641, %add3A_1642 : vector<16xi32>
          %get3A_1644 = arith.constant 7 : i32
          %get3A_1645 = arith.index_cast %get3A_1644 : i32 to index
          %get3A_1646 = arith.index_cast %add3A_1639 : i32 to index
          %get3A_1647 = arith.constant 0 : index
          %get3A_1648 = tpu.vector_load %arg6[%get3A_1645, %get3A_1646, %get3A_1647] {strides = array<i32>} : memref<8x128x32xf32, #tpu.memory_space<vmem>>, vector<16xf32>,
          %add3A_1649 = arith.constant 0 : i32
          %add3A_1650 = vector.broadcast %add3A_1649 : i32 to vector<16xi32>
          %add3A_1651 = arith.addi %iota3A, %add3A_1650 : vector<16xi32>
          tpu.vector_store_idx %arg8[%add3A_1651, %add3A_1643], %get3A_1648 : memref<32x129xf32, #tpu.memory_space<vmem>>[vector<16xi32>, vector<16xi32>], vector<16xf32>,
          %get3A_1652 = arith.constant 7 : i32
          %get3A_1653 = arith.index_cast %get3A_1652 : i32 to index
          %get3A_1654 = arith.index_cast %add3A_1639 : i32 to index
          %get3A_1655 = arith.constant 16 : index
          %get3A_1656 = tpu.vector_load %arg6[%get3A_1653, %get3A_1654, %get3A_1655] {strides = array<i32>} : memref<8x128x32xf32, #tpu.memory_space<vmem>>, vector<16xf32>,
          %add3A_1657 = arith.constant 16 : i32
          %add3A_1658 = vector.broadcast %add3A_1657 : i32 to vector<16xi32>
          %add3A_1659 = arith.addi %iota3A, %add3A_1658 : vector<16xi32>
          tpu.vector_store_idx %arg8[%add3A_1659, %add3A_1643], %get3A_1656 : memref<32x129xf32, #tpu.memory_space<vmem>>[vector<16xi32>, vector<16xi32>], vector<16xf32>,
          %mul3A_1660 = arith.constant 4 : i32
          %mul3A_1661 = arith.muli %scan3A_1613, %mul3A_1660 : i32
          %add3A_1662 = arith.constant 2 : i32
          %add3A_1663 = arith.addi %mul3A_1661, %add3A_1662 : i32
          %broadcast_in_dim3A_1664 = arith.constant 0 : i32
          %broadcast_in_dim3A_1665 = vector.broadcast %broadcast_in_dim3A_1664 : i32 to vector<16xi32>
          %add3A_1666 = vector.broadcast %add3A_1663 : i32 to vector<16xi32>
          %add3A_1667 = arith.addi %broadcast_in_dim3A_1665, %add3A_1666 : vector<16xi32>
          %get3A_1668 = arith.constant 7 : i32
          %get3A_1669 = arith.index_cast %get3A_1668 : i32 to index
          %get3A_1670 = arith.index_cast %add3A_1663 : i32 to index
          %get3A_1671 = arith.constant 0 : index
          %get3A_1672 = tpu.vector_load %arg6[%get3A_1669, %get3A_1670, %get3A_1671] {strides = array<i32>} : memref<8x128x32xf32, #tpu.memory_space<vmem>>, vector<16xf32>,
          %add3A_1673 = arith.constant 0 : i32
          %add3A_1674 = vector.broadcast %add3A_1673 : i32 to vector<16xi32>
          %add3A_1675 = arith.addi %iota3A, %add3A_1674 : vector<16xi32>
          tpu.vector_store_idx %arg8[%add3A_1675, %add3A_1667], %get3A_1672 : memref<32x129xf32, #tpu.memory_space<vmem>>[vector<16xi32>, vector<16xi32>], vector<16xf32>,
          %get3A_1676 = arith.constant 7 : i32
          %get3A_1677 = arith.index_cast %get3A_1676 : i32 to index
          %get3A_1678 = arith.index_cast %add3A_1663 : i32 to index
          %get3A_1679 = arith.constant 16 : index
          %get3A_1680 = tpu.vector_load %arg6[%get3A_1677, %get3A_1678, %get3A_1679] {strides = array<i32>} : memref<8x128x32xf32, #tpu.memory_space<vmem>>, vector<16xf32>,
          %add3A_1681 = arith.constant 16 : i32
          %add3A_1682 = vector.broadcast %add3A_1681 : i32 to vector<16xi32>
          %add3A_1683 = arith.addi %iota3A, %add3A_1682 : vector<16xi32>
          tpu.vector_store_idx %arg8[%add3A_1683, %add3A_1667], %get3A_1680 : memref<32x129xf32, #tpu.memory_space<vmem>>[vector<16xi32>, vector<16xi32>], vector<16xf32>,
          %mul3A_1684 = arith.constant 4 : i32
          %mul3A_1685 = arith.muli %scan3A_1613, %mul3A_1684 : i32
          %add3A_1686 = arith.constant 3 : i32
          %add3A_1687 = arith.addi %mul3A_1685, %add3A_1686 : i32
          %broadcast_in_dim3A_1688 = arith.constant 0 : i32
          %broadcast_in_dim3A_1689 = vector.broadcast %broadcast_in_dim3A_1688 : i32 to vector<16xi32>
          %add3A_1690 = vector.broadcast %add3A_1687 : i32 to vector<16xi32>
          %add3A_1691 = arith.addi %broadcast_in_dim3A_1689, %add3A_1690 : vector<16xi32>
          %get3A_1692 = arith.constant 7 : i32
          %get3A_1693 = arith.index_cast %get3A_1692 : i32 to index
          %get3A_1694 = arith.index_cast %add3A_1687 : i32 to index
          %get3A_1695 = arith.constant 0 : index
          %get3A_1696 = tpu.vector_load %arg6[%get3A_1693, %get3A_1694, %get3A_1695] {strides = array<i32>} : memref<8x128x32xf32, #tpu.memory_space<vmem>>, vector<16xf32>,
          %add3A_1697 = arith.constant 0 : i32
          %add3A_1698 = vector.broadcast %add3A_1697 : i32 to vector<16xi32>
          %add3A_1699 = arith.addi %iota3A, %add3A_1698 : vector<16xi32>
          tpu.vector_store_idx %arg8[%add3A_1699, %add3A_1691], %get3A_1696 : memref<32x129xf32, #tpu.memory_space<vmem>>[vector<16xi32>, vector<16xi32>], vector<16xf32>,
          %get3A_1700 = arith.constant 7 : i32
          %get3A_1701 = arith.index_cast %get3A_1700 : i32 to index
          %get3A_1702 = arith.index_cast %add3A_1687 : i32 to index
          %get3A_1703 = arith.constant 16 : index
          %get3A_1704 = tpu.vector_load %arg6[%get3A_1701, %get3A_1702, %get3A_1703] {strides = array<i32>} : memref<8x128x32xf32, #tpu.memory_space<vmem>>, vector<16xf32>,
          %add3A_1705 = arith.constant 16 : i32
          %add3A_1706 = vector.broadcast %add3A_1705 : i32 to vector<16xi32>
          %add3A_1707 = arith.addi %iota3A, %add3A_1706 : vector<16xi32>
          tpu.vector_store_idx %arg8[%add3A_1707, %add3A_1691], %get3A_1704 : memref<32x129xf32, #tpu.memory_space<vmem>>[vector<16xi32>, vector<16xi32>], vector<16xf32>,
        }
        %scan3A_1531 = arith.constant 32 : i32
        %mul3A_1532 = arith.constant 8 : i32
        %mul3A_1533 = arith.muli %scan3A_302, %mul3A_1532 : i32
        %add3A_1534 = arith.constant 7 : i32
        %add3A_1535 = arith.addi %mul3A_1533, %add3A_1534 : i32
        %dma_start3A_1536 = arith.constant 0 : i32
        %dma_start3A_1537 = arith.constant 1 : i32
        %dma_start3A_1538 = arith.constant 0 : i32
        %dma_start3A_1539 = arith.constant 0 : i32
        %dma_start3A_1540 = tpu.memref_slice %arg8[%dma_start3A_1538, %dma_start3A_1539] : memref<32x129xf32, #tpu.memory_space<vmem>> -> memref<8x128xf32, #tpu.memory_space<vmem>>
        %dma_start3A_1541 = arith.constant 0 : i32
        %dma_start3A_1542 = arith.constant 0 : i32
        %dma_start3A_1543 = tpu.memref_slice %arg4[%add3A_1535, %dma_start3A_1536, %add3A_9, %dma_start3A_1541, %dma_start3A_1542] : memref<200x4x128x8x128xf32, #tpu.memory_space<hbm>> -> memref<1x1x1x8x128xf32, #tpu.memory_space<hbm>>
        %dma_start3A_1544 = tpu.memref_squeeze %dma_start3A_1543 : memref<1x1x1x8x128xf32, #tpu.memory_space<hbm>> -> memref<8x128xf32, #tpu.memory_space<hbm>>
        %dma_start3A_1545 = tpu.memref_slice %arg10[%dma_start3A_1537] : memref<2x!tpu.dma_semaphore, #tpu.memory_space<semaphore_mem>> -> memref<1x!tpu.dma_semaphore, #tpu.memory_space<semaphore_mem>>
        %dma_start3A_1546 = tpu.memref_squeeze %dma_start3A_1545 : memref<1x!tpu.dma_semaphore, #tpu.memory_space<semaphore_mem>> -> memref<!tpu.dma_semaphore, #tpu.memory_space<semaphore_mem>>
        %dma_start3A_1547 = arith.constant 0 : i32
        %dma_start3A_1548 = arith.constant 0 : i32
        %dma_start3A_1549 = tpu.memref_slice %arg4[%add3A_1535, %dma_start3A_1536, %add3A_9, %dma_start3A_1547, %dma_start3A_1548] : memref<200x4x128x8x128xf32, #tpu.memory_space<hbm>> -> memref<1x1x1x8x128xf32, #tpu.memory_space<hbm>>
        %dma_start3A_1550 = tpu.memref_squeeze %dma_start3A_1549 : memref<1x1x1x8x128xf32, #tpu.memory_space<hbm>> -> memref<8x128xf32, #tpu.memory_space<hbm>>
        %dma_start3A_1551 = arith.constant 0 : i32
        %dma_start3A_1552 = arith.constant 0 : i32
        %dma_start3A_1553 = tpu.memref_slice %arg8[%dma_start3A_1551, %dma_start3A_1552] : memref<32x129xf32, #tpu.memory_space<vmem>> -> memref<8x128xf32, #tpu.memory_space<vmem>>
        tpu.enqueue_dma source(%dma_start3A_1553 : memref<8x128xf32, #tpu.memory_space<vmem>>) target(%dma_start3A_1550 : memref<8x128xf32, #tpu.memory_space<hbm>>) target_semaphore(%dma_start3A_1546 : memref<!tpu.dma_semaphore, #tpu.memory_space<semaphore_mem>>)
        %dma_start3A_1554 = arith.constant 1 : i32
        %dma_start3A_1555 = arith.constant 1 : i32
        %dma_start3A_1556 = arith.constant 8 : i32
        %dma_start3A_1557 = arith.constant 0 : i32
        %dma_start3A_1558 = tpu.memref_slice %arg8[%dma_start3A_1556, %dma_start3A_1557] : memref<32x129xf32, #tpu.memory_space<vmem>> -> memref<8x128xf32, #tpu.memory_space<vmem>>
        %dma_start3A_1559 = arith.constant 0 : i32
        %dma_start3A_1560 = arith.constant 0 : i32
        %dma_start3A_1561 = tpu.memref_slice %arg4[%add3A_1535, %dma_start3A_1554, %add3A_9, %dma_start3A_1559, %dma_start3A_1560] : memref<200x4x128x8x128xf32, #tpu.memory_space<hbm>> -> memref<1x1x1x8x128xf32, #tpu.memory_space<hbm>>
        %dma_start3A_1562 = tpu.memref_squeeze %dma_start3A_1561 : memref<1x1x1x8x128xf32, #tpu.memory_space<hbm>> -> memref<8x128xf32, #tpu.memory_space<hbm>>
        %dma_start3A_1563 = tpu.memref_slice %arg10[%dma_start3A_1555] : memref<2x!tpu.dma_semaphore, #tpu.memory_space<semaphore_mem>> -> memref<1x!tpu.dma_semaphore, #tpu.memory_space<semaphore_mem>>
        %dma_start3A_1564 = tpu.memref_squeeze %dma_start3A_1563 : memref<1x!tpu.dma_semaphore, #tpu.memory_space<semaphore_mem>> -> memref<!tpu.dma_semaphore, #tpu.memory_space<semaphore_mem>>
        %dma_start3A_1565 = arith.constant 0 : i32
        %dma_start3A_1566 = arith.constant 0 : i32
        %dma_start3A_1567 = tpu.memref_slice %arg4[%add3A_1535, %dma_start3A_1554, %add3A_9, %dma_start3A_1565, %dma_start3A_1566] : memref<200x4x128x8x128xf32, #tpu.memory_space<hbm>> -> memref<1x1x1x8x128xf32, #tpu.memory_space<hbm>>
        %dma_start3A_1568 = tpu.memref_squeeze %dma_start3A_1567 : memref<1x1x1x8x128xf32, #tpu.memory_space<hbm>> -> memref<8x128xf32, #tpu.memory_space<hbm>>
        %dma_start3A_1569 = arith.constant 8 : i32
        %dma_start3A_1570 = arith.constant 0 : i32
        %dma_start3A_1571 = tpu.memref_slice %arg8[%dma_start3A_1569, %dma_start3A_1570] : memref<32x129xf32, #tpu.memory_space<vmem>> -> memref<8x128xf32, #tpu.memory_space<vmem>>
        tpu.enqueue_dma source(%dma_start3A_1571 : memref<8x128xf32, #tpu.memory_space<vmem>>) target(%dma_start3A_1568 : memref<8x128xf32, #tpu.memory_space<hbm>>) target_semaphore(%dma_start3A_1564 : memref<!tpu.dma_semaphore, #tpu.memory_space<semaphore_mem>>)
        %dma_start3A_1572 = arith.constant 2 : i32
        %dma_start3A_1573 = arith.constant 1 : i32
        %dma_start3A_1574 = arith.constant 16 : i32
        %dma_start3A_1575 = arith.constant 0 : i32
        %dma_start3A_1576 = tpu.memref_slice %arg8[%dma_start3A_1574, %dma_start3A_1575] : memref<32x129xf32, #tpu.memory_space<vmem>> -> memref<8x128xf32, #tpu.memory_space<vmem>>
        %dma_start3A_1577 = arith.constant 0 : i32
        %dma_start3A_1578 = arith.constant 0 : i32
        %dma_start3A_1579 = tpu.memref_slice %arg4[%add3A_1535, %dma_start3A_1572, %add3A_9, %dma_start3A_1577, %dma_start3A_1578] : memref<200x4x128x8x128xf32, #tpu.memory_space<hbm>> -> memref<1x1x1x8x128xf32, #tpu.memory_space<hbm>>
        %dma_start3A_1580 = tpu.memref_squeeze %dma_start3A_1579 : memref<1x1x1x8x128xf32, #tpu.memory_space<hbm>> -> memref<8x128xf32, #tpu.memory_space<hbm>>
        %dma_start3A_1581 = tpu.memref_slice %arg10[%dma_start3A_1573] : memref<2x!tpu.dma_semaphore, #tpu.memory_space<semaphore_mem>> -> memref<1x!tpu.dma_semaphore, #tpu.memory_space<semaphore_mem>>
        %dma_start3A_1582 = tpu.memref_squeeze %dma_start3A_1581 : memref<1x!tpu.dma_semaphore, #tpu.memory_space<semaphore_mem>> -> memref<!tpu.dma_semaphore, #tpu.memory_space<semaphore_mem>>
        %dma_start3A_1583 = arith.constant 0 : i32
        %dma_start3A_1584 = arith.constant 0 : i32
        %dma_start3A_1585 = tpu.memref_slice %arg4[%add3A_1535, %dma_start3A_1572, %add3A_9, %dma_start3A_1583, %dma_start3A_1584] : memref<200x4x128x8x128xf32, #tpu.memory_space<hbm>> -> memref<1x1x1x8x128xf32, #tpu.memory_space<hbm>>
        %dma_start3A_1586 = tpu.memref_squeeze %dma_start3A_1585 : memref<1x1x1x8x128xf32, #tpu.memory_space<hbm>> -> memref<8x128xf32, #tpu.memory_space<hbm>>
        %dma_start3A_1587 = arith.constant 16 : i32
        %dma_start3A_1588 = arith.constant 0 : i32
        %dma_start3A_1589 = tpu.memref_slice %arg8[%dma_start3A_1587, %dma_start3A_1588] : memref<32x129xf32, #tpu.memory_space<vmem>> -> memref<8x128xf32, #tpu.memory_space<vmem>>
        tpu.enqueue_dma source(%dma_start3A_1589 : memref<8x128xf32, #tpu.memory_space<vmem>>) target(%dma_start3A_1586 : memref<8x128xf32, #tpu.memory_space<hbm>>) target_semaphore(%dma_start3A_1582 : memref<!tpu.dma_semaphore, #tpu.memory_space<semaphore_mem>>)
        %dma_start3A_1590 = arith.constant 3 : i32
        %dma_start3A_1591 = arith.constant 1 : i32
        %dma_start3A_1592 = arith.constant 24 : i32
        %dma_start3A_1593 = arith.constant 0 : i32
        %dma_start3A_1594 = tpu.memref_slice %arg8[%dma_start3A_1592, %dma_start3A_1593] : memref<32x129xf32, #tpu.memory_space<vmem>> -> memref<8x128xf32, #tpu.memory_space<vmem>>
        %dma_start3A_1595 = arith.constant 0 : i32
        %dma_start3A_1596 = arith.constant 0 : i32
        %dma_start3A_1597 = tpu.memref_slice %arg4[%add3A_1535, %dma_start3A_1590, %add3A_9, %dma_start3A_1595, %dma_start3A_1596] : memref<200x4x128x8x128xf32, #tpu.memory_space<hbm>> -> memref<1x1x1x8x128xf32, #tpu.memory_space<hbm>>
        %dma_start3A_1598 = tpu.memref_squeeze %dma_start3A_1597 : memref<1x1x1x8x128xf32, #tpu.memory_space<hbm>> -> memref<8x128xf32, #tpu.memory_space<hbm>>
        %dma_start3A_1599 = tpu.memref_slice %arg10[%dma_start3A_1591] : memref<2x!tpu.dma_semaphore, #tpu.memory_space<semaphore_mem>> -> memref<1x!tpu.dma_semaphore, #tpu.memory_space<semaphore_mem>>
        %dma_start3A_1600 = tpu.memref_squeeze %dma_start3A_1599 : memref<1x!tpu.dma_semaphore, #tpu.memory_space<semaphore_mem>> -> memref<!tpu.dma_semaphore, #tpu.memory_space<semaphore_mem>>
        %dma_start3A_1601 = arith.constant 0 : i32
        %dma_start3A_1602 = arith.constant 0 : i32
        %dma_start3A_1603 = tpu.memref_slice %arg4[%add3A_1535, %dma_start3A_1590, %add3A_9, %dma_start3A_1601, %dma_start3A_1602] : memref<200x4x128x8x128xf32, #tpu.memory_space<hbm>> -> memref<1x1x1x8x128xf32, #tpu.memory_space<hbm>>
        %dma_start3A_1604 = tpu.memref_squeeze %dma_start3A_1603 : memref<1x1x1x8x128xf32, #tpu.memory_space<hbm>> -> memref<8x128xf32, #tpu.memory_space<hbm>>
        %dma_start3A_1605 = arith.constant 24 : i32
        %dma_start3A_1606 = arith.constant 0 : i32
        %dma_start3A_1607 = tpu.memref_slice %arg8[%dma_start3A_1605, %dma_start3A_1606] : memref<32x129xf32, #tpu.memory_space<vmem>> -> memref<8x128xf32, #tpu.memory_space<vmem>>
        tpu.enqueue_dma source(%dma_start3A_1607 : memref<8x128xf32, #tpu.memory_space<vmem>>) target(%dma_start3A_1604 : memref<8x128xf32, #tpu.memory_space<hbm>>) target_semaphore(%dma_start3A_1600 : memref<!tpu.dma_semaphore, #tpu.memory_space<semaphore_mem>>)
        %lt3A_1608 = arith.constant 24 : i32
        %lt3A_1609 = arith.cmpi slt, %scan3A_302, %lt3A_1608 : i32
        %convert_element_type3A_1610 = arith.extui %lt3A_1609 : i1 to i32
        %cond3A_1611 = arith.constant 0 : i32
        %cond3A_1612 = arith.cmpi ne, %convert_element_type3A_1610, %cond3A_1611 : i32
        scf.if %cond3A_1612 {
          %add3A_1613 = arith.constant 1 : i32
          %add3A_1614 = arith.addi %scan3A_302, %add3A_1613 : i32
          %dma_start3A_1615 = arith.constant 7 : i32
          %dma_start3A_1616 = arith.constant 7 : i32
          %dma_start3A_1617 = arith.constant 7 : i32
          %dma_start3A_1618 = arith.constant 0 : i32
          %dma_start3A_1619 = arith.constant 0 : i32
          %dma_start3A_1620 = tpu.memref_slice %arg6[%dma_start3A_1616, %dma_start3A_1618, %dma_start3A_1619] : memref<8x128x32xf32, #tpu.memory_space<vmem>> -> memref<1x128x32xf32, #tpu.memory_space<vmem>>
          %dma_start3A_1621 = tpu.memref_squeeze %dma_start3A_1620 : memref<1x128x32xf32, #tpu.memory_space<vmem>> -> memref<128x32xf32, #tpu.memory_space<vmem>>
          %dma_start3A_1622 = arith.constant 0 : i32
          %dma_start3A_1623 = tpu.memref_slice %arg5[%add3A_1614, %dma_start3A_1615, %dma_start3A_1622] : memref<25x8x128xi32, #tpu.memory_space<vmem>> -> memref<1x1x128xi32, #tpu.memory_space<vmem>>
          %dma_start3A_1624 = tpu.memref_squeeze %dma_start3A_1623 : memref<1x1x128xi32, #tpu.memory_space<vmem>> -> memref<128xi32, #tpu.memory_space<vmem>>
          %dma_start3A_1625 = arith.constant 0 : i32
          %dma_start3A_1626 = arith.constant 0 : i32
          %dma_start3A_1627 = tpu.memref_slice %arg3[%dma_start3A_1625, %dma_start3A_1626] : memref<1000000x32xf32, #tpu.memory_space<hbm>> -> memref<1000000x32xf32, #tpu.memory_space<hbm>>
          %dma_start3A_1628 = tpu.memref_slice %arg9[%dma_start3A_1617] : memref<8x!tpu.dma_semaphore, #tpu.memory_space<semaphore_mem>> -> memref<1x!tpu.dma_semaphore, #tpu.memory_space<semaphore_mem>>
          %dma_start3A_1629 = tpu.memref_squeeze %dma_start3A_1628 : memref<1x!tpu.dma_semaphore, #tpu.memory_space<semaphore_mem>> -> memref<!tpu.dma_semaphore, #tpu.memory_space<semaphore_mem>>
          tpu.enqueue_indirect_dma source(%dma_start3A_1627 : memref<1000000x32xf32, #tpu.memory_space<hbm>>) target(%dma_start3A_1621 : memref<128x32xf32, #tpu.memory_space<vmem>>) offsets(%dma_start3A_1624 : memref<128xi32, #tpu.memory_space<vmem>>) semaphore(%dma_start3A_1629 : memref<!tpu.dma_semaphore, #tpu.memory_space<semaphore_mem>>)
        } else {
        }
      }
      %scan3A_142 = arith.constant 25 : i32
      %dma_wait3A = arith.constant 0 : i32
      %dma_wait3A_143 = arith.constant 0 : i32
      %dma_wait3A_144 = arith.constant 0 : i32
      %dma_wait3A_145 = arith.constant 0 : i32
      %dma_wait3A_146 = arith.constant 0 : i32
      %dma_wait3A_147 = arith.constant 0 : i32
      %dma_wait3A_148 = tpu.memref_slice %arg7[%dma_wait3A_146, %dma_wait3A_147] : memref<32x129xf32, #tpu.memory_space<vmem>> -> memref<8x128xf32, #tpu.memory_space<vmem>>
      %dma_wait3A_149 = arith.constant 0 : i32
      %dma_wait3A_150 = arith.constant 0 : i32
      %dma_wait3A_151 = tpu.memref_slice %arg4[%dma_wait3A, %dma_wait3A_143, %dma_wait3A_144, %dma_wait3A_149, %dma_wait3A_150] : memref<200x4x128x8x128xf32, #tpu.memory_space<hbm>> -> memref<1x1x1x8x128xf32, #tpu.memory_space<hbm>>
      %dma_wait3A_152 = tpu.memref_squeeze %dma_wait3A_151 : memref<1x1x1x8x128xf32, #tpu.memory_space<hbm>> -> memref<8x128xf32, #tpu.memory_space<hbm>>
      %dma_wait3A_153 = tpu.memref_slice %arg10[%dma_wait3A_145] : memref<2x!tpu.dma_semaphore, #tpu.memory_space<semaphore_mem>> -> memref<1x!tpu.dma_semaphore, #tpu.memory_space<semaphore_mem>>
      %dma_wait3A_154 = tpu.memref_squeeze %dma_wait3A_153 : memref<1x!tpu.dma_semaphore, #tpu.memory_space<semaphore_mem>> -> memref<!tpu.dma_semaphore, #tpu.memory_space<semaphore_mem>>
      %dma_wait3A_155 = arith.constant 0 : i32
      %dma_wait3A_156 = arith.constant 0 : i32
      %dma_wait3A_157 = tpu.memref_slice %arg4[%dma_wait3A, %dma_wait3A_143, %dma_wait3A_144, %dma_wait3A_155, %dma_wait3A_156] : memref<200x4x128x8x128xf32, #tpu.memory_space<hbm>> -> memref<1x1x1x8x128xf32, #tpu.memory_space<hbm>>
      %dma_wait3A_158 = tpu.memref_squeeze %dma_wait3A_157 : memref<1x1x1x8x128xf32, #tpu.memory_space<hbm>> -> memref<8x128xf32, #tpu.memory_space<hbm>>
      %dma_wait3A_159 = arith.constant 0 : i32
      %dma_wait3A_160 = arith.constant 0 : i32
      %dma_wait3A_161 = tpu.memref_slice %arg7[%dma_wait3A_159, %dma_wait3A_160] : memref<32x129xf32, #tpu.memory_space<vmem>> -> memref<8x128xf32, #tpu.memory_space<vmem>>
      tpu.wait_dma2 semaphore(%dma_wait3A_154 : memref<!tpu.dma_semaphore, #tpu.memory_space<semaphore_mem>>) src(%dma_wait3A_161 : memref<8x128xf32, #tpu.memory_space<vmem>>) dst(%dma_wait3A_158 : memref<8x128xf32, #tpu.memory_space<hbm>>)
      %dma_wait3A_162 = arith.constant 0 : i32
      %dma_wait3A_163 = arith.constant 1 : i32
      %dma_wait3A_164 = arith.constant 0 : i32
      %dma_wait3A_165 = arith.constant 0 : i32
      %dma_wait3A_166 = arith.constant 8 : i32
      %dma_wait3A_167 = arith.constant 0 : i32
      %dma_wait3A_168 = tpu.memref_slice %arg7[%dma_wait3A_166, %dma_wait3A_167] : memref<32x129xf32, #tpu.memory_space<vmem>> -> memref<8x128xf32, #tpu.memory_space<vmem>>
      %dma_wait3A_169 = arith.constant 0 : i32
      %dma_wait3A_170 = arith.constant 0 : i32
      %dma_wait3A_171 = tpu.memref_slice %arg4[%dma_wait3A_162, %dma_wait3A_163, %dma_wait3A_164, %dma_wait3A_169, %dma_wait3A_170] : memref<200x4x128x8x128xf32, #tpu.memory_space<hbm>> -> memref<1x1x1x8x128xf32, #tpu.memory_space<hbm>>
      %dma_wait3A_172 = tpu.memref_squeeze %dma_wait3A_171 : memref<1x1x1x8x128xf32, #tpu.memory_space<hbm>> -> memref<8x128xf32, #tpu.memory_space<hbm>>
      %dma_wait3A_173 = tpu.memref_slice %arg10[%dma_wait3A_165] : memref<2x!tpu.dma_semaphore, #tpu.memory_space<semaphore_mem>> -> memref<1x!tpu.dma_semaphore, #tpu.memory_space<semaphore_mem>>
      %dma_wait3A_174 = tpu.memref_squeeze %dma_wait3A_173 : memref<1x!tpu.dma_semaphore, #tpu.memory_space<semaphore_mem>> -> memref<!tpu.dma_semaphore, #tpu.memory_space<semaphore_mem>>
      %dma_wait3A_175 = arith.constant 0 : i32
      %dma_wait3A_176 = arith.constant 0 : i32
      %dma_wait3A_177 = tpu.memref_slice %arg4[%dma_wait3A_162, %dma_wait3A_163, %dma_wait3A_164, %dma_wait3A_175, %dma_wait3A_176] : memref<200x4x128x8x128xf32, #tpu.memory_space<hbm>> -> memref<1x1x1x8x128xf32, #tpu.memory_space<hbm>>
      %dma_wait3A_178 = tpu.memref_squeeze %dma_wait3A_177 : memref<1x1x1x8x128xf32, #tpu.memory_space<hbm>> -> memref<8x128xf32, #tpu.memory_space<hbm>>
      %dma_wait3A_179 = arith.constant 8 : i32
      %dma_wait3A_180 = arith.constant 0 : i32
      %dma_wait3A_181 = tpu.memref_slice %arg7[%dma_wait3A_179, %dma_wait3A_180] : memref<32x129xf32, #tpu.memory_space<vmem>> -> memref<8x128xf32, #tpu.memory_space<vmem>>
      tpu.wait_dma2 semaphore(%dma_wait3A_174 : memref<!tpu.dma_semaphore, #tpu.memory_space<semaphore_mem>>) src(%dma_wait3A_181 : memref<8x128xf32, #tpu.memory_space<vmem>>) dst(%dma_wait3A_178 : memref<8x128xf32, #tpu.memory_space<hbm>>)
      %dma_wait3A_182 = arith.constant 0 : i32
      %dma_wait3A_183 = arith.constant 2 : i32
      %dma_wait3A_184 = arith.constant 0 : i32
      %dma_wait3A_185 = arith.constant 0 : i32
      %dma_wait3A_186 = arith.constant 16 : i32
      %dma_wait3A_187 = arith.constant 0 : i32
      %dma_wait3A_188 = tpu.memref_slice %arg7[%dma_wait3A_186, %dma_wait3A_187] : memref<32x129xf32, #tpu.memory_space<vmem>> -> memref<8x128xf32, #tpu.memory_space<vmem>>
      %dma_wait3A_189 = arith.constant 0 : i32
      %dma_wait3A_190 = arith.constant 0 : i32
      %dma_wait3A_191 = tpu.memref_slice %arg4[%dma_wait3A_182, %dma_wait3A_183, %dma_wait3A_184, %dma_wait3A_189, %dma_wait3A_190] : memref<200x4x128x8x128xf32, #tpu.memory_space<hbm>> -> memref<1x1x1x8x128xf32, #tpu.memory_space<hbm>>
      %dma_wait3A_192 = tpu.memref_squeeze %dma_wait3A_191 : memref<1x1x1x8x128xf32, #tpu.memory_space<hbm>> -> memref<8x128xf32, #tpu.memory_space<hbm>>
      %dma_wait3A_193 = tpu.memref_slice %arg10[%dma_wait3A_185] : memref<2x!tpu.dma_semaphore, #tpu.memory_space<semaphore_mem>> -> memref<1x!tpu.dma_semaphore, #tpu.memory_space<semaphore_mem>>
      %dma_wait3A_194 = tpu.memref_squeeze %dma_wait3A_193 : memref<1x!tpu.dma_semaphore, #tpu.memory_space<semaphore_mem>> -> memref<!tpu.dma_semaphore, #tpu.memory_space<semaphore_mem>>
      %dma_wait3A_195 = arith.constant 0 : i32
      %dma_wait3A_196 = arith.constant 0 : i32
      %dma_wait3A_197 = tpu.memref_slice %arg4[%dma_wait3A_182, %dma_wait3A_183, %dma_wait3A_184, %dma_wait3A_195, %dma_wait3A_196] : memref<200x4x128x8x128xf32, #tpu.memory_space<hbm>> -> memref<1x1x1x8x128xf32, #tpu.memory_space<hbm>>
      %dma_wait3A_198 = tpu.memref_squeeze %dma_wait3A_197 : memref<1x1x1x8x128xf32, #tpu.memory_space<hbm>> -> memref<8x128xf32, #tpu.memory_space<hbm>>
      %dma_wait3A_199 = arith.constant 16 : i32
      %dma_wait3A_200 = arith.constant 0 : i32
      %dma_wait3A_201 = tpu.memref_slice %arg7[%dma_wait3A_199, %dma_wait3A_200] : memref<32x129xf32, #tpu.memory_space<vmem>> -> memref<8x128xf32, #tpu.memory_space<vmem>>
      tpu.wait_dma2 semaphore(%dma_wait3A_194 : memref<!tpu.dma_semaphore, #tpu.memory_space<semaphore_mem>>) src(%dma_wait3A_201 : memref<8x128xf32, #tpu.memory_space<vmem>>) dst(%dma_wait3A_198 : memref<8x128xf32, #tpu.memory_space<hbm>>)
      %dma_wait3A_202 = arith.constant 0 : i32
      %dma_wait3A_203 = arith.constant 3 : i32
      %dma_wait3A_204 = arith.constant 0 : i32
      %dma_wait3A_205 = arith.constant 0 : i32
      %dma_wait3A_206 = arith.constant 24 : i32
      %dma_wait3A_207 = arith.constant 0 : i32
      %dma_wait3A_208 = tpu.memref_slice %arg7[%dma_wait3A_206, %dma_wait3A_207] : memref<32x129xf32, #tpu.memory_space<vmem>> -> memref<8x128xf32, #tpu.memory_space<vmem>>
      %dma_wait3A_209 = arith.constant 0 : i32
      %dma_wait3A_210 = arith.constant 0 : i32
      %dma_wait3A_211 = tpu.memref_slice %arg4[%dma_wait3A_202, %dma_wait3A_203, %dma_wait3A_204, %dma_wait3A_209, %dma_wait3A_210] : memref<200x4x128x8x128xf32, #tpu.memory_space<hbm>> -> memref<1x1x1x8x128xf32, #tpu.memory_space<hbm>>
      %dma_wait3A_212 = tpu.memref_squeeze %dma_wait3A_211 : memref<1x1x1x8x128xf32, #tpu.memory_space<hbm>> -> memref<8x128xf32, #tpu.memory_space<hbm>>
      %dma_wait3A_213 = tpu.memref_slice %arg10[%dma_wait3A_205] : memref<2x!tpu.dma_semaphore, #tpu.memory_space<semaphore_mem>> -> memref<1x!tpu.dma_semaphore, #tpu.memory_space<semaphore_mem>>
      %dma_wait3A_214 = tpu.memref_squeeze %dma_wait3A_213 : memref<1x!tpu.dma_semaphore, #tpu.memory_space<semaphore_mem>> -> memref<!tpu.dma_semaphore, #tpu.memory_space<semaphore_mem>>
      %dma_wait3A_215 = arith.constant 0 : i32
      %dma_wait3A_216 = arith.constant 0 : i32
      %dma_wait3A_217 = tpu.memref_slice %arg4[%dma_wait3A_202, %dma_wait3A_203, %dma_wait3A_204, %dma_wait3A_215, %dma_wait3A_216] : memref<200x4x128x8x128xf32, #tpu.memory_space<hbm>> -> memref<1x1x1x8x128xf32, #tpu.memory_space<hbm>>
      %dma_wait3A_218 = tpu.memref_squeeze %dma_wait3A_217 : memref<1x1x1x8x128xf32, #tpu.memory_space<hbm>> -> memref<8x128xf32, #tpu.memory_space<hbm>>
      %dma_wait3A_219 = arith.constant 24 : i32
      %dma_wait3A_220 = arith.constant 0 : i32
      %dma_wait3A_221 = tpu.memref_slice %arg7[%dma_wait3A_219, %dma_wait3A_220] : memref<32x129xf32, #tpu.memory_space<vmem>> -> memref<8x128xf32, #tpu.memory_space<vmem>>
      tpu.wait_dma2 semaphore(%dma_wait3A_214 : memref<!tpu.dma_semaphore, #tpu.memory_space<semaphore_mem>>) src(%dma_wait3A_221 : memref<8x128xf32, #tpu.memory_space<vmem>>) dst(%dma_wait3A_218 : memref<8x128xf32, #tpu.memory_space<hbm>>)
      %dma_wait3A_222 = arith.constant 0 : i32
      %dma_wait3A_223 = arith.constant 0 : i32
      %dma_wait3A_224 = arith.constant 0 : i32
      %dma_wait3A_225 = arith.constant 1 : i32
      %dma_wait3A_226 = arith.constant 0 : i32
      %dma_wait3A_227 = arith.constant 0 : i32
      %dma_wait3A_228 = tpu.memref_slice %arg8[%dma_wait3A_226, %dma_wait3A_227] : memref<32x129xf32, #tpu.memory_space<vmem>> -> memref<8x128xf32, #tpu.memory_space<vmem>>
      %dma_wait3A_229 = arith.constant 0 : i32
      %dma_wait3A_230 = arith.constant 0 : i32
      %dma_wait3A_231 = tpu.memref_slice %arg4[%dma_wait3A_222, %dma_wait3A_223, %dma_wait3A_224, %dma_wait3A_229, %dma_wait3A_230] : memref<200x4x128x8x128xf32, #tpu.memory_space<hbm>> -> memref<1x1x1x8x128xf32, #tpu.memory_space<hbm>>
      %dma_wait3A_232 = tpu.memref_squeeze %dma_wait3A_231 : memref<1x1x1x8x128xf32, #tpu.memory_space<hbm>> -> memref<8x128xf32, #tpu.memory_space<hbm>>
      %dma_wait3A_233 = tpu.memref_slice %arg10[%dma_wait3A_225] : memref<2x!tpu.dma_semaphore, #tpu.memory_space<semaphore_mem>> -> memref<1x!tpu.dma_semaphore, #tpu.memory_space<semaphore_mem>>
      %dma_wait3A_234 = tpu.memref_squeeze %dma_wait3A_233 : memref<1x!tpu.dma_semaphore, #tpu.memory_space<semaphore_mem>> -> memref<!tpu.dma_semaphore, #tpu.memory_space<semaphore_mem>>
      %dma_wait3A_235 = arith.constant 0 : i32
      %dma_wait3A_236 = arith.constant 0 : i32
      %dma_wait3A_237 = tpu.memref_slice %arg4[%dma_wait3A_222, %dma_wait3A_223, %dma_wait3A_224, %dma_wait3A_235, %dma_wait3A_236] : memref<200x4x128x8x128xf32, #tpu.memory_space<hbm>> -> memref<1x1x1x8x128xf32, #tpu.memory_space<hbm>>
      %dma_wait3A_238 = tpu.memref_squeeze %dma_wait3A_237 : memref<1x1x1x8x128xf32, #tpu.memory_space<hbm>> -> memref<8x128xf32, #tpu.memory_space<hbm>>
      %dma_wait3A_239 = arith.constant 0 : i32
      %dma_wait3A_240 = arith.constant 0 : i32
      %dma_wait3A_241 = tpu.memref_slice %arg8[%dma_wait3A_239, %dma_wait3A_240] : memref<32x129xf32, #tpu.memory_space<vmem>> -> memref<8x128xf32, #tpu.memory_space<vmem>>
      tpu.wait_dma2 semaphore(%dma_wait3A_234 : memref<!tpu.dma_semaphore, #tpu.memory_space<semaphore_mem>>) src(%dma_wait3A_241 : memref<8x128xf32, #tpu.memory_space<vmem>>) dst(%dma_wait3A_238 : memref<8x128xf32, #tpu.memory_space<hbm>>)
      %dma_wait3A_242 = arith.constant 0 : i32
      %dma_wait3A_243 = arith.constant 1 : i32
      %dma_wait3A_244 = arith.constant 0 : i32
      %dma_wait3A_245 = arith.constant 1 : i32
      %dma_wait3A_246 = arith.constant 8 : i32
      %dma_wait3A_247 = arith.constant 0 : i32
      %dma_wait3A_248 = tpu.memref_slice %arg8[%dma_wait3A_246, %dma_wait3A_247] : memref<32x129xf32, #tpu.memory_space<vmem>> -> memref<8x128xf32, #tpu.memory_space<vmem>>
      %dma_wait3A_249 = arith.constant 0 : i32
      %dma_wait3A_250 = arith.constant 0 : i32
      %dma_wait3A_251 = tpu.memref_slice %arg4[%dma_wait3A_242, %dma_wait3A_243, %dma_wait3A_244, %dma_wait3A_249, %dma_wait3A_250] : memref<200x4x128x8x128xf32, #tpu.memory_space<hbm>> -> memref<1x1x1x8x128xf32, #tpu.memory_space<hbm>>
      %dma_wait3A_252 = tpu.memref_squeeze %dma_wait3A_251 : memref<1x1x1x8x128xf32, #tpu.memory_space<hbm>> -> memref<8x128xf32, #tpu.memory_space<hbm>>
      %dma_wait3A_253 = tpu.memref_slice %arg10[%dma_wait3A_245] : memref<2x!tpu.dma_semaphore, #tpu.memory_space<semaphore_mem>> -> memref<1x!tpu.dma_semaphore, #tpu.memory_space<semaphore_mem>>
      %dma_wait3A_254 = tpu.memref_squeeze %dma_wait3A_253 : memref<1x!tpu.dma_semaphore, #tpu.memory_space<semaphore_mem>> -> memref<!tpu.dma_semaphore, #tpu.memory_space<semaphore_mem>>
      %dma_wait3A_255 = arith.constant 0 : i32
      %dma_wait3A_256 = arith.constant 0 : i32
      %dma_wait3A_257 = tpu.memref_slice %arg4[%dma_wait3A_242, %dma_wait3A_243, %dma_wait3A_244, %dma_wait3A_255, %dma_wait3A_256] : memref<200x4x128x8x128xf32, #tpu.memory_space<hbm>> -> memref<1x1x1x8x128xf32, #tpu.memory_space<hbm>>
      %dma_wait3A_258 = tpu.memref_squeeze %dma_wait3A_257 : memref<1x1x1x8x128xf32, #tpu.memory_space<hbm>> -> memref<8x128xf32, #tpu.memory_space<hbm>>
      %dma_wait3A_259 = arith.constant 8 : i32
      %dma_wait3A_260 = arith.constant 0 : i32
      %dma_wait3A_261 = tpu.memref_slice %arg8[%dma_wait3A_259, %dma_wait3A_260] : memref<32x129xf32, #tpu.memory_space<vmem>> -> memref<8x128xf32, #tpu.memory_space<vmem>>
      tpu.wait_dma2 semaphore(%dma_wait3A_254 : memref<!tpu.dma_semaphore, #tpu.memory_space<semaphore_mem>>) src(%dma_wait3A_261 : memref<8x128xf32, #tpu.memory_space<vmem>>) dst(%dma_wait3A_258 : memref<8x128xf32, #tpu.memory_space<hbm>>)
      %dma_wait3A_262 = arith.constant 0 : i32
      %dma_wait3A_263 = arith.constant 2 : i32
      %dma_wait3A_264 = arith.constant 0 : i32
      %dma_wait3A_265 = arith.constant 1 : i32
      %dma_wait3A_266 = arith.constant 16 : i32
      %dma_wait3A_267 = arith.constant 0 : i32
      %dma_wait3A_268 = tpu.memref_slice %arg8[%dma_wait3A_266, %dma_wait3A_267] : memref<32x129xf32, #tpu.memory_space<vmem>> -> memref<8x128xf32, #tpu.memory_space<vmem>>
      %dma_wait3A_269 = arith.constant 0 : i32
      %dma_wait3A_270 = arith.constant 0 : i32
      %dma_wait3A_271 = tpu.memref_slice %arg4[%dma_wait3A_262, %dma_wait3A_263, %dma_wait3A_264, %dma_wait3A_269, %dma_wait3A_270] : memref<200x4x128x8x128xf32, #tpu.memory_space<hbm>> -> memref<1x1x1x8x128xf32, #tpu.memory_space<hbm>>
      %dma_wait3A_272 = tpu.memref_squeeze %dma_wait3A_271 : memref<1x1x1x8x128xf32, #tpu.memory_space<hbm>> -> memref<8x128xf32, #tpu.memory_space<hbm>>
      %dma_wait3A_273 = tpu.memref_slice %arg10[%dma_wait3A_265] : memref<2x!tpu.dma_semaphore, #tpu.memory_space<semaphore_mem>> -> memref<1x!tpu.dma_semaphore, #tpu.memory_space<semaphore_mem>>
      %dma_wait3A_274 = tpu.memref_squeeze %dma_wait3A_273 : memref<1x!tpu.dma_semaphore, #tpu.memory_space<semaphore_mem>> -> memref<!tpu.dma_semaphore, #tpu.memory_space<semaphore_mem>>
      %dma_wait3A_275 = arith.constant 0 : i32
      %dma_wait3A_276 = arith.constant 0 : i32
      %dma_wait3A_277 = tpu.memref_slice %arg4[%dma_wait3A_262, %dma_wait3A_263, %dma_wait3A_264, %dma_wait3A_275, %dma_wait3A_276] : memref<200x4x128x8x128xf32, #tpu.memory_space<hbm>> -> memref<1x1x1x8x128xf32, #tpu.memory_space<hbm>>
      %dma_wait3A_278 = tpu.memref_squeeze %dma_wait3A_277 : memref<1x1x1x8x128xf32, #tpu.memory_space<hbm>> -> memref<8x128xf32, #tpu.memory_space<hbm>>
      %dma_wait3A_279 = arith.constant 16 : i32
      %dma_wait3A_280 = arith.constant 0 : i32
      %dma_wait3A_281 = tpu.memref_slice %arg8[%dma_wait3A_279, %dma_wait3A_280] : memref<32x129xf32, #tpu.memory_space<vmem>> -> memref<8x128xf32, #tpu.memory_space<vmem>>
      tpu.wait_dma2 semaphore(%dma_wait3A_274 : memref<!tpu.dma_semaphore, #tpu.memory_space<semaphore_mem>>) src(%dma_wait3A_281 : memref<8x128xf32, #tpu.memory_space<vmem>>) dst(%dma_wait3A_278 : memref<8x128xf32, #tpu.memory_space<hbm>>)
      %dma_wait3A_282 = arith.constant 0 : i32
      %dma_wait3A_283 = arith.constant 3 : i32
      %dma_wait3A_284 = arith.constant 0 : i32
      %dma_wait3A_285 = arith.constant 1 : i32
      %dma_wait3A_286 = arith.constant 24 : i32
      %dma_wait3A_287 = arith.constant 0 : i32
      %dma_wait3A_288 = tpu.memref_slice %arg8[%dma_wait3A_286, %dma_wait3A_287] : memref<32x129xf32, #tpu.memory_space<vmem>> -> memref<8x128xf32, #tpu.memory_space<vmem>>
      %dma_wait3A_289 = arith.constant 0 : i32
      %dma_wait3A_290 = arith.constant 0 : i32
      %dma_wait3A_291 = tpu.memref_slice %arg4[%dma_wait3A_282, %dma_wait3A_283, %dma_wait3A_284, %dma_wait3A_289, %dma_wait3A_290] : memref<200x4x128x8x128xf32, #tpu.memory_space<hbm>> -> memref<1x1x1x8x128xf32, #tpu.memory_space<hbm>>
      %dma_wait3A_292 = tpu.memref_squeeze %dma_wait3A_291 : memref<1x1x1x8x128xf32, #tpu.memory_space<hbm>> -> memref<8x128xf32, #tpu.memory_space<hbm>>
      %dma_wait3A_293 = tpu.memref_slice %arg10[%dma_wait3A_285] : memref<2x!tpu.dma_semaphore, #tpu.memory_space<semaphore_mem>> -> memref<1x!tpu.dma_semaphore, #tpu.memory_space<semaphore_mem>>
      %dma_wait3A_294 = tpu.memref_squeeze %dma_wait3A_293 : memref<1x!tpu.dma_semaphore, #tpu.memory_space<semaphore_mem>> -> memref<!tpu.dma_semaphore, #tpu.memory_space<semaphore_mem>>
      %dma_wait3A_295 = arith.constant 0 : i32
      %dma_wait3A_296 = arith.constant 0 : i32
      %dma_wait3A_297 = tpu.memref_slice %arg4[%dma_wait3A_282, %dma_wait3A_283, %dma_wait3A_284, %dma_wait3A_295, %dma_wait3A_296] : memref<200x4x128x8x128xf32, #tpu.memory_space<hbm>> -> memref<1x1x1x8x128xf32, #tpu.memory_space<hbm>>
      %dma_wait3A_298 = tpu.memref_squeeze %dma_wait3A_297 : memref<1x1x1x8x128xf32, #tpu.memory_space<hbm>> -> memref<8x128xf32, #tpu.memory_space<hbm>>
      %dma_wait3A_299 = arith.constant 24 : i32
      %dma_wait3A_300 = arith.constant 0 : i32
      %dma_wait3A_301 = tpu.memref_slice %arg8[%dma_wait3A_299, %dma_wait3A_300] : memref<32x129xf32, #tpu.memory_space<vmem>> -> memref<8x128xf32, #tpu.memory_space<vmem>>
      tpu.wait_dma2 semaphore(%dma_wait3A_294 : memref<!tpu.dma_semaphore, #tpu.memory_space<semaphore_mem>>) src(%dma_wait3A_301 : memref<8x128xf32, #tpu.memory_space<vmem>>) dst(%dma_wait3A_298 : memref<8x128xf32, #tpu.memory_space<hbm>>)
    }
    %scan3A_5 = arith.constant 4 : i32
    return
  }
}

</mosaic_0001>

<sc_bundles>
// kernel: kernel.3.cloned.1.call-start
scs
__scs_entry_jumppad:
0x0: {  	(pc) =	sbr.rel $0x88, $3  }
0x1: {  	(tag) =	ssettag $0x0;
	lr =	simm.s32 $0x1  }
0x2: {  	[smem:$0x3F9F] =	sst lr;
	_ =	strace $0xD0000000  }
0x3: {  	_ = 	snop  }
0x4: {  	_ = 	snop  }
0x5: {  	_ = 	snop  }
0x6: {  	_ = 	snop  }
0x7: {  	_ = 	snop  }
__scs_overlays_trampoline_lowered:
0x8: {  	[smem:$0x3FAE] =	sst s0  }
0x9: {  	[smem:$0x3FAF] =	sst s1  }
0xa: {  	[smem:$0x3FB0] =	sst s2  }
0xb: {  	[smem:$0x3FB1] =	sst s3  }
0xc: {  	[smem:$0x3FB2] =	sst s4  }
0xd: {  	[smem:$0x3FB3] =	sst s5  }
0xe: {  	[smem:$0x3FB4] =	sst s6  }
0xf: {  	[smem:$0x3FB5] =	sst s7  }
0x10: {  	[smem:$0x3FB6] =	sst s8  }
0x11: {  	[smem:$0x3FB7] =	sst s9;
	s0 =	simm.s32 @!p0 $0x0  }
0x12: {  	s1 =	sld [smem:$0x3F9D];
	s0 =	simm.s32 @p0 $0x1  }
0x13: {  	[smem:$0x3FB8] =	sst s0;
	s0 =	simm.s32 @!p1 $0x0  }
0x14: {  	s2 =	sld [smem:$0x3F9C];
	s0 =	simm.s32 @p1 $0x1  }
0x15: {  	[smem:$0x3FB9] =	sst s0;
	s0 =	simm.s32 @!p2 $0x0  }
0x16: {  	s3 =	sld [smem:$0x3FDB];
	s0 =	simm.s32 @p2 $0x1  }
0x17: {  	s4 =	simm.s32 $0x1BF5;
	[smem:$0x3FBB] =	sst s0  }
0x18: {  	s0 =	sld [smem:$0x3F9E];
	_ =	swait.ge [sflag:s4], $0x0  }
0x19: {  	s7 =	sld [smem:$0x3F9F]  }
0x1a: {  	s8 =	sadd.s32 $0xFFFFE003, lr  }
0x1b: {  	s9 =	sadd.s32 $0xFFFFFEF7, lr;
	s5 =	simm.s32 $0xFFFFFFFF;
	p2 =	slt.u32 s8, $0xFFFFF086  }
0x1c: {  	p1 =	slt.u32 s9, $0xF7A;
	s5 =	simm.s32 @!p2 $0x0  }
0x1d: {  	s5 =	simm.s32 @p1 $0x1;
	p0 =	seq.s32 s7, s2  }
0x1e: {  	s7 =	smul.u32 @!p0 $0xF7A, s2;
	p2 =	seq.s32 @!p0 s5, $0x0  }
0x1f: {  	s9 =	smul.u32 $0xF7A, s1;
	s8 =	simm.s32 @!p0 $0x1BF5;
	p2 =	por !p2, p0  }
0x20: {  	[sflag:s8] =	ssyncset.s32 @!p0 $0xFFFFF086;
	s6 =	sadd.s32 @!p0 s3, s7;
	s7 =	simm.s32 @!p0 $0x108  }
0x21: {  	s3 =	sadd.s32 s3, s9;
	s6 =	sadd.s32 @!p0 $0x88, s6;
	s7 =	simm.s32 @p2 $0x1082  }
0x22: {  	[simem:s7], [sflag:s8] =	dma.local @!p0 [hbm:s6], $0xF7A  }
0x23: {  	s9 =	sor.u32 $0xD0000000, s2;
	s6 =	simm.s32 $0x108;
	_ =	swait.ge @!p0 [sflag:s8], $0x0  }
0x24: {  	s3 =	sadd.s32 $0x88, s3;
	s6 =	simm.s32 @!p1 $0x1082;
	[sflag:s4] =	ssyncset.s32 $0xFFFFF086  }
0x25: {  	[simem:s6], [sflag:s4] =	dma.local [hbm:s3], $0xF7A  }
0x26: {  	[smem:$0x3F9F] =	sst s1;
	(tag) =	ssettag s2;
	_ =	strace s9  }
0x27: {  	s1 =	sld [smem:$0x3FAF]  }
0x28: {  	s2 =	sld [smem:$0x3FB0]  }
0x29: {  	s4 =	sld [smem:$0x3FB2]  }
0x2a: {  	p0 =	seq.s32 s5, $0x0;
	s5 =	sld [smem:$0x3FB3]  }
0x2b: {  	s6 =	sld [smem:$0x3FB4]  }
0x2c: {  	s7 =	sld [smem:$0x3FB5]  }
0x2d: {  	s3 =	simm.s32 $0x108;
	s8 =	sld [smem:$0x3FB6]  }
0x2e: {  	s3 =	simm.s32 @!p0 $0x1082;
	s9 =	sld [smem:$0x3FB7]  }
0x2f: {  	lr =	sadd.s32 s0, s3;
	s0 =	sld [smem:$0x3FAE]  }
0x30: {  	s3 =	sld [smem:$0x3FB1]  }
0x31: {  	[smem:$0x3FBA] =	sst s10  }
0x32: {  	s10 =	sld [smem:$0x3FB8];
	_ =	sdelay $0x3  }
0x33: {  	p0 =	seq.s32 s10, $0x1;
	s10 =	sld [smem:$0x3FBA];
	_ =	sdelay $0x3  }
0x34: {  	[smem:$0x3FBA] =	sst s10  }
0x35: {  	s10 =	sld [smem:$0x3FB9];
	_ =	sdelay $0x3  }
0x36: {  	p1 =	seq.s32 s10, $0x1;
	s10 =	sld [smem:$0x3FBA];
	_ =	sdelay $0x3  }
0x37: {  	[smem:$0x3FBA] =	sst s10  }
0x38: {  	s10 =	sld [smem:$0x3FBB]  }
0x39: {  	_ = 	snop;
	(pc) =	sbr.ind lr, $3  }
0x3a: {  	_ = 	snop  }
0x3b: {  	_ = 	snop  }
0x3c: {  	p2 =	seq.s32 s10, $0x1;
	s10 =	sld [smem:$0x3FBA]  }
0x3d: {  	_ =	shalt  }
0x3e: {  	_ =	shalt  }
0x3f: {  	_ =	shalt  }
0x40: {  	_ =	shalt  }
0x41: {  	_ =	shalt  }
0x42: {  	_ =	shalt  }
0x43: {  	_ =	shalt  }
0x44: {  	_ =	shalt  }
0x45: {  	_ =	shalt  }
0x46: {  	_ =	shalt  }
0x47: {  	_ =	shalt  }
0x48: {  	_ =	shalt  }
0x49: {  	_ =	shalt  }
0x4a: {  	_ =	shalt  }
0x4b: {  	_ =	shalt  }
0x4c: {  	_ =	shalt  }
0x4d: {  	_ =	shalt  }
0x4e: {  	_ =	shalt  }
0x4f: {  	_ =	shalt  }
0x50: {  	_ =	shalt  }
0x51: {  	_ =	shalt  }
0x52: {  	_ =	shalt  }
0x53: {  	_ =	shalt  }
0x54: {  	_ =	shalt  }
0x55: {  	_ =	shalt  }
0x56: {  	_ =	shalt  }
0x57: {  	_ =	shalt  }
0x58: {  	_ =	shalt  }
0x59: {  	_ =	shalt  }
0x5a: {  	_ =	shalt  }
0x5b: {  	_ =	shalt  }
0x5c: {  	_ =	shalt  }
0x5d: {  	_ =	shalt  }
0x5e: {  	_ =	shalt  }
0x5f: {  	_ =	shalt  }
0x60: {  	_ =	shalt  }
0x61: {  	_ =	shalt  }
0x62: {  	_ =	shalt  }
0x63: {  	_ =	shalt  }
0x64: {  	_ =	shalt  }
0x65: {  	_ =	shalt  }
0x66: {  	_ =	shalt  }
0x67: {  	_ =	shalt  }
0x68: {  	_ =	shalt  }
0x69: {  	_ =	shalt  }
0x6a: {  	_ =	shalt  }
0x6b: {  	_ =	shalt  }
0x6c: {  	_ =	shalt  }
0x6d: {  	_ =	shalt  }
0x6e: {  	_ =	shalt  }
0x6f: {  	_ =	shalt  }
0x70: {  	_ =	shalt  }
0x71: {  	_ =	shalt  }
0x72: {  	_ =	shalt  }
0x73: {  	_ =	shalt  }
0x74: {  	_ =	shalt  }
0x75: {  	_ =	shalt  }
0x76: {  	_ =	shalt  }
0x77: {  	_ =	shalt  }
0x78: {  	_ =	shalt  }
0x79: {  	_ =	shalt  }
0x7a: {  	_ =	shalt  }
0x7b: {  	_ =	shalt  }
0x7c: {  	_ =	shalt  }
0x7d: {  	_ =	shalt  }
0x7e: {  	_ =	shalt  }
0x7f: {  	_ =	shalt  }
0x80: {  	_ =	shalt  }
0x81: {  	_ =	shalt  }
0x82: {  	_ =	shalt  }
0x83: {  	_ =	shalt  }
0x84: {  	_ =	shalt  }
0x85: {  	_ =	shalt  }
0x86: {  	_ =	shalt  }
0x87: {  	_ =	shalt  }
.Lfunc_end0:
.L_simem_size_0:
called_computation_lowered:
.L_overlay_start_0:
0x88: {  	s2 =	sld [smem:$0x3FD9]  }
0x89: {  	s3 =	sld [smem:$0x3FFE];
	_ =	sdelay $0x1  }
0x8a: {  	s1 =	srdreg.scid  }
0x8b: {  	s0 =	sand.u32 $0x1, s1  }
0x8c: {  	s17 =	sshll.u32 s0, $0xA;
	s2 =	sadd.s32 s3, s2  }
0x8d: {  	s2 =	sadd.s32 s2, s17  }
0x8e: {  	[smem:$0x3FC6] =	sst s2  }
0x8f: {  	_ = 	snop  }
0x90: {  	s2 =	sld [smem:$0x3FC9]  }
0x91: {  	s18 =	sld [smem:$0x3FD0];
	(tm) =	ssettm $0x1  }
0x92: {  	s4 =	sld [smem:$0x3FFB];
	_ =	sdelay $0x3  }
0x93: {  	_ =	strace s4  }
0x94: {  	s4 =	sld [smem:$0x3FFC];
	_ =	sdelay $0x3  }
0x95: {  	_ =	strace s4  }
0x96: {  	s4 =	sld [smem:$0x3FFD];
	_ =	sdelay $0x3  }
0x97: {  	_ =	strace s4  }
0x98: {  	_ =	strace $0x8FFFFFFF  }
0x99: {  	s19 =	sld [smem:$0x3FDB];
	_ =	sdelay $0x1  }
0x9a: {  	s5 =	simm.s32 $_scs_section_size  }
0x9b: {  	s6 =	simm.s32 $_size__tile_overlayer_lowered;
	s7 =	simm.s32 $_tile_overlayer_lowered  }
0x9c: {  	s22 =	simm.s32 $0x1BFF;
	s21 =	sshll.u32 s7, $0x1;
	s4 =	sadd.s32 s5, s19  }
0x9d: {  	s8 =	simm.s32 $0x0;
	s20 =	sshll.u32 s6, $0x1;
	s6 =	sadd.s32 s21, s4  }
0x9e: {  	[timem:s8], [sflag:s22] =	dma.local [hbm:s6], s20  }
0x9f: {  	_ =	swait.ge [sflag:s22], s20  }
0xa0: {  	s5 =	ssub.s32 $0x0, s20;
	[sflag:s22] =	ssyncset.done $0x0  }
0xa1: {  	[sflag:s22] =	ssyncadd.s32 s5;
	_ =	sdelay $0x1  }
0xa2: {  	s23 =	simm.s32 $0x1B8B  }
0xa3: {  	_ =	swait.ge [sflag:s23], $0x1  }
0xa4: {  	[sflag:s23] =	ssyncset.done $0x0  }
0xa5: {  	s25 =	simm.s32 $0x1B8E;
	s24 =	sld [smem:$0x3FFE];
	[sflag:s23] =	ssyncadd.s32 $0xFFFFFFFF  }
0xa6: {  	s26 =	simm.s32 $execute0_lowered;
	[smem:$0x3FD2] =	sst s25  }
0xa7: {  	s6 =	sshll.u32 s26, $0x1;
	_ =	strace $0x80000046;
	[dreg:$0x1] =	wrdreg $0xFFFFFFFF  }
0xa8: {  	s28 =	simm.s32 $_size_execute0_lowered;
	s4 =	sadd.s32 s4, s6;
	[dreg:$0x0] =	wrdreg $0x0  }
0xa9: {  	s6 =	sshll.u32 s28, $0x1;
	[dreg:$0x2] =	wrdreg s4  }
0xaa: {  	[dreg:$0x3] =	wrdreg s6  }
0xab: {  	[dreg:$0x4] =	wrdreg $0xC0  }
0xac: {  	_ =	task [dreg:s8], $0x5FFFF  }
0xad: {  	[dreg:$0x1] =	wrdreg $0xFFFFFFFF  }
0xae: {  	[dreg:$0x0] =	wrdreg $0x60  }
0xaf: {  	[dreg:$0x2] =	wrdreg s2  }
0xb0: {  	[dreg:$0x3] =	wrdreg s24  }
0xb1: {  	[dreg:$0x4] =	wrdreg s18  }
0xb2: {  	[dreg:$0x5] =	wrdreg $0x9  }
0xb3: {  	_ =	task.clear_ibuf [dreg:s8], $0x6FFFF;
	_ =	strace $0x90000046  }
0xb4: {  	s29 =	simm.s32 $0x9;
	_ =	strace $0x80000048  }
0xb5: {  	_ =	swait.ge [sflag:s29], $0x1  }
0xb6: {  	[sflag:s29] =	ssyncadd.s32 $0xFFFFFFFF  }
0xb7: {  	_ =	strace $0x90000048  }
0xb8: {  	_ =	sfence  }
0xb9: {  	s30 =	sld [smem:$0x0];
	_ =	sdelay $0x2  }
0xba: {  	s31 =	sshll.u32 s1, $0xD;
	s1 =	sshrl.u32 s1, $0x2  }
0xbb: {  	s3 =	sand.u32 $0x4000, s31;
	s1 =	sadd.s32 s1, s30  }
0xbc: {  	s0 =	sor.u32 s3, s0;
	s1 =	sshll.u32 s1, $0x11  }
0xbd: {  	s0 =	sor.u32 s1, s0  }
0xbe: {  	s0 =	sadd.s32 $0x8F2B, s0  }
0xbf: {  	[sflag:s0] =	ssyncadd.remote.s32 $0x1  }
0xc0: {  	_ =	sfence.sel $0xFFFF  }
0xc1: {  	[dreg:$0x0] =	wrdreg $0xFFFFFFFF;
	(pc) =	sbr.abs _section_cstart, $3  }
0xc2: {  	[dreg:$0x1] =	wrdreg $0xFFFFFFFF  }
0xc3: {  	_ =	task.clear_ibuf [dreg:s8], $0x2FFFF;
	_ =	strace $0x9FFFFFFF  }
0xc4: {  	(tm) =	ssettm $0x7FFFFFFF  }
0xc5: {  	_ =	shalt  }
tec
execute0_lowered:
.L_overlay_start_1:
0x0: {  	(tag) =	ssettag $0x1  }
0x1: {  	s0 =	rddreg [dreg:$0x1]  }
0x2: {  	s2 =	rddreg [dreg:$0x2]  }
0x3: {  	s1 =	srdreg.scid;
	s3 =	simm.s32 $0x0;
	s6 =	stileid.u32  }
0x4: {  	s28 =	simm.s32 $0xE400;
	s24 =	simm.s32 $0xE488;
	s10 =	simm.s32 $0xE598  }
0x5: {  	s7 =	simm.s32 $0xF500;
	s12 =	simm.s32 $0xFE90;
	s11 =	simm.s32 $0xFFA0  }
0x6: {  	s29 =	simm.s32 $0x100B0;
	s30 =	simm.s32 $0x10138;
	s31 =	simm.s32 $0x101C0  }
0x7: {  	s8 =	simm.s32 $0x10358;
	s9 =	simm.s32 $0x103E0;
	s13 =	simm.s32 $0x10468  }
0x8: {  	s14 =	simm.s32 $0x104F0;
	s15 =	simm.s32 $0x10578;
	s16 =	simm.s32 $0x9  }
0x9: {  	s18 =	simm.s32 $0x0;
	s1 =	sand.u32 $0x1, s1;
	[smem:$0x7FF] =	sst s3  }
0xa: {  	s6 =	sshll.u32 s6, $0x3;
	s4 =	ssub.s32 $0x2, s1;
	_ =	strace $0x80000047  }
.Ltmp0:
0xb: {  	s1 =	sshll.u32 s1, $0x2;
	s5 =	sshrl.u32 s4, $0x1;
	(pc) =	sbr.rel .LBB2_1-.Ltmp0, $4  }
0xc: {  	v0 =	vlaneseq.u32;
	s25 =	sor.u32 s1, s6;
	s6 =	simm.s32 $0xE510;
	s1 =	simm.s32 $0x102D0  }
0xd: {  	v0 =	vmul.u32 $0x88, v0;
	s4 =	ssub.s32 s4, s5;
	s5 =	sadd.s32 $0xF42800, s0;
	[dreg:$0x4] =	wrdreg s25  }
0xe: {  	s25 =	simm.s32 $0xFF18;
	s0 =	simm.s32 $0x10248;
	s26 =	smax.u32 s4, $0x1  }
0xf: {  	v1 =	vadd.s32 $0x880, v0;
	s4 =	simm.s32 $0xA;
	[dreg:$0x5] =	wrdreg s26;
	s26 =	simm.s32 $0x10028  }
.LBB2_26:
0x10: {  	s18 =	rddreg [dreg:$0x6]  }
0x11: {  	s17 =	rddreg [dreg:$0x5];
	s18 =	sadd.s32 $0x1, s18  }
0x12: {  	p0 =	sne.s32 s18, s17  }
.Ltmp1:
0x13: {  	_ = 	snop;
	(pc) =	sbr.rel @!p0 .LBB2_27-.Ltmp1, $1  }
0x14: {  	_ =	sdelay $0x3  }
.LBB2_1:
.Ltmp2:
0x15: {  	(pc) =	sbr.rel .LBB2_2-.Ltmp2, $2  }
0x16: {  	_ =	sdelay $0x2  }
0x17: {  	[dreg:$0x6] =	wrdreg s18;
	s18 =	simm.s32 $0x0  }
.LBB2_25:
0x18: {  	_ =	swait.ge [sflag:s16], $0x400  }
0x19: {  	[sflag:s16] =	ssyncset.done $0x0  }
0x1a: {  	[sflag:s16] =	ssyncadd.s32 $0xFFFFFC00  }
0x1b: {  	_ =	swait.ge [sflag:s16], $0x400  }
0x1c: {  	[sflag:s16] =	ssyncset.done $0x0  }
0x1d: {  	[sflag:s16] =	ssyncadd.s32 $0xFFFFFC00  }
0x1e: {  	_ =	swait.ge [sflag:s16], $0x400  }
0x1f: {  	[sflag:s16] =	ssyncset.done $0x0  }
0x20: {  	[sflag:s16] =	ssyncadd.s32 $0xFFFFFC00  }
0x21: {  	_ =	swait.ge [sflag:s16], $0x400  }
0x22: {  	[sflag:s16] =	ssyncset.done $0x0  }
0x23: {  	[sflag:s16] =	ssyncadd.s32 $0xFFFFFC00  }
0x24: {  	_ =	swait.ge [sflag:s4], $0x400  }
0x25: {  	[sflag:s4] =	ssyncset.done $0x0  }
0x26: {  	[sflag:s4] =	ssyncadd.s32 $0xFFFFFC00  }
0x27: {  	_ =	swait.ge [sflag:s4], $0x400  }
0x28: {  	[sflag:s4] =	ssyncset.done $0x0  }
0x29: {  	[sflag:s4] =	ssyncadd.s32 $0xFFFFFC00  }
0x2a: {  	_ =	swait.ge [sflag:s4], $0x400  }
0x2b: {  	[sflag:s4] =	ssyncset.done $0x0  }
0x2c: {  	[sflag:s4] =	ssyncadd.s32 $0xFFFFFC00  }
0x2d: {  	_ =	swait.ge [sflag:s4], $0x400  }
0x2e: {  	s18 =	rddreg [dreg:$0x7]  }
0x2f: {  	s18 =	sadd.s32 $0x1, s18  }
0x30: {  	p0 =	sne.s32 s18, $0x4  }
.Ltmp3:
0x31: {  	_ = 	snop;
	(pc) =	sbr.rel @!p0 .LBB2_26-.Ltmp3, $3  }
0x32: {  	_ =	sdelay $0x1  }
0x33: {  	[sflag:s4] =	ssyncset.done $0x0  }
0x34: {  	[sflag:s4] =	ssyncadd.s32 $0xFFFFFC00  }
.LBB2_2:
0x35: {  	s17 =	rddreg [dreg:$0x4]  }
0x36: {  	[dreg:$0x7] =	wrdreg s18  }
0x37: {  	s20 =	rddreg [dreg:$0x0];
	s21 =	simm.s32 $0x400;
	s17 =	sadd.s32 s17, s18  }
0x38: {  	s19 =	simm.s32 $0x20000;
	s22 =	simm.s32 $0xB;
	s18 =	sshll.u32 s17, $0x7  }
0x39: {  	[dreg:$0x8] =	wrdreg s18;
	s17 =	sadd.s32 s20, s18;
	s20 =	simm.s32 $0x0  }
0x3a: {  	[tilespmem:s20], [sflag:$0xB] =	stream.strided.gather [hbm4b:s17+s21], $0x6400, s19, s21, $0x38;
	[tilespmem:$0x10600] =	vst v63  }
0x3b: {  	_ =	swait.ge [sflag:s22], $0x6400  }
0x3c: {  	[sflag:s22] =	ssyncset.done $0x0  }
0x3d: {  	s23 =	simm.s32 $0x6400;
	s17 =	simm.s32 $0x80;
	[sflag:s22] =	ssyncadd.s32 $0xFFFF9C00  }
0x3e: {  	[tilespmem:s23], [sflag:$0x1] =	stream.indirect.gather [hbm4b:s5+s17], $0x20, s20, s17, $0xb8;
	[tilespmem:$0x10600] =	vst v63  }
0x3f: {  	s19 =	simm.s32 $0x7400  }
0x40: {  	[tilespmem:s19], [sflag:$0x2] =	stream.indirect.gather [hbm4b:s5+s17], $0x20, s17, s17, $0xb8;
	[tilespmem:$0x10600] =	vst v63  }
0x41: {  	s21 =	simm.s32 $0x8400;
	s20 =	simm.s32 $0x100  }
0x42: {  	[tilespmem:s21], [sflag:$0x3] =	stream.indirect.gather [hbm4b:s5+s17], $0x20, s20, s17, $0xb8;
	[tilespmem:$0x10600] =	vst v63  }
0x43: {  	s22 =	simm.s32 $0x180;
	s23 =	simm.s32 $0x9400  }
0x44: {  	[tilespmem:s23], [sflag:$0x4] =	stream.indirect.gather [hbm4b:s5+s17], $0x20, s22, s17, $0xb8;
	[tilespmem:$0x10600] =	vst v63  }
0x45: {  	s20 =	simm.s32 $0x200;
	s21 =	simm.s32 $0xA400  }
0x46: {  	[tilespmem:s21], [sflag:$0x5] =	stream.indirect.gather [hbm4b:s5+s17], $0x20, s20, s17, $0xb8;
	[tilespmem:$0x10600] =	vst v63  }
0x47: {  	s22 =	simm.s32 $0x280;
	s23 =	simm.s32 $0xB400  }
0x48: {  	[tilespmem:s23], [sflag:$0x6] =	stream.indirect.gather [hbm4b:s5+s17], $0x20, s22, s17, $0xb8;
	[tilespmem:$0x10600] =	vst v63  }
0x49: {  	s20 =	simm.s32 $0x300;
	s21 =	simm.s32 $0xC400  }
0x4a: {  	[tilespmem:s21], [sflag:$0x7] =	stream.indirect.gather [hbm4b:s5+s17], $0x20, s20, s17, $0xb8;
	[tilespmem:$0x10600] =	vst v63  }
0x4b: {  	s22 =	simm.s32 $0x380;
	s23 =	simm.s32 $0xD400  }
0x4c: {  	[tilespmem:s23], [sflag:$0x8] =	stream.indirect.gather [hbm4b:s5+s17], $0x20, s22, s17, $0xb8;
	[tilespmem:$0x10600] =	vst v63  }
0x4d: {  	s17 =	simm.s32 $0x0  }
.LBB2_3:
0x4e: {  	s18 =	simm.s32 $0x1  }
0x4f: {  	_ =	swait.ge [sflag:s18], $0x1000  }
0x50: {  	p0 =	seq.s32 s17, $0x0;
	[sflag:s18] =	ssyncset.done $0x0  }
0x51: {  	[sflag:s18] =	ssyncadd.s32 $0xFFFFF000;
	s18 =	simm.s32 @!p0 $0x9  }
0x52: {  	_ =	swait.ge @!p0 [sflag:s18], $0x400  }
0x53: {  	[sflag:s18] =	ssyncset.done @!p0 $0x0  }
0x54: {  	[sflag:s18] =	ssyncadd.s32 @!p0 $0xFFFFFC00  }
0x55: {  	_ =	swait.ge @!p0 [sflag:s18], $0x400  }
0x56: {  	[sflag:s18] =	ssyncset.done @!p0 $0x0  }
0x57: {  	[sflag:s18] =	ssyncadd.s32 @!p0 $0xFFFFFC00  }
0x58: {  	_ =	swait.ge @!p0 [sflag:s18], $0x400  }
0x59: {  	[sflag:s18] =	ssyncset.done @!p0 $0x0  }
0x5a: {  	[sflag:s18] =	ssyncadd.s32 @!p0 $0xFFFFFC00  }
0x5b: {  	s19 =	simm.s32 $0x0;
	_ =	swait.ge @!p0 [sflag:s18], $0x400  }
0x5c: {  	v2 =	vmov s19;
	[sflag:s18] =	ssyncset.done @!p0 $0x0  }
0x5d: {  	v2 =	vand.u32 $0x7C, v2;
	[sflag:s18] =	ssyncadd.s32 @!p0 $0xFFFFFC00;
	s18 =	simm.s32 $0x6440  }
0x5e: {  	v4 =	vadd.s32 v0, v2;
	v3 =	vld [tilespmem:s18+$0xFFFFFFC0];
	_ =	sdelay $0x4  }
0x5f: {  	[tilespmem:v4+s28+$0x0] =	vst.idx.msk $0xffff, v3  }
0x60: {  	v2 =	vadd.s32 v1, v2;
	v3 =	vld [tilespmem:s18+$0xFFFFFFD0];
	_ =	sdelay $0x2  }
0x61: {  	s21 =	simm.s32 $0x1  }
0x62: {  	v4 =	vmov s21  }
0x63: {  	[tilespmem:v2+s28+$0x0] =	vst.idx.msk $0xffff, v3;
	v2 =	vand.u32 $0x7D, v4  }
0x64: {  	v3 =	vld [tilespmem:s18+$0xFFFFFFE0];
	v4 =	vadd.s32 v0, v2;
	_ =	sdelay $0x4  }
0x65: {  	[tilespmem:v4+s28+$0x0] =	vst.idx.msk $0xffff, v3  }
0x66: {  	v2 =	vadd.s32 v1, v2;
	v3 =	vld [tilespmem:s18+$0xFFFFFFF0];
	_ =	sdelay $0x2  }
0x67: {  	s22 =	simm.s32 $0x2  }
0x68: {  	v4 =	vmov s22  }
0x69: {  	[tilespmem:v2+s28+$0x0] =	vst.idx.msk $0xffff, v3;
	v2 =	vand.u32 $0x7E, v4  }
0x6a: {  	v3 =	vld [tilespmem:s18+$0x0];
	v4 =	vadd.s32 v0, v2;
	_ =	sdelay $0x4  }
0x6b: {  	[tilespmem:v4+s28+$0x0] =	vst.idx.msk $0xffff, v3  }
0x6c: {  	v2 =	vadd.s32 v1, v2;
	v3 =	vld [tilespmem:s18+$0x10];
	_ =	sdelay $0x2  }
0x6d: {  	s23 =	simm.s32 $0x3  }
0x6e: {  	v4 =	vmov s23  }
0x6f: {  	[tilespmem:v2+s28+$0x0] =	vst.idx.msk $0xffff, v3;
	v3 =	vand.u32 $0x7F, v4  }
0x70: {  	v2 =	vld [tilespmem:s18+$0x20];
	v4 =	vadd.s32 v0, v3;
	_ =	sdelay $0x4  }
0x71: {  	[tilespmem:v4+s28+$0x0] =	vst.idx.msk $0xffff, v2  }
0x72: {  	v3 =	vadd.s32 v1, v3;
	v2 =	vld [tilespmem:s18+$0x30];
	_ =	sdelay $0x2  }
0x73: {  	s19 =	simm.s32 $0x4  }
0x74: {  	s20 =	simm.s32 $0x8;
	v4 =	vmov s19  }
.LBB2_4:
0x75: {  	p1 =	sne.s32 s20, $0x7C;
	v4 =	vand.u32 $0x7C, v4;
	[tilespmem:v3+s28+$0x0] =	vst.idx.msk $0xffff, v2;
	s18 =	sadd.s32 $0x80, s18  }
0x76: {  	v2 =	vld [tilespmem:s18+$0xFFFFFFC0];
	v3 =	vadd.s32 v0, v4;
	_ =	sdelay $0x4  }
0x77: {  	[tilespmem:v3+s28+$0x0] =	vst.idx.msk $0xffff, v2  }
0x78: {  	v3 =	vadd.s32 v1, v4;
	v2 =	vld [tilespmem:s18+$0xFFFFFFD0];
	_ =	sdelay $0x2  }
0x79: {  	s21 =	sadd.s32 $0x1, s19  }
0x7a: {  	v4 =	vmov s21  }
0x7b: {  	[tilespmem:v3+s28+$0x0] =	vst.idx.msk $0xffff, v2;
	v2 =	vand.u32 $0x7D, v4  }
0x7c: {  	v3 =	vld [tilespmem:s18+$0xFFFFFFE0];
	v4 =	vadd.s32 v0, v2;
	_ =	sdelay $0x4  }
0x7d: {  	[tilespmem:v4+s28+$0x0] =	vst.idx.msk $0xffff, v3  }
0x7e: {  	v2 =	vadd.s32 v1, v2;
	v3 =	vld [tilespmem:s18+$0xFFFFFFF0];
	_ =	sdelay $0x2  }
0x7f: {  	s21 =	sadd.s32 $0x2, s19  }
0x80: {  	v4 =	vmov s21  }
0x81: {  	[tilespmem:v2+s28+$0x0] =	vst.idx.msk $0xffff, v3;
	v2 =	vand.u32 $0x7E, v4  }
0x82: {  	v3 =	vld [tilespmem:s18+$0x0];
	v4 =	vadd.s32 v0, v2;
	_ =	sdelay $0x4  }
0x83: {  	[tilespmem:v4+s28+$0x0] =	vst.idx.msk $0xffff, v3  }
0x84: {  	v2 =	vadd.s32 v1, v2;
	v3 =	vld [tilespmem:s18+$0x10];
	_ =	sdelay $0x2  }
0x85: {  	s21 =	sadd.s32 $0x3, s19;
	s19 =	smov.u32 s20  }
0x86: {  	v4 =	vmov s21  }
0x87: {  	[tilespmem:v2+s28+$0x0] =	vst.idx.msk $0xffff, v3;
	v3 =	vand.u32 $0x7F, v4  }
0x88: {  	v2 =	vld [tilespmem:s18+$0x20];
	v4 =	vadd.s32 v0, v3;
	_ =	sdelay $0x4  }
0x89: {  	[tilespmem:v4+s28+$0x0] =	vst.idx.msk $0xffff, v2  }
.Ltmp4:
0x8a: {  	v3 =	vadd.s32 v1, v3;
	v2 =	vld [tilespmem:s18+$0x30];
	(pc) =	sbr.rel @p1 .LBB2_4-.Ltmp4, $2  }
0x8b: {  	_ =	sdelay $0x2  }
0x8c: {  	s20 =	sadd.s32 $0x4, s20;
	v4 =	vmov s19  }
0x8d: {  	_ =	sdelay $0x3  }
0x8e: {  	v4 =	vand.u32 $0x7C, v4;
	[tilespmem:v3+s28+$0x0] =	vst.idx.msk $0xffff, v2;
	s18 =	sadd.s32 $0x80, s18  }
0x8f: {  	v2 =	vld [tilespmem:s18+$0xFFFFFFC0];
	v3 =	vadd.s32 v0, v4;
	_ =	sdelay $0x4  }
0x90: {  	[tilespmem:v3+s28+$0x0] =	vst.idx.msk $0xffff, v2  }
0x91: {  	v3 =	vadd.s32 v1, v4;
	v2 =	vld [tilespmem:s18+$0xFFFFFFD0];
	_ =	sdelay $0x2  }
0x92: {  	s20 =	sadd.s32 $0x1, s19  }
0x93: {  	v61 =	vmov s20  }
0x94: {  	[tilespmem:v3+s28+$0x0] =	vst.idx.msk $0xffff, v2;
	v2 =	vand.u32 $0x7D, v61  }
0x95: {  	v3 =	vld [tilespmem:s18+$0xFFFFFFE0];
	v4 =	vadd.s32 v0, v2;
	_ =	sdelay $0x4  }
0x96: {  	[tilespmem:v4+s28+$0x0] =	vst.idx.msk $0xffff, v3  }
0x97: {  	v2 =	vadd.s32 v1, v2;
	v3 =	vld [tilespmem:s18+$0xFFFFFFF0];
	_ =	sdelay $0x2  }
0x98: {  	s22 =	sadd.s32 $0x2, s19  }
0x99: {  	v62 =	vmov s22  }
0x9a: {  	[tilespmem:v2+s28+$0x0] =	vst.idx.msk $0xffff, v3;
	v2 =	vand.u32 $0x7E, v62  }
0x9b: {  	v3 =	vld [tilespmem:s18+$0x0];
	v4 =	vadd.s32 v0, v2;
	_ =	sdelay $0x4  }
0x9c: {  	[tilespmem:v4+s28+$0x0] =	vst.idx.msk $0xffff, v3  }
0x9d: {  	v2 =	vadd.s32 v1, v2;
	v3 =	vld [tilespmem:s18+$0x10];
	_ =	sdelay $0x2  }
0x9e: {  	s23 =	sadd.s32 $0x3, s19  }
0x9f: {  	v63 =	vmov s23  }
0xa0: {  	[tilespmem:v2+s28+$0x0] =	vst.idx.msk $0xffff, v3;
	v2 =	vand.u32 $0x7F, v63  }
0xa1: {  	v3 =	vld [tilespmem:s18+$0x20];
	v4 =	vadd.s32 v0, v2;
	_ =	sdelay $0x4  }
0xa2: {  	[tilespmem:v4+s28+$0x0] =	vst.idx.msk $0xffff, v3  }
0xa3: {  	v2 =	vadd.s32 v1, v2;
	v3 =	vld [tilespmem:s18+$0x30];
	_ =	sdelay $0x2  }
0xa4: {  	s21 =	rddreg [dreg:$0x8];
	s20 =	sshll.u32 s17, $0x13  }
0xa5: {  	s18 =	sadd.s32 s21, s20  }
0xa6: {  	s19 =	sadd.s32 s2, s18;
	[tilespmem:v2+s28+$0x0] =	vst.idx.msk $0xffff, v3  }
0xa7: {  	[hbm4b:s19+s3] =	stream.linear.scatter [tilespmem:s28], [sflag:$0x9], $0x80, $0x38;
	[tilespmem:$0x10600] =	vst v63  }
0xa8: {  	s22 =	sadd.s32 $0x10, s19  }
0xa9: {  	[hbm4b:s22+s3] =	stream.linear.scatter [tilespmem:s24], [sflag:$0x9], $0x80, $0x38;
	[tilespmem:$0x10600] =	vst v63  }
0xaa: {  	s23 =	sadd.s32 $0x20, s19  }
0xab: {  	[hbm4b:s23+s3] =	stream.linear.scatter [tilespmem:s6], [sflag:$0x9], $0x80, $0x38;
	[tilespmem:$0x10600] =	vst v63  }
0xac: {  	s6 =	sadd.s32 $0x30, s19  }
0xad: {  	[hbm4b:s6+s3] =	stream.linear.scatter [tilespmem:s10], [sflag:$0x9], $0x80, $0x38;
	[tilespmem:$0x10600] =	vst v63  }
0xae: {  	s21 =	simm.s32 $0xE620;
	s10 =	sadd.s32 $0x40, s19  }
0xaf: {  	[hbm4b:s10+s3] =	stream.linear.scatter [tilespmem:s21], [sflag:$0x9], $0x80, $0x38;
	[tilespmem:$0x10600] =	vst v63  }
0xb0: {  	s22 =	sadd.s32 $0x50, s19;
	s23 =	simm.s32 $0xE6A8  }
0xb1: {  	[hbm4b:s22+s3] =	stream.linear.scatter [tilespmem:s23], [sflag:$0x9], $0x80, $0x38;
	[tilespmem:$0x10600] =	vst v63  }
0xb2: {  	s6 =	sadd.s32 $0x60, s19;
	s10 =	simm.s32 $0xE730  }
0xb3: {  	[hbm4b:s6+s3] =	stream.linear.scatter [tilespmem:s10], [sflag:$0x9], $0x80, $0x38;
	[tilespmem:$0x10600] =	vst v63  }
0xb4: {  	s19 =	sadd.s32 $0x70, s19;
	s21 =	simm.s32 $0xE7B8;
	s22 =	sor.u32 $0x4000, s18  }
0xb5: {  	[hbm4b:s19+s3] =	stream.linear.scatter [tilespmem:s21], [sflag:$0x9], $0x80, $0x38;
	[tilespmem:$0x10600] =	vst v63  }
0xb6: {  	s23 =	simm.s32 $0xE840;
	s19 =	sadd.s32 s2, s22  }
0xb7: {  	[hbm4b:s19+s3] =	stream.linear.scatter [tilespmem:s23], [sflag:$0x9], $0x80, $0x38;
	[tilespmem:$0x10600] =	vst v63  }
0xb8: {  	s21 =	simm.s32 $0xE8C8;
	s10 =	sadd.s32 $0x10, s19  }
0xb9: {  	[hbm4b:s10+s3] =	stream.linear.scatter [tilespmem:s21], [sflag:$0x9], $0x80, $0x38;
	[tilespmem:$0x10600] =	vst v63  }
0xba: {  	s22 =	sadd.s32 $0x20, s19;
	s23 =	simm.s32 $0xE950  }
0xbb: {  	[hbm4b:s22+s3] =	stream.linear.scatter [tilespmem:s23], [sflag:$0x9], $0x80, $0x38;
	[tilespmem:$0x10600] =	vst v63  }
0xbc: {  	s10 =	sadd.s32 $0x30, s19;
	s21 =	simm.s32 $0xE9D8  }
0xbd: {  	[hbm4b:s10+s3] =	stream.linear.scatter [tilespmem:s21], [sflag:$0x9], $0x80, $0x38;
	[tilespmem:$0x10600] =	vst v63  }
0xbe: {  	s22 =	sadd.s32 $0x40, s19;
	s23 =	simm.s32 $0xEA60  }
0xbf: {  	[hbm4b:s22+s3] =	stream.linear.scatter [tilespmem:s23], [sflag:$0x9], $0x80, $0x38;
	[tilespmem:$0x10600] =	vst v63  }
0xc0: {  	s10 =	sadd.s32 $0x50, s19;
	s21 =	simm.s32 $0xEAE8  }
0xc1: {  	[hbm4b:s10+s3] =	stream.linear.scatter [tilespmem:s21], [sflag:$0x9], $0x80, $0x38;
	[tilespmem:$0x10600] =	vst v63  }
0xc2: {  	s22 =	sadd.s32 $0x60, s19;
	s23 =	simm.s32 $0xEB70  }
0xc3: {  	[hbm4b:s22+s3] =	stream.linear.scatter [tilespmem:s23], [sflag:$0x9], $0x80, $0x38;
	[tilespmem:$0x10600] =	vst v63  }
0xc4: {  	s20 =	sor.u32 $0x8000, s18;
	s19 =	sadd.s32 $0x70, s19;
	s10 =	simm.s32 $0xEBF8  }
0xc5: {  	[hbm4b:s19+s3] =	stream.linear.scatter [tilespmem:s10], [sflag:$0x9], $0x80, $0x38;
	[tilespmem:$0x10600] =	vst v63  }
0xc6: {  	s21 =	simm.s32 $0xEC80;
	s19 =	sadd.s32 s2, s20  }
0xc7: {  	[hbm4b:s19+s3] =	stream.linear.scatter [tilespmem:s21], [sflag:$0x9], $0x80, $0x38;
	[tilespmem:$0x10600] =	vst v63  }
0xc8: {  	s23 =	simm.s32 $0xED08;
	s22 =	sadd.s32 $0x10, s19  }
0xc9: {  	[hbm4b:s22+s3] =	stream.linear.scatter [tilespmem:s23], [sflag:$0x9], $0x80, $0x38;
	[tilespmem:$0x10600] =	vst v63  }
0xca: {  	s10 =	sadd.s32 $0x20, s19;
	s21 =	simm.s32 $0xED90  }
0xcb: {  	[hbm4b:s10+s3] =	stream.linear.scatter [tilespmem:s21], [sflag:$0x9], $0x80, $0x38;
	[tilespmem:$0x10600] =	vst v63  }
0xcc: {  	s22 =	sadd.s32 $0x30, s19;
	s23 =	simm.s32 $0xEE18  }
0xcd: {  	[hbm4b:s22+s3] =	stream.linear.scatter [tilespmem:s23], [sflag:$0x9], $0x80, $0x38;
	[tilespmem:$0x10600] =	vst v63  }
0xce: {  	s10 =	sadd.s32 $0x40, s19;
	s21 =	simm.s32 $0xEEA0  }
0xcf: {  	[hbm4b:s10+s3] =	stream.linear.scatter [tilespmem:s21], [sflag:$0x9], $0x80, $0x38;
	[tilespmem:$0x10600] =	vst v63  }
0xd0: {  	s22 =	sadd.s32 $0x50, s19;
	s23 =	simm.s32 $0xEF28  }
0xd1: {  	[hbm4b:s22+s3] =	stream.linear.scatter [tilespmem:s23], [sflag:$0x9], $0x80, $0x38;
	[tilespmem:$0x10600] =	vst v63  }
0xd2: {  	s6 =	sadd.s32 $0x60, s19;
	s10 =	simm.s32 $0xEFB0  }
0xd3: {  	[hbm4b:s6+s3] =	stream.linear.scatter [tilespmem:s10], [sflag:$0x9], $0x80, $0x38;
	[tilespmem:$0x10600] =	vst v63  }
0xd4: {  	s19 =	sadd.s32 $0x70, s19;
	s21 =	simm.s32 $0xF038;
	s22 =	sor.u32 $0xC000, s18  }
0xd5: {  	[hbm4b:s19+s3] =	stream.linear.scatter [tilespmem:s21], [sflag:$0x9], $0x80, $0x38;
	[tilespmem:$0x10600] =	vst v63  }
0xd6: {  	s23 =	simm.s32 $0xF0C0;
	s19 =	sadd.s32 s2, s22  }
0xd7: {  	[hbm4b:s19+s3] =	stream.linear.scatter [tilespmem:s23], [sflag:$0x9], $0x80, $0x38;
	[tilespmem:$0x10600] =	vst v63  }
0xd8: {  	s21 =	simm.s32 $0xF148;
	s10 =	sadd.s32 $0x10, s19  }
0xd9: {  	[hbm4b:s10+s3] =	stream.linear.scatter [tilespmem:s21], [sflag:$0x9], $0x80, $0x38;
	[tilespmem:$0x10600] =	vst v63  }
0xda: {  	s22 =	sadd.s32 $0x20, s19;
	s23 =	simm.s32 $0xF1D0  }
0xdb: {  	[hbm4b:s22+s3] =	stream.linear.scatter [tilespmem:s23], [sflag:$0x9], $0x80, $0x38;
	[tilespmem:$0x10600] =	vst v63  }
0xdc: {  	s10 =	sadd.s32 $0x30, s19;
	s21 =	simm.s32 $0xF258  }
0xdd: {  	[hbm4b:s10+s3] =	stream.linear.scatter [tilespmem:s21], [sflag:$0x9], $0x80, $0x38;
	[tilespmem:$0x10600] =	vst v63  }
0xde: {  	s22 =	sadd.s32 $0x40, s19;
	s23 =	simm.s32 $0xF2E0  }
0xdf: {  	[hbm4b:s22+s3] =	stream.linear.scatter [tilespmem:s23], [sflag:$0x9], $0x80, $0x38;
	[tilespmem:$0x10600] =	vst v63  }
0xe0: {  	p1 =	sne.s32 s17, $0x18;
	s6 =	sadd.s32 $0x50, s19;
	s10 =	simm.s32 $0xF368  }
0xe1: {  	[hbm4b:s6+s3] =	stream.linear.scatter [tilespmem:s10], [sflag:$0x9], $0x80, $0x38;
	[tilespmem:$0x10600] =	vst v63  }
.Ltmp5:
0xe2: {  	_ = 	snop;
	(pc) =	sbr.rel @p1 .LBB2_7-.Ltmp5, $4  }
0xe3: {  	s21 =	sadd.s32 $0x60, s19;
	s22 =	simm.s32 $0xF3F0  }
0xe4: {  	[hbm4b:s21+s3] =	stream.linear.scatter [tilespmem:s22], [sflag:$0x9], $0x80, $0x38;
	[tilespmem:$0x10600] =	vst v63  }
0xe5: {  	s19 =	sadd.s32 $0x70, s19;
	s23 =	simm.s32 $0xF478  }
0xe6: {  	[hbm4b:s19+s3] =	stream.linear.scatter [tilespmem:s23], [sflag:$0x9], $0x80, $0x38;
	[tilespmem:$0x10600] =	vst v63  }
.Ltmp6:
0xe7: {  	(pc) =	sbr.rel .LBB2_8-.Ltmp6, $4  }
0xe8: {  	s6 =	simm.s32 $0x2  }
0xe9: {  	_ =	swait.ge [sflag:s6], $0x1000  }
0xea: {  	[sflag:s6] =	ssyncset.done $0x0  }
0xeb: {  	[sflag:s6] =	ssyncadd.s32 $0xFFFFF000  }
.LBB2_7:
0xec: {  	s19 =	sshll.u32 s17, $0xA  }
0xed: {  	s20 =	simm.s32 $0x80;
	s21 =	simm.s32 $0x6400;
	s19 =	sand.u32 $0x3FFFFC00, s19  }
.Ltmp7:
0xee: {  	s6 =	simm.s32 $0x2;
	s19 =	sadd.s32 $0x400, s19;
	(pc) =	sbr.rel @p0 .LBB2_9-.Ltmp7, $4  }
0xef: {  	[tilespmem:s21], [sflag:$0x1] =	stream.indirect.gather [hbm4b:s5+s20], $0x20, s19, s20, $0xb8;
	[tilespmem:$0x10600] =	vst v63  }
0xf0: {  	_ =	swait.ge [sflag:s6], $0x1000  }
0xf1: {  	[sflag:s6] =	ssyncset.done $0x0  }
0xf2: {  	[sflag:s6] =	ssyncadd.s32 $0xFFFFF000  }
.LBB2_8:
0xf3: {  	_ =	swait.ge [sflag:s4], $0x400  }
0xf4: {  	[sflag:s4] =	ssyncset.done $0x0  }
0xf5: {  	[sflag:s4] =	ssyncadd.s32 $0xFFFFFC00  }
0xf6: {  	_ =	swait.ge [sflag:s4], $0x400  }
0xf7: {  	[sflag:s4] =	ssyncset.done $0x0  }
0xf8: {  	[sflag:s4] =	ssyncadd.s32 $0xFFFFFC00  }
0xf9: {  	_ =	swait.ge [sflag:s4], $0x400  }
0xfa: {  	[sflag:s4] =	ssyncset.done $0x0  }
0xfb: {  	[sflag:s4] =	ssyncadd.s32 $0xFFFFFC00  }
0xfc: {  	_ =	swait.ge [sflag:s4], $0x400  }
0xfd: {  	[sflag:s4] =	ssyncset.done $0x0  }
0xfe: {  	[sflag:s4] =	ssyncadd.s32 $0xFFFFFC00  }
.LBB2_9:
0xff: {  	s19 =	simm.s32 $0x0  }
0x100: {  	v2 =	vmov s19  }
0x101: {  	s19 =	simm.s32 $0x7470;
	v2 =	vand.u32 $0x7C, v2  }
0x102: {  	v3 =	vld [tilespmem:s19+$0xFFFFFF90];
	v4 =	vadd.s32 v0, v2;
	_ =	sdelay $0x4  }
0x103: {  	[tilespmem:v4+s7+$0x0] =	vst.idx.msk $0xffff, v3  }
0x104: {  	v2 =	vadd.s32 v1, v2;
	v3 =	vld [tilespmem:s19+$0xFFFFFFA0];
	_ =	sdelay $0x2  }
0x105: {  	s20 =	simm.s32 $0x1  }
0x106: {  	v4 =	vmov s20  }
0x107: {  	[tilespmem:v2+s7+$0x0] =	vst.idx.msk $0xffff, v3;
	v2 =	vand.u32 $0x7D, v4  }
0x108: {  	v3 =	vld [tilespmem:s19+$0xFFFFFFB0];
	v4 =	vadd.s32 v0, v2;
	_ =	sdelay $0x4  }
0x109: {  	[tilespmem:v4+s7+$0x0] =	vst.idx.msk $0xffff, v3  }
0x10a: {  	v2 =	vadd.s32 v1, v2;
	v3 =	vld [tilespmem:s19+$0xFFFFFFC0];
	_ =	sdelay $0x2  }
0x10b: {  	s22 =	simm.s32 $0x2  }
0x10c: {  	v4 =	vmov s22  }
0x10d: {  	[tilespmem:v2+s7+$0x0] =	vst.idx.msk $0xffff, v3;
	v2 =	vand.u32 $0x7E, v4  }
0x10e: {  	v3 =	vld [tilespmem:s19+$0xFFFFFFD0];
	v4 =	vadd.s32 v0, v2;
	_ =	sdelay $0x4  }
0x10f: {  	[tilespmem:v4+s7+$0x0] =	vst.idx.msk $0xffff, v3  }
0x110: {  	v2 =	vadd.s32 v1, v2;
	v3 =	vld [tilespmem:s19+$0xFFFFFFE0];
	_ =	sdelay $0x2  }
0x111: {  	s23 =	simm.s32 $0x3  }
0x112: {  	v4 =	vmov s23  }
0x113: {  	[tilespmem:v2+s7+$0x0] =	vst.idx.msk $0xffff, v3;
	v3 =	vand.u32 $0x7F, v4  }
0x114: {  	v2 =	vld [tilespmem:s19+$0xFFFFFFF0];
	v4 =	vadd.s32 v0, v3;
	_ =	sdelay $0x4  }
0x115: {  	[tilespmem:v4+s7+$0x0] =	vst.idx.msk $0xffff, v2  }
0x116: {  	v3 =	vadd.s32 v1, v3;
	v2 =	vld [tilespmem:s19+$0x0];
	_ =	sdelay $0x2  }
0x117: {  	s20 =	simm.s32 $0x4  }
0x118: {  	s21 =	simm.s32 $0x8;
	v4 =	vmov s20  }
.LBB2_10:
0x119: {  	p0 =	sne.s32 s21, $0x7C;
	v4 =	vand.u32 $0x7C, v4;
	[tilespmem:v3+s7+$0x0] =	vst.idx.msk $0xffff, v2;
	s19 =	sadd.s32 $0x80, s19  }
0x11a: {  	v2 =	vld [tilespmem:s19+$0xFFFFFF90];
	v3 =	vadd.s32 v0, v4;
	_ =	sdelay $0x4  }
0x11b: {  	[tilespmem:v3+s7+$0x0] =	vst.idx.msk $0xffff, v2  }
0x11c: {  	v3 =	vadd.s32 v1, v4;
	v2 =	vld [tilespmem:s19+$0xFFFFFFA0];
	_ =	sdelay $0x2  }
0x11d: {  	s22 =	sadd.s32 $0x1, s20  }
0x11e: {  	v4 =	vmov s22  }
0x11f: {  	[tilespmem:v3+s7+$0x0] =	vst.idx.msk $0xffff, v2;
	v2 =	vand.u32 $0x7D, v4  }
0x120: {  	v3 =	vld [tilespmem:s19+$0xFFFFFFB0];
	v4 =	vadd.s32 v0, v2;
	_ =	sdelay $0x4  }
0x121: {  	[tilespmem:v4+s7+$0x0] =	vst.idx.msk $0xffff, v3  }
0x122: {  	v2 =	vadd.s32 v1, v2;
	v3 =	vld [tilespmem:s19+$0xFFFFFFC0];
	_ =	sdelay $0x2  }
0x123: {  	s22 =	sadd.s32 $0x2, s20  }
0x124: {  	v4 =	vmov s22  }
0x125: {  	[tilespmem:v2+s7+$0x0] =	vst.idx.msk $0xffff, v3;
	v2 =	vand.u32 $0x7E, v4  }
0x126: {  	v3 =	vld [tilespmem:s19+$0xFFFFFFD0];
	v4 =	vadd.s32 v0, v2;
	_ =	sdelay $0x4  }
0x127: {  	[tilespmem:v4+s7+$0x0] =	vst.idx.msk $0xffff, v3  }
0x128: {  	v2 =	vadd.s32 v1, v2;
	v3 =	vld [tilespmem:s19+$0xFFFFFFE0];
	_ =	sdelay $0x2  }
0x129: {  	s22 =	sadd.s32 $0x3, s20;
	s20 =	smov.u32 s21  }
0x12a: {  	v4 =	vmov s22  }
0x12b: {  	[tilespmem:v2+s7+$0x0] =	vst.idx.msk $0xffff, v3;
	v3 =	vand.u32 $0x7F, v4  }
0x12c: {  	v2 =	vld [tilespmem:s19+$0xFFFFFFF0];
	v4 =	vadd.s32 v0, v3;
	_ =	sdelay $0x4  }
0x12d: {  	[tilespmem:v4+s7+$0x0] =	vst.idx.msk $0xffff, v2  }
.Ltmp8:
0x12e: {  	v3 =	vadd.s32 v1, v3;
	v2 =	vld [tilespmem:s19+$0x0];
	(pc) =	sbr.rel @p0 .LBB2_10-.Ltmp8, $2  }
0x12f: {  	_ =	sdelay $0x2  }
0x130: {  	s21 =	sadd.s32 $0x4, s21;
	v4 =	vmov s20  }
0x131: {  	_ =	sdelay $0x3  }
0x132: {  	v4 =	vand.u32 $0x7C, v4;
	[tilespmem:v3+s7+$0x0] =	vst.idx.msk $0xffff, v2;
	s19 =	sadd.s32 $0x80, s19  }
0x133: {  	v2 =	vld [tilespmem:s19+$0xFFFFFF90];
	v3 =	vadd.s32 v0, v4;
	_ =	sdelay $0x4  }
0x134: {  	[tilespmem:v3+s7+$0x0] =	vst.idx.msk $0xffff, v2  }
0x135: {  	v3 =	vadd.s32 v1, v4;
	v2 =	vld [tilespmem:s19+$0xFFFFFFA0];
	_ =	sdelay $0x2  }
0x136: {  	s21 =	sadd.s32 $0x1, s20  }
0x137: {  	v4 =	vmov s21  }
0x138: {  	[tilespmem:v3+s7+$0x0] =	vst.idx.msk $0xffff, v2;
	v2 =	vand.u32 $0x7D, v4  }
0x139: {  	v3 =	vld [tilespmem:s19+$0xFFFFFFB0];
	v4 =	vadd.s32 v0, v2;
	_ =	sdelay $0x4  }
0x13a: {  	[tilespmem:v4+s7+$0x0] =	vst.idx.msk $0xffff, v3  }
0x13b: {  	v2 =	vadd.s32 v1, v2;
	v3 =	vld [tilespmem:s19+$0xFFFFFFC0];
	_ =	sdelay $0x2  }
0x13c: {  	s23 =	sadd.s32 $0x2, s20  }
0x13d: {  	v4 =	vmov s23  }
0x13e: {  	[tilespmem:v2+s7+$0x0] =	vst.idx.msk $0xffff, v3;
	v2 =	vand.u32 $0x7E, v4  }
0x13f: {  	v3 =	vld [tilespmem:s19+$0xFFFFFFD0];
	v4 =	vadd.s32 v0, v2;
	_ =	sdelay $0x4  }
0x140: {  	[tilespmem:v4+s7+$0x0] =	vst.idx.msk $0xffff, v3  }
0x141: {  	v2 =	vadd.s32 v1, v2;
	v3 =	vld [tilespmem:s19+$0xFFFFFFE0];
	_ =	sdelay $0x2  }
0x142: {  	s6 =	sadd.s32 $0x3, s20  }
0x143: {  	v4 =	vmov s6  }
0x144: {  	[tilespmem:v2+s7+$0x0] =	vst.idx.msk $0xffff, v3;
	v2 =	vand.u32 $0x7F, v4  }
0x145: {  	v3 =	vld [tilespmem:s19+$0xFFFFFFF0];
	v4 =	vadd.s32 v0, v2;
	_ =	sdelay $0x4  }
0x146: {  	[tilespmem:v4+s7+$0x0] =	vst.idx.msk $0xffff, v3  }
0x147: {  	v2 =	vadd.s32 v1, v2;
	v3 =	vld [tilespmem:s19+$0x0];
	_ =	sdelay $0x3  }
0x148: {  	s20 =	sor.u32 $0x10000, s18  }
0x149: {  	s19 =	sadd.s32 s2, s20;
	[tilespmem:v2+s7+$0x0] =	vst.idx.msk $0xffff, v3  }
0x14a: {  	[hbm4b:s19+s3] =	stream.linear.scatter [tilespmem:s7], [sflag:$0xA], $0x80, $0x38;
	[tilespmem:$0x10600] =	vst v63  }
0x14b: {  	s6 =	simm.s32 $0xF588;
	s21 =	sadd.s32 $0x10, s19  }
0x14c: {  	[hbm4b:s21+s3] =	stream.linear.scatter [tilespmem:s6], [sflag:$0xA], $0x80, $0x38;
	[tilespmem:$0x10600] =	vst v63  }
0x14d: {  	s23 =	simm.s32 $0xF610;
	s22 =	sadd.s32 $0x20, s19  }
0x14e: {  	[hbm4b:s22+s3] =	stream.linear.scatter [tilespmem:s23], [sflag:$0xA], $0x80, $0x38;
	[tilespmem:$0x10600] =	vst v63  }
0x14f: {  	s6 =	sadd.s32 $0x30, s19;
	s21 =	simm.s32 $0xF698  }
0x150: {  	[hbm4b:s6+s3] =	stream.linear.scatter [tilespmem:s21], [sflag:$0xA], $0x80, $0x38;
	[tilespmem:$0x10600] =	vst v63  }
0x151: {  	s22 =	sadd.s32 $0x40, s19;
	s23 =	simm.s32 $0xF720  }
0x152: {  	[hbm4b:s22+s3] =	stream.linear.scatter [tilespmem:s23], [sflag:$0xA], $0x80, $0x38;
	[tilespmem:$0x10600] =	vst v63  }
0x153: {  	s6 =	sadd.s32 $0x50, s19;
	s21 =	simm.s32 $0xF7A8  }
0x154: {  	[hbm4b:s6+s3] =	stream.linear.scatter [tilespmem:s21], [sflag:$0xA], $0x80, $0x38;
	[tilespmem:$0x10600] =	vst v63  }
0x155: {  	s22 =	sadd.s32 $0x60, s19;
	s23 =	simm.s32 $0xF830  }
0x156: {  	[hbm4b:s22+s3] =	stream.linear.scatter [tilespmem:s23], [sflag:$0xA], $0x80, $0x38;
	[tilespmem:$0x10600] =	vst v63  }
0x157: {  	s19 =	sadd.s32 $0x70, s19;
	s21 =	simm.s32 $0xF8B8;
	s22 =	sor.u32 $0x14000, s18  }
0x158: {  	[hbm4b:s19+s3] =	stream.linear.scatter [tilespmem:s21], [sflag:$0xA], $0x80, $0x38;
	[tilespmem:$0x10600] =	vst v63  }
0x159: {  	s23 =	simm.s32 $0xF940;
	s19 =	sadd.s32 s2, s22  }
0x15a: {  	[hbm4b:s19+s3] =	stream.linear.scatter [tilespmem:s23], [sflag:$0xA], $0x80, $0x38;
	[tilespmem:$0x10600] =	vst v63  }
0x15b: {  	s21 =	simm.s32 $0xF9C8;
	s6 =	sadd.s32 $0x10, s19  }
0x15c: {  	[hbm4b:s6+s3] =	stream.linear.scatter [tilespmem:s21], [sflag:$0xA], $0x80, $0x38;
	[tilespmem:$0x10600] =	vst v63  }
0x15d: {  	s22 =	sadd.s32 $0x20, s19;
	s23 =	simm.s32 $0xFA50  }
0x15e: {  	[hbm4b:s22+s3] =	stream.linear.scatter [tilespmem:s23], [sflag:$0xA], $0x80, $0x38;
	[tilespmem:$0x10600] =	vst v63  }
0x15f: {  	s6 =	sadd.s32 $0x30, s19;
	s21 =	simm.s32 $0xFAD8  }
0x160: {  	[hbm4b:s6+s3] =	stream.linear.scatter [tilespmem:s21], [sflag:$0xA], $0x80, $0x38;
	[tilespmem:$0x10600] =	vst v63  }
0x161: {  	s22 =	sadd.s32 $0x40, s19;
	s23 =	simm.s32 $0xFB60  }
0x162: {  	[hbm4b:s22+s3] =	stream.linear.scatter [tilespmem:s23], [sflag:$0xA], $0x80, $0x38;
	[tilespmem:$0x10600] =	vst v63  }
0x163: {  	s6 =	sadd.s32 $0x50, s19;
	s21 =	simm.s32 $0xFBE8  }
0x164: {  	[hbm4b:s6+s3] =	stream.linear.scatter [tilespmem:s21], [sflag:$0xA], $0x80, $0x38;
	[tilespmem:$0x10600] =	vst v63  }
0x165: {  	s22 =	sadd.s32 $0x60, s19;
	s23 =	simm.s32 $0xFC70  }
0x166: {  	[hbm4b:s22+s3] =	stream.linear.scatter [tilespmem:s23], [sflag:$0xA], $0x80, $0x38;
	[tilespmem:$0x10600] =	vst v63  }
0x167: {  	s19 =	sadd.s32 $0x70, s19;
	s21 =	simm.s32 $0xFCF8;
	s22 =	sor.u32 $0x18000, s18  }
0x168: {  	[hbm4b:s19+s3] =	stream.linear.scatter [tilespmem:s21], [sflag:$0xA], $0x80, $0x38;
	[tilespmem:$0x10600] =	vst v63  }
0x169: {  	s23 =	simm.s32 $0xFD80;
	s19 =	sadd.s32 s2, s22  }
0x16a: {  	[hbm4b:s19+s3] =	stream.linear.scatter [tilespmem:s23], [sflag:$0xA], $0x80, $0x38;
	[tilespmem:$0x10600] =	vst v63  }
0x16b: {  	s21 =	simm.s32 $0xFE08;
	s6 =	sadd.s32 $0x10, s19  }
0x16c: {  	[hbm4b:s6+s3] =	stream.linear.scatter [tilespmem:s21], [sflag:$0xA], $0x80, $0x38;
	[tilespmem:$0x10600] =	vst v63  }
0x16d: {  	s22 =	sadd.s32 $0x20, s19  }
0x16e: {  	[hbm4b:s22+s3] =	stream.linear.scatter [tilespmem:s12], [sflag:$0xA], $0x80, $0x38;
	[tilespmem:$0x10600] =	vst v63  }
0x16f: {  	s23 =	sadd.s32 $0x30, s19  }
0x170: {  	[hbm4b:s23+s3] =	stream.linear.scatter [tilespmem:s25], [sflag:$0xA], $0x80, $0x38;
	[tilespmem:$0x10600] =	vst v63  }
0x171: {  	s6 =	sadd.s32 $0x40, s19  }
0x172: {  	[hbm4b:s6+s3] =	stream.linear.scatter [tilespmem:s11], [sflag:$0xA], $0x80, $0x38;
	[tilespmem:$0x10600] =	vst v63  }
0x173: {  	s21 =	sadd.s32 $0x50, s19  }
0x174: {  	[hbm4b:s21+s3] =	stream.linear.scatter [tilespmem:s26], [sflag:$0xA], $0x80, $0x38;
	[tilespmem:$0x10600] =	vst v63  }
0x175: {  	s22 =	sadd.s32 $0x60, s19  }
0x176: {  	[hbm4b:s22+s3] =	stream.linear.scatter [tilespmem:s29], [sflag:$0xA], $0x80, $0x38;
	[tilespmem:$0x10600] =	vst v63  }
0x177: {  	s19 =	sadd.s32 $0x70, s19;
	s23 =	sor.u32 $0x1C000, s18  }
0x178: {  	[hbm4b:s19+s3] =	stream.linear.scatter [tilespmem:s30], [sflag:$0xA], $0x80, $0x38;
	[tilespmem:$0x10600] =	vst v63  }
0x179: {  	s19 =	sadd.s32 s2, s23  }
0x17a: {  	[hbm4b:s19+s3] =	stream.linear.scatter [tilespmem:s31], [sflag:$0xA], $0x80, $0x38;
	[tilespmem:$0x10600] =	vst v63  }
0x17b: {  	s6 =	sadd.s32 $0x10, s19  }
0x17c: {  	[hbm4b:s6+s3] =	stream.linear.scatter [tilespmem:s0], [sflag:$0xA], $0x80, $0x38;
	[tilespmem:$0x10600] =	vst v63  }
0x17d: {  	s21 =	sadd.s32 $0x20, s19  }
0x17e: {  	[hbm4b:s21+s3] =	stream.linear.scatter [tilespmem:s1], [sflag:$0xA], $0x80, $0x38;
	[tilespmem:$0x10600] =	vst v63  }
0x17f: {  	s22 =	sadd.s32 $0x30, s19  }
0x180: {  	[hbm4b:s22+s3] =	stream.linear.scatter [tilespmem:s8], [sflag:$0xA], $0x80, $0x38;
	[tilespmem:$0x10600] =	vst v63  }
0x181: {  	s23 =	sadd.s32 $0x40, s19  }
0x182: {  	[hbm4b:s23+s3] =	stream.linear.scatter [tilespmem:s9], [sflag:$0xA], $0x80, $0x38;
	[tilespmem:$0x10600] =	vst v63  }
0x183: {  	s6 =	sadd.s32 $0x50, s19  }
0x184: {  	[hbm4b:s6+s3] =	stream.linear.scatter [tilespmem:s13], [sflag:$0xA], $0x80, $0x38;
	[tilespmem:$0x10600] =	vst v63  }
0x185: {  	s21 =	sadd.s32 $0x60, s19  }
0x186: {  	[hbm4b:s21+s3] =	stream.linear.scatter [tilespmem:s14], [sflag:$0xA], $0x80, $0x38;
	[tilespmem:$0x10600] =	vst v63  }
0x187: {  	p0 =	seq.s32 s17, $0x18;
	s19 =	sadd.s32 $0x70, s19  }
0x188: {  	[hbm4b:s19+s3] =	stream.linear.scatter [tilespmem:s15], [sflag:$0xA], $0x80, $0x38;
	[tilespmem:$0x10600] =	vst v63  }
0x189: {  	s19 =	sshll.u32 @!p0 s17, $0xA  }
0x18a: {  	s19 =	sand.u32 @!p0 $0x3FFFFC00, s19  }
0x18b: {  	s22 =	simm.s32 @!p0 $0x7400;
	s21 =	simm.s32 @!p0 $0x80;
	s20 =	sadd.s32 @!p0 $0x480, s19  }
0x18c: {  	[tilespmem:s22], [sflag:$0x2] =	stream.indirect.gather @!p0 [hbm4b:s5+s21], $0x20, s20, s21, $0xb8;
	[tilespmem:$0x10600] =	vst v63  }
0x18d: {  	s22 =	simm.s32 $0x3  }
0x18e: {  	_ =	swait.ge [sflag:s22], $0x1000  }
0x18f: {  	[sflag:s22] =	ssyncset.done $0x0  }
0x190: {  	[sflag:s22] =	ssyncadd.s32 $0xFFFFF000  }
0x191: {  	_ =	swait.ge [sflag:s16], $0x400  }
0x192: {  	[sflag:s16] =	ssyncset.done $0x0  }
0x193: {  	[sflag:s16] =	ssyncadd.s32 $0xFFFFFC00  }
0x194: {  	_ =	swait.ge [sflag:s16], $0x400  }
0x195: {  	[sflag:s16] =	ssyncset.done $0x0  }
0x196: {  	[sflag:s16] =	ssyncadd.s32 $0xFFFFFC00  }
0x197: {  	_ =	swait.ge [sflag:s16], $0x400  }
0x198: {  	[sflag:s16] =	ssyncset.done $0x0  }
0x199: {  	[sflag:s16] =	ssyncadd.s32 $0xFFFFFC00  }
0x19a: {  	s23 =	simm.s32 $0x0;
	_ =	swait.ge [sflag:s16], $0x400  }
0x19b: {  	v2 =	vmov s23;
	[sflag:s16] =	ssyncset.done $0x0  }
0x19c: {  	v2 =	vand.u32 $0x7C, v2;
	s20 =	simm.s32 $0x8470;
	[sflag:s16] =	ssyncadd.s32 $0xFFFFFC00  }
0x19d: {  	v4 =	vadd.s32 v0, v2;
	v3 =	vld [tilespmem:s20+$0xFFFFFF90];
	_ =	sdelay $0x4  }
0x19e: {  	[tilespmem:v4+s28+$0x0] =	vst.idx.msk $0xffff, v3  }
0x19f: {  	v2 =	vadd.s32 v1, v2;
	v3 =	vld [tilespmem:s20+$0xFFFFFFA0];
	_ =	sdelay $0x2  }
0x1a0: {  	s6 =	simm.s32 $0x1  }
0x1a1: {  	v4 =	vmov s6  }
0x1a2: {  	[tilespmem:v2+s28+$0x0] =	vst.idx.msk $0xffff, v3;
	v2 =	vand.u32 $0x7D, v4  }
0x1a3: {  	v3 =	vld [tilespmem:s20+$0xFFFFFFB0];
	v4 =	vadd.s32 v0, v2;
	_ =	sdelay $0x4  }
0x1a4: {  	[tilespmem:v4+s28+$0x0] =	vst.idx.msk $0xffff, v3  }
0x1a5: {  	v2 =	vadd.s32 v1, v2;
	v3 =	vld [tilespmem:s20+$0xFFFFFFC0];
	_ =	sdelay $0x2  }
0x1a6: {  	s22 =	simm.s32 $0x2  }
0x1a7: {  	v4 =	vmov s22  }
0x1a8: {  	[tilespmem:v2+s28+$0x0] =	vst.idx.msk $0xffff, v3;
	v2 =	vand.u32 $0x7E, v4  }
0x1a9: {  	v3 =	vld [tilespmem:s20+$0xFFFFFFD0];
	v4 =	vadd.s32 v0, v2;
	_ =	sdelay $0x4  }
0x1aa: {  	[tilespmem:v4+s28+$0x0] =	vst.idx.msk $0xffff, v3  }
0x1ab: {  	v2 =	vadd.s32 v1, v2;
	v3 =	vld [tilespmem:s20+$0xFFFFFFE0];
	_ =	sdelay $0x2  }
0x1ac: {  	s23 =	simm.s32 $0x3  }
0x1ad: {  	v4 =	vmov s23  }
0x1ae: {  	[tilespmem:v2+s28+$0x0] =	vst.idx.msk $0xffff, v3;
	v3 =	vand.u32 $0x7F, v4  }
0x1af: {  	v2 =	vld [tilespmem:s20+$0xFFFFFFF0];
	v4 =	vadd.s32 v0, v3;
	_ =	sdelay $0x4  }
0x1b0: {  	[tilespmem:v4+s28+$0x0] =	vst.idx.msk $0xffff, v2  }
0x1b1: {  	v3 =	vadd.s32 v1, v3;
	v2 =	vld [tilespmem:s20+$0x0];
	_ =	sdelay $0x2  }
0x1b2: {  	s21 =	simm.s32 $0x4  }
0x1b3: {  	s10 =	simm.s32 $0xE510;
	s22 =	simm.s32 $0x8;
	v4 =	vmov s21  }
.LBB2_12:
0x1b4: {  	p1 =	sne.s32 s22, $0x7C;
	v4 =	vand.u32 $0x7C, v4;
	[tilespmem:v3+s28+$0x0] =	vst.idx.msk $0xffff, v2;
	s20 =	sadd.s32 $0x80, s20  }
0x1b5: {  	v2 =	vld [tilespmem:s20+$0xFFFFFF90];
	v3 =	vadd.s32 v0, v4;
	_ =	sdelay $0x4  }
0x1b6: {  	[tilespmem:v3+s28+$0x0] =	vst.idx.msk $0xffff, v2  }
0x1b7: {  	v3 =	vadd.s32 v1, v4;
	v2 =	vld [tilespmem:s20+$0xFFFFFFA0];
	_ =	sdelay $0x2  }
0x1b8: {  	s23 =	sadd.s32 $0x1, s21  }
0x1b9: {  	v4 =	vmov s23  }
0x1ba: {  	[tilespmem:v3+s28+$0x0] =	vst.idx.msk $0xffff, v2;
	v2 =	vand.u32 $0x7D, v4  }
0x1bb: {  	v3 =	vld [tilespmem:s20+$0xFFFFFFB0];
	v4 =	vadd.s32 v0, v2;
	_ =	sdelay $0x4  }
0x1bc: {  	[tilespmem:v4+s28+$0x0] =	vst.idx.msk $0xffff, v3  }
0x1bd: {  	v2 =	vadd.s32 v1, v2;
	v3 =	vld [tilespmem:s20+$0xFFFFFFC0];
	_ =	sdelay $0x2  }
0x1be: {  	s23 =	sadd.s32 $0x2, s21  }
0x1bf: {  	v4 =	vmov s23  }
0x1c0: {  	[tilespmem:v2+s28+$0x0] =	vst.idx.msk $0xffff, v3;
	v2 =	vand.u32 $0x7E, v4  }
0x1c1: {  	v3 =	vld [tilespmem:s20+$0xFFFFFFD0];
	v4 =	vadd.s32 v0, v2;
	_ =	sdelay $0x4  }
0x1c2: {  	[tilespmem:v4+s28+$0x0] =	vst.idx.msk $0xffff, v3  }
0x1c3: {  	v2 =	vadd.s32 v1, v2;
	v3 =	vld [tilespmem:s20+$0xFFFFFFE0];
	_ =	sdelay $0x2  }
0x1c4: {  	s23 =	sadd.s32 $0x3, s21;
	s21 =	smov.u32 s22  }
0x1c5: {  	v4 =	vmov s23  }
0x1c6: {  	[tilespmem:v2+s28+$0x0] =	vst.idx.msk $0xffff, v3;
	v3 =	vand.u32 $0x7F, v4  }
0x1c7: {  	v2 =	vld [tilespmem:s20+$0xFFFFFFF0];
	v4 =	vadd.s32 v0, v3;
	_ =	sdelay $0x4  }
0x1c8: {  	[tilespmem:v4+s28+$0x0] =	vst.idx.msk $0xffff, v2  }
.Ltmp9:
0x1c9: {  	v3 =	vadd.s32 v1, v3;
	v2 =	vld [tilespmem:s20+$0x0];
	(pc) =	sbr.rel @p1 .LBB2_12-.Ltmp9, $2  }
0x1ca: {  	_ =	sdelay $0x2  }
0x1cb: {  	s22 =	sadd.s32 $0x4, s22;
	v4 =	vmov s21  }
0x1cc: {  	_ =	sdelay $0x3  }
0x1cd: {  	v4 =	vand.u32 $0x7C, v4;
	[tilespmem:v3+s28+$0x0] =	vst.idx.msk $0xffff, v2;
	s20 =	sadd.s32 $0x80, s20  }
0x1ce: {  	v2 =	vld [tilespmem:s20+$0xFFFFFF90];
	v3 =	vadd.s32 v0, v4;
	_ =	sdelay $0x4  }
0x1cf: {  	[tilespmem:v3+s28+$0x0] =	vst.idx.msk $0xffff, v2  }
0x1d0: {  	v3 =	vadd.s32 v1, v4;
	v2 =	vld [tilespmem:s20+$0xFFFFFFA0];
	_ =	sdelay $0x2  }
0x1d1: {  	s22 =	sadd.s32 $0x1, s21  }
0x1d2: {  	v4 =	vmov s22  }
0x1d3: {  	[tilespmem:v3+s28+$0x0] =	vst.idx.msk $0xffff, v2;
	v2 =	vand.u32 $0x7D, v4  }
0x1d4: {  	v3 =	vld [tilespmem:s20+$0xFFFFFFB0];
	v4 =	vadd.s32 v0, v2;
	_ =	sdelay $0x4  }
0x1d5: {  	[tilespmem:v4+s28+$0x0] =	vst.idx.msk $0xffff, v3  }
0x1d6: {  	v2 =	vadd.s32 v1, v2;
	v3 =	vld [tilespmem:s20+$0xFFFFFFC0];
	_ =	sdelay $0x2  }
0x1d7: {  	s23 =	sadd.s32 $0x2, s21  }
0x1d8: {  	v4 =	vmov s23  }
0x1d9: {  	[tilespmem:v2+s28+$0x0] =	vst.idx.msk $0xffff, v3;
	v2 =	vand.u32 $0x7E, v4  }
0x1da: {  	v3 =	vld [tilespmem:s20+$0xFFFFFFD0];
	v4 =	vadd.s32 v0, v2;
	_ =	sdelay $0x4  }
0x1db: {  	[tilespmem:v4+s28+$0x0] =	vst.idx.msk $0xffff, v3  }
0x1dc: {  	v2 =	vadd.s32 v1, v2;
	v3 =	vld [tilespmem:s20+$0xFFFFFFE0];
	_ =	sdelay $0x2  }
0x1dd: {  	s6 =	sadd.s32 $0x3, s21  }
0x1de: {  	v4 =	vmov s6  }
0x1df: {  	[tilespmem:v2+s28+$0x0] =	vst.idx.msk $0xffff, v3;
	v2 =	vand.u32 $0x7F, v4  }
0x1e0: {  	v3 =	vld [tilespmem:s20+$0xFFFFFFF0];
	v4 =	vadd.s32 v0, v2;
	_ =	sdelay $0x4  }
0x1e1: {  	[tilespmem:v4+s28+$0x0] =	vst.idx.msk $0xffff, v3  }
0x1e2: {  	v2 =	vadd.s32 v1, v2;
	v3 =	vld [tilespmem:s20+$0x0];
	_ =	sdelay $0x3  }
0x1e3: {  	s22 =	sor.u32 $0x20000, s18  }
0x1e4: {  	s20 =	sadd.s32 s2, s22;
	[tilespmem:v2+s28+$0x0] =	vst.idx.msk $0xffff, v3  }
0x1e5: {  	[hbm4b:s20+s3] =	stream.linear.scatter [tilespmem:s28], [sflag:$0x9], $0x80, $0x38;
	[tilespmem:$0x10600] =	vst v63  }
0x1e6: {  	s23 =	sadd.s32 $0x10, s20  }
0x1e7: {  	[hbm4b:s23+s3] =	stream.linear.scatter [tilespmem:s24], [sflag:$0x9], $0x80, $0x38;
	[tilespmem:$0x10600] =	vst v63  }
0x1e8: {  	s24 =	sadd.s32 $0x20, s20  }
0x1e9: {  	[hbm4b:s24+s3] =	stream.linear.scatter [tilespmem:s10], [sflag:$0x9], $0x80, $0x38;
	[tilespmem:$0x10600] =	vst v63  }
0x1ea: {  	s22 =	sadd.s32 $0x30, s20;
	s10 =	simm.s32 $0xE598  }
0x1eb: {  	[hbm4b:s22+s3] =	stream.linear.scatter [tilespmem:s10], [sflag:$0x9], $0x80, $0x38;
	[tilespmem:$0x10600] =	vst v63  }
0x1ec: {  	s23 =	sadd.s32 $0x40, s20;
	s24 =	simm.s32 $0xE620  }
0x1ed: {  	[hbm4b:s23+s3] =	stream.linear.scatter [tilespmem:s24], [sflag:$0x9], $0x80, $0x38;
	[tilespmem:$0x10600] =	vst v63  }
0x1ee: {  	s23 =	sadd.s32 $0x50, s20;
	s24 =	simm.s32 $0xE6A8  }
0x1ef: {  	[hbm4b:s23+s3] =	stream.linear.scatter [tilespmem:s24], [sflag:$0x9], $0x80, $0x38;
	[tilespmem:$0x10600] =	vst v63  }
0x1f0: {  	s22 =	sadd.s32 $0x60, s20;
	s23 =	simm.s32 $0xE730  }
0x1f1: {  	[hbm4b:s22+s3] =	stream.linear.scatter [tilespmem:s23], [sflag:$0x9], $0x80, $0x38;
	[tilespmem:$0x10600] =	vst v63  }
0x1f2: {  	s21 =	sor.u32 $0x24000, s18;
	s20 =	sadd.s32 $0x70, s20;
	s24 =	simm.s32 $0xE7B8  }
0x1f3: {  	[hbm4b:s20+s3] =	stream.linear.scatter [tilespmem:s24], [sflag:$0x9], $0x80, $0x38;
	[tilespmem:$0x10600] =	vst v63  }
0x1f4: {  	s22 =	simm.s32 $0xE840;
	s20 =	sadd.s32 s2, s21  }
0x1f5: {  	[hbm4b:s20+s3] =	stream.linear.scatter [tilespmem:s22], [sflag:$0x9], $0x80, $0x38;
	[tilespmem:$0x10600] =	vst v63  }
0x1f6: {  	s24 =	simm.s32 $0xE8C8;
	s23 =	sadd.s32 $0x10, s20  }
0x1f7: {  	[hbm4b:s23+s3] =	stream.linear.scatter [tilespmem:s24], [sflag:$0x9], $0x80, $0x38;
	[tilespmem:$0x10600] =	vst v63  }
0x1f8: {  	s23 =	sadd.s32 $0x20, s20;
	s24 =	simm.s32 $0xE950  }
0x1f9: {  	[hbm4b:s23+s3] =	stream.linear.scatter [tilespmem:s24], [sflag:$0x9], $0x80, $0x38;
	[tilespmem:$0x10600] =	vst v63  }
0x1fa: {  	s23 =	sadd.s32 $0x30, s20;
	s24 =	simm.s32 $0xE9D8  }
0x1fb: {  	[hbm4b:s23+s3] =	stream.linear.scatter [tilespmem:s24], [sflag:$0x9], $0x80, $0x38;
	[tilespmem:$0x10600] =	vst v63  }
0x1fc: {  	s23 =	sadd.s32 $0x40, s20;
	s24 =	simm.s32 $0xEA60  }
0x1fd: {  	[hbm4b:s23+s3] =	stream.linear.scatter [tilespmem:s24], [sflag:$0x9], $0x80, $0x38;
	[tilespmem:$0x10600] =	vst v63  }
0x1fe: {  	s23 =	sadd.s32 $0x50, s20;
	s24 =	simm.s32 $0xEAE8  }
0x1ff: {  	[hbm4b:s23+s3] =	stream.linear.scatter [tilespmem:s24], [sflag:$0x9], $0x80, $0x38;
	[tilespmem:$0x10600] =	vst v63  }
0x200: {  	s22 =	sadd.s32 $0x60, s20;
	s23 =	simm.s32 $0xEB70  }
0x201: {  	[hbm4b:s22+s3] =	stream.linear.scatter [tilespmem:s23], [sflag:$0x9], $0x80, $0x38;
	[tilespmem:$0x10600] =	vst v63  }
0x202: {  	s21 =	sor.u32 $0x28000, s18;
	s20 =	sadd.s32 $0x70, s20;
	s24 =	simm.s32 $0xEBF8  }
0x203: {  	[hbm4b:s20+s3] =	stream.linear.scatter [tilespmem:s24], [sflag:$0x9], $0x80, $0x38;
	[tilespmem:$0x10600] =	vst v63  }
0x204: {  	s22 =	simm.s32 $0xEC80;
	s20 =	sadd.s32 s2, s21  }
0x205: {  	[hbm4b:s20+s3] =	stream.linear.scatter [tilespmem:s22], [sflag:$0x9], $0x80, $0x38;
	[tilespmem:$0x10600] =	vst v63  }
0x206: {  	s24 =	simm.s32 $0xED08;
	s23 =	sadd.s32 $0x10, s20  }
0x207: {  	[hbm4b:s23+s3] =	stream.linear.scatter [tilespmem:s24], [sflag:$0x9], $0x80, $0x38;
	[tilespmem:$0x10600] =	vst v63  }
0x208: {  	s23 =	sadd.s32 $0x20, s20;
	s24 =	simm.s32 $0xED90  }
0x209: {  	[hbm4b:s23+s3] =	stream.linear.scatter [tilespmem:s24], [sflag:$0x9], $0x80, $0x38;
	[tilespmem:$0x10600] =	vst v63  }
0x20a: {  	s23 =	sadd.s32 $0x30, s20;
	s24 =	simm.s32 $0xEE18  }
0x20b: {  	[hbm4b:s23+s3] =	stream.linear.scatter [tilespmem:s24], [sflag:$0x9], $0x80, $0x38;
	[tilespmem:$0x10600] =	vst v63  }
0x20c: {  	s23 =	sadd.s32 $0x40, s20;
	s24 =	simm.s32 $0xEEA0  }
0x20d: {  	[hbm4b:s23+s3] =	stream.linear.scatter [tilespmem:s24], [sflag:$0x9], $0x80, $0x38;
	[tilespmem:$0x10600] =	vst v63  }
0x20e: {  	s23 =	sadd.s32 $0x50, s20;
	s24 =	simm.s32 $0xEF28  }
0x20f: {  	[hbm4b:s23+s3] =	stream.linear.scatter [tilespmem:s24], [sflag:$0x9], $0x80, $0x38;
	[tilespmem:$0x10600] =	vst v63  }
0x210: {  	s22 =	sadd.s32 $0x60, s20;
	s23 =	simm.s32 $0xEFB0  }
0x211: {  	[hbm4b:s22+s3] =	stream.linear.scatter [tilespmem:s23], [sflag:$0x9], $0x80, $0x38;
	[tilespmem:$0x10600] =	vst v63  }
0x212: {  	s21 =	sor.u32 $0x2C000, s18;
	s20 =	sadd.s32 $0x70, s20;
	s24 =	simm.s32 $0xF038  }
0x213: {  	[hbm4b:s20+s3] =	stream.linear.scatter [tilespmem:s24], [sflag:$0x9], $0x80, $0x38;
	[tilespmem:$0x10600] =	vst v63  }
0x214: {  	s22 =	simm.s32 $0xF0C0;
	s20 =	sadd.s32 s2, s21  }
0x215: {  	[hbm4b:s20+s3] =	stream.linear.scatter [tilespmem:s22], [sflag:$0x9], $0x80, $0x38;
	[tilespmem:$0x10600] =	vst v63  }
0x216: {  	s24 =	simm.s32 $0xF148;
	s23 =	sadd.s32 $0x10, s20  }
0x217: {  	[hbm4b:s23+s3] =	stream.linear.scatter [tilespmem:s24], [sflag:$0x9], $0x80, $0x38;
	[tilespmem:$0x10600] =	vst v63  }
0x218: {  	s23 =	sadd.s32 $0x20, s20;
	s24 =	simm.s32 $0xF1D0  }
0x219: {  	[hbm4b:s23+s3] =	stream.linear.scatter [tilespmem:s24], [sflag:$0x9], $0x80, $0x38;
	[tilespmem:$0x10600] =	vst v63  }
0x21a: {  	s23 =	sadd.s32 $0x30, s20;
	s24 =	simm.s32 $0xF258  }
0x21b: {  	[hbm4b:s23+s3] =	stream.linear.scatter [tilespmem:s24], [sflag:$0x9], $0x80, $0x38;
	[tilespmem:$0x10600] =	vst v63  }
0x21c: {  	s23 =	sadd.s32 $0x40, s20;
	s24 =	simm.s32 $0xF2E0  }
0x21d: {  	[hbm4b:s23+s3] =	stream.linear.scatter [tilespmem:s24], [sflag:$0x9], $0x80, $0x38;
	[tilespmem:$0x10600] =	vst v63  }
0x21e: {  	s23 =	sadd.s32 $0x50, s20;
	s24 =	simm.s32 $0xF368  }
0x21f: {  	[hbm4b:s23+s3] =	stream.linear.scatter [tilespmem:s24], [sflag:$0x9], $0x80, $0x38;
	[tilespmem:$0x10600] =	vst v63  }
0x220: {  	s23 =	sadd.s32 $0x60, s20;
	s24 =	simm.s32 $0xF3F0  }
0x221: {  	[hbm4b:s23+s3] =	stream.linear.scatter [tilespmem:s24], [sflag:$0x9], $0x80, $0x38;
	[tilespmem:$0x10600] =	vst v63  }
0x222: {  	s21 =	simm.s32 @!p0 $0x80;
	s20 =	sadd.s32 $0x70, s20;
	s23 =	simm.s32 $0xF478  }
0x223: {  	[hbm4b:s20+s3] =	stream.linear.scatter [tilespmem:s23], [sflag:$0x9], $0x80, $0x38;
	[tilespmem:$0x10600] =	vst v63  }
0x224: {  	s22 =	simm.s32 @!p0 $0x8400;
	s24 =	simm.s32 $0x4;
	s20 =	sadd.s32 @!p0 $0x500, s19  }
0x225: {  	[tilespmem:s22], [sflag:$0x3] =	stream.indirect.gather @!p0 [hbm4b:s5+s21], $0x20, s20, s21, $0xb8;
	[tilespmem:$0x10600] =	vst v63  }
0x226: {  	_ =	swait.ge [sflag:s24], $0x1000  }
0x227: {  	[sflag:s24] =	ssyncset.done $0x0  }
0x228: {  	[sflag:s24] =	ssyncadd.s32 $0xFFFFF000  }
0x229: {  	_ =	swait.ge [sflag:s4], $0x400  }
0x22a: {  	[sflag:s4] =	ssyncset.done $0x0  }
0x22b: {  	[sflag:s4] =	ssyncadd.s32 $0xFFFFFC00  }
0x22c: {  	_ =	swait.ge [sflag:s4], $0x400  }
0x22d: {  	[sflag:s4] =	ssyncset.done $0x0  }
0x22e: {  	[sflag:s4] =	ssyncadd.s32 $0xFFFFFC00  }
0x22f: {  	_ =	swait.ge [sflag:s4], $0x400  }
0x230: {  	[sflag:s4] =	ssyncset.done $0x0  }
0x231: {  	[sflag:s4] =	ssyncadd.s32 $0xFFFFFC00  }
0x232: {  	s21 =	simm.s32 $0x0;
	_ =	swait.ge [sflag:s4], $0x400  }
0x233: {  	v2 =	vmov s21;
	[sflag:s4] =	ssyncset.done $0x0  }
0x234: {  	s20 =	simm.s32 $0x9470;
	v2 =	vand.u32 $0x7C, v2;
	[sflag:s4] =	ssyncadd.s32 $0xFFFFFC00  }
0x235: {  	v4 =	vadd.s32 v0, v2;
	v3 =	vld [tilespmem:s20+$0xFFFFFF90];
	_ =	sdelay $0x4  }
0x236: {  	[tilespmem:v4+s7+$0x0] =	vst.idx.msk $0xffff, v3  }
0x237: {  	v2 =	vadd.s32 v1, v2;
	v3 =	vld [tilespmem:s20+$0xFFFFFFA0];
	_ =	sdelay $0x2  }
0x238: {  	s22 =	simm.s32 $0x1  }
0x239: {  	v4 =	vmov s22  }
0x23a: {  	[tilespmem:v2+s7+$0x0] =	vst.idx.msk $0xffff, v3;
	v2 =	vand.u32 $0x7D, v4  }
0x23b: {  	v3 =	vld [tilespmem:s20+$0xFFFFFFB0];
	v4 =	vadd.s32 v0, v2;
	_ =	sdelay $0x4  }
0x23c: {  	[tilespmem:v4+s7+$0x0] =	vst.idx.msk $0xffff, v3  }
0x23d: {  	v2 =	vadd.s32 v1, v2;
	v3 =	vld [tilespmem:s20+$0xFFFFFFC0];
	_ =	sdelay $0x2  }
0x23e: {  	s23 =	simm.s32 $0x2  }
0x23f: {  	v4 =	vmov s23  }
0x240: {  	[tilespmem:v2+s7+$0x0] =	vst.idx.msk $0xffff, v3;
	v2 =	vand.u32 $0x7E, v4  }
0x241: {  	v3 =	vld [tilespmem:s20+$0xFFFFFFD0];
	v4 =	vadd.s32 v0, v2;
	_ =	sdelay $0x4  }
0x242: {  	[tilespmem:v4+s7+$0x0] =	vst.idx.msk $0xffff, v3  }
0x243: {  	v2 =	vadd.s32 v1, v2;
	v3 =	vld [tilespmem:s20+$0xFFFFFFE0];
	_ =	sdelay $0x2  }
0x244: {  	s24 =	simm.s32 $0x3  }
0x245: {  	v4 =	vmov s24  }
0x246: {  	[tilespmem:v2+s7+$0x0] =	vst.idx.msk $0xffff, v3;
	v3 =	vand.u32 $0x7F, v4  }
0x247: {  	v2 =	vld [tilespmem:s20+$0xFFFFFFF0];
	v4 =	vadd.s32 v0, v3;
	_ =	sdelay $0x4  }
0x248: {  	[tilespmem:v4+s7+$0x0] =	vst.idx.msk $0xffff, v2  }
0x249: {  	v3 =	vadd.s32 v1, v3;
	v2 =	vld [tilespmem:s20+$0x0];
	_ =	sdelay $0x2  }
0x24a: {  	s21 =	simm.s32 $0x4  }
0x24b: {  	s6 =	simm.s32 $0xE488;
	s22 =	simm.s32 $0x8;
	v4 =	vmov s21  }
.LBB2_14:
0x24c: {  	p1 =	sne.s32 s22, $0x7C;
	v4 =	vand.u32 $0x7C, v4;
	[tilespmem:v3+s7+$0x0] =	vst.idx.msk $0xffff, v2;
	s20 =	sadd.s32 $0x80, s20  }
0x24d: {  	v2 =	vld [tilespmem:s20+$0xFFFFFF90];
	v3 =	vadd.s32 v0, v4;
	_ =	sdelay $0x4  }
0x24e: {  	[tilespmem:v3+s7+$0x0] =	vst.idx.msk $0xffff, v2  }
0x24f: {  	v3 =	vadd.s32 v1, v4;
	v2 =	vld [tilespmem:s20+$0xFFFFFFA0];
	_ =	sdelay $0x2  }
0x250: {  	s23 =	sadd.s32 $0x1, s21  }
0x251: {  	v4 =	vmov s23  }
0x252: {  	[tilespmem:v3+s7+$0x0] =	vst.idx.msk $0xffff, v2;
	v2 =	vand.u32 $0x7D, v4  }
0x253: {  	v3 =	vld [tilespmem:s20+$0xFFFFFFB0];
	v4 =	vadd.s32 v0, v2;
	_ =	sdelay $0x4  }
0x254: {  	[tilespmem:v4+s7+$0x0] =	vst.idx.msk $0xffff, v3  }
0x255: {  	v2 =	vadd.s32 v1, v2;
	v3 =	vld [tilespmem:s20+$0xFFFFFFC0];
	_ =	sdelay $0x2  }
0x256: {  	s23 =	sadd.s32 $0x2, s21  }
0x257: {  	v4 =	vmov s23  }
0x258: {  	[tilespmem:v2+s7+$0x0] =	vst.idx.msk $0xffff, v3;
	v2 =	vand.u32 $0x7E, v4  }
0x259: {  	v3 =	vld [tilespmem:s20+$0xFFFFFFD0];
	v4 =	vadd.s32 v0, v2;
	_ =	sdelay $0x4  }
0x25a: {  	[tilespmem:v4+s7+$0x0] =	vst.idx.msk $0xffff, v3  }
0x25b: {  	v2 =	vadd.s32 v1, v2;
	v3 =	vld [tilespmem:s20+$0xFFFFFFE0];
	_ =	sdelay $0x2  }
0x25c: {  	s23 =	sadd.s32 $0x3, s21;
	s21 =	smov.u32 s22  }
0x25d: {  	v4 =	vmov s23  }
0x25e: {  	[tilespmem:v2+s7+$0x0] =	vst.idx.msk $0xffff, v3;
	v3 =	vand.u32 $0x7F, v4  }
0x25f: {  	v2 =	vld [tilespmem:s20+$0xFFFFFFF0];
	v4 =	vadd.s32 v0, v3;
	_ =	sdelay $0x4  }
0x260: {  	[tilespmem:v4+s7+$0x0] =	vst.idx.msk $0xffff, v2  }
.Ltmp10:
0x261: {  	v3 =	vadd.s32 v1, v3;
	v2 =	vld [tilespmem:s20+$0x0];
	(pc) =	sbr.rel @p1 .LBB2_14-.Ltmp10, $2  }
0x262: {  	_ =	sdelay $0x2  }
0x263: {  	s22 =	sadd.s32 $0x4, s22;
	v4 =	vmov s21  }
0x264: {  	_ =	sdelay $0x3  }
0x265: {  	v4 =	vand.u32 $0x7C, v4;
	[tilespmem:v3+s7+$0x0] =	vst.idx.msk $0xffff, v2;
	s20 =	sadd.s32 $0x80, s20  }
0x266: {  	v2 =	vld [tilespmem:s20+$0xFFFFFF90];
	v3 =	vadd.s32 v0, v4;
	_ =	sdelay $0x4  }
0x267: {  	[tilespmem:v3+s7+$0x0] =	vst.idx.msk $0xffff, v2  }
0x268: {  	v3 =	vadd.s32 v1, v4;
	v2 =	vld [tilespmem:s20+$0xFFFFFFA0];
	_ =	sdelay $0x2  }
0x269: {  	s22 =	sadd.s32 $0x1, s21  }
0x26a: {  	v4 =	vmov s22  }
0x26b: {  	[tilespmem:v3+s7+$0x0] =	vst.idx.msk $0xffff, v2;
	v2 =	vand.u32 $0x7D, v4  }
0x26c: {  	v3 =	vld [tilespmem:s20+$0xFFFFFFB0];
	v4 =	vadd.s32 v0, v2;
	_ =	sdelay $0x4  }
0x26d: {  	[tilespmem:v4+s7+$0x0] =	vst.idx.msk $0xffff, v3  }
0x26e: {  	v2 =	vadd.s32 v1, v2;
	v3 =	vld [tilespmem:s20+$0xFFFFFFC0];
	_ =	sdelay $0x2  }
0x26f: {  	s23 =	sadd.s32 $0x2, s21  }
0x270: {  	v4 =	vmov s23  }
0x271: {  	[tilespmem:v2+s7+$0x0] =	vst.idx.msk $0xffff, v3;
	v2 =	vand.u32 $0x7E, v4  }
0x272: {  	v3 =	vld [tilespmem:s20+$0xFFFFFFD0];
	v4 =	vadd.s32 v0, v2;
	_ =	sdelay $0x4  }
0x273: {  	[tilespmem:v4+s7+$0x0] =	vst.idx.msk $0xffff, v3  }
0x274: {  	v2 =	vadd.s32 v1, v2;
	v3 =	vld [tilespmem:s20+$0xFFFFFFE0];
	_ =	sdelay $0x2  }
0x275: {  	s24 =	sadd.s32 $0x3, s21  }
0x276: {  	v4 =	vmov s24  }
0x277: {  	[tilespmem:v2+s7+$0x0] =	vst.idx.msk $0xffff, v3;
	v2 =	vand.u32 $0x7F, v4  }
0x278: {  	v3 =	vld [tilespmem:s20+$0xFFFFFFF0];
	v4 =	vadd.s32 v0, v2;
	_ =	sdelay $0x4  }
0x279: {  	[tilespmem:v4+s7+$0x0] =	vst.idx.msk $0xffff, v3  }
0x27a: {  	v2 =	vadd.s32 v1, v2;
	v3 =	vld [tilespmem:s20+$0x0];
	_ =	sdelay $0x3  }
0x27b: {  	s22 =	sor.u32 $0x30000, s18  }
0x27c: {  	s20 =	sadd.s32 s2, s22;
	[tilespmem:v2+s7+$0x0] =	vst.idx.msk $0xffff, v3  }
0x27d: {  	[hbm4b:s20+s3] =	stream.linear.scatter [tilespmem:s7], [sflag:$0xA], $0x80, $0x38;
	[tilespmem:$0x10600] =	vst v63  }
0x27e: {  	s24 =	simm.s32 $0xF588;
	s23 =	sadd.s32 $0x10, s20  }
0x27f: {  	[hbm4b:s23+s3] =	stream.linear.scatter [tilespmem:s24], [sflag:$0xA], $0x80, $0x38;
	[tilespmem:$0x10600] =	vst v63  }
0x280: {  	s23 =	sadd.s32 $0x20, s20;
	s24 =	simm.s32 $0xF610  }
0x281: {  	[hbm4b:s23+s3] =	stream.linear.scatter [tilespmem:s24], [sflag:$0xA], $0x80, $0x38;
	[tilespmem:$0x10600] =	vst v63  }
0x282: {  	s23 =	sadd.s32 $0x30, s20;
	s24 =	simm.s32 $0xF698  }
0x283: {  	[hbm4b:s23+s3] =	stream.linear.scatter [tilespmem:s24], [sflag:$0xA], $0x80, $0x38;
	[tilespmem:$0x10600] =	vst v63  }
0x284: {  	s23 =	sadd.s32 $0x40, s20;
	s24 =	simm.s32 $0xF720  }
0x285: {  	[hbm4b:s23+s3] =	stream.linear.scatter [tilespmem:s24], [sflag:$0xA], $0x80, $0x38;
	[tilespmem:$0x10600] =	vst v63  }
0x286: {  	s23 =	sadd.s32 $0x50, s20;
	s24 =	simm.s32 $0xF7A8  }
0x287: {  	[hbm4b:s23+s3] =	stream.linear.scatter [tilespmem:s24], [sflag:$0xA], $0x80, $0x38;
	[tilespmem:$0x10600] =	vst v63  }
0x288: {  	s22 =	sadd.s32 $0x60, s20;
	s23 =	simm.s32 $0xF830  }
0x289: {  	[hbm4b:s22+s3] =	stream.linear.scatter [tilespmem:s23], [sflag:$0xA], $0x80, $0x38;
	[tilespmem:$0x10600] =	vst v63  }
0x28a: {  	s21 =	sor.u32 $0x34000, s18;
	s20 =	sadd.s32 $0x70, s20;
	s24 =	simm.s32 $0xF8B8  }
0x28b: {  	[hbm4b:s20+s3] =	stream.linear.scatter [tilespmem:s24], [sflag:$0xA], $0x80, $0x38;
	[tilespmem:$0x10600] =	vst v63  }
0x28c: {  	s22 =	simm.s32 $0xF940;
	s20 =	sadd.s32 s2, s21  }
0x28d: {  	[hbm4b:s20+s3] =	stream.linear.scatter [tilespmem:s22], [sflag:$0xA], $0x80, $0x38;
	[tilespmem:$0x10600] =	vst v63  }
0x28e: {  	s24 =	simm.s32 $0xF9C8;
	s23 =	sadd.s32 $0x10, s20  }
0x28f: {  	[hbm4b:s23+s3] =	stream.linear.scatter [tilespmem:s24], [sflag:$0xA], $0x80, $0x38;
	[tilespmem:$0x10600] =	vst v63  }
0x290: {  	s23 =	sadd.s32 $0x20, s20;
	s24 =	simm.s32 $0xFA50  }
0x291: {  	[hbm4b:s23+s3] =	stream.linear.scatter [tilespmem:s24], [sflag:$0xA], $0x80, $0x38;
	[tilespmem:$0x10600] =	vst v63  }
0x292: {  	s23 =	sadd.s32 $0x30, s20;
	s24 =	simm.s32 $0xFAD8  }
0x293: {  	[hbm4b:s23+s3] =	stream.linear.scatter [tilespmem:s24], [sflag:$0xA], $0x80, $0x38;
	[tilespmem:$0x10600] =	vst v63  }
0x294: {  	s23 =	sadd.s32 $0x40, s20;
	s24 =	simm.s32 $0xFB60  }
0x295: {  	[hbm4b:s23+s3] =	stream.linear.scatter [tilespmem:s24], [sflag:$0xA], $0x80, $0x38;
	[tilespmem:$0x10600] =	vst v63  }
0x296: {  	s23 =	sadd.s32 $0x50, s20;
	s24 =	simm.s32 $0xFBE8  }
0x297: {  	[hbm4b:s23+s3] =	stream.linear.scatter [tilespmem:s24], [sflag:$0xA], $0x80, $0x38;
	[tilespmem:$0x10600] =	vst v63  }
0x298: {  	s23 =	sadd.s32 $0x60, s20;
	s24 =	simm.s32 $0xFC70  }
0x299: {  	[hbm4b:s23+s3] =	stream.linear.scatter [tilespmem:s24], [sflag:$0xA], $0x80, $0x38;
	[tilespmem:$0x10600] =	vst v63  }
0x29a: {  	s22 =	simm.s32 $0xFCF8;
	s20 =	sadd.s32 $0x70, s20;
	s23 =	sor.u32 $0x38000, s18  }
0x29b: {  	[hbm4b:s20+s3] =	stream.linear.scatter [tilespmem:s22], [sflag:$0xA], $0x80, $0x38;
	[tilespmem:$0x10600] =	vst v63  }
0x29c: {  	s24 =	simm.s32 $0xFD80;
	s20 =	sadd.s32 s2, s23  }
0x29d: {  	[hbm4b:s20+s3] =	stream.linear.scatter [tilespmem:s24], [sflag:$0xA], $0x80, $0x38;
	[tilespmem:$0x10600] =	vst v63  }
0x29e: {  	s23 =	simm.s32 $0xFE08;
	s22 =	sadd.s32 $0x10, s20  }
0x29f: {  	[hbm4b:s22+s3] =	stream.linear.scatter [tilespmem:s23], [sflag:$0xA], $0x80, $0x38;
	[tilespmem:$0x10600] =	vst v63  }
0x2a0: {  	s24 =	sadd.s32 $0x20, s20  }
0x2a1: {  	[hbm4b:s24+s3] =	stream.linear.scatter [tilespmem:s12], [sflag:$0xA], $0x80, $0x38;
	[tilespmem:$0x10600] =	vst v63  }
0x2a2: {  	s22 =	sadd.s32 $0x30, s20  }
0x2a3: {  	[hbm4b:s22+s3] =	stream.linear.scatter [tilespmem:s25], [sflag:$0xA], $0x80, $0x38;
	[tilespmem:$0x10600] =	vst v63  }
0x2a4: {  	s23 =	sadd.s32 $0x40, s20  }
0x2a5: {  	[hbm4b:s23+s3] =	stream.linear.scatter [tilespmem:s11], [sflag:$0xA], $0x80, $0x38;
	[tilespmem:$0x10600] =	vst v63  }
0x2a6: {  	s24 =	sadd.s32 $0x50, s20  }
0x2a7: {  	[hbm4b:s24+s3] =	stream.linear.scatter [tilespmem:s26], [sflag:$0xA], $0x80, $0x38;
	[tilespmem:$0x10600] =	vst v63  }
0x2a8: {  	s22 =	sadd.s32 $0x60, s20  }
0x2a9: {  	[hbm4b:s22+s3] =	stream.linear.scatter [tilespmem:s29], [sflag:$0xA], $0x80, $0x38;
	[tilespmem:$0x10600] =	vst v63  }
0x2aa: {  	s20 =	sadd.s32 $0x70, s20;
	s23 =	sor.u32 $0x3C000, s18  }
0x2ab: {  	[hbm4b:s20+s3] =	stream.linear.scatter [tilespmem:s30], [sflag:$0xA], $0x80, $0x38;
	[tilespmem:$0x10600] =	vst v63  }
0x2ac: {  	s20 =	sadd.s32 s2, s23  }
0x2ad: {  	[hbm4b:s20+s3] =	stream.linear.scatter [tilespmem:s31], [sflag:$0xA], $0x80, $0x38;
	[tilespmem:$0x10600] =	vst v63  }
0x2ae: {  	s24 =	sadd.s32 $0x10, s20  }
0x2af: {  	[hbm4b:s24+s3] =	stream.linear.scatter [tilespmem:s0], [sflag:$0xA], $0x80, $0x38;
	[tilespmem:$0x10600] =	vst v63  }
0x2b0: {  	s22 =	sadd.s32 $0x20, s20  }
0x2b1: {  	[hbm4b:s22+s3] =	stream.linear.scatter [tilespmem:s1], [sflag:$0xA], $0x80, $0x38;
	[tilespmem:$0x10600] =	vst v63  }
0x2b2: {  	s23 =	sadd.s32 $0x30, s20  }
0x2b3: {  	[hbm4b:s23+s3] =	stream.linear.scatter [tilespmem:s8], [sflag:$0xA], $0x80, $0x38;
	[tilespmem:$0x10600] =	vst v63  }
0x2b4: {  	s24 =	sadd.s32 $0x40, s20  }
0x2b5: {  	[hbm4b:s24+s3] =	stream.linear.scatter [tilespmem:s9], [sflag:$0xA], $0x80, $0x38;
	[tilespmem:$0x10600] =	vst v63  }
0x2b6: {  	s22 =	sadd.s32 $0x50, s20  }
0x2b7: {  	[hbm4b:s22+s3] =	stream.linear.scatter [tilespmem:s13], [sflag:$0xA], $0x80, $0x38;
	[tilespmem:$0x10600] =	vst v63  }
0x2b8: {  	s23 =	sadd.s32 $0x60, s20  }
0x2b9: {  	[hbm4b:s23+s3] =	stream.linear.scatter [tilespmem:s14], [sflag:$0xA], $0x80, $0x38;
	[tilespmem:$0x10600] =	vst v63  }
0x2ba: {  	s21 =	simm.s32 @!p0 $0x80;
	s20 =	sadd.s32 $0x70, s20  }
0x2bb: {  	[hbm4b:s20+s3] =	stream.linear.scatter [tilespmem:s15], [sflag:$0xA], $0x80, $0x38;
	[tilespmem:$0x10600] =	vst v63  }
0x2bc: {  	s24 =	simm.s32 $0x5;
	s22 =	simm.s32 @!p0 $0x9400;
	s20 =	sadd.s32 @!p0 $0x580, s19  }
0x2bd: {  	[tilespmem:s22], [sflag:$0x4] =	stream.indirect.gather @!p0 [hbm4b:s5+s21], $0x20, s20, s21, $0xb8;
	[tilespmem:$0x10600] =	vst v63  }
0x2be: {  	_ =	swait.ge [sflag:s24], $0x1000  }
0x2bf: {  	[sflag:s24] =	ssyncset.done $0x0  }
0x2c0: {  	[sflag:s24] =	ssyncadd.s32 $0xFFFFF000  }
0x2c1: {  	_ =	swait.ge [sflag:s16], $0x400  }
0x2c2: {  	[sflag:s16] =	ssyncset.done $0x0  }
0x2c3: {  	[sflag:s16] =	ssyncadd.s32 $0xFFFFFC00  }
0x2c4: {  	_ =	swait.ge [sflag:s16], $0x400  }
0x2c5: {  	[sflag:s16] =	ssyncset.done $0x0  }
0x2c6: {  	[sflag:s16] =	ssyncadd.s32 $0xFFFFFC00  }
0x2c7: {  	_ =	swait.ge [sflag:s16], $0x400  }
0x2c8: {  	[sflag:s16] =	ssyncset.done $0x0  }
0x2c9: {  	[sflag:s16] =	ssyncadd.s32 $0xFFFFFC00  }
0x2ca: {  	s21 =	simm.s32 $0x0;
	_ =	swait.ge [sflag:s16], $0x400  }
0x2cb: {  	v2 =	vmov s21;
	[sflag:s16] =	ssyncset.done $0x0  }
0x2cc: {  	s20 =	simm.s32 $0x0;
	v2 =	vand.u32 $0x7C, v2;
	[sflag:s16] =	ssyncadd.s32 $0xFFFFFC00  }
0x2cd: {  	v4 =	vadd.s32 v0, v2;
	v3 =	vld [tilespmem:s20+$0xA400];
	_ =	sdelay $0x4  }
0x2ce: {  	[tilespmem:v4+s28+$0x0] =	vst.idx.msk $0xffff, v3  }
0x2cf: {  	v2 =	vadd.s32 v1, v2;
	v3 =	vld [tilespmem:s20+$0xA410];
	_ =	sdelay $0x2  }
0x2d0: {  	s22 =	simm.s32 $0x1  }
0x2d1: {  	v4 =	vmov s22  }
0x2d2: {  	[tilespmem:v2+s28+$0x0] =	vst.idx.msk $0xffff, v3;
	v2 =	vand.u32 $0x7D, v4  }
0x2d3: {  	v3 =	vld [tilespmem:s20+$0xA420];
	v4 =	vadd.s32 v0, v2;
	_ =	sdelay $0x4  }
0x2d4: {  	[tilespmem:v4+s28+$0x0] =	vst.idx.msk $0xffff, v3  }
0x2d5: {  	v2 =	vadd.s32 v1, v2;
	v3 =	vld [tilespmem:s20+$0xA430];
	_ =	sdelay $0x2  }
0x2d6: {  	s23 =	simm.s32 $0x2  }
0x2d7: {  	v4 =	vmov s23  }
0x2d8: {  	[tilespmem:v2+s28+$0x0] =	vst.idx.msk $0xffff, v3;
	v2 =	vand.u32 $0x7E, v4  }
0x2d9: {  	v3 =	vld [tilespmem:s20+$0xA440];
	v4 =	vadd.s32 v0, v2;
	_ =	sdelay $0x4  }
0x2da: {  	[tilespmem:v4+s28+$0x0] =	vst.idx.msk $0xffff, v3  }
0x2db: {  	v2 =	vadd.s32 v1, v2;
	v3 =	vld [tilespmem:s20+$0xA450];
	_ =	sdelay $0x2  }
0x2dc: {  	s24 =	simm.s32 $0x3  }
0x2dd: {  	v4 =	vmov s24  }
0x2de: {  	[tilespmem:v2+s28+$0x0] =	vst.idx.msk $0xffff, v3;
	v3 =	vand.u32 $0x7F, v4  }
0x2df: {  	v2 =	vld [tilespmem:s20+$0xA460];
	v4 =	vadd.s32 v0, v3;
	_ =	sdelay $0x4  }
0x2e0: {  	[tilespmem:v4+s28+$0x0] =	vst.idx.msk $0xffff, v2  }
0x2e1: {  	v3 =	vadd.s32 v1, v3;
	v2 =	vld [tilespmem:s20+$0xA470];
	_ =	sdelay $0x1  }
0x2e2: {  	s21 =	simm.s32 $0x200  }
0x2e3: {  	s22 =	simm.s32 $0x400;
	s23 =	simm.s32 $0x4;
	s20 =	simm.s32 $0x7  }
.LBB2_16:
0x2e4: {  	p1 =	sne.s32 s22, $0x3E00;
	v4 =	vmov s23  }
0x2e5: {  	s23 =	sshra.s32 s21, $0x2;
	s21 =	smov.u32 s22;
	v4 =	vand.u32 $0x7C, v4;
	[tilespmem:v3+s28+$0x0] =	vst.idx.msk $0xffff, v2  }
0x2e6: {  	v2 =	vld [tilespmem:s23+$0xA400];
	v3 =	vadd.s32 v0, v4;
	_ =	sdelay $0x4  }
0x2e7: {  	[tilespmem:v3+s28+$0x0] =	vst.idx.msk $0xffff, v2  }
0x2e8: {  	v3 =	vadd.s32 v1, v4;
	v2 =	vld [tilespmem:s23+$0xA410];
	_ =	sdelay $0x2  }
0x2e9: {  	s24 =	sadd.s32 $0xFFFFFFFE, s20  }
0x2ea: {  	v4 =	vmov s24  }
0x2eb: {  	[tilespmem:v3+s28+$0x0] =	vst.idx.msk $0xffff, v2;
	v2 =	vand.u32 $0x7D, v4  }
0x2ec: {  	v3 =	vld [tilespmem:s23+$0xA420];
	v4 =	vadd.s32 v0, v2;
	_ =	sdelay $0x4  }
0x2ed: {  	[tilespmem:v4+s28+$0x0] =	vst.idx.msk $0xffff, v3  }
0x2ee: {  	v2 =	vadd.s32 v1, v2;
	v3 =	vld [tilespmem:s23+$0xA430];
	_ =	sdelay $0x2  }
0x2ef: {  	s24 =	sadd.s32 $0xFFFFFFFF, s20  }
0x2f0: {  	v4 =	vmov s24  }
0x2f1: {  	[tilespmem:v2+s28+$0x0] =	vst.idx.msk $0xffff, v3;
	v2 =	vand.u32 $0x7E, v4  }
0x2f2: {  	v3 =	vld [tilespmem:s23+$0xA440];
	v4 =	vadd.s32 v0, v2;
	_ =	sdelay $0x4  }
0x2f3: {  	[tilespmem:v4+s28+$0x0] =	vst.idx.msk $0xffff, v3  }
0x2f4: {  	v2 =	vadd.s32 v1, v2;
	v3 =	vld [tilespmem:s23+$0xA450];
	_ =	sdelay $0x3  }
0x2f5: {  	v4 =	vmov s20  }
0x2f6: {  	[tilespmem:v2+s28+$0x0] =	vst.idx.msk $0xffff, v3;
	v3 =	vand.u32 $0x7F, v4  }
0x2f7: {  	v2 =	vld [tilespmem:s23+$0xA460];
	v4 =	vadd.s32 v0, v3;
	_ =	sdelay $0x4  }
.Ltmp11:
0x2f8: {  	[tilespmem:v4+s28+$0x0] =	vst.idx.msk $0xffff, v2;
	(pc) =	sbr.rel @p1 .LBB2_16-.Ltmp11, $3  }
0x2f9: {  	v3 =	vadd.s32 v1, v3;
	v2 =	vld [tilespmem:s23+$0xA470];
	_ =	sdelay $0x1  }
0x2fa: {  	s20 =	sadd.s32 $0x4, s20  }
0x2fb: {  	s22 =	sadd.s32 $0x200, s22;
	s23 =	sadd.s32 $0xFFFFFFFD, s20  }
0x2fc: {  	_ =	sdelay $0x2  }
0x2fd: {  	v4 =	vmov s23  }
0x2fe: {  	s21 =	sshra.s32 s21, $0x2;
	v4 =	vand.u32 $0x7C, v4;
	[tilespmem:v3+s28+$0x0] =	vst.idx.msk $0xffff, v2  }
0x2ff: {  	v2 =	vld [tilespmem:s21+$0xA400];
	v3 =	vadd.s32 v0, v4;
	_ =	sdelay $0x4  }
0x300: {  	[tilespmem:v3+s28+$0x0] =	vst.idx.msk $0xffff, v2  }
0x301: {  	v3 =	vadd.s32 v1, v4;
	v2 =	vld [tilespmem:s21+$0xA410];
	_ =	sdelay $0x2  }
0x302: {  	s22 =	sadd.s32 $0xFFFFFFFE, s20  }
0x303: {  	v4 =	vmov s22  }
0x304: {  	[tilespmem:v3+s28+$0x0] =	vst.idx.msk $0xffff, v2;
	v2 =	vand.u32 $0x7D, v4  }
0x305: {  	v3 =	vld [tilespmem:s21+$0xA420];
	v4 =	vadd.s32 v0, v2;
	_ =	sdelay $0x4  }
0x306: {  	[tilespmem:v4+s28+$0x0] =	vst.idx.msk $0xffff, v3  }
0x307: {  	v2 =	vadd.s32 v1, v2;
	v3 =	vld [tilespmem:s21+$0xA430];
	_ =	sdelay $0x2  }
0x308: {  	s24 =	sadd.s32 $0xFFFFFFFF, s20  }
0x309: {  	v4 =	vmov s24  }
0x30a: {  	[tilespmem:v2+s28+$0x0] =	vst.idx.msk $0xffff, v3;
	v2 =	vand.u32 $0x7E, v4  }
0x30b: {  	v3 =	vld [tilespmem:s21+$0xA440];
	v4 =	vadd.s32 v0, v2;
	_ =	sdelay $0x4  }
0x30c: {  	[tilespmem:v4+s28+$0x0] =	vst.idx.msk $0xffff, v3  }
0x30d: {  	v2 =	vadd.s32 v1, v2;
	v3 =	vld [tilespmem:s21+$0xA450];
	_ =	sdelay $0x3  }
0x30e: {  	v4 =	vmov s20  }
0x30f: {  	[tilespmem:v2+s28+$0x0] =	vst.idx.msk $0xffff, v3;
	v2 =	vand.u32 $0x7F, v4  }
0x310: {  	v3 =	vld [tilespmem:s21+$0xA460];
	v4 =	vadd.s32 v0, v2;
	_ =	sdelay $0x4  }
0x311: {  	[tilespmem:v4+s28+$0x0] =	vst.idx.msk $0xffff, v3  }
0x312: {  	v2 =	vadd.s32 v1, v2;
	v3 =	vld [tilespmem:s21+$0xA470];
	_ =	sdelay $0x3  }
0x313: {  	s22 =	sor.u32 $0x40000, s18  }
0x314: {  	s20 =	sadd.s32 s2, s22;
	[tilespmem:v2+s28+$0x0] =	vst.idx.msk $0xffff, v3  }
0x315: {  	[hbm4b:s20+s3] =	stream.linear.scatter [tilespmem:s28], [sflag:$0x9], $0x80, $0x38;
	[tilespmem:$0x10600] =	vst v63  }
0x316: {  	s23 =	sadd.s32 $0x10, s20  }
0x317: {  	[hbm4b:s23+s3] =	stream.linear.scatter [tilespmem:s6], [sflag:$0x9], $0x80, $0x38;
	[tilespmem:$0x10600] =	vst v63  }
0x318: {  	s24 =	sadd.s32 $0x20, s20;
	s6 =	simm.s32 $0xE510  }
0x319: {  	[hbm4b:s24+s3] =	stream.linear.scatter [tilespmem:s6], [sflag:$0x9], $0x80, $0x38;
	[tilespmem:$0x10600] =	vst v63  }
0x31a: {  	s22 =	sadd.s32 $0x30, s20  }
0x31b: {  	[hbm4b:s22+s3] =	stream.linear.scatter [tilespmem:s10], [sflag:$0x9], $0x80, $0x38;
	[tilespmem:$0x10600] =	vst v63  }
0x31c: {  	s23 =	sadd.s32 $0x40, s20;
	s24 =	simm.s32 $0xE620  }
0x31d: {  	[hbm4b:s23+s3] =	stream.linear.scatter [tilespmem:s24], [sflag:$0x9], $0x80, $0x38;
	[tilespmem:$0x10600] =	vst v63  }
0x31e: {  	s23 =	sadd.s32 $0x50, s20;
	s24 =	simm.s32 $0xE6A8  }
0x31f: {  	[hbm4b:s23+s3] =	stream.linear.scatter [tilespmem:s24], [sflag:$0x9], $0x80, $0x38;
	[tilespmem:$0x10600] =	vst v63  }
0x320: {  	s22 =	sadd.s32 $0x60, s20;
	s23 =	simm.s32 $0xE730  }
0x321: {  	[hbm4b:s22+s3] =	stream.linear.scatter [tilespmem:s23], [sflag:$0x9], $0x80, $0x38;
	[tilespmem:$0x10600] =	vst v63  }
0x322: {  	s21 =	sor.u32 $0x44000, s18;
	s20 =	sadd.s32 $0x70, s20;
	s24 =	simm.s32 $0xE7B8  }
0x323: {  	[hbm4b:s20+s3] =	stream.linear.scatter [tilespmem:s24], [sflag:$0x9], $0x80, $0x38;
	[tilespmem:$0x10600] =	vst v63  }
0x324: {  	s22 =	simm.s32 $0xE840;
	s20 =	sadd.s32 s2, s21  }
0x325: {  	[hbm4b:s20+s3] =	stream.linear.scatter [tilespmem:s22], [sflag:$0x9], $0x80, $0x38;
	[tilespmem:$0x10600] =	vst v63  }
0x326: {  	s24 =	simm.s32 $0xE8C8;
	s23 =	sadd.s32 $0x10, s20  }
0x327: {  	[hbm4b:s23+s3] =	stream.linear.scatter [tilespmem:s24], [sflag:$0x9], $0x80, $0x38;
	[tilespmem:$0x10600] =	vst v63  }
0x328: {  	s23 =	sadd.s32 $0x20, s20;
	s24 =	simm.s32 $0xE950  }
0x329: {  	[hbm4b:s23+s3] =	stream.linear.scatter [tilespmem:s24], [sflag:$0x9], $0x80, $0x38;
	[tilespmem:$0x10600] =	vst v63  }
0x32a: {  	s23 =	sadd.s32 $0x30, s20;
	s24 =	simm.s32 $0xE9D8  }
0x32b: {  	[hbm4b:s23+s3] =	stream.linear.scatter [tilespmem:s24], [sflag:$0x9], $0x80, $0x38;
	[tilespmem:$0x10600] =	vst v63  }
0x32c: {  	s23 =	sadd.s32 $0x40, s20;
	s24 =	simm.s32 $0xEA60  }
0x32d: {  	[hbm4b:s23+s3] =	stream.linear.scatter [tilespmem:s24], [sflag:$0x9], $0x80, $0x38;
	[tilespmem:$0x10600] =	vst v63  }
0x32e: {  	s23 =	sadd.s32 $0x50, s20;
	s24 =	simm.s32 $0xEAE8  }
0x32f: {  	[hbm4b:s23+s3] =	stream.linear.scatter [tilespmem:s24], [sflag:$0x9], $0x80, $0x38;
	[tilespmem:$0x10600] =	vst v63  }
0x330: {  	s22 =	sadd.s32 $0x60, s20;
	s23 =	simm.s32 $0xEB70  }
0x331: {  	[hbm4b:s22+s3] =	stream.linear.scatter [tilespmem:s23], [sflag:$0x9], $0x80, $0x38;
	[tilespmem:$0x10600] =	vst v63  }
0x332: {  	s21 =	sor.u32 $0x48000, s18;
	s20 =	sadd.s32 $0x70, s20;
	s24 =	simm.s32 $0xEBF8  }
0x333: {  	[hbm4b:s20+s3] =	stream.linear.scatter [tilespmem:s24], [sflag:$0x9], $0x80, $0x38;
	[tilespmem:$0x10600] =	vst v63  }
0x334: {  	s22 =	simm.s32 $0xEC80;
	s20 =	sadd.s32 s2, s21  }
0x335: {  	[hbm4b:s20+s3] =	stream.linear.scatter [tilespmem:s22], [sflag:$0x9], $0x80, $0x38;
	[tilespmem:$0x10600] =	vst v63  }
0x336: {  	s24 =	simm.s32 $0xED08;
	s23 =	sadd.s32 $0x10, s20  }
0x337: {  	[hbm4b:s23+s3] =	stream.linear.scatter [tilespmem:s24], [sflag:$0x9], $0x80, $0x38;
	[tilespmem:$0x10600] =	vst v63  }
0x338: {  	s23 =	sadd.s32 $0x20, s20;
	s24 =	simm.s32 $0xED90  }
0x339: {  	[hbm4b:s23+s3] =	stream.linear.scatter [tilespmem:s24], [sflag:$0x9], $0x80, $0x38;
	[tilespmem:$0x10600] =	vst v63  }
0x33a: {  	s23 =	sadd.s32 $0x30, s20;
	s24 =	simm.s32 $0xEE18  }
0x33b: {  	[hbm4b:s23+s3] =	stream.linear.scatter [tilespmem:s24], [sflag:$0x9], $0x80, $0x38;
	[tilespmem:$0x10600] =	vst v63  }
0x33c: {  	s23 =	sadd.s32 $0x40, s20;
	s24 =	simm.s32 $0xEEA0  }
0x33d: {  	[hbm4b:s23+s3] =	stream.linear.scatter [tilespmem:s24], [sflag:$0x9], $0x80, $0x38;
	[tilespmem:$0x10600] =	vst v63  }
0x33e: {  	s23 =	sadd.s32 $0x50, s20;
	s24 =	simm.s32 $0xEF28  }
0x33f: {  	[hbm4b:s23+s3] =	stream.linear.scatter [tilespmem:s24], [sflag:$0x9], $0x80, $0x38;
	[tilespmem:$0x10600] =	vst v63  }
0x340: {  	s22 =	sadd.s32 $0x60, s20;
	s23 =	simm.s32 $0xEFB0  }
0x341: {  	[hbm4b:s22+s3] =	stream.linear.scatter [tilespmem:s23], [sflag:$0x9], $0x80, $0x38;
	[tilespmem:$0x10600] =	vst v63  }
0x342: {  	s21 =	sor.u32 $0x4C000, s18;
	s20 =	sadd.s32 $0x70, s20;
	s24 =	simm.s32 $0xF038  }
0x343: {  	[hbm4b:s20+s3] =	stream.linear.scatter [tilespmem:s24], [sflag:$0x9], $0x80, $0x38;
	[tilespmem:$0x10600] =	vst v63  }
0x344: {  	s22 =	simm.s32 $0xF0C0;
	s20 =	sadd.s32 s2, s21  }
0x345: {  	[hbm4b:s20+s3] =	stream.linear.scatter [tilespmem:s22], [sflag:$0x9], $0x80, $0x38;
	[tilespmem:$0x10600] =	vst v63  }
0x346: {  	s24 =	simm.s32 $0xF148;
	s23 =	sadd.s32 $0x10, s20  }
0x347: {  	[hbm4b:s23+s3] =	stream.linear.scatter [tilespmem:s24], [sflag:$0x9], $0x80, $0x38;
	[tilespmem:$0x10600] =	vst v63  }
0x348: {  	s23 =	sadd.s32 $0x20, s20;
	s24 =	simm.s32 $0xF1D0  }
0x349: {  	[hbm4b:s23+s3] =	stream.linear.scatter [tilespmem:s24], [sflag:$0x9], $0x80, $0x38;
	[tilespmem:$0x10600] =	vst v63  }
0x34a: {  	s23 =	sadd.s32 $0x30, s20;
	s24 =	simm.s32 $0xF258  }
0x34b: {  	[hbm4b:s23+s3] =	stream.linear.scatter [tilespmem:s24], [sflag:$0x9], $0x80, $0x38;
	[tilespmem:$0x10600] =	vst v63  }
0x34c: {  	s23 =	sadd.s32 $0x40, s20;
	s24 =	simm.s32 $0xF2E0  }
0x34d: {  	[hbm4b:s23+s3] =	stream.linear.scatter [tilespmem:s24], [sflag:$0x9], $0x80, $0x38;
	[tilespmem:$0x10600] =	vst v63  }
0x34e: {  	s23 =	sadd.s32 $0x50, s20;
	s24 =	simm.s32 $0xF368  }
0x34f: {  	[hbm4b:s23+s3] =	stream.linear.scatter [tilespmem:s24], [sflag:$0x9], $0x80, $0x38;
	[tilespmem:$0x10600] =	vst v63  }
0x350: {  	s23 =	sadd.s32 $0x60, s20;
	s24 =	simm.s32 $0xF3F0  }
0x351: {  	[hbm4b:s23+s3] =	stream.linear.scatter [tilespmem:s24], [sflag:$0x9], $0x80, $0x38;
	[tilespmem:$0x10600] =	vst v63  }
0x352: {  	s21 =	simm.s32 @!p0 $0x80;
	s20 =	sadd.s32 $0x70, s20;
	s23 =	simm.s32 $0xF478  }
0x353: {  	[hbm4b:s20+s3] =	stream.linear.scatter [tilespmem:s23], [sflag:$0x9], $0x80, $0x38;
	[tilespmem:$0x10600] =	vst v63  }
0x354: {  	s22 =	simm.s32 @!p0 $0xA400;
	s24 =	simm.s32 $0x6;
	s20 =	sadd.s32 @!p0 $0x600, s19  }
0x355: {  	[tilespmem:s22], [sflag:$0x5] =	stream.indirect.gather @!p0 [hbm4b:s5+s21], $0x20, s20, s21, $0xb8;
	[tilespmem:$0x10600] =	vst v63  }
0x356: {  	_ =	swait.ge [sflag:s24], $0x1000  }
0x357: {  	[sflag:s24] =	ssyncset.done $0x0  }
0x358: {  	[sflag:s24] =	ssyncadd.s32 $0xFFFFF000  }
0x359: {  	_ =	swait.ge [sflag:s4], $0x400  }
0x35a: {  	[sflag:s4] =	ssyncset.done $0x0  }
0x35b: {  	[sflag:s4] =	ssyncadd.s32 $0xFFFFFC00  }
0x35c: {  	_ =	swait.ge [sflag:s4], $0x400  }
0x35d: {  	[sflag:s4] =	ssyncset.done $0x0  }
0x35e: {  	[sflag:s4] =	ssyncadd.s32 $0xFFFFFC00  }
0x35f: {  	_ =	swait.ge [sflag:s4], $0x400  }
0x360: {  	[sflag:s4] =	ssyncset.done $0x0  }
0x361: {  	[sflag:s4] =	ssyncadd.s32 $0xFFFFFC00  }
0x362: {  	s21 =	simm.s32 $0x0;
	_ =	swait.ge [sflag:s4], $0x400  }
0x363: {  	v2 =	vmov s21;
	[sflag:s4] =	ssyncset.done $0x0  }
0x364: {  	s20 =	simm.s32 $0x0;
	v2 =	vand.u32 $0x7C, v2;
	[sflag:s4] =	ssyncadd.s32 $0xFFFFFC00  }
0x365: {  	v4 =	vadd.s32 v0, v2;
	v3 =	vld [tilespmem:s20+$0xB400];
	_ =	sdelay $0x4  }
0x366: {  	[tilespmem:v4+s7+$0x0] =	vst.idx.msk $0xffff, v3  }
0x367: {  	v2 =	vadd.s32 v1, v2;
	v3 =	vld [tilespmem:s20+$0xB410];
	_ =	sdelay $0x2  }
0x368: {  	s22 =	simm.s32 $0x1  }
0x369: {  	v4 =	vmov s22  }
0x36a: {  	[tilespmem:v2+s7+$0x0] =	vst.idx.msk $0xffff, v3;
	v2 =	vand.u32 $0x7D, v4  }
0x36b: {  	v3 =	vld [tilespmem:s20+$0xB420];
	v4 =	vadd.s32 v0, v2;
	_ =	sdelay $0x4  }
0x36c: {  	[tilespmem:v4+s7+$0x0] =	vst.idx.msk $0xffff, v3  }
0x36d: {  	v2 =	vadd.s32 v1, v2;
	v3 =	vld [tilespmem:s20+$0xB430];
	_ =	sdelay $0x2  }
0x36e: {  	s23 =	simm.s32 $0x2  }
0x36f: {  	v4 =	vmov s23  }
0x370: {  	[tilespmem:v2+s7+$0x0] =	vst.idx.msk $0xffff, v3;
	v2 =	vand.u32 $0x7E, v4  }
0x371: {  	v3 =	vld [tilespmem:s20+$0xB440];
	v4 =	vadd.s32 v0, v2;
	_ =	sdelay $0x4  }
0x372: {  	[tilespmem:v4+s7+$0x0] =	vst.idx.msk $0xffff, v3  }
0x373: {  	v2 =	vadd.s32 v1, v2;
	v3 =	vld [tilespmem:s20+$0xB450];
	_ =	sdelay $0x2  }
0x374: {  	s24 =	simm.s32 $0x3  }
0x375: {  	v4 =	vmov s24  }
0x376: {  	[tilespmem:v2+s7+$0x0] =	vst.idx.msk $0xffff, v3;
	v3 =	vand.u32 $0x7F, v4  }
0x377: {  	v2 =	vld [tilespmem:s20+$0xB460];
	v4 =	vadd.s32 v0, v3;
	_ =	sdelay $0x4  }
0x378: {  	[tilespmem:v4+s7+$0x0] =	vst.idx.msk $0xffff, v2  }
0x379: {  	v3 =	vadd.s32 v1, v3;
	v2 =	vld [tilespmem:s20+$0xB470];
	_ =	sdelay $0x1  }
0x37a: {  	s21 =	simm.s32 $0x200  }
0x37b: {  	s22 =	simm.s32 $0x400;
	s23 =	simm.s32 $0x4;
	s20 =	simm.s32 $0x7  }
.LBB2_18:
0x37c: {  	p1 =	sne.s32 s22, $0x3E00;
	v4 =	vmov s23  }
0x37d: {  	s23 =	sshra.s32 s21, $0x2;
	s21 =	smov.u32 s22;
	v4 =	vand.u32 $0x7C, v4;
	[tilespmem:v3+s7+$0x0] =	vst.idx.msk $0xffff, v2  }
0x37e: {  	v2 =	vld [tilespmem:s23+$0xB400];
	v3 =	vadd.s32 v0, v4;
	_ =	sdelay $0x4  }
0x37f: {  	[tilespmem:v3+s7+$0x0] =	vst.idx.msk $0xffff, v2  }
0x380: {  	v3 =	vadd.s32 v1, v4;
	v2 =	vld [tilespmem:s23+$0xB410];
	_ =	sdelay $0x2  }
0x381: {  	s24 =	sadd.s32 $0xFFFFFFFE, s20  }
0x382: {  	v4 =	vmov s24  }
0x383: {  	[tilespmem:v3+s7+$0x0] =	vst.idx.msk $0xffff, v2;
	v2 =	vand.u32 $0x7D, v4  }
0x384: {  	v3 =	vld [tilespmem:s23+$0xB420];
	v4 =	vadd.s32 v0, v2;
	_ =	sdelay $0x4  }
0x385: {  	[tilespmem:v4+s7+$0x0] =	vst.idx.msk $0xffff, v3  }
0x386: {  	v2 =	vadd.s32 v1, v2;
	v3 =	vld [tilespmem:s23+$0xB430];
	_ =	sdelay $0x2  }
0x387: {  	s24 =	sadd.s32 $0xFFFFFFFF, s20  }
0x388: {  	v4 =	vmov s24  }
0x389: {  	[tilespmem:v2+s7+$0x0] =	vst.idx.msk $0xffff, v3;
	v2 =	vand.u32 $0x7E, v4  }
0x38a: {  	v3 =	vld [tilespmem:s23+$0xB440];
	v4 =	vadd.s32 v0, v2;
	_ =	sdelay $0x4  }
0x38b: {  	[tilespmem:v4+s7+$0x0] =	vst.idx.msk $0xffff, v3  }
0x38c: {  	v2 =	vadd.s32 v1, v2;
	v3 =	vld [tilespmem:s23+$0xB450];
	_ =	sdelay $0x3  }
0x38d: {  	v4 =	vmov s20  }
0x38e: {  	[tilespmem:v2+s7+$0x0] =	vst.idx.msk $0xffff, v3;
	v3 =	vand.u32 $0x7F, v4  }
0x38f: {  	v2 =	vld [tilespmem:s23+$0xB460];
	v4 =	vadd.s32 v0, v3;
	_ =	sdelay $0x4  }
.Ltmp12:
0x390: {  	[tilespmem:v4+s7+$0x0] =	vst.idx.msk $0xffff, v2;
	(pc) =	sbr.rel @p1 .LBB2_18-.Ltmp12, $3  }
0x391: {  	v3 =	vadd.s32 v1, v3;
	v2 =	vld [tilespmem:s23+$0xB470];
	_ =	sdelay $0x1  }
0x392: {  	s20 =	sadd.s32 $0x4, s20  }
0x393: {  	s22 =	sadd.s32 $0x200, s22;
	s23 =	sadd.s32 $0xFFFFFFFD, s20  }
0x394: {  	_ =	sdelay $0x2  }
0x395: {  	v4 =	vmov s23  }
0x396: {  	s21 =	sshra.s32 s21, $0x2;
	v4 =	vand.u32 $0x7C, v4;
	[tilespmem:v3+s7+$0x0] =	vst.idx.msk $0xffff, v2  }
0x397: {  	v2 =	vld [tilespmem:s21+$0xB400];
	v3 =	vadd.s32 v0, v4;
	_ =	sdelay $0x4  }
0x398: {  	[tilespmem:v3+s7+$0x0] =	vst.idx.msk $0xffff, v2  }
0x399: {  	v3 =	vadd.s32 v1, v4;
	v2 =	vld [tilespmem:s21+$0xB410];
	_ =	sdelay $0x2  }
0x39a: {  	s22 =	sadd.s32 $0xFFFFFFFE, s20  }
0x39b: {  	v4 =	vmov s22  }
0x39c: {  	[tilespmem:v3+s7+$0x0] =	vst.idx.msk $0xffff, v2;
	v2 =	vand.u32 $0x7D, v4  }
0x39d: {  	v3 =	vld [tilespmem:s21+$0xB420];
	v4 =	vadd.s32 v0, v2;
	_ =	sdelay $0x4  }
0x39e: {  	[tilespmem:v4+s7+$0x0] =	vst.idx.msk $0xffff, v3  }
0x39f: {  	v2 =	vadd.s32 v1, v2;
	v3 =	vld [tilespmem:s21+$0xB430];
	_ =	sdelay $0x2  }
0x3a0: {  	s24 =	sadd.s32 $0xFFFFFFFF, s20  }
0x3a1: {  	v4 =	vmov s24  }
0x3a2: {  	[tilespmem:v2+s7+$0x0] =	vst.idx.msk $0xffff, v3;
	v2 =	vand.u32 $0x7E, v4  }
0x3a3: {  	v3 =	vld [tilespmem:s21+$0xB440];
	v4 =	vadd.s32 v0, v2;
	_ =	sdelay $0x4  }
0x3a4: {  	[tilespmem:v4+s7+$0x0] =	vst.idx.msk $0xffff, v3  }
0x3a5: {  	v2 =	vadd.s32 v1, v2;
	v3 =	vld [tilespmem:s21+$0xB450];
	_ =	sdelay $0x3  }
0x3a6: {  	v4 =	vmov s20  }
0x3a7: {  	[tilespmem:v2+s7+$0x0] =	vst.idx.msk $0xffff, v3;
	v2 =	vand.u32 $0x7F, v4  }
0x3a8: {  	v3 =	vld [tilespmem:s21+$0xB460];
	v4 =	vadd.s32 v0, v2;
	_ =	sdelay $0x4  }
0x3a9: {  	[tilespmem:v4+s7+$0x0] =	vst.idx.msk $0xffff, v3  }
0x3aa: {  	v2 =	vadd.s32 v1, v2;
	v3 =	vld [tilespmem:s21+$0xB470];
	_ =	sdelay $0x3  }
0x3ab: {  	s22 =	sor.u32 $0x50000, s18  }
0x3ac: {  	s20 =	sadd.s32 s2, s22;
	[tilespmem:v2+s7+$0x0] =	vst.idx.msk $0xffff, v3  }
0x3ad: {  	[hbm4b:s20+s3] =	stream.linear.scatter [tilespmem:s7], [sflag:$0xA], $0x80, $0x38;
	[tilespmem:$0x10600] =	vst v63  }
0x3ae: {  	s24 =	simm.s32 $0xF588;
	s23 =	sadd.s32 $0x10, s20  }
0x3af: {  	[hbm4b:s23+s3] =	stream.linear.scatter [tilespmem:s24], [sflag:$0xA], $0x80, $0x38;
	[tilespmem:$0x10600] =	vst v63  }
0x3b0: {  	s23 =	sadd.s32 $0x20, s20;
	s24 =	simm.s32 $0xF610  }
0x3b1: {  	[hbm4b:s23+s3] =	stream.linear.scatter [tilespmem:s24], [sflag:$0xA], $0x80, $0x38;
	[tilespmem:$0x10600] =	vst v63  }
0x3b2: {  	s23 =	sadd.s32 $0x30, s20;
	s24 =	simm.s32 $0xF698  }
0x3b3: {  	[hbm4b:s23+s3] =	stream.linear.scatter [tilespmem:s24], [sflag:$0xA], $0x80, $0x38;
	[tilespmem:$0x10600] =	vst v63  }
0x3b4: {  	s23 =	sadd.s32 $0x40, s20;
	s24 =	simm.s32 $0xF720  }
0x3b5: {  	[hbm4b:s23+s3] =	stream.linear.scatter [tilespmem:s24], [sflag:$0xA], $0x80, $0x38;
	[tilespmem:$0x10600] =	vst v63  }
0x3b6: {  	s23 =	sadd.s32 $0x50, s20;
	s24 =	simm.s32 $0xF7A8  }
0x3b7: {  	[hbm4b:s23+s3] =	stream.linear.scatter [tilespmem:s24], [sflag:$0xA], $0x80, $0x38;
	[tilespmem:$0x10600] =	vst v63  }
0x3b8: {  	s22 =	sadd.s32 $0x60, s20;
	s23 =	simm.s32 $0xF830  }
0x3b9: {  	[hbm4b:s22+s3] =	stream.linear.scatter [tilespmem:s23], [sflag:$0xA], $0x80, $0x38;
	[tilespmem:$0x10600] =	vst v63  }
0x3ba: {  	s21 =	sor.u32 $0x54000, s18;
	s20 =	sadd.s32 $0x70, s20;
	s24 =	simm.s32 $0xF8B8  }
0x3bb: {  	[hbm4b:s20+s3] =	stream.linear.scatter [tilespmem:s24], [sflag:$0xA], $0x80, $0x38;
	[tilespmem:$0x10600] =	vst v63  }
0x3bc: {  	s22 =	simm.s32 $0xF940;
	s20 =	sadd.s32 s2, s21  }
0x3bd: {  	[hbm4b:s20+s3] =	stream.linear.scatter [tilespmem:s22], [sflag:$0xA], $0x80, $0x38;
	[tilespmem:$0x10600] =	vst v63  }
0x3be: {  	s24 =	simm.s32 $0xF9C8;
	s23 =	sadd.s32 $0x10, s20  }
0x3bf: {  	[hbm4b:s23+s3] =	stream.linear.scatter [tilespmem:s24], [sflag:$0xA], $0x80, $0x38;
	[tilespmem:$0x10600] =	vst v63  }
0x3c0: {  	s23 =	sadd.s32 $0x20, s20;
	s24 =	simm.s32 $0xFA50  }
0x3c1: {  	[hbm4b:s23+s3] =	stream.linear.scatter [tilespmem:s24], [sflag:$0xA], $0x80, $0x38;
	[tilespmem:$0x10600] =	vst v63  }
0x3c2: {  	s23 =	sadd.s32 $0x30, s20;
	s24 =	simm.s32 $0xFAD8  }
0x3c3: {  	[hbm4b:s23+s3] =	stream.linear.scatter [tilespmem:s24], [sflag:$0xA], $0x80, $0x38;
	[tilespmem:$0x10600] =	vst v63  }
0x3c4: {  	s23 =	sadd.s32 $0x40, s20;
	s24 =	simm.s32 $0xFB60  }
0x3c5: {  	[hbm4b:s23+s3] =	stream.linear.scatter [tilespmem:s24], [sflag:$0xA], $0x80, $0x38;
	[tilespmem:$0x10600] =	vst v63  }
0x3c6: {  	s23 =	sadd.s32 $0x50, s20;
	s24 =	simm.s32 $0xFBE8  }
0x3c7: {  	[hbm4b:s23+s3] =	stream.linear.scatter [tilespmem:s24], [sflag:$0xA], $0x80, $0x38;
	[tilespmem:$0x10600] =	vst v63  }
0x3c8: {  	s23 =	sadd.s32 $0x60, s20;
	s24 =	simm.s32 $0xFC70  }
0x3c9: {  	[hbm4b:s23+s3] =	stream.linear.scatter [tilespmem:s24], [sflag:$0xA], $0x80, $0x38;
	[tilespmem:$0x10600] =	vst v63  }
0x3ca: {  	s22 =	simm.s32 $0xFCF8;
	s20 =	sadd.s32 $0x70, s20;
	s23 =	sor.u32 $0x58000, s18  }
0x3cb: {  	[hbm4b:s20+s3] =	stream.linear.scatter [tilespmem:s22], [sflag:$0xA], $0x80, $0x38;
	[tilespmem:$0x10600] =	vst v63  }
0x3cc: {  	s24 =	simm.s32 $0xFD80;
	s20 =	sadd.s32 s2, s23  }
0x3cd: {  	[hbm4b:s20+s3] =	stream.linear.scatter [tilespmem:s24], [sflag:$0xA], $0x80, $0x38;
	[tilespmem:$0x10600] =	vst v63  }
0x3ce: {  	s23 =	simm.s32 $0xFE08;
	s22 =	sadd.s32 $0x10, s20  }
0x3cf: {  	[hbm4b:s22+s3] =	stream.linear.scatter [tilespmem:s23], [sflag:$0xA], $0x80, $0x38;
	[tilespmem:$0x10600] =	vst v63  }
0x3d0: {  	s24 =	sadd.s32 $0x20, s20  }
0x3d1: {  	[hbm4b:s24+s3] =	stream.linear.scatter [tilespmem:s12], [sflag:$0xA], $0x80, $0x38;
	[tilespmem:$0x10600] =	vst v63  }
0x3d2: {  	s22 =	sadd.s32 $0x30, s20  }
0x3d3: {  	[hbm4b:s22+s3] =	stream.linear.scatter [tilespmem:s25], [sflag:$0xA], $0x80, $0x38;
	[tilespmem:$0x10600] =	vst v63  }
0x3d4: {  	s23 =	sadd.s32 $0x40, s20  }
0x3d5: {  	[hbm4b:s23+s3] =	stream.linear.scatter [tilespmem:s11], [sflag:$0xA], $0x80, $0x38;
	[tilespmem:$0x10600] =	vst v63  }
0x3d6: {  	s24 =	sadd.s32 $0x50, s20  }
0x3d7: {  	[hbm4b:s24+s3] =	stream.linear.scatter [tilespmem:s26], [sflag:$0xA], $0x80, $0x38;
	[tilespmem:$0x10600] =	vst v63  }
0x3d8: {  	s22 =	sadd.s32 $0x60, s20  }
0x3d9: {  	[hbm4b:s22+s3] =	stream.linear.scatter [tilespmem:s29], [sflag:$0xA], $0x80, $0x38;
	[tilespmem:$0x10600] =	vst v63  }
0x3da: {  	s20 =	sadd.s32 $0x70, s20;
	s23 =	sor.u32 $0x5C000, s18  }
0x3db: {  	[hbm4b:s20+s3] =	stream.linear.scatter [tilespmem:s30], [sflag:$0xA], $0x80, $0x38;
	[tilespmem:$0x10600] =	vst v63  }
0x3dc: {  	s20 =	sadd.s32 s2, s23  }
0x3dd: {  	[hbm4b:s20+s3] =	stream.linear.scatter [tilespmem:s31], [sflag:$0xA], $0x80, $0x38;
	[tilespmem:$0x10600] =	vst v63  }
0x3de: {  	s24 =	sadd.s32 $0x10, s20  }
0x3df: {  	[hbm4b:s24+s3] =	stream.linear.scatter [tilespmem:s0], [sflag:$0xA], $0x80, $0x38;
	[tilespmem:$0x10600] =	vst v63  }
0x3e0: {  	s22 =	sadd.s32 $0x20, s20  }
0x3e1: {  	[hbm4b:s22+s3] =	stream.linear.scatter [tilespmem:s1], [sflag:$0xA], $0x80, $0x38;
	[tilespmem:$0x10600] =	vst v63  }
0x3e2: {  	s23 =	sadd.s32 $0x30, s20  }
0x3e3: {  	[hbm4b:s23+s3] =	stream.linear.scatter [tilespmem:s8], [sflag:$0xA], $0x80, $0x38;
	[tilespmem:$0x10600] =	vst v63  }
0x3e4: {  	s24 =	sadd.s32 $0x40, s20  }
0x3e5: {  	[hbm4b:s24+s3] =	stream.linear.scatter [tilespmem:s9], [sflag:$0xA], $0x80, $0x38;
	[tilespmem:$0x10600] =	vst v63  }
0x3e6: {  	s22 =	sadd.s32 $0x50, s20  }
0x3e7: {  	[hbm4b:s22+s3] =	stream.linear.scatter [tilespmem:s13], [sflag:$0xA], $0x80, $0x38;
	[tilespmem:$0x10600] =	vst v63  }
0x3e8: {  	s23 =	sadd.s32 $0x60, s20  }
0x3e9: {  	[hbm4b:s23+s3] =	stream.linear.scatter [tilespmem:s14], [sflag:$0xA], $0x80, $0x38;
	[tilespmem:$0x10600] =	vst v63  }
0x3ea: {  	s21 =	simm.s32 @!p0 $0x80;
	s20 =	sadd.s32 $0x70, s20  }
0x3eb: {  	[hbm4b:s20+s3] =	stream.linear.scatter [tilespmem:s15], [sflag:$0xA], $0x80, $0x38;
	[tilespmem:$0x10600] =	vst v63  }
0x3ec: {  	s24 =	simm.s32 $0x7;
	s22 =	simm.s32 @!p0 $0xB400;
	s20 =	sadd.s32 @!p0 $0x680, s19  }
0x3ed: {  	[tilespmem:s22], [sflag:$0x6] =	stream.indirect.gather @!p0 [hbm4b:s5+s21], $0x20, s20, s21, $0xb8;
	[tilespmem:$0x10600] =	vst v63  }
0x3ee: {  	_ =	swait.ge [sflag:s24], $0x1000  }
0x3ef: {  	[sflag:s24] =	ssyncset.done $0x0  }
0x3f0: {  	[sflag:s24] =	ssyncadd.s32 $0xFFFFF000  }
0x3f1: {  	_ =	swait.ge [sflag:s16], $0x400  }
0x3f2: {  	[sflag:s16] =	ssyncset.done $0x0  }
0x3f3: {  	[sflag:s16] =	ssyncadd.s32 $0xFFFFFC00  }
0x3f4: {  	_ =	swait.ge [sflag:s16], $0x400  }
0x3f5: {  	[sflag:s16] =	ssyncset.done $0x0  }
0x3f6: {  	[sflag:s16] =	ssyncadd.s32 $0xFFFFFC00  }
0x3f7: {  	_ =	swait.ge [sflag:s16], $0x400  }
0x3f8: {  	[sflag:s16] =	ssyncset.done $0x0  }
0x3f9: {  	[sflag:s16] =	ssyncadd.s32 $0xFFFFFC00  }
0x3fa: {  	s21 =	simm.s32 $0x0;
	_ =	swait.ge [sflag:s16], $0x400  }
0x3fb: {  	v2 =	vmov s21;
	[sflag:s16] =	ssyncset.done $0x0  }
0x3fc: {  	s20 =	simm.s32 $0x0;
	v2 =	vand.u32 $0x7C, v2;
	[sflag:s16] =	ssyncadd.s32 $0xFFFFFC00  }
0x3fd: {  	v4 =	vadd.s32 v0, v2;
	v3 =	vld [tilespmem:s20+$0xC400];
	_ =	sdelay $0x4  }
0x3fe: {  	[tilespmem:v4+s28+$0x0] =	vst.idx.msk $0xffff, v3  }
0x3ff: {  	v2 =	vadd.s32 v1, v2;
	v3 =	vld [tilespmem:s20+$0xC410];
	_ =	sdelay $0x2  }
0x400: {  	s22 =	simm.s32 $0x1  }
0x401: {  	v4 =	vmov s22  }
0x402: {  	[tilespmem:v2+s28+$0x0] =	vst.idx.msk $0xffff, v3;
	v2 =	vand.u32 $0x7D, v4  }
0x403: {  	v3 =	vld [tilespmem:s20+$0xC420];
	v4 =	vadd.s32 v0, v2;
	_ =	sdelay $0x4  }
0x404: {  	[tilespmem:v4+s28+$0x0] =	vst.idx.msk $0xffff, v3  }
0x405: {  	v2 =	vadd.s32 v1, v2;
	v3 =	vld [tilespmem:s20+$0xC430];
	_ =	sdelay $0x2  }
0x406: {  	s23 =	simm.s32 $0x2  }
0x407: {  	v4 =	vmov s23  }
0x408: {  	[tilespmem:v2+s28+$0x0] =	vst.idx.msk $0xffff, v3;
	v2 =	vand.u32 $0x7E, v4  }
0x409: {  	v3 =	vld [tilespmem:s20+$0xC440];
	v4 =	vadd.s32 v0, v2;
	_ =	sdelay $0x4  }
0x40a: {  	[tilespmem:v4+s28+$0x0] =	vst.idx.msk $0xffff, v3  }
0x40b: {  	v2 =	vadd.s32 v1, v2;
	v3 =	vld [tilespmem:s20+$0xC450];
	_ =	sdelay $0x2  }
0x40c: {  	s24 =	simm.s32 $0x3  }
0x40d: {  	v4 =	vmov s24  }
0x40e: {  	[tilespmem:v2+s28+$0x0] =	vst.idx.msk $0xffff, v3;
	v3 =	vand.u32 $0x7F, v4  }
0x40f: {  	v2 =	vld [tilespmem:s20+$0xC460];
	v4 =	vadd.s32 v0, v3;
	_ =	sdelay $0x4  }
0x410: {  	[tilespmem:v4+s28+$0x0] =	vst.idx.msk $0xffff, v2  }
0x411: {  	v3 =	vadd.s32 v1, v3;
	v2 =	vld [tilespmem:s20+$0xC470];
	_ =	sdelay $0x1  }
0x412: {  	s21 =	simm.s32 $0x200  }
0x413: {  	s22 =	simm.s32 $0x400;
	s23 =	simm.s32 $0x4;
	s20 =	simm.s32 $0x7  }
.LBB2_20:
0x414: {  	p1 =	sne.s32 s22, $0x3E00;
	v4 =	vmov s23  }
0x415: {  	s23 =	sshra.s32 s21, $0x2;
	s21 =	smov.u32 s22;
	v4 =	vand.u32 $0x7C, v4;
	[tilespmem:v3+s28+$0x0] =	vst.idx.msk $0xffff, v2  }
0x416: {  	v2 =	vld [tilespmem:s23+$0xC400];
	v3 =	vadd.s32 v0, v4;
	_ =	sdelay $0x4  }
0x417: {  	[tilespmem:v3+s28+$0x0] =	vst.idx.msk $0xffff, v2  }
0x418: {  	v3 =	vadd.s32 v1, v4;
	v2 =	vld [tilespmem:s23+$0xC410];
	_ =	sdelay $0x2  }
0x419: {  	s24 =	sadd.s32 $0xFFFFFFFE, s20  }
0x41a: {  	v4 =	vmov s24  }
0x41b: {  	[tilespmem:v3+s28+$0x0] =	vst.idx.msk $0xffff, v2;
	v2 =	vand.u32 $0x7D, v4  }
0x41c: {  	v3 =	vld [tilespmem:s23+$0xC420];
	v4 =	vadd.s32 v0, v2;
	_ =	sdelay $0x4  }
0x41d: {  	[tilespmem:v4+s28+$0x0] =	vst.idx.msk $0xffff, v3  }
0x41e: {  	v2 =	vadd.s32 v1, v2;
	v3 =	vld [tilespmem:s23+$0xC430];
	_ =	sdelay $0x2  }
0x41f: {  	s24 =	sadd.s32 $0xFFFFFFFF, s20  }
0x420: {  	v4 =	vmov s24  }
0x421: {  	[tilespmem:v2+s28+$0x0] =	vst.idx.msk $0xffff, v3;
	v2 =	vand.u32 $0x7E, v4  }
0x422: {  	v3 =	vld [tilespmem:s23+$0xC440];
	v4 =	vadd.s32 v0, v2;
	_ =	sdelay $0x4  }
0x423: {  	[tilespmem:v4+s28+$0x0] =	vst.idx.msk $0xffff, v3  }
0x424: {  	v2 =	vadd.s32 v1, v2;
	v3 =	vld [tilespmem:s23+$0xC450];
	_ =	sdelay $0x3  }
0x425: {  	v4 =	vmov s20  }
0x426: {  	[tilespmem:v2+s28+$0x0] =	vst.idx.msk $0xffff, v3;
	v3 =	vand.u32 $0x7F, v4  }
0x427: {  	v2 =	vld [tilespmem:s23+$0xC460];
	v4 =	vadd.s32 v0, v3;
	_ =	sdelay $0x4  }
.Ltmp13:
0x428: {  	[tilespmem:v4+s28+$0x0] =	vst.idx.msk $0xffff, v2;
	(pc) =	sbr.rel @p1 .LBB2_20-.Ltmp13, $3  }
0x429: {  	v3 =	vadd.s32 v1, v3;
	v2 =	vld [tilespmem:s23+$0xC470];
	_ =	sdelay $0x1  }
0x42a: {  	s20 =	sadd.s32 $0x4, s20  }
0x42b: {  	s22 =	sadd.s32 $0x200, s22;
	s23 =	sadd.s32 $0xFFFFFFFD, s20  }
0x42c: {  	_ =	sdelay $0x2  }
0x42d: {  	v4 =	vmov s23  }
0x42e: {  	s21 =	sshra.s32 s21, $0x2;
	v4 =	vand.u32 $0x7C, v4;
	[tilespmem:v3+s28+$0x0] =	vst.idx.msk $0xffff, v2  }
0x42f: {  	v2 =	vld [tilespmem:s21+$0xC400];
	v3 =	vadd.s32 v0, v4;
	_ =	sdelay $0x4  }
0x430: {  	[tilespmem:v3+s28+$0x0] =	vst.idx.msk $0xffff, v2  }
0x431: {  	v3 =	vadd.s32 v1, v4;
	v2 =	vld [tilespmem:s21+$0xC410];
	_ =	sdelay $0x2  }
0x432: {  	s22 =	sadd.s32 $0xFFFFFFFE, s20  }
0x433: {  	v4 =	vmov s22  }
0x434: {  	[tilespmem:v3+s28+$0x0] =	vst.idx.msk $0xffff, v2;
	v2 =	vand.u32 $0x7D, v4  }
0x435: {  	v3 =	vld [tilespmem:s21+$0xC420];
	v4 =	vadd.s32 v0, v2;
	_ =	sdelay $0x4  }
0x436: {  	[tilespmem:v4+s28+$0x0] =	vst.idx.msk $0xffff, v3  }
0x437: {  	v2 =	vadd.s32 v1, v2;
	v3 =	vld [tilespmem:s21+$0xC430];
	_ =	sdelay $0x2  }
0x438: {  	s24 =	sadd.s32 $0xFFFFFFFF, s20  }
0x439: {  	v4 =	vmov s24  }
0x43a: {  	[tilespmem:v2+s28+$0x0] =	vst.idx.msk $0xffff, v3;
	v2 =	vand.u32 $0x7E, v4  }
0x43b: {  	v3 =	vld [tilespmem:s21+$0xC440];
	v4 =	vadd.s32 v0, v2;
	_ =	sdelay $0x4  }
0x43c: {  	[tilespmem:v4+s28+$0x0] =	vst.idx.msk $0xffff, v3  }
0x43d: {  	v2 =	vadd.s32 v1, v2;
	v3 =	vld [tilespmem:s21+$0xC450];
	_ =	sdelay $0x3  }
0x43e: {  	v4 =	vmov s20  }
0x43f: {  	[tilespmem:v2+s28+$0x0] =	vst.idx.msk $0xffff, v3;
	v2 =	vand.u32 $0x7F, v4  }
0x440: {  	v3 =	vld [tilespmem:s21+$0xC460];
	v4 =	vadd.s32 v0, v2;
	_ =	sdelay $0x4  }
0x441: {  	[tilespmem:v4+s28+$0x0] =	vst.idx.msk $0xffff, v3  }
0x442: {  	v2 =	vadd.s32 v1, v2;
	v3 =	vld [tilespmem:s21+$0xC470];
	_ =	sdelay $0x3  }
0x443: {  	s22 =	sor.u32 $0x60000, s18  }
0x444: {  	s20 =	sadd.s32 s2, s22;
	[tilespmem:v2+s28+$0x0] =	vst.idx.msk $0xffff, v3  }
0x445: {  	[hbm4b:s20+s3] =	stream.linear.scatter [tilespmem:s28], [sflag:$0x9], $0x80, $0x38;
	[tilespmem:$0x10600] =	vst v63  }
0x446: {  	s24 =	simm.s32 $0xE488;
	s23 =	sadd.s32 $0x10, s20  }
0x447: {  	[hbm4b:s23+s3] =	stream.linear.scatter [tilespmem:s24], [sflag:$0x9], $0x80, $0x38;
	[tilespmem:$0x10600] =	vst v63  }
0x448: {  	s22 =	sadd.s32 $0x20, s20  }
0x449: {  	[hbm4b:s22+s3] =	stream.linear.scatter [tilespmem:s6], [sflag:$0x9], $0x80, $0x38;
	[tilespmem:$0x10600] =	vst v63  }
0x44a: {  	s23 =	sadd.s32 $0x30, s20  }
0x44b: {  	[hbm4b:s23+s3] =	stream.linear.scatter [tilespmem:s10], [sflag:$0x9], $0x80, $0x38;
	[tilespmem:$0x10600] =	vst v63  }
0x44c: {  	s22 =	sadd.s32 $0x40, s20;
	s23 =	simm.s32 $0xE620  }
0x44d: {  	[hbm4b:s22+s3] =	stream.linear.scatter [tilespmem:s23], [sflag:$0x9], $0x80, $0x38;
	[tilespmem:$0x10600] =	vst v63  }
0x44e: {  	s22 =	sadd.s32 $0x50, s20;
	s23 =	simm.s32 $0xE6A8  }
0x44f: {  	[hbm4b:s22+s3] =	stream.linear.scatter [tilespmem:s23], [sflag:$0x9], $0x80, $0x38;
	[tilespmem:$0x10600] =	vst v63  }
0x450: {  	s22 =	sadd.s32 $0x60, s20;
	s23 =	simm.s32 $0xE730  }
0x451: {  	[hbm4b:s22+s3] =	stream.linear.scatter [tilespmem:s23], [sflag:$0x9], $0x80, $0x38;
	[tilespmem:$0x10600] =	vst v63  }
0x452: {  	s20 =	sadd.s32 $0x70, s20;
	s23 =	simm.s32 $0xE7B8;
	s22 =	sor.u32 $0x64000, s18  }
0x453: {  	[hbm4b:s20+s3] =	stream.linear.scatter [tilespmem:s23], [sflag:$0x9], $0x80, $0x38;
	[tilespmem:$0x10600] =	vst v63  }
0x454: {  	s20 =	sadd.s32 s2, s22;
	s23 =	simm.s32 $0xE840  }
0x455: {  	[hbm4b:s20+s3] =	stream.linear.scatter [tilespmem:s23], [sflag:$0x9], $0x80, $0x38;
	[tilespmem:$0x10600] =	vst v63  }
0x456: {  	s22 =	sadd.s32 $0x10, s20;
	s23 =	simm.s32 $0xE8C8  }
0x457: {  	[hbm4b:s22+s3] =	stream.linear.scatter [tilespmem:s23], [sflag:$0x9], $0x80, $0x38;
	[tilespmem:$0x10600] =	vst v63  }
0x458: {  	s22 =	sadd.s32 $0x20, s20;
	s23 =	simm.s32 $0xE950  }
0x459: {  	[hbm4b:s22+s3] =	stream.linear.scatter [tilespmem:s23], [sflag:$0x9], $0x80, $0x38;
	[tilespmem:$0x10600] =	vst v63  }
0x45a: {  	s22 =	sadd.s32 $0x30, s20;
	s23 =	simm.s32 $0xE9D8  }
0x45b: {  	[hbm4b:s22+s3] =	stream.linear.scatter [tilespmem:s23], [sflag:$0x9], $0x80, $0x38;
	[tilespmem:$0x10600] =	vst v63  }
0x45c: {  	s22 =	sadd.s32 $0x40, s20;
	s23 =	simm.s32 $0xEA60  }
0x45d: {  	[hbm4b:s22+s3] =	stream.linear.scatter [tilespmem:s23], [sflag:$0x9], $0x80, $0x38;
	[tilespmem:$0x10600] =	vst v63  }
0x45e: {  	s22 =	sadd.s32 $0x50, s20;
	s23 =	simm.s32 $0xEAE8  }
0x45f: {  	[hbm4b:s22+s3] =	stream.linear.scatter [tilespmem:s23], [sflag:$0x9], $0x80, $0x38;
	[tilespmem:$0x10600] =	vst v63  }
0x460: {  	s22 =	sadd.s32 $0x60, s20;
	s23 =	simm.s32 $0xEB70  }
0x461: {  	[hbm4b:s22+s3] =	stream.linear.scatter [tilespmem:s23], [sflag:$0x9], $0x80, $0x38;
	[tilespmem:$0x10600] =	vst v63  }
0x462: {  	s20 =	sadd.s32 $0x70, s20;
	s23 =	simm.s32 $0xEBF8;
	s22 =	sor.u32 $0x68000, s18  }
0x463: {  	[hbm4b:s20+s3] =	stream.linear.scatter [tilespmem:s23], [sflag:$0x9], $0x80, $0x38;
	[tilespmem:$0x10600] =	vst v63  }
0x464: {  	s20 =	sadd.s32 s2, s22;
	s23 =	simm.s32 $0xEC80  }
0x465: {  	[hbm4b:s20+s3] =	stream.linear.scatter [tilespmem:s23], [sflag:$0x9], $0x80, $0x38;
	[tilespmem:$0x10600] =	vst v63  }
0x466: {  	s22 =	sadd.s32 $0x10, s20;
	s23 =	simm.s32 $0xED08  }
0x467: {  	[hbm4b:s22+s3] =	stream.linear.scatter [tilespmem:s23], [sflag:$0x9], $0x80, $0x38;
	[tilespmem:$0x10600] =	vst v63  }
0x468: {  	s22 =	sadd.s32 $0x20, s20;
	s23 =	simm.s32 $0xED90  }
0x469: {  	[hbm4b:s22+s3] =	stream.linear.scatter [tilespmem:s23], [sflag:$0x9], $0x80, $0x38;
	[tilespmem:$0x10600] =	vst v63  }
0x46a: {  	s22 =	sadd.s32 $0x30, s20;
	s23 =	simm.s32 $0xEE18  }
0x46b: {  	[hbm4b:s22+s3] =	stream.linear.scatter [tilespmem:s23], [sflag:$0x9], $0x80, $0x38;
	[tilespmem:$0x10600] =	vst v63  }
0x46c: {  	s22 =	sadd.s32 $0x40, s20;
	s23 =	simm.s32 $0xEEA0  }
0x46d: {  	[hbm4b:s22+s3] =	stream.linear.scatter [tilespmem:s23], [sflag:$0x9], $0x80, $0x38;
	[tilespmem:$0x10600] =	vst v63  }
0x46e: {  	s22 =	sadd.s32 $0x50, s20;
	s23 =	simm.s32 $0xEF28  }
0x46f: {  	[hbm4b:s22+s3] =	stream.linear.scatter [tilespmem:s23], [sflag:$0x9], $0x80, $0x38;
	[tilespmem:$0x10600] =	vst v63  }
0x470: {  	s22 =	sadd.s32 $0x60, s20;
	s23 =	simm.s32 $0xEFB0  }
0x471: {  	[hbm4b:s22+s3] =	stream.linear.scatter [tilespmem:s23], [sflag:$0x9], $0x80, $0x38;
	[tilespmem:$0x10600] =	vst v63  }
0x472: {  	s20 =	sadd.s32 $0x70, s20;
	s23 =	simm.s32 $0xF038;
	s22 =	sor.u32 $0x6C000, s18  }
0x473: {  	[hbm4b:s20+s3] =	stream.linear.scatter [tilespmem:s23], [sflag:$0x9], $0x80, $0x38;
	[tilespmem:$0x10600] =	vst v63  }
0x474: {  	s20 =	sadd.s32 s2, s22;
	s23 =	simm.s32 $0xF0C0  }
0x475: {  	[hbm4b:s20+s3] =	stream.linear.scatter [tilespmem:s23], [sflag:$0x9], $0x80, $0x38;
	[tilespmem:$0x10600] =	vst v63  }
0x476: {  	s22 =	sadd.s32 $0x10, s20;
	s23 =	simm.s32 $0xF148  }
0x477: {  	[hbm4b:s22+s3] =	stream.linear.scatter [tilespmem:s23], [sflag:$0x9], $0x80, $0x38;
	[tilespmem:$0x10600] =	vst v63  }
0x478: {  	s22 =	sadd.s32 $0x20, s20;
	s23 =	simm.s32 $0xF1D0  }
0x479: {  	[hbm4b:s22+s3] =	stream.linear.scatter [tilespmem:s23], [sflag:$0x9], $0x80, $0x38;
	[tilespmem:$0x10600] =	vst v63  }
0x47a: {  	s22 =	sadd.s32 $0x30, s20;
	s23 =	simm.s32 $0xF258  }
0x47b: {  	[hbm4b:s22+s3] =	stream.linear.scatter [tilespmem:s23], [sflag:$0x9], $0x80, $0x38;
	[tilespmem:$0x10600] =	vst v63  }
0x47c: {  	s22 =	sadd.s32 $0x40, s20;
	s23 =	simm.s32 $0xF2E0  }
0x47d: {  	[hbm4b:s22+s3] =	stream.linear.scatter [tilespmem:s23], [sflag:$0x9], $0x80, $0x38;
	[tilespmem:$0x10600] =	vst v63  }
0x47e: {  	s22 =	sadd.s32 $0x50, s20;
	s23 =	simm.s32 $0xF368  }
0x47f: {  	[hbm4b:s22+s3] =	stream.linear.scatter [tilespmem:s23], [sflag:$0x9], $0x80, $0x38;
	[tilespmem:$0x10600] =	vst v63  }
0x480: {  	s22 =	sadd.s32 $0x60, s20;
	s23 =	simm.s32 $0xF3F0  }
0x481: {  	[hbm4b:s22+s3] =	stream.linear.scatter [tilespmem:s23], [sflag:$0x9], $0x80, $0x38;
	[tilespmem:$0x10600] =	vst v63  }
0x482: {  	s19 =	sadd.s32 @!p0 $0x700, s19;
	s20 =	sadd.s32 $0x70, s20;
	s22 =	simm.s32 $0xF478  }
0x483: {  	[hbm4b:s20+s3] =	stream.linear.scatter [tilespmem:s22], [sflag:$0x9], $0x80, $0x38;
	[tilespmem:$0x10600] =	vst v63  }
0x484: {  	s21 =	simm.s32 @!p0 $0xC400;
	s23 =	simm.s32 $0x8;
	s20 =	simm.s32 @!p0 $0x80  }
0x485: {  	[tilespmem:s21], [sflag:$0x7] =	stream.indirect.gather @!p0 [hbm4b:s5+s20], $0x20, s19, s20, $0xb8;
	[tilespmem:$0x10600] =	vst v63  }
0x486: {  	_ =	swait.ge [sflag:s23], $0x1000  }
0x487: {  	[sflag:s23] =	ssyncset.done $0x0  }
0x488: {  	[sflag:s23] =	ssyncadd.s32 $0xFFFFF000  }
0x489: {  	_ =	swait.ge [sflag:s4], $0x400  }
0x48a: {  	[sflag:s4] =	ssyncset.done $0x0  }
0x48b: {  	[sflag:s4] =	ssyncadd.s32 $0xFFFFFC00  }
0x48c: {  	_ =	swait.ge [sflag:s4], $0x400  }
0x48d: {  	[sflag:s4] =	ssyncset.done $0x0  }
0x48e: {  	[sflag:s4] =	ssyncadd.s32 $0xFFFFFC00  }
0x48f: {  	_ =	swait.ge [sflag:s4], $0x400  }
0x490: {  	[sflag:s4] =	ssyncset.done $0x0  }
0x491: {  	[sflag:s4] =	ssyncadd.s32 $0xFFFFFC00  }
0x492: {  	s20 =	simm.s32 $0x0;
	_ =	swait.ge [sflag:s4], $0x400  }
0x493: {  	v2 =	vmov s20;
	[sflag:s4] =	ssyncset.done $0x0  }
0x494: {  	s19 =	simm.s32 $0x0;
	v2 =	vand.u32 $0x7C, v2;
	[sflag:s4] =	ssyncadd.s32 $0xFFFFFC00  }
0x495: {  	v4 =	vadd.s32 v0, v2;
	v3 =	vld [tilespmem:s19+$0xD400];
	_ =	sdelay $0x4  }
0x496: {  	[tilespmem:v4+s7+$0x0] =	vst.idx.msk $0xffff, v3  }
0x497: {  	v2 =	vadd.s32 v1, v2;
	v3 =	vld [tilespmem:s19+$0xD410];
	_ =	sdelay $0x2  }
0x498: {  	s21 =	simm.s32 $0x1  }
0x499: {  	v4 =	vmov s21  }
0x49a: {  	[tilespmem:v2+s7+$0x0] =	vst.idx.msk $0xffff, v3;
	v2 =	vand.u32 $0x7D, v4  }
0x49b: {  	v3 =	vld [tilespmem:s19+$0xD420];
	v4 =	vadd.s32 v0, v2;
	_ =	sdelay $0x4  }
0x49c: {  	[tilespmem:v4+s7+$0x0] =	vst.idx.msk $0xffff, v3  }
0x49d: {  	v2 =	vadd.s32 v1, v2;
	v3 =	vld [tilespmem:s19+$0xD430];
	_ =	sdelay $0x2  }
0x49e: {  	s22 =	simm.s32 $0x2  }
0x49f: {  	v4 =	vmov s22  }
0x4a0: {  	[tilespmem:v2+s7+$0x0] =	vst.idx.msk $0xffff, v3;
	v2 =	vand.u32 $0x7E, v4  }
0x4a1: {  	v3 =	vld [tilespmem:s19+$0xD440];
	v4 =	vadd.s32 v0, v2;
	_ =	sdelay $0x4  }
0x4a2: {  	[tilespmem:v4+s7+$0x0] =	vst.idx.msk $0xffff, v3  }
0x4a3: {  	v2 =	vadd.s32 v1, v2;
	v3 =	vld [tilespmem:s19+$0xD450];
	_ =	sdelay $0x2  }
0x4a4: {  	s23 =	simm.s32 $0x3  }
0x4a5: {  	v4 =	vmov s23  }
0x4a6: {  	[tilespmem:v2+s7+$0x0] =	vst.idx.msk $0xffff, v3;
	v3 =	vand.u32 $0x7F, v4  }
0x4a7: {  	v2 =	vld [tilespmem:s19+$0xD460];
	v4 =	vadd.s32 v0, v3;
	_ =	sdelay $0x4  }
0x4a8: {  	[tilespmem:v4+s7+$0x0] =	vst.idx.msk $0xffff, v2  }
0x4a9: {  	v3 =	vadd.s32 v1, v3;
	v2 =	vld [tilespmem:s19+$0xD470];
	_ =	sdelay $0x1  }
0x4aa: {  	s20 =	simm.s32 $0x200  }
0x4ab: {  	s21 =	simm.s32 $0x400;
	s22 =	simm.s32 $0x4;
	s19 =	simm.s32 $0x7  }
.LBB2_22:
0x4ac: {  	p1 =	sne.s32 s21, $0x3E00;
	v4 =	vmov s22  }
0x4ad: {  	s22 =	sshra.s32 s20, $0x2;
	s20 =	smov.u32 s21;
	v4 =	vand.u32 $0x7C, v4;
	[tilespmem:v3+s7+$0x0] =	vst.idx.msk $0xffff, v2  }
0x4ae: {  	v2 =	vld [tilespmem:s22+$0xD400];
	v3 =	vadd.s32 v0, v4;
	_ =	sdelay $0x4  }
0x4af: {  	[tilespmem:v3+s7+$0x0] =	vst.idx.msk $0xffff, v2  }
0x4b0: {  	v3 =	vadd.s32 v1, v4;
	v2 =	vld [tilespmem:s22+$0xD410];
	_ =	sdelay $0x2  }
0x4b1: {  	s23 =	sadd.s32 $0xFFFFFFFE, s19  }
0x4b2: {  	v4 =	vmov s23  }
0x4b3: {  	[tilespmem:v3+s7+$0x0] =	vst.idx.msk $0xffff, v2;
	v2 =	vand.u32 $0x7D, v4  }
0x4b4: {  	v3 =	vld [tilespmem:s22+$0xD420];
	v4 =	vadd.s32 v0, v2;
	_ =	sdelay $0x4  }
0x4b5: {  	[tilespmem:v4+s7+$0x0] =	vst.idx.msk $0xffff, v3  }
0x4b6: {  	v2 =	vadd.s32 v1, v2;
	v3 =	vld [tilespmem:s22+$0xD430];
	_ =	sdelay $0x2  }
0x4b7: {  	s23 =	sadd.s32 $0xFFFFFFFF, s19  }
0x4b8: {  	v4 =	vmov s23  }
0x4b9: {  	[tilespmem:v2+s7+$0x0] =	vst.idx.msk $0xffff, v3;
	v2 =	vand.u32 $0x7E, v4  }
0x4ba: {  	v3 =	vld [tilespmem:s22+$0xD440];
	v4 =	vadd.s32 v0, v2;
	_ =	sdelay $0x4  }
0x4bb: {  	[tilespmem:v4+s7+$0x0] =	vst.idx.msk $0xffff, v3  }
0x4bc: {  	v2 =	vadd.s32 v1, v2;
	v3 =	vld [tilespmem:s22+$0xD450];
	_ =	sdelay $0x3  }
0x4bd: {  	v4 =	vmov s19  }
0x4be: {  	[tilespmem:v2+s7+$0x0] =	vst.idx.msk $0xffff, v3;
	v3 =	vand.u32 $0x7F, v4  }
0x4bf: {  	v2 =	vld [tilespmem:s22+$0xD460];
	v4 =	vadd.s32 v0, v3;
	_ =	sdelay $0x4  }
.Ltmp14:
0x4c0: {  	[tilespmem:v4+s7+$0x0] =	vst.idx.msk $0xffff, v2;
	(pc) =	sbr.rel @p1 .LBB2_22-.Ltmp14, $3  }
0x4c1: {  	v3 =	vadd.s32 v1, v3;
	v2 =	vld [tilespmem:s22+$0xD470];
	_ =	sdelay $0x1  }
0x4c2: {  	s19 =	sadd.s32 $0x4, s19  }
0x4c3: {  	s21 =	sadd.s32 $0x200, s21;
	s22 =	sadd.s32 $0xFFFFFFFD, s19  }
0x4c4: {  	_ =	sdelay $0x2  }
0x4c5: {  	v4 =	vmov s22  }
0x4c6: {  	s20 =	sshra.s32 s20, $0x2;
	v4 =	vand.u32 $0x7C, v4;
	[tilespmem:v3+s7+$0x0] =	vst.idx.msk $0xffff, v2  }
0x4c7: {  	v2 =	vld [tilespmem:s20+$0xD400];
	v3 =	vadd.s32 v0, v4;
	_ =	sdelay $0x4  }
0x4c8: {  	[tilespmem:v3+s7+$0x0] =	vst.idx.msk $0xffff, v2  }
0x4c9: {  	v3 =	vadd.s32 v1, v4;
	v2 =	vld [tilespmem:s20+$0xD410];
	_ =	sdelay $0x2  }
0x4ca: {  	s21 =	sadd.s32 $0xFFFFFFFE, s19  }
0x4cb: {  	v61 =	vmov s21  }
0x4cc: {  	[tilespmem:v3+s7+$0x0] =	vst.idx.msk $0xffff, v2;
	v2 =	vand.u32 $0x7D, v61  }
0x4cd: {  	v3 =	vld [tilespmem:s20+$0xD420];
	v4 =	vadd.s32 v0, v2;
	_ =	sdelay $0x4  }
0x4ce: {  	[tilespmem:v4+s7+$0x0] =	vst.idx.msk $0xffff, v3  }
0x4cf: {  	v2 =	vadd.s32 v1, v2;
	v3 =	vld [tilespmem:s20+$0xD430];
	_ =	sdelay $0x2  }
0x4d0: {  	s23 =	sadd.s32 $0xFFFFFFFF, s19  }
0x4d1: {  	v62 =	vmov s23  }
0x4d2: {  	[tilespmem:v2+s7+$0x0] =	vst.idx.msk $0xffff, v3;
	v2 =	vand.u32 $0x7E, v62  }
0x4d3: {  	v3 =	vld [tilespmem:s20+$0xD440];
	v4 =	vadd.s32 v0, v2;
	_ =	sdelay $0x4  }
0x4d4: {  	[tilespmem:v4+s7+$0x0] =	vst.idx.msk $0xffff, v3  }
0x4d5: {  	v2 =	vadd.s32 v1, v2;
	v3 =	vld [tilespmem:s20+$0xD450];
	_ =	sdelay $0x3  }
0x4d6: {  	v63 =	vmov s19  }
0x4d7: {  	[tilespmem:v2+s7+$0x0] =	vst.idx.msk $0xffff, v3;
	v2 =	vand.u32 $0x7F, v63  }
0x4d8: {  	v3 =	vld [tilespmem:s20+$0xD460];
	v4 =	vadd.s32 v0, v2;
	_ =	sdelay $0x4  }
0x4d9: {  	[tilespmem:v4+s7+$0x0] =	vst.idx.msk $0xffff, v3  }
0x4da: {  	v2 =	vadd.s32 v1, v2;
	v3 =	vld [tilespmem:s20+$0xD470];
	_ =	sdelay $0x3  }
0x4db: {  	s21 =	sor.u32 $0x70000, s18  }
0x4dc: {  	s19 =	sadd.s32 s2, s21;
	[tilespmem:v2+s7+$0x0] =	vst.idx.msk $0xffff, v3  }
0x4dd: {  	[hbm4b:s19+s3] =	stream.linear.scatter [tilespmem:s7], [sflag:$0xA], $0x80, $0x38;
	[tilespmem:$0x10600] =	vst v63  }
0x4de: {  	s23 =	simm.s32 $0xF588;
	s22 =	sadd.s32 $0x10, s19  }
0x4df: {  	[hbm4b:s22+s3] =	stream.linear.scatter [tilespmem:s23], [sflag:$0xA], $0x80, $0x38;
	[tilespmem:$0x10600] =	vst v63  }
0x4e0: {  	s22 =	sadd.s32 $0x20, s19;
	s23 =	simm.s32 $0xF610  }
0x4e1: {  	[hbm4b:s22+s3] =	stream.linear.scatter [tilespmem:s23], [sflag:$0xA], $0x80, $0x38;
	[tilespmem:$0x10600] =	vst v63  }
0x4e2: {  	s22 =	sadd.s32 $0x30, s19;
	s23 =	simm.s32 $0xF698  }
0x4e3: {  	[hbm4b:s22+s3] =	stream.linear.scatter [tilespmem:s23], [sflag:$0xA], $0x80, $0x38;
	[tilespmem:$0x10600] =	vst v63  }
0x4e4: {  	s22 =	sadd.s32 $0x40, s19;
	s23 =	simm.s32 $0xF720  }
0x4e5: {  	[hbm4b:s22+s3] =	stream.linear.scatter [tilespmem:s23], [sflag:$0xA], $0x80, $0x38;
	[tilespmem:$0x10600] =	vst v63  }
0x4e6: {  	s22 =	sadd.s32 $0x50, s19;
	s23 =	simm.s32 $0xF7A8  }
0x4e7: {  	[hbm4b:s22+s3] =	stream.linear.scatter [tilespmem:s23], [sflag:$0xA], $0x80, $0x38;
	[tilespmem:$0x10600] =	vst v63  }
0x4e8: {  	s21 =	sadd.s32 $0x60, s19;
	s22 =	simm.s32 $0xF830  }
0x4e9: {  	[hbm4b:s21+s3] =	stream.linear.scatter [tilespmem:s22], [sflag:$0xA], $0x80, $0x38;
	[tilespmem:$0x10600] =	vst v63  }
0x4ea: {  	s20 =	sor.u32 $0x74000, s18;
	s19 =	sadd.s32 $0x70, s19;
	s23 =	simm.s32 $0xF8B8  }
0x4eb: {  	[hbm4b:s19+s3] =	stream.linear.scatter [tilespmem:s23], [sflag:$0xA], $0x80, $0x38;
	[tilespmem:$0x10600] =	vst v63  }
0x4ec: {  	s21 =	simm.s32 $0xF940;
	s19 =	sadd.s32 s2, s20  }
0x4ed: {  	[hbm4b:s19+s3] =	stream.linear.scatter [tilespmem:s21], [sflag:$0xA], $0x80, $0x38;
	[tilespmem:$0x10600] =	vst v63  }
0x4ee: {  	s23 =	simm.s32 $0xF9C8;
	s22 =	sadd.s32 $0x10, s19  }
0x4ef: {  	[hbm4b:s22+s3] =	stream.linear.scatter [tilespmem:s23], [sflag:$0xA], $0x80, $0x38;
	[tilespmem:$0x10600] =	vst v63  }
0x4f0: {  	s22 =	sadd.s32 $0x20, s19;
	s23 =	simm.s32 $0xFA50  }
0x4f1: {  	[hbm4b:s22+s3] =	stream.linear.scatter [tilespmem:s23], [sflag:$0xA], $0x80, $0x38;
	[tilespmem:$0x10600] =	vst v63  }
0x4f2: {  	s22 =	sadd.s32 $0x30, s19;
	s23 =	simm.s32 $0xFAD8  }
0x4f3: {  	[hbm4b:s22+s3] =	stream.linear.scatter [tilespmem:s23], [sflag:$0xA], $0x80, $0x38;
	[tilespmem:$0x10600] =	vst v63  }
0x4f4: {  	s22 =	sadd.s32 $0x40, s19;
	s23 =	simm.s32 $0xFB60  }
0x4f5: {  	[hbm4b:s22+s3] =	stream.linear.scatter [tilespmem:s23], [sflag:$0xA], $0x80, $0x38;
	[tilespmem:$0x10600] =	vst v63  }
0x4f6: {  	s22 =	sadd.s32 $0x50, s19;
	s23 =	simm.s32 $0xFBE8  }
0x4f7: {  	[hbm4b:s22+s3] =	stream.linear.scatter [tilespmem:s23], [sflag:$0xA], $0x80, $0x38;
	[tilespmem:$0x10600] =	vst v63  }
0x4f8: {  	s21 =	sadd.s32 $0x60, s19;
	s22 =	simm.s32 $0xFC70  }
0x4f9: {  	[hbm4b:s21+s3] =	stream.linear.scatter [tilespmem:s22], [sflag:$0xA], $0x80, $0x38;
	[tilespmem:$0x10600] =	vst v63  }
0x4fa: {  	s20 =	sor.u32 $0x78000, s18;
	s19 =	sadd.s32 $0x70, s19;
	s23 =	simm.s32 $0xFCF8  }
0x4fb: {  	[hbm4b:s19+s3] =	stream.linear.scatter [tilespmem:s23], [sflag:$0xA], $0x80, $0x38;
	[tilespmem:$0x10600] =	vst v63  }
0x4fc: {  	s21 =	simm.s32 $0xFD80;
	s19 =	sadd.s32 s2, s20  }
0x4fd: {  	[hbm4b:s19+s3] =	stream.linear.scatter [tilespmem:s21], [sflag:$0xA], $0x80, $0x38;
	[tilespmem:$0x10600] =	vst v63  }
0x4fe: {  	s23 =	simm.s32 $0xFE08;
	s22 =	sadd.s32 $0x10, s19  }
0x4ff: {  	[hbm4b:s22+s3] =	stream.linear.scatter [tilespmem:s23], [sflag:$0xA], $0x80, $0x38;
	[tilespmem:$0x10600] =	vst v63  }
0x500: {  	s22 =	sadd.s32 $0x20, s19  }
0x501: {  	[hbm4b:s22+s3] =	stream.linear.scatter [tilespmem:s12], [sflag:$0xA], $0x80, $0x38;
	[tilespmem:$0x10600] =	vst v63  }
0x502: {  	s23 =	sadd.s32 $0x30, s19  }
0x503: {  	[hbm4b:s23+s3] =	stream.linear.scatter [tilespmem:s25], [sflag:$0xA], $0x80, $0x38;
	[tilespmem:$0x10600] =	vst v63  }
0x504: {  	s21 =	sadd.s32 $0x40, s19  }
0x505: {  	[hbm4b:s21+s3] =	stream.linear.scatter [tilespmem:s11], [sflag:$0xA], $0x80, $0x38;
	[tilespmem:$0x10600] =	vst v63  }
0x506: {  	s22 =	sadd.s32 $0x50, s19  }
0x507: {  	[hbm4b:s22+s3] =	stream.linear.scatter [tilespmem:s26], [sflag:$0xA], $0x80, $0x38;
	[tilespmem:$0x10600] =	vst v63  }
0x508: {  	s23 =	sadd.s32 $0x60, s19  }
0x509: {  	[hbm4b:s23+s3] =	stream.linear.scatter [tilespmem:s29], [sflag:$0xA], $0x80, $0x38;
	[tilespmem:$0x10600] =	vst v63  }
0x50a: {  	s19 =	sadd.s32 $0x70, s19;
	s21 =	sor.u32 $0x7C000, s18  }
0x50b: {  	[hbm4b:s19+s3] =	stream.linear.scatter [tilespmem:s30], [sflag:$0xA], $0x80, $0x38;
	[tilespmem:$0x10600] =	vst v63  }
0x50c: {  	s18 =	sadd.s32 s2, s21  }
0x50d: {  	[hbm4b:s18+s3] =	stream.linear.scatter [tilespmem:s31], [sflag:$0xA], $0x80, $0x38;
	[tilespmem:$0x10600] =	vst v63  }
0x50e: {  	s22 =	sadd.s32 $0x10, s18  }
0x50f: {  	[hbm4b:s22+s3] =	stream.linear.scatter [tilespmem:s0], [sflag:$0xA], $0x80, $0x38;
	[tilespmem:$0x10600] =	vst v63  }
0x510: {  	s23 =	sadd.s32 $0x20, s18  }
0x511: {  	[hbm4b:s23+s3] =	stream.linear.scatter [tilespmem:s1], [sflag:$0xA], $0x80, $0x38;
	[tilespmem:$0x10600] =	vst v63  }
0x512: {  	s20 =	sadd.s32 $0x30, s18  }
0x513: {  	[hbm4b:s20+s3] =	stream.linear.scatter [tilespmem:s8], [sflag:$0xA], $0x80, $0x38;
	[tilespmem:$0x10600] =	vst v63  }
0x514: {  	s21 =	sadd.s32 $0x40, s18  }
0x515: {  	[hbm4b:s21+s3] =	stream.linear.scatter [tilespmem:s9], [sflag:$0xA], $0x80, $0x38;
	[tilespmem:$0x10600] =	vst v63  }
0x516: {  	s22 =	sadd.s32 $0x50, s18  }
0x517: {  	[hbm4b:s22+s3] =	stream.linear.scatter [tilespmem:s13], [sflag:$0xA], $0x80, $0x38;
	[tilespmem:$0x10600] =	vst v63  }
.Ltmp15:
0x518: {  	_ = 	snop;
	(pc) =	sbr.rel @p0 .LBB2_25-.Ltmp15, $4  }
0x519: {  	s23 =	sadd.s32 $0x60, s18  }
0x51a: {  	[hbm4b:s23+s3] =	stream.linear.scatter [tilespmem:s14], [sflag:$0xA], $0x80, $0x38;
	[tilespmem:$0x10600] =	vst v63  }
0x51b: {  	s18 =	sadd.s32 $0x70, s18  }
0x51c: {  	[hbm4b:s18+s3] =	stream.linear.scatter [tilespmem:s15], [sflag:$0xA], $0x80, $0x38;
	[tilespmem:$0x10600] =	vst v63  }
.Ltmp16:
0x51d: {  	(pc) =	sbr.rel .LBB2_3-.Ltmp16, $4  }
0x51e: {  	s18 =	sshll.u32 s17, $0xA  }
0x51f: {  	s19 =	simm.s32 $0x80;
	s18 =	sand.u32 $0x3FFFFC00, s18  }
0x520: {  	s20 =	simm.s32 $0xD400;
	s17 =	sadd.s32 $0x1, s17;
	s18 =	sadd.s32 $0x780, s18  }
0x521: {  	[tilespmem:s20], [sflag:$0x8] =	stream.indirect.gather [hbm4b:s5+s19], $0x20, s18, s19, $0xb8;
	[tilespmem:$0x10600] =	vst v63  }
.LBB2_27:
0x522: {  	_ =	sfence.sel $0x180000  }
0x523: {  	[bflag:$0x0] =	sbarrier.arrive $0xFFFF  }
0x524: {  	_ =	strace $0x90000047  }
0x525: {  	s0 =	stileid.u32;
	[bflag:$0x2] =	sbarrier.arrive $0xFFFF  }
0x526: {  	p0 =	sne.s32 s0, $0x0;
	s0 =	rddreg [dreg:$0x3]  }
0x527: {  	s0 =	sadd.s32 @!p0 $0x100000, s0  }
0x528: {  	[sflag:s0] =	ssyncadd.tile.s32 @!p0 $0x1;
	_ =	shalt  }
.Lfunc_end2:
_tile_overlayer_lowered:
.L_overlay_start_2:
0x529: {  	(tag) =	ssettag $0x2  }
0x52a: {  	s0 =	rddreg [dreg:$0x0];
	s2 =	stileid.u32  }
0x52b: {  	s1 =	rddreg [dreg:$0x1];
	p0 =	sne.s32 s2, $0x0  }
0x52c: {  	s3 =	rddreg [dreg:$0x2];
	[bflag:$0x3] =	sbarrier.arrive $0xFFFF;
	s2 =	simm.s32 @!p0 $0x1C0B  }
0x52d: {  	[timem:s3], [sflag:s2] =	dma.local @!p0 [hbm:s0], s1  }
0x52e: {  	s0 =	simm.s32 @!p0 $0xB  }
0x52f: {  	_ =	swait.ge @!p0 [sflag:s0], s1  }
0x530: {  	s1 =	ssub.s32 @!p0 $0x0, s1;
	[sflag:s0] =	ssyncset.done @!p0 $0x0  }
0x531: {  	[sflag:s0] =	ssyncadd.s32 @!p0 s1  }
0x532: {  	[bflag:$0x3] =	sbarrier.arrive $0xFFFF  }
0x533: {  	_ =	shalt  }

</sc_bundles>
